<compile_context>
chip_gen: v7x
topology: tpu7x:2x2x1
jax: 0.10.2.dev20260603
libtpu: 0.0.44.dev20260713+nightly
codegen_flags: <defaults>
</compile_context>

<pallas_src>
import functools as _functools

import jax
import jax.numpy as jnp
import numpy as np
from jax.experimental import pallas as pl

B = 8
N = 4096
NUM_CLASSES = 13
ALPHA = 0.2



def _square_distance(src, dst):
    return jnp.sum((src[:, :, None, :] - dst[:, None, :, :]) ** 2, axis=-1)


def _index_points(points, idx):
    return jax.vmap(lambda p, i: p[i])(points, idx)


def _farthest_point_sample(xyz, npoint):
    Bb, Nn, _ = xyz.shape
    def step(carry, _):
        distance, farthest = carry
        centroid = jax.vmap(lambda p, f: p[f])(xyz, farthest)[:, None, :]
        d = jnp.sum((xyz - centroid) ** 2, axis=-1)
        distance = jnp.minimum(distance, d)
        nxt = jnp.argmax(distance, axis=-1).astype(jnp.int32)
        return (distance, nxt), farthest
    init = (jnp.full((Bb, Nn), 1e10, xyz.dtype), jnp.zeros((Bb,), jnp.int32))
    _, cents = jax.lax.scan(step, init, None, length=npoint)
    return jnp.transpose(cents)


def _query_ball_point(radius, nsample, xyz, new_xyz):
    Bb, Nn, _ = xyz.shape
    S = new_xyz.shape[1]
    sqrdists = _square_distance(new_xyz, xyz)
    grp = jnp.broadcast_to(jnp.arange(Nn, dtype=jnp.int32)[None, None, :], (Bb, S, Nn))
    grp = jnp.where(sqrdists > radius ** 2, Nn, grp)
    grp = -jax.lax.top_k(-grp, nsample)[0]
    first = grp[:, :, 0:1]
    grp = jnp.where(grp == Nn, jnp.broadcast_to(first, grp.shape), grp)
    return grp


def _conv2d1x1(feat, W, b):
    return jnp.einsum('bcks,oc->boks', feat, W) + b[None, :, None, None]


def _bn2d(feat, g, be, eps=1e-5):
    m = jnp.mean(feat, axis=(0, 2, 3), keepdims=True)
    v = jnp.var(feat, axis=(0, 2, 3), keepdims=True)
    return (feat - m) / jnp.sqrt(v + eps) * g[None, :, None, None] + be[None, :, None, None]


def _conv1d1(feat, W, b):
    return jnp.einsum('bcn,oc->bon', feat, W) + b[None, :, None]


def _bn1d(feat, g, be, eps=1e-5):
    m = jnp.mean(feat, axis=(0, 2), keepdims=True)
    v = jnp.var(feat, axis=(0, 2), keepdims=True)
    return (feat - m) / jnp.sqrt(v + eps) * g[None, :, None] + be[None, :, None]


def _sa_layer(xyz_t, points_t, npoint, radius, nsample, p):
    xyz = jnp.transpose(xyz_t, (0, 2, 1))
    points = jnp.transpose(points_t, (0, 2, 1))
    Bb = xyz.shape[0]
    fps_idx = _fps(xyz_t, npoint)
    new_xyz = _index_points(xyz, fps_idx)
    idx = _query_ball_sc(radius, nsample, xyz_t, new_xyz)
    grouped = _sa_group_gather(xyz, points, new_xyz, idx)
    feat = jnp.transpose(grouped, (0, 3, 2, 1))
    for (W, b, g, be) in p['mlps']:
        feat = jax.nn.relu(_bn2d(_conv2d1x1(feat, W, b), g, be))
    aW, ab = p['att']
    att = jax.nn.softmax(jax.nn.leaky_relu(_conv2d1x1(feat, aW, ab), ALPHA), axis=2)
    new_points = jnp.sum(feat * att, axis=2)
    return jnp.transpose(new_xyz, (0, 2, 1)), new_points


def _fp_layer(xyz1_t, xyz2_t, points1_t, points2_t, p):
    xyz1 = jnp.transpose(xyz1_t, (0, 2, 1))
    xyz2 = jnp.transpose(xyz2_t, (0, 2, 1))
    points2 = jnp.transpose(points2_t, (0, 2, 1))
    d3, idx = _fp_top3(xyz1, xyz2)
    rec = 1.0 / (d3 + 1e-8)
    w = rec / jnp.sum(rec, axis=2, keepdims=True)
    nbrs = _batched_row_gather(points2, idx)
    interp = jnp.sum(nbrs * w[..., None], axis=2)
    if points1_t is None:
        newp = interp
    else:
        newp = jnp.concatenate([jnp.transpose(points1_t, (0, 2, 1)), interp], axis=-1)
    feat = jnp.transpose(newp, (0, 2, 1))
    for (W, b, g, be) in p['mlps']:
        feat = jax.nn.relu(_bn1d(_conv1d1(feat, W, b), g, be))
    return feat



def _gather_chunk_size(rpw):
    c = min(rpw, 128)
    while rpw % c or c % 8:
        c -= 8
    return c


@_functools.lru_cache(maxsize=None)
def _make_sc_gather(R, D, Btot):
    from jax.experimental.pallas import tpu as pltpu, tpu_sc as plsc
    info = plsc.get_sparse_core_info()
    NC = info.num_cores
    NW = NC * info.num_subcores
    rpw = Btot // NW
    assert rpw * NW == Btot and rpw % 8 == 0, (Btot, NW)
    chunk = _gather_chunk_size(rpw)
    n_chunks = rpw // chunk
    mesh = plsc.VectorSubcoreMesh(core_axis_name="c", subcore_axis_name="s")

    @_functools.partial(
        pl.kernel, mesh=mesh,
        compiler_params=pltpu.CompilerParams(use_tc_tiling_on_sc=False),
        out_type=jax.ShapeDtypeStruct((Btot, D), jnp.float32),
        scratch_types=[
            pltpu.VMEM((chunk,), jnp.int32),
            pltpu.VMEM((chunk, D), jnp.float32),
            pltpu.SemaphoreType.DMA,
        ],
    )
    def k(table_hbm, idx_hbm, out_hbm, idx_v, rows_v, sem):
        wid = jax.lax.axis_index("s") * NC + jax.lax.axis_index("c")
        base = wid * rpw

        def body(g, _):
            off = base + g * chunk
            pltpu.sync_copy(idx_hbm.at[pl.ds(off, chunk)], idx_v)
            pltpu.async_copy(table_hbm.at[idx_v], rows_v, sem).wait()
            pltpu.sync_copy(rows_v, out_hbm.at[pl.ds(off, chunk)])
            return 0

        jax.lax.fori_loop(0, n_chunks, body, 0)

    return k


def _sc_gather(table, idx):
    R, D = table.shape
    (Btot,) = idx.shape
    return _make_sc_gather(R, D, Btot)(table, idx)


def _batched_row_gather(points, idx):
    Bb, Nn, C = points.shape
    Dp = -(-C // 16) * 16
    tab = points
    if Dp != C:
        tab = jnp.pad(points, ((0, 0), (0, 0), (0, Dp - C)))
    tab = tab.reshape(Bb * Nn, Dp)
    off = (jnp.arange(Bb, dtype=jnp.int32) * Nn).reshape(
        (Bb,) + (1,) * (idx.ndim - 1))
    gl = (idx.astype(jnp.int32) + off).reshape(-1)
    rows = _sc_gather(tab, gl).reshape(idx.shape + (Dp,))
    return rows[..., :C]


def _sa_group_gather(xyz, points, new_xyz, idx):
    comb = jnp.concatenate([xyz, points], axis=-1)
    rows = _batched_row_gather(comb, idx)
    grouped_xyz = rows[..., :3] - new_xyz[:, :, None, :]
    return jnp.concatenate([grouped_xyz, rows[..., 3:]], axis=-1)



def _ballmask_kernel(r2, nxyz_ref, xyz_ref, out_ref):
    a = nxyz_ref[0]
    b = xyz_ref[0]
    ax, ay, az = a[:, 0:1], a[:, 1:2], a[:, 2:3]
    bx, by, bz = b[0:1, :], b[1:2, :], b[2:3, :]
    dx = ax - bx
    dy = ay - by
    dz = az - bz
    d = (dx * dx + dy * dy) + dz * dz
    out_ref[0] = (d <= r2).astype(jnp.float32)


def _ball_mask(new_xyz, xyz_t, radius):
    Bb, S, _ = new_xyz.shape
    Nn = xyz_t.shape[2]
    S_blk = min(S, 256)
    return pl.pallas_call(
        _functools.partial(_ballmask_kernel, radius * radius),
        grid=(Bb, S // S_blk),
        in_specs=[
            pl.BlockSpec((1, S_blk, 3), lambda b, s: (b, s, 0)),
            pl.BlockSpec((1, 3, Nn), lambda b, s: (b, 0, 0)),
        ],
        out_specs=pl.BlockSpec((1, S_blk, Nn), lambda b, s: (b, s, 0)),
        out_shape=jax.ShapeDtypeStruct((Bb, S, Nn), jnp.float32),
    )(new_xyz, xyz_t)


@_functools.lru_cache(maxsize=None)
def _make_sc_first32(rows, Nn):
    from jax.experimental.pallas import tpu as pltpu, tpu_sc as plsc
    info = plsc.get_sparse_core_info()
    NC = info.num_cores
    NW = NC * info.num_subcores
    rpw = rows // NW
    assert rpw * NW == rows, (rows, NW)
    grp = min(rpw, 8)
    while rpw % grp:
        grp -= 1
    n_grp = rpw // grp
    NV = Nn // 16
    mesh = plsc.VectorSubcoreMesh(core_axis_name="c", subcore_axis_name="s")

    @_functools.partial(
        pl.kernel, mesh=mesh,
        compiler_params=pltpu.CompilerParams(use_tc_tiling_on_sc=False,
                                             needs_layout_passes=False),
        out_type=jax.ShapeDtypeStruct((rows, 64), jnp.int32),
        scratch_types=[
            pltpu.VMEM((grp, Nn), jnp.float32),
            pltpu.VMEM((64,), jnp.int32),
        ],
    )
    def k(mask_hbm, out_hbm, mrows_v, rowbuf_v):
        wid = jax.lax.axis_index("s") * NC + jax.lax.axis_index("c")
        base = wid * rpw
        lane16 = jax.lax.iota(jnp.int32, 16)

        def grp_body(gi, _):
            r0 = base + gi * grp
            pltpu.sync_copy(mask_hbm.at[pl.ds(r0, grp)], mrows_v)

            def row_body(g, _g):
                for kk in range(4):
                    rowbuf_v[pl.ds(16 * kk, 16)] = jnp.full((16,), -1,
                                                            jnp.int32)

                def step(v, off):
                    mv = mrows_v[g, pl.ds(v * 16, 16)]
                    m = mv != 0.0
                    ok = jax.lax.broadcast_in_dim(off < 32, (16,), ())
                    m_st = jnp.logical_and(m, ok)
                    idxv = lane16 + v * 16
                    csum = plsc.cumsum(m_st.astype(jnp.int32))
                    dest = jnp.where(m_st, off + csum - 1, 63)
                    plsc.store_scatter(rowbuf_v, [dest], idxv)
                    return off + jnp.max(csum)

                jax.lax.fori_loop(0, NV, step, jnp.int32(0))
                pltpu.sync_copy(rowbuf_v, out_hbm.at[r0 + g])
                return 0

            jax.lax.fori_loop(0, grp, row_body, 0)
            return 0

        jax.lax.fori_loop(0, n_grp, grp_body, 0)

    return k


def _query_ball_sc(radius, nsample, xyz_t, new_xyz):
    Bb, S, _ = new_xyz.shape
    Nn = xyz_t.shape[2]
    mask = _ball_mask(new_xyz, xyz_t, radius)
    out = _make_sc_first32(Bb * S, Nn)(mask.reshape(Bb * S, Nn))
    out = out[:, :nsample]
    out = jnp.where(out < 0, out[:, 0:1], out)
    return out.reshape(Bb, S, nsample)



def _top3_kernel(x1_ref, x2_ref, d_ref, i_ref):
    a = x1_ref[0]
    b = x2_ref[0]
    N2 = b.shape[0]
    blk = a.shape[0]
    ax, ay, az = a[:, 0:1], a[:, 1:2], a[:, 2:3]
    bx, by, bz = b[:, 0:1].reshape(1, N2), b[:, 1:2].reshape(1, N2), \
        b[:, 2:3].reshape(1, N2)
    dx = ax - bx
    dy = ay - by
    dz = az - bz
    dist = (dx * dx + dy * dy) + dz * dz
    lane = jax.lax.broadcasted_iota(jnp.int32, (blk, N2), 1)
    slot = jax.lax.broadcasted_iota(jnp.int32, (blk, 128), 1)
    out_d = jnp.zeros((blk, 128), jnp.float32)
    out_i = jnp.zeros((blk, 128), jnp.int32)
    for j in range(3):
        m = jnp.min(dist, axis=1, keepdims=True)
        eq = (dist == m).astype(jnp.int32)
        cand = lane * eq + N2 * (1 - eq)
        a_idx = jnp.min(cand, axis=1, keepdims=True)
        sel = (slot == j).astype(jnp.float32)
        out_d = out_d + sel * m
        out_i = out_i + (slot == j).astype(jnp.int32) * a_idx
        dist = dist + (lane == a_idx).astype(jnp.float32) * 1e10
    d_ref[0] = out_d
    i_ref[0] = out_i


def _fp_top3(xyz1, xyz2):
    Bb, N1, _ = xyz1.shape
    N2 = xyz2.shape[1]
    blk = min(N1, 256)
    d, i = pl.pallas_call(
        _top3_kernel,
        grid=(Bb, N1 // blk),
        in_specs=[
            pl.BlockSpec((1, blk, 3), lambda b, s: (b, s, 0)),
            pl.BlockSpec((1, N2, 3), lambda b, s: (b, 0, 0)),
        ],
        out_specs=[
            pl.BlockSpec((1, blk, 128), lambda b, s: (b, s, 0)),
            pl.BlockSpec((1, blk, 128), lambda b, s: (b, s, 0)),
        ],
        out_shape=[jax.ShapeDtypeStruct((Bb, N1, 128), jnp.float32),
                   jax.ShapeDtypeStruct((Bb, N1, 128), jnp.int32)],
    )(xyz1, xyz2)
    return d[..., :3], i[..., :3]



def _iota2d(shape, dim):
    a = jax.lax.broadcasted_iota(jnp.int32, shape, dim)
    other = jax.lax.broadcasted_iota(jnp.int32, shape, 1 - dim)
    return a + other * 0

def _fps_kernel(npoint, xyz_ref, out_ref, dist_ref, far_ref):
    Nn = xyz_ref.shape[2]
    X = xyz_ref[:, 0, :]
    Y = xyz_ref[:, 1, :]
    Z = xyz_ref[:, 2, :]
    Bb = X.shape[0]
    lane = jax.lax.broadcasted_iota(jnp.int32, (Bb, Nn), 1)

    dist_ref[...] = jnp.full((Bb, Nn), 1e10, jnp.float32)
    far_ref[...] = jnp.zeros((Bb, 1), jnp.int32)
    out_ref[...] = jnp.zeros(out_ref.shape, jnp.int32)

    def body(j, _):
        farthest = far_ref[...]
        m = (lane == farthest).astype(jnp.float32)
        cx = jnp.sum(X * m, axis=1, keepdims=True)
        cy = jnp.sum(Y * m, axis=1, keepdims=True)
        cz = jnp.sum(Z * m, axis=1, keepdims=True)
        dx = X - cx
        dy = Y - cy
        dz = Z - cz
        d = (dx * dx + dy * dy) + dz * dz
        distance = jnp.minimum(dist_ref[...], d)
        dist_ref[...] = distance
        rowmax = jnp.max(distance, axis=1, keepdims=True)
        eq = (distance == rowmax).astype(jnp.int32)
        cand = lane * eq + Nn * (1 - eq)
        far_ref[...] = jnp.min(cand, axis=1, keepdims=True)
        sel = (jax.lax.broadcasted_iota(jnp.int32, out_ref.shape, 1)
               == j).astype(jnp.int32)
        acc = out_ref[...]
        out_ref[...] = acc + (jnp.broadcast_to(farthest, acc.shape)
                              - acc) * sel
        return 0

    jax.lax.fori_loop(0, npoint, body, 0)


def _fps(xyz_t, npoint):
    Bb, _, Nn = xyz_t.shape
    from functools import partial
    from jax.experimental.pallas import tpu as pltpu
    return pl.pallas_call(
        partial(_fps_kernel, npoint),
        out_shape=jax.ShapeDtypeStruct((Bb, npoint), jnp.int32),
        scratch_shapes=[pltpu.VMEM((Bb, Nn), jnp.float32),
                        pltpu.VMEM((Bb, 1), jnp.int32)],
    )(xyz_t)



_R_BLK = 512


def _k_conv_stats(x_ref, w_ref, b_ref, u_ref, s_ref, q_ref):
    X = x_ref[...]
    W = w_ref[...]
    U = jax.lax.dot_general(X, W, (((1,), (1,)), ((), ())),
                            preferred_element_type=jnp.float32) \
        + b_ref[...]
    u_ref[...] = U

    @pl.when(pl.program_id(0) == 0)
    def _():
        s_ref[...] = jnp.zeros_like(s_ref)
        q_ref[...] = jnp.zeros_like(q_ref)

    s_ref[...] += jnp.sum(U, axis=0, keepdims=True)
    q_ref[...] += jnp.sum(U * U, axis=0, keepdims=True)


def _k_normrelu_conv_stats(u_ref, sc_ref, sh_ref, w_ref, b_ref,
                           u2_ref, s_ref, q_ref):
    V = jnp.maximum(u_ref[...] * sc_ref[...] + sh_ref[...], 0.0)
    U2 = jax.lax.dot_general(V, w_ref[...], (((1,), (1,)), ((), ())),
                             preferred_element_type=jnp.float32) \
        + b_ref[...]
    u2_ref[...] = U2

    @pl.when(pl.program_id(0) == 0)
    def _():
        s_ref[...] = jnp.zeros_like(s_ref)
        q_ref[...] = jnp.zeros_like(q_ref)

    s_ref[...] += jnp.sum(U2, axis=0, keepdims=True)
    q_ref[...] += jnp.sum(U2 * U2, axis=0, keepdims=True)


def _k_normrelu(u_ref, sc_ref, sh_ref, y_ref):
    y_ref[...] = jnp.maximum(u_ref[...] * sc_ref[...] + sh_ref[...], 0.0)


def _k_normrelu_conv(u_ref, sc_ref, sh_ref, w_ref, b_ref, y_ref):
    V = jnp.maximum(u_ref[...] * sc_ref[...] + sh_ref[...], 0.0)
    y_ref[...] = jax.lax.dot_general(
        V, w_ref[...], (((1,), (1,)), ((), ())),
        preferred_element_type=jnp.float32) + b_ref[...]


def _row_spec(Cin):
    return pl.BlockSpec((_R_BLK, Cin), lambda r: (r, 0))


def _full_spec(shape):
    nd = len(shape)
    return pl.BlockSpec(shape, lambda *a: (0,) * nd)


def _conv_stats(X, W, b):
    R, Cin = X.shape
    Co = W.shape[0]
    return pl.pallas_call(
        _k_conv_stats,
        grid=(R // _R_BLK,),
        in_specs=[_row_spec(Cin), _full_spec((Co, Cin)), _full_spec((1, Co))],
        out_specs=[_row_spec(Co), _full_spec((1, Co)), _full_spec((1, Co))],
        out_shape=[jax.ShapeDtypeStruct((R, Co), jnp.float32),
                   jax.ShapeDtypeStruct((1, Co), jnp.float32),
                   jax.ShapeDtypeStruct((1, Co), jnp.float32)],
    )(X, W, b.reshape(1, Co))


def _normrelu_conv_stats(U, sc, sh, W, b):
    R, Cin = U.shape
    Co = W.shape[0]
    return pl.pallas_call(
        _k_normrelu_conv_stats,
        grid=(R // _R_BLK,),
        in_specs=[_row_spec(Cin), _full_spec((1, Cin)), _full_spec((1, Cin)),
                  _full_spec((Co, Cin)), _full_spec((1, Co))],
        out_specs=[_row_spec(Co), _full_spec((1, Co)), _full_spec((1, Co))],
        out_shape=[jax.ShapeDtypeStruct((R, Co), jnp.float32),
                   jax.ShapeDtypeStruct((1, Co), jnp.float32),
                   jax.ShapeDtypeStruct((1, Co), jnp.float32)],
    )(U, sc, sh, W, b.reshape(1, Co))


def _normrelu(U, sc, sh):
    R, Cin = U.shape
    return pl.pallas_call(
        _k_normrelu,
        grid=(R // _R_BLK,),
        in_specs=[_row_spec(Cin), _full_spec((1, Cin)), _full_spec((1, Cin))],
        out_specs=_row_spec(Cin),
        out_shape=jax.ShapeDtypeStruct((R, Cin), jnp.float32),
    )(U, sc, sh)


def _normrelu_conv(U, sc, sh, W, b):
    R, Cin = U.shape
    Co = W.shape[0]
    return pl.pallas_call(
        _k_normrelu_conv,
        grid=(R // _R_BLK,),
        in_specs=[_row_spec(Cin), _full_spec((1, Cin)), _full_spec((1, Cin)),
                  _full_spec((Co, Cin)), _full_spec((1, Co))],
        out_specs=_row_spec(Co),
        out_shape=jax.ShapeDtypeStruct((R, Co), jnp.float32),
    )(U, sc, sh, W, b.reshape(1, Co))


def _bn_finalize(s, q, R, g, be, eps=1e-5):
    mean = s / R
    var = q / R - mean * mean
    sc = (g.reshape(1, -1) / jnp.sqrt(var + eps))
    sh = be.reshape(1, -1) - mean * sc
    return sc, sh


def _k_attn(u_ref, sc_ref, sh_ref, aw_ref, ab_ref, o_ref):
    U = u_ref[0]
    F = jnp.maximum(U * sc_ref[...] + sh_ref[...], 0.0)
    logit = jnp.sum(F * aw_ref[...], axis=-1) + ab_ref[...]
    logit = jnp.maximum(logit, logit * ALPHA)
    mx = jnp.max(logit, axis=0, keepdims=True)
    e = jnp.exp(logit - mx)
    att = e / jnp.sum(e, axis=0, keepdims=True)
    o_ref[0] = jnp.sum(F * att[:, :, None], axis=0)


def _attn_pool(U4, sc, sh, aW, ab):
    Bb, K, S, C = U4.shape
    S_blk = min(S, 64)
    return pl.pallas_call(
        _k_attn,
        grid=(Bb, S // S_blk),
        in_specs=[
            pl.BlockSpec((1, K, S_blk, C), lambda b, s: (b, 0, s, 0)),
            _full_spec((1, C)),
            _full_spec((1, C)),
            _full_spec((1, C)),
            _full_spec((1, 1)),
        ],
        out_specs=pl.BlockSpec((1, S_blk, C), lambda b, s: (b, s, 0)),
        out_shape=jax.ShapeDtypeStruct((Bb, S, C), jnp.float32),
    )(U4, sc, sh, aW, ab.reshape(1, 1))



def _head_kernel(h_ref, w_ref, b_ref, o_ref):
    h = h_ref[0]
    o_ref[0] = jnp.dot(w_ref[...], h, preferred_element_type=jnp.float32) \
        + b_ref[...][:, None]


def _head_conv(h, W2, b2):
    Bb, C, Nn = h.shape
    O = W2.shape[0]
    return pl.pallas_call(
        _head_kernel,
        grid=(Bb,),
        in_specs=[
            pl.BlockSpec((1, C, Nn), lambda b: (b, 0, 0)),
            pl.BlockSpec((O, C), lambda b: (0, 0)),
            pl.BlockSpec((O,), lambda b: (0,)),
        ],
        out_specs=pl.BlockSpec((1, O, Nn), lambda b: (b, 0, 0)),
        out_shape=jax.ShapeDtypeStruct((Bb, O, Nn), jnp.float32),
    )(h, W2, b2)



def kernel(x, params):
    xyz = x[:, :3, :]
    point = x[:, 3:, :]
    l1x, l1p = _sa_layer(xyz, point, 1024, 0.1, 32, params['sa1'])
    l2x, l2p = _sa_layer(l1x, l1p, 256, 0.2, 32, params['sa2'])
    l3x, l3p = _sa_layer(l2x, l2p, 64, 0.4, 32, params['sa3'])
    l4x, l4p = _sa_layer(l3x, l3p, 16, 0.8, 32, params['sa4'])
    l3p = _fp_layer(l3x, l4x, l3p, l4p, params['fp4'])
    l2p = _fp_layer(l2x, l3x, l2p, l3p, params['fp3'])
    l1p = _fp_layer(l1x, l2x, l1p, l2p, params['fp2'])
    l0p = _fp_layer(xyz, l1x, None, l1p, params['fp1'])
    W1, b1 = params['head']['conv1']
    g1, be1 = params['head']['bn1']
    h = jax.nn.relu(_bn1d(_conv1d1(l0p, W1, b1), g1, be1))
    W2, b2 = params['head']['conv2']
    return _head_conv(h, W2, b2)

# --- scband reference (transcript-rebuilt; emitter-appended) ---
"""Pipeline reference for scband-qgacnet-semseg-s3dis-61890478735425 (READ-ONLY COPY).

The authoritative reference and input builder live on the scoring server;
editing this copy changes nothing except your own understanding.
"""

import jax, jax.numpy as jnp
import numpy as np

B = 8
N = 4096
NUM_CLASSES = 13
ALPHA = 0.2

def _init_conv(key, cout, cin):
    k1, _ = jax.random.split(key)
    W = jax.random.normal(k1, (cout, cin), dtype=jnp.float32) * (1.0 / np.sqrt(cin))
    b = jnp.zeros((cout,), dtype=jnp.float32)
    return (W, b)

def _init_mlp(key, cin, channels):
    layers = []
    c = cin
    for cout in channels:
        key, k = jax.random.split(key)
        W, b = _init_conv(k, cout, c)
        layers.append((W, b, jnp.ones((cout,), jnp.float32), jnp.zeros((cout,), jnp.float32)))
        c = cout
    return layers

def setup_inputs():
    keys = jax.random.split(jax.random.key(0), 16)
    x = jax.random.uniform(keys[0], (B, 9, N), dtype=jnp.float32)
    params = {
        'sa1': {'mlps': _init_mlp(keys[1], 9, [32, 64]), 'att': _init_conv(keys[2], 1, 64)},
        'sa2': {'mlps': _init_mlp(keys[3], 67, [64, 128]), 'att': _init_conv(keys[4], 1, 128)},
        'sa3': {'mlps': _init_mlp(keys[5], 131, [128, 256]), 'att': _init_conv(keys[6], 1, 256)},
        'sa4': {'mlps': _init_mlp(keys[7], 259, [256, 512]), 'att': _init_conv(keys[8], 1, 512)},
        'fp4': {'mlps': _init_mlp(keys[9], 768, [256, 256])},
        'fp3': {'mlps': _init_mlp(keys[10], 384, [256, 256])},
        'fp2': {'mlps': _init_mlp(keys[11], 320, [256, 128])},
        'fp1': {'mlps': _init_mlp(keys[12], 128, [128, 128])},
        'head': {'conv1': _init_conv(keys[13], 128, 128),
                 'bn1': (jnp.ones((128,), jnp.float32), jnp.zeros((128,), jnp.float32)),
                 'conv2': _init_conv(keys[14], NUM_CLASSES, 128)},
    }
    return {'x': x, 'params': params}

def square_distance(src, dst):
    return jnp.sum((src[:, :, None, :] - dst[:, None, :, :]) ** 2, axis=-1)

def index_points(points, idx):
    return jax.vmap(lambda p, i: p[i])(points, idx)

def farthest_point_sample(xyz, npoint):
    Bb, Nn, _ = xyz.shape
    def step(carry, _):
        distance, farthest = carry
        centroid = jax.vmap(lambda p, f: p[f])(xyz, farthest)[:, None, :]
        d = jnp.sum((xyz - centroid) ** 2, axis=-1)
        distance = jnp.minimum(distance, d)
        nxt = jnp.argmax(distance, axis=-1).astype(jnp.int32)
        return (distance, nxt), farthest
    init = (jnp.full((Bb, Nn), 1e10, xyz.dtype), jnp.zeros((Bb,), jnp.int32))
    _, cents = jax.lax.scan(step, init, None, length=npoint)
    return jnp.transpose(cents)

def query_ball_point(radius, nsample, xyz, new_xyz):
    Bb, Nn, _ = xyz.shape
    S = new_xyz.shape[1]
    sqrdists = square_distance(new_xyz, xyz)
    grp = jnp.broadcast_to(jnp.arange(Nn, dtype=jnp.int32)[None, None, :], (Bb, S, Nn))
    grp = jnp.where(sqrdists > radius ** 2, Nn, grp)
    grp = jnp.sort(grp, axis=-1)[:, :, :nsample]
    first = grp[:, :, 0:1]
    grp = jnp.where(grp == Nn, jnp.broadcast_to(first, grp.shape), grp)
    return grp

def conv2d1x1(feat, W, b):
    return jnp.einsum('bcks,oc->boks', feat, W) + b[None, :, None, None]

def bn2d(feat, g, be, eps=1e-5):
    m = jnp.mean(feat, axis=(0, 2, 3), keepdims=True)
    v = jnp.var(feat, axis=(0, 2, 3), keepdims=True)
    return (feat - m) / jnp.sqrt(v + eps) * g[None, :, None, None] + be[None, :, None, None]

def conv1d1(feat, W, b):
    return jnp.einsum('bcn,oc->bon', feat, W) + b[None, :, None]

def bn1d(feat, g, be, eps=1e-5):
    m = jnp.mean(feat, axis=(0, 2), keepdims=True)
    v = jnp.var(feat, axis=(0, 2), keepdims=True)
    return (feat - m) / jnp.sqrt(v + eps) * g[None, :, None] + be[None, :, None]

def sa_layer(xyz_t, points_t, npoint, radius, nsample, p):
    xyz = jnp.transpose(xyz_t, (0, 2, 1))
    points = jnp.transpose(points_t, (0, 2, 1))
    xyz_ng = jax.lax.stop_gradient(xyz)
    fps_idx = farthest_point_sample(xyz_ng, npoint)
    new_xyz = index_points(xyz, fps_idx)
    idx = query_ball_point(radius, nsample, xyz_ng, jax.lax.stop_gradient(new_xyz))
    grouped_xyz = index_points(xyz, idx) - new_xyz[:, :, None, :]
    grouped = jnp.concatenate([grouped_xyz, index_points(points, idx)], axis=-1)
    feat = jnp.transpose(grouped, (0, 3, 2, 1))
    for (W, b, g, be) in p['mlps']:
        feat = jax.nn.relu(bn2d(conv2d1x1(feat, W, b), g, be))
    aW, ab = p['att']
    att = jax.nn.softmax(jax.nn.leaky_relu(conv2d1x1(feat, aW, ab), ALPHA), axis=2)
    new_points = jnp.sum(feat * att, axis=2)
    return jnp.transpose(new_xyz, (0, 2, 1)), new_points

def fp_layer(xyz1_t, xyz2_t, points1_t, points2_t, p):
    xyz1 = jnp.transpose(xyz1_t, (0, 2, 1))
    xyz2 = jnp.transpose(xyz2_t, (0, 2, 1))
    points2 = jnp.transpose(points2_t, (0, 2, 1))
    dists = square_distance(xyz1, xyz2)
    negd, idx = jax.lax.top_k(-dists, 3)
    d3 = -negd
    rec = 1.0 / (d3 + 1e-8)
    w = rec / jnp.sum(rec, axis=2, keepdims=True)
    interp = jnp.sum(index_points(points2, idx) * w[..., None], axis=2)
    if points1_t is None:
        newp = interp
    else:
        newp = jnp.concatenate([jnp.transpose(points1_t, (0, 2, 1)), interp], axis=-1)
    feat = jnp.transpose(newp, (0, 2, 1))
    for (W, b, g, be) in p['mlps']:
        feat = jax.nn.relu(bn1d(conv1d1(feat, W, b), g, be))
    return feat

def _forward(x, params):
    xyz = x[:, :3, :]
    point = x[:, 3:, :]
    l1x, l1p = sa_layer(xyz, point, 1024, 0.1, 32, params['sa1'])
    l2x, l2p = sa_layer(l1x, l1p, 256, 0.2, 32, params['sa2'])
    l3x, l3p = sa_layer(l2x, l2p, 64, 0.4, 32, params['sa3'])
    l4x, l4p = sa_layer(l3x, l3p, 16, 0.8, 32, params['sa4'])
    l3p = fp_layer(l3x, l4x, l3p, l4p, params['fp4'])
    l2p = fp_layer(l2x, l3x, l2p, l3p, params['fp3'])
    l1p = fp_layer(l1x, l2x, l1p, l2p, params['fp2'])
    l0p = fp_layer(xyz, l1x, None, l1p, params['fp1'])
    W1, b1 = params['head']['conv1']
    g1, be1 = params['head']['bn1']
    h = jax.nn.relu(bn1d(conv1d1(l0p, W1, b1), g1, be1))
    W2, b2 = params['head']['conv2']
    return conv1d1(h, W2, b2)

def reference(x, params):
    return _forward(x, params)

if __name__ == "__main__":
    import jax
    _d = setup_inputs()
    print(jax.jit(kernel)(*tuple(_d.values())))

</pallas_src>

<mosaic_0001>
#map = affine_map<(d0, d1) -> (0, 0)>
module attributes {stable_mosaic.version = 14 : i64} {
  func.func @k(%arg0: i32, %arg1: i32, %arg2: memref<8192x4096xf32, #tpu.memory_space<hbm>>, %arg3: memref<8192x64xi32, #tpu.memory_space<hbm>>, %arg4: memref<8x4096xf32, #tpu.memory_space<vmem>>, %arg5: memref<64xi32, #tpu.memory_space<vmem>>) attributes {dimension_semantics = [#tpu.dimension_semantics<core_parallel>, #tpu.dimension_semantics<subcore_parallel>], iteration_bounds = array<i64: 2, 16>, scalar_prefetch = 0 : i64, scratch_operands = 2 : i64, tpu.core_type = #tpu.core_type<sc_vector_subcore>, window_params = [{transform_indices = #map}, {transform_indices = #map}]} {
    %mul3A = arith.constant 2 : i32
    %mul3A_0 = arith.muli %arg1, %mul3A : i32
    %add3A = arith.addi %mul3A_0, %arg0 : i32
    %mul3A_1 = arith.constant 256 : i32
    %mul3A_2 = arith.muli %add3A, %mul3A_1 : i32
    %iota3A = tpu.iota {dimensions = array<i32: 0>} : vector<16xi32>
    %scan3A = arith.constant 0 : i32
    %scan3A_3 = arith.constant 0 : i32
    %scan3A_4 = arith.constant 32 : i32
    %scan3A_5 = arith.addi %scan3A_3, %scan3A_4 : i32
    %scan3A_6 = arith.constant 1 : i32
    %scan3A_7 = scf.for %scan3A_9 = %scan3A_3 to %scan3A_5 step %scan3A_6 iter_args(%scan3A_10 = %scan3A) -> (i32)  : i32 {
      %mul3A_11 = arith.constant 8 : i32
      %mul3A_12 = arith.muli %scan3A_9, %mul3A_11 : i32
      %add3A_13 = arith.addi %mul3A_2, %mul3A_12 : i32
      "tpu.region"() ({
        %run_scoped3A = tpu.sem_alloc : memref<!tpu.dma_semaphore, #tpu.memory_space<semaphore_mem>>
        %dma_start3A = arith.constant 0 : i32
        %dma_start3A_22 = tpu.memref_slice %arg2[%add3A_13, %dma_start3A] : memref<8192x4096xf32, #tpu.memory_space<hbm>> -> memref<8x4096xf32, #tpu.memory_space<hbm>>
        %dma_start3A_23 = arith.constant 0 : i32
        %dma_start3A_24 = tpu.memref_slice %arg2[%add3A_13, %dma_start3A_23] : memref<8192x4096xf32, #tpu.memory_space<hbm>> -> memref<8x4096xf32, #tpu.memory_space<hbm>>
        tpu.enqueue_dma source(%dma_start3A_24 : memref<8x4096xf32, #tpu.memory_space<hbm>>) target(%arg4 : memref<8x4096xf32, #tpu.memory_space<vmem>>) target_semaphore(%run_scoped3A : memref<!tpu.dma_semaphore, #tpu.memory_space<semaphore_mem>>)
        %dma_wait3A = arith.constant 0 : i32
        %dma_wait3A_25 = tpu.memref_slice %arg2[%add3A_13, %dma_wait3A] : memref<8192x4096xf32, #tpu.memory_space<hbm>> -> memref<8x4096xf32, #tpu.memory_space<hbm>>
        %dma_wait3A_26 = arith.constant 0 : i32
        %dma_wait3A_27 = tpu.memref_slice %arg2[%add3A_13, %dma_wait3A_26] : memref<8192x4096xf32, #tpu.memory_space<hbm>> -> memref<8x4096xf32, #tpu.memory_space<hbm>>
        tpu.wait_dma2 semaphore(%run_scoped3A : memref<!tpu.dma_semaphore, #tpu.memory_space<semaphore_mem>>) src(%dma_wait3A_27 : memref<8x4096xf32, #tpu.memory_space<hbm>>) dst(%arg4 : memref<8x4096xf32, #tpu.memory_space<vmem>>)
        tpu.yield
      }) : () -> ()
      %scan3A_14 = arith.constant 0 : i32
      %scan3A_15 = arith.constant 0 : i32
      %scan3A_16 = arith.constant 8 : i32
      %scan3A_17 = arith.addi %scan3A_15, %scan3A_16 : i32
      %scan3A_18 = arith.constant 1 : i32
      %scan3A_19 = scf.for %scan3A_22 = %scan3A_15 to %scan3A_17 step %scan3A_18 iter_args(%scan3A_23 = %scan3A_14) -> (i32)  : i32 {
        %broadcast_in_dim3A = arith.constant -1 : i32
        %broadcast_in_dim3A_24 = vector.broadcast %broadcast_in_dim3A : i32 to vector<16xi32>
        %swap3A = arith.constant 0 : index
        %swap3A_25 = tpu.vector_load %arg5[%swap3A] {strides = array<i32>} : memref<64xi32, #tpu.memory_space<vmem>>, vector<16xi32>,
        tpu.vector_store %arg5[%swap3A], %broadcast_in_dim3A_24 {strides = array<i32>} : memref<64xi32, #tpu.memory_space<vmem>>, vector<16xi32>,
        %broadcast_in_dim3A_26 = arith.constant -1 : i32
        %broadcast_in_dim3A_27 = vector.broadcast %broadcast_in_dim3A_26 : i32 to vector<16xi32>
        %swap3A_28 = arith.constant 16 : index
        %swap3A_29 = tpu.vector_load %arg5[%swap3A_28] {strides = array<i32>} : memref<64xi32, #tpu.memory_space<vmem>>, vector<16xi32>,
        tpu.vector_store %arg5[%swap3A_28], %broadcast_in_dim3A_27 {strides = array<i32>} : memref<64xi32, #tpu.memory_space<vmem>>, vector<16xi32>,
        %broadcast_in_dim3A_30 = arith.constant -1 : i32
        %broadcast_in_dim3A_31 = vector.broadcast %broadcast_in_dim3A_30 : i32 to vector<16xi32>
        %swap3A_32 = arith.constant 32 : index
        %swap3A_33 = tpu.vector_load %arg5[%swap3A_32] {strides = array<i32>} : memref<64xi32, #tpu.memory_space<vmem>>, vector<16xi32>,
        tpu.vector_store %arg5[%swap3A_32], %broadcast_in_dim3A_31 {strides = array<i32>} : memref<64xi32, #tpu.memory_space<vmem>>, vector<16xi32>,
        %broadcast_in_dim3A_34 = arith.constant -1 : i32
        %broadcast_in_dim3A_35 = vector.broadcast %broadcast_in_dim3A_34 : i32 to vector<16xi32>
        %swap3A_36 = arith.constant 48 : index
        %swap3A_37 = tpu.vector_load %arg5[%swap3A_36] {strides = array<i32>} : memref<64xi32, #tpu.memory_space<vmem>>, vector<16xi32>,
        tpu.vector_store %arg5[%swap3A_36], %broadcast_in_dim3A_35 {strides = array<i32>} : memref<64xi32, #tpu.memory_space<vmem>>, vector<16xi32>,
        %scan3A_38 = arith.constant 0 : i32
        %scan3A_39 = arith.constant 0 : i32
        %scan3A_40 = arith.constant 256 : i32
        %scan3A_41 = arith.addi %scan3A_39, %scan3A_40 : i32
        %scan3A_42 = arith.constant 1 : i32
        %scan3A_43 = scf.for %scan3A_47 = %scan3A_39 to %scan3A_41 step %scan3A_42 iter_args(%scan3A_48 = %scan3A_38) -> (i32)  : i32 {
          %mul3A_49 = arith.constant 16 : i32
          %mul3A_50 = arith.muli %scan3A_47, %mul3A_49 : i32
          %get3A = arith.index_cast %scan3A_22 : i32 to index
          %get3A_51 = arith.index_cast %mul3A_50 : i32 to index
          %get3A_52 = tpu.vector_load %arg4[%get3A, %get3A_51] {strides = array<i32>} : memref<8x4096xf32, #tpu.memory_space<vmem>>, vector<16xf32>,
          %ne3A = arith.constant 0.000000e+00 : f32
          %ne3A_53 = vector.broadcast %ne3A : f32 to vector<16xf32>
          %ne3A_54 = arith.cmpf one, %get3A_52, %ne3A_53 : vector<16xf32>
          %lt3A = arith.constant 32 : i32
          %lt3A_55 = arith.cmpi slt, %scan3A_48, %lt3A : i32
          %broadcast_in_dim3A_56 = vector.broadcast %lt3A_55 : i1 to vector<16xi1>
          %and3A = arith.andi %ne3A_54, %broadcast_in_dim3A_56 : vector<16xi1>
          %mul3A_57 = arith.constant 16 : i32
          %mul3A_58 = arith.muli %scan3A_47, %mul3A_57 : i32
          %add3A_59 = vector.broadcast %mul3A_58 : i32 to vector<16xi32>
          %add3A_60 = arith.addi %iota3A, %add3A_59 : vector<16xi32>
          %convert_element_type3A = arith.extui %and3A : vector<16xi1> to vector<16xi32>
          %broadcast_in_dim3A_61 = arith.constant true
          %broadcast_in_dim3A_62 = vector.broadcast %broadcast_in_dim3A_61 : i1 to vector<16xi1>
          %masked_cumsum3A = tpu.scan <sum>, %convert_element_type3A masked %broadcast_in_dim3A_62 : vector<16xi32>, vector<16xi1> -> vector<16xi32>
          %add3A_63 = vector.broadcast %scan3A_48 : i32 to vector<16xi32>
          %add3A_64 = arith.addi %add3A_63, %masked_cumsum3A : vector<16xi32>
          %sub3A = arith.constant 1 : i32
          %sub3A_65 = vector.broadcast %sub3A : i32 to vector<16xi32>
          %sub3A_66 = arith.subi %add3A_64, %sub3A_65 : vector<16xi32>
          %jit3A = arith.constant 63 : i32
          %broadcast_in_dim3A_67 = vector.broadcast %jit3A : i32 to vector<16xi32>
          %select_n3A = arith.select %and3A, %sub3A_66, %broadcast_in_dim3A_67 : vector<16xi1>, vector<16xi32>
          tpu.vector_store_idx %arg5[%select_n3A], %add3A_60 : memref<64xi32, #tpu.memory_space<vmem>>[vector<16xi32>], vector<16xi32>,
          %reduce_max3A = arith.constant true
          %reduce_max3A_68 = vector.broadcast %reduce_max3A : i1 to vector<16xi1>
          %reduce_max3A_69 = arith.constant -2147483648 : i32
          %reduce_max3A_70 = vector.broadcast %reduce_max3A_69 : i32 to vector<16xi32>
          %reduce_max3A_71 = arith.xori %masked_cumsum3A, %reduce_max3A_70 : vector<16xi32>
          %reduce_max3A_72 = tpu.scan <max>, %reduce_max3A_71 masked %reduce_max3A_68 : vector<16xi32>, vector<16xi1> -> vector<16xi32>
          %reduce_max3A_73 = arith.xori %reduce_max3A_72, %reduce_max3A_70 : vector<16xi32>
          %reduce_max3A_74 = vector.extract %reduce_max3A_73[15] : i32 from vector<16xi32>
          %add3A_75 = arith.addi %scan3A_48, %reduce_max3A_74 : i32
          scf.yield %add3A_75 : i32
        }
        %scan3A_44 = arith.constant 256 : i32
        %add3A_45 = arith.addi %add3A_13, %scan3A_22 : i32
        "tpu.region"() ({
          %run_scoped3A = tpu.sem_alloc : memref<!tpu.dma_semaphore, #tpu.memory_space<semaphore_mem>>
          %dma_start3A = arith.constant 0 : i32
          %dma_start3A_47 = tpu.memref_slice %arg3[%add3A_45, %dma_start3A] : memref<8192x64xi32, #tpu.memory_space<hbm>> -> memref<1x64xi32, #tpu.memory_space<hbm>>
          %dma_start3A_48 = tpu.memref_squeeze %dma_start3A_47 : memref<1x64xi32, #tpu.memory_space<hbm>> -> memref<64xi32, #tpu.memory_space<hbm>>
          %dma_start3A_49 = arith.constant 0 : i32
          %dma_start3A_50 = tpu.memref_slice %arg3[%add3A_45, %dma_start3A_49] : memref<8192x64xi32, #tpu.memory_space<hbm>> -> memref<1x64xi32, #tpu.memory_space<hbm>>
          %dma_start3A_51 = tpu.memref_squeeze %dma_start3A_50 : memref<1x64xi32, #tpu.memory_space<hbm>> -> memref<64xi32, #tpu.memory_space<hbm>>
          tpu.enqueue_dma source(%arg5 : memref<64xi32, #tpu.memory_space<vmem>>) target(%dma_start3A_51 : memref<64xi32, #tpu.memory_space<hbm>>) target_semaphore(%run_scoped3A : memref<!tpu.dma_semaphore, #tpu.memory_space<semaphore_mem>>)
          %dma_wait3A = arith.constant 0 : i32
          %dma_wait3A_52 = tpu.memref_slice %arg3[%add3A_45, %dma_wait3A] : memref<8192x64xi32, #tpu.memory_space<hbm>> -> memref<1x64xi32, #tpu.memory_space<hbm>>
          %dma_wait3A_53 = tpu.memref_squeeze %dma_wait3A_52 : memref<1x64xi32, #tpu.memory_space<hbm>> -> memref<64xi32, #tpu.memory_space<hbm>>
          %dma_wait3A_54 = arith.constant 0 : i32
          %dma_wait3A_55 = tpu.memref_slice %arg3[%add3A_45, %dma_wait3A_54] : memref<8192x64xi32, #tpu.memory_space<hbm>> -> memref<1x64xi32, #tpu.memory_space<hbm>>
          %dma_wait3A_56 = tpu.memref_squeeze %dma_wait3A_55 : memref<1x64xi32, #tpu.memory_space<hbm>> -> memref<64xi32, #tpu.memory_space<hbm>>
          tpu.wait_dma2 semaphore(%run_scoped3A : memref<!tpu.dma_semaphore, #tpu.memory_space<semaphore_mem>>) src(%arg5 : memref<64xi32, #tpu.memory_space<vmem>>) dst(%dma_wait3A_56 : memref<64xi32, #tpu.memory_space<hbm>>)
          tpu.yield
        }) : () -> ()
        %scan3A_46 = arith.constant 0 : i32
        scf.yield %scan3A_46 : i32
      }
      %scan3A_20 = arith.constant 8 : i32
      %scan3A_21 = arith.constant 0 : i32
      scf.yield %scan3A_21 : i32
    }
    %scan3A_8 = arith.constant 32 : i32
    return
  }
}

#map = affine_map<(d0, d1) -> (0, 0)>
module attributes {stable_mosaic.version = 14 : i64} {
  func.func @k(%arg0: i32, %arg1: i32, %arg2: memref<2048x1024xf32, #tpu.memory_space<hbm>>, %arg3: memref<2048x64xi32, #tpu.memory_space<hbm>>, %arg4: memref<8x1024xf32, #tpu.memory_space<vmem>>, %arg5: memref<64xi32, #tpu.memory_space<vmem>>) attributes {dimension_semantics = [#tpu.dimension_semantics<core_parallel>, #tpu.dimension_semantics<subcore_parallel>], iteration_bounds = array<i64: 2, 16>, scalar_prefetch = 0 : i64, scratch_operands = 2 : i64, tpu.core_type = #tpu.core_type<sc_vector_subcore>, window_params = [{transform_indices = #map}, {transform_indices = #map}]} {
    %mul3A = arith.constant 2 : i32
    %mul3A_0 = arith.muli %arg1, %mul3A : i32
    %add3A = arith.addi %mul3A_0, %arg0 : i32
    %mul3A_1 = arith.constant 64 : i32
    %mul3A_2 = arith.muli %add3A, %mul3A_1 : i32
    %iota3A = tpu.iota {dimensions = array<i32: 0>} : vector<16xi32>
    %scan3A = arith.constant 0 : i32
    %scan3A_3 = arith.constant 0 : i32
    %scan3A_4 = arith.constant 8 : i32
    %scan3A_5 = arith.addi %scan3A_3, %scan3A_4 : i32
    %scan3A_6 = arith.constant 1 : i32
    %scan3A_7 = scf.for %scan3A_9 = %scan3A_3 to %scan3A_5 step %scan3A_6 iter_args(%scan3A_10 = %scan3A) -> (i32)  : i32 {
      %mul3A_11 = arith.constant 8 : i32
      %mul3A_12 = arith.muli %scan3A_9, %mul3A_11 : i32
      %add3A_13 = arith.addi %mul3A_2, %mul3A_12 : i32
      "tpu.region"() ({
        %run_scoped3A = tpu.sem_alloc : memref<!tpu.dma_semaphore, #tpu.memory_space<semaphore_mem>>
        %dma_start3A = arith.constant 0 : i32
        %dma_start3A_22 = tpu.memref_slice %arg2[%add3A_13, %dma_start3A] : memref<2048x1024xf32, #tpu.memory_space<hbm>> -> memref<8x1024xf32, #tpu.memory_space<hbm>>
        %dma_start3A_23 = arith.constant 0 : i32
        %dma_start3A_24 = tpu.memref_slice %arg2[%add3A_13, %dma_start3A_23] : memref<2048x1024xf32, #tpu.memory_space<hbm>> -> memref<8x1024xf32, #tpu.memory_space<hbm>>
        tpu.enqueue_dma source(%dma_start3A_24 : memref<8x1024xf32, #tpu.memory_space<hbm>>) target(%arg4 : memref<8x1024xf32, #tpu.memory_space<vmem>>) target_semaphore(%run_scoped3A : memref<!tpu.dma_semaphore, #tpu.memory_space<semaphore_mem>>)
        %dma_wait3A = arith.constant 0 : i32
        %dma_wait3A_25 = tpu.memref_slice %arg2[%add3A_13, %dma_wait3A] : memref<2048x1024xf32, #tpu.memory_space<hbm>> -> memref<8x1024xf32, #tpu.memory_space<hbm>>
        %dma_wait3A_26 = arith.constant 0 : i32
        %dma_wait3A_27 = tpu.memref_slice %arg2[%add3A_13, %dma_wait3A_26] : memref<2048x1024xf32, #tpu.memory_space<hbm>> -> memref<8x1024xf32, #tpu.memory_space<hbm>>
        tpu.wait_dma2 semaphore(%run_scoped3A : memref<!tpu.dma_semaphore, #tpu.memory_space<semaphore_mem>>) src(%dma_wait3A_27 : memref<8x1024xf32, #tpu.memory_space<hbm>>) dst(%arg4 : memref<8x1024xf32, #tpu.memory_space<vmem>>)
        tpu.yield
      }) : () -> ()
      %scan3A_14 = arith.constant 0 : i32
      %scan3A_15 = arith.constant 0 : i32
      %scan3A_16 = arith.constant 8 : i32
      %scan3A_17 = arith.addi %scan3A_15, %scan3A_16 : i32
      %scan3A_18 = arith.constant 1 : i32
      %scan3A_19 = scf.for %scan3A_22 = %scan3A_15 to %scan3A_17 step %scan3A_18 iter_args(%scan3A_23 = %scan3A_14) -> (i32)  : i32 {
        %broadcast_in_dim3A = arith.constant -1 : i32
        %broadcast_in_dim3A_24 = vector.broadcast %broadcast_in_dim3A : i32 to vector<16xi32>
        %swap3A = arith.constant 0 : index
        %swap3A_25 = tpu.vector_load %arg5[%swap3A] {strides = array<i32>} : memref<64xi32, #tpu.memory_space<vmem>>, vector<16xi32>,
        tpu.vector_store %arg5[%swap3A], %broadcast_in_dim3A_24 {strides = array<i32>} : memref<64xi32, #tpu.memory_space<vmem>>, vector<16xi32>,
        %broadcast_in_dim3A_26 = arith.constant -1 : i32
        %broadcast_in_dim3A_27 = vector.broadcast %broadcast_in_dim3A_26 : i32 to vector<16xi32>
        %swap3A_28 = arith.constant 16 : index
        %swap3A_29 = tpu.vector_load %arg5[%swap3A_28] {strides = array<i32>} : memref<64xi32, #tpu.memory_space<vmem>>, vector<16xi32>,
        tpu.vector_store %arg5[%swap3A_28], %broadcast_in_dim3A_27 {strides = array<i32>} : memref<64xi32, #tpu.memory_space<vmem>>, vector<16xi32>,
        %broadcast_in_dim3A_30 = arith.constant -1 : i32
        %broadcast_in_dim3A_31 = vector.broadcast %broadcast_in_dim3A_30 : i32 to vector<16xi32>
        %swap3A_32 = arith.constant 32 : index
        %swap3A_33 = tpu.vector_load %arg5[%swap3A_32] {strides = array<i32>} : memref<64xi32, #tpu.memory_space<vmem>>, vector<16xi32>,
        tpu.vector_store %arg5[%swap3A_32], %broadcast_in_dim3A_31 {strides = array<i32>} : memref<64xi32, #tpu.memory_space<vmem>>, vector<16xi32>,
        %broadcast_in_dim3A_34 = arith.constant -1 : i32
        %broadcast_in_dim3A_35 = vector.broadcast %broadcast_in_dim3A_34 : i32 to vector<16xi32>
        %swap3A_36 = arith.constant 48 : index
        %swap3A_37 = tpu.vector_load %arg5[%swap3A_36] {strides = array<i32>} : memref<64xi32, #tpu.memory_space<vmem>>, vector<16xi32>,
        tpu.vector_store %arg5[%swap3A_36], %broadcast_in_dim3A_35 {strides = array<i32>} : memref<64xi32, #tpu.memory_space<vmem>>, vector<16xi32>,
        %scan3A_38 = arith.constant 0 : i32
        %scan3A_39 = arith.constant 0 : i32
        %scan3A_40 = arith.constant 64 : i32
        %scan3A_41 = arith.addi %scan3A_39, %scan3A_40 : i32
        %scan3A_42 = arith.constant 1 : i32
        %scan3A_43 = scf.for %scan3A_47 = %scan3A_39 to %scan3A_41 step %scan3A_42 iter_args(%scan3A_48 = %scan3A_38) -> (i32)  : i32 {
          %mul3A_49 = arith.constant 16 : i32
          %mul3A_50 = arith.muli %scan3A_47, %mul3A_49 : i32
          %get3A = arith.index_cast %scan3A_22 : i32 to index
          %get3A_51 = arith.index_cast %mul3A_50 : i32 to index
          %get3A_52 = tpu.vector_load %arg4[%get3A, %get3A_51] {strides = array<i32>} : memref<8x1024xf32, #tpu.memory_space<vmem>>, vector<16xf32>,
          %ne3A = arith.constant 0.000000e+00 : f32
          %ne3A_53 = vector.broadcast %ne3A : f32 to vector<16xf32>
          %ne3A_54 = arith.cmpf one, %get3A_52, %ne3A_53 : vector<16xf32>
          %lt3A = arith.constant 32 : i32
          %lt3A_55 = arith.cmpi slt, %scan3A_48, %lt3A : i32
          %broadcast_in_dim3A_56 = vector.broadcast %lt3A_55 : i1 to vector<16xi1>
          %and3A = arith.andi %ne3A_54, %broadcast_in_dim3A_56 : vector<16xi1>
          %mul3A_57 = arith.constant 16 : i32
          %mul3A_58 = arith.muli %scan3A_47, %mul3A_57 : i32
          %add3A_59 = vector.broadcast %mul3A_58 : i32 to vector<16xi32>
          %add3A_60 = arith.addi %iota3A, %add3A_59 : vector<16xi32>
          %convert_element_type3A = arith.extui %and3A : vector<16xi1> to vector<16xi32>
          %broadcast_in_dim3A_61 = arith.constant true
          %broadcast_in_dim3A_62 = vector.broadcast %broadcast_in_dim3A_61 : i1 to vector<16xi1>
          %masked_cumsum3A = tpu.scan <sum>, %convert_element_type3A masked %broadcast_in_dim3A_62 : vector<16xi32>, vector<16xi1> -> vector<16xi32>
          %add3A_63 = vector.broadcast %scan3A_48 : i32 to vector<16xi32>
          %add3A_64 = arith.addi %add3A_63, %masked_cumsum3A : vector<16xi32>
          %sub3A = arith.constant 1 : i32
          %sub3A_65 = vector.broadcast %sub3A : i32 to vector<16xi32>
          %sub3A_66 = arith.subi %add3A_64, %sub3A_65 : vector<16xi32>
          %jit3A = arith.constant 63 : i32
          %broadcast_in_dim3A_67 = vector.broadcast %jit3A : i32 to vector<16xi32>
          %select_n3A = arith.select %and3A, %sub3A_66, %broadcast_in_dim3A_67 : vector<16xi1>, vector<16xi32>
          tpu.vector_store_idx %arg5[%select_n3A], %add3A_60 : memref<64xi32, #tpu.memory_space<vmem>>[vector<16xi32>], vector<16xi32>,
          %reduce_max3A = arith.constant true
          %reduce_max3A_68 = vector.broadcast %reduce_max3A : i1 to vector<16xi1>
          %reduce_max3A_69 = arith.constant -2147483648 : i32
          %reduce_max3A_70 = vector.broadcast %reduce_max3A_69 : i32 to vector<16xi32>
          %reduce_max3A_71 = arith.xori %masked_cumsum3A, %reduce_max3A_70 : vector<16xi32>
          %reduce_max3A_72 = tpu.scan <max>, %reduce_max3A_71 masked %reduce_max3A_68 : vector<16xi32>, vector<16xi1> -> vector<16xi32>
          %reduce_max3A_73 = arith.xori %reduce_max3A_72, %reduce_max3A_70 : vector<16xi32>
          %reduce_max3A_74 = vector.extract %reduce_max3A_73[15] : i32 from vector<16xi32>
          %add3A_75 = arith.addi %scan3A_48, %reduce_max3A_74 : i32
          scf.yield %add3A_75 : i32
        }
        %scan3A_44 = arith.constant 64 : i32
        %add3A_45 = arith.addi %add3A_13, %scan3A_22 : i32
        "tpu.region"() ({
          %run_scoped3A = tpu.sem_alloc : memref<!tpu.dma_semaphore, #tpu.memory_space<semaphore_mem>>
          %dma_start3A = arith.constant 0 : i32
          %dma_start3A_47 = tpu.memref_slice %arg3[%add3A_45, %dma_start3A] : memref<2048x64xi32, #tpu.memory_space<hbm>> -> memref<1x64xi32, #tpu.memory_space<hbm>>
          %dma_start3A_48 = tpu.memref_squeeze %dma_start3A_47 : memref<1x64xi32, #tpu.memory_space<hbm>> -> memref<64xi32, #tpu.memory_space<hbm>>
          %dma_start3A_49 = arith.constant 0 : i32
          %dma_start3A_50 = tpu.memref_slice %arg3[%add3A_45, %dma_start3A_49] : memref<2048x64xi32, #tpu.memory_space<hbm>> -> memref<1x64xi32, #tpu.memory_space<hbm>>
          %dma_start3A_51 = tpu.memref_squeeze %dma_start3A_50 : memref<1x64xi32, #tpu.memory_space<hbm>> -> memref<64xi32, #tpu.memory_space<hbm>>
          tpu.enqueue_dma source(%arg5 : memref<64xi32, #tpu.memory_space<vmem>>) target(%dma_start3A_51 : memref<64xi32, #tpu.memory_space<hbm>>) target_semaphore(%run_scoped3A : memref<!tpu.dma_semaphore, #tpu.memory_space<semaphore_mem>>)
          %dma_wait3A = arith.constant 0 : i32
          %dma_wait3A_52 = tpu.memref_slice %arg3[%add3A_45, %dma_wait3A] : memref<2048x64xi32, #tpu.memory_space<hbm>> -> memref<1x64xi32, #tpu.memory_space<hbm>>
          %dma_wait3A_53 = tpu.memref_squeeze %dma_wait3A_52 : memref<1x64xi32, #tpu.memory_space<hbm>> -> memref<64xi32, #tpu.memory_space<hbm>>
          %dma_wait3A_54 = arith.constant 0 : i32
          %dma_wait3A_55 = tpu.memref_slice %arg3[%add3A_45, %dma_wait3A_54] : memref<2048x64xi32, #tpu.memory_space<hbm>> -> memref<1x64xi32, #tpu.memory_space<hbm>>
          %dma_wait3A_56 = tpu.memref_squeeze %dma_wait3A_55 : memref<1x64xi32, #tpu.memory_space<hbm>> -> memref<64xi32, #tpu.memory_space<hbm>>
          tpu.wait_dma2 semaphore(%run_scoped3A : memref<!tpu.dma_semaphore, #tpu.memory_space<semaphore_mem>>) src(%arg5 : memref<64xi32, #tpu.memory_space<vmem>>) dst(%dma_wait3A_56 : memref<64xi32, #tpu.memory_space<hbm>>)
          tpu.yield
        }) : () -> ()
        %scan3A_46 = arith.constant 0 : i32
        scf.yield %scan3A_46 : i32
      }
      %scan3A_20 = arith.constant 8 : i32
      %scan3A_21 = arith.constant 0 : i32
      scf.yield %scan3A_21 : i32
    }
    %scan3A_8 = arith.constant 8 : i32
    return
  }
}

#map = affine_map<(d0, d1) -> (0, 0)>
module attributes {stable_mosaic.version = 14 : i64} {
  func.func @k(%arg0: i32, %arg1: i32, %arg2: memref<512x256xf32, #tpu.memory_space<hbm>>, %arg3: memref<512x64xi32, #tpu.memory_space<hbm>>, %arg4: memref<8x256xf32, #tpu.memory_space<vmem>>, %arg5: memref<64xi32, #tpu.memory_space<vmem>>) attributes {dimension_semantics = [#tpu.dimension_semantics<core_parallel>, #tpu.dimension_semantics<subcore_parallel>], iteration_bounds = array<i64: 2, 16>, scalar_prefetch = 0 : i64, scratch_operands = 2 : i64, tpu.core_type = #tpu.core_type<sc_vector_subcore>, window_params = [{transform_indices = #map}, {transform_indices = #map}]} {
    %mul3A = arith.constant 2 : i32
    %mul3A_0 = arith.muli %arg1, %mul3A : i32
    %add3A = arith.addi %mul3A_0, %arg0 : i32
    %mul3A_1 = arith.constant 16 : i32
    %mul3A_2 = arith.muli %add3A, %mul3A_1 : i32
    %iota3A = tpu.iota {dimensions = array<i32: 0>} : vector<16xi32>
    %scan3A = arith.constant 0 : i32
    %scan3A_3 = arith.constant 0 : i32
    %scan3A_4 = arith.constant 2 : i32
    %scan3A_5 = arith.addi %scan3A_3, %scan3A_4 : i32
    %scan3A_6 = arith.constant 1 : i32
    %scan3A_7 = scf.for %scan3A_9 = %scan3A_3 to %scan3A_5 step %scan3A_6 iter_args(%scan3A_10 = %scan3A) -> (i32)  : i32 {
      %mul3A_11 = arith.constant 8 : i32
      %mul3A_12 = arith.muli %scan3A_9, %mul3A_11 : i32
      %add3A_13 = arith.addi %mul3A_2, %mul3A_12 : i32
      "tpu.region"() ({
        %run_scoped3A = tpu.sem_alloc : memref<!tpu.dma_semaphore, #tpu.memory_space<semaphore_mem>>
        %dma_start3A = arith.constant 0 : i32
        %dma_start3A_22 = tpu.memref_slice %arg2[%add3A_13, %dma_start3A] : memref<512x256xf32, #tpu.memory_space<hbm>> -> memref<8x256xf32, #tpu.memory_space<hbm>>
        %dma_start3A_23 = arith.constant 0 : i32
        %dma_start3A_24 = tpu.memref_slice %arg2[%add3A_13, %dma_start3A_23] : memref<512x256xf32, #tpu.memory_space<hbm>> -> memref<8x256xf32, #tpu.memory_space<hbm>>
        tpu.enqueue_dma source(%dma_start3A_24 : memref<8x256xf32, #tpu.memory_space<hbm>>) target(%arg4 : memref<8x256xf32, #tpu.memory_space<vmem>>) target_semaphore(%run_scoped3A : memref<!tpu.dma_semaphore, #tpu.memory_space<semaphore_mem>>)
        %dma_wait3A = arith.constant 0 : i32
        %dma_wait3A_25 = tpu.memref_slice %arg2[%add3A_13, %dma_wait3A] : memref<512x256xf32, #tpu.memory_space<hbm>> -> memref<8x256xf32, #tpu.memory_space<hbm>>
        %dma_wait3A_26 = arith.constant 0 : i32
        %dma_wait3A_27 = tpu.memref_slice %arg2[%add3A_13, %dma_wait3A_26] : memref<512x256xf32, #tpu.memory_space<hbm>> -> memref<8x256xf32, #tpu.memory_space<hbm>>
        tpu.wait_dma2 semaphore(%run_scoped3A : memref<!tpu.dma_semaphore, #tpu.memory_space<semaphore_mem>>) src(%dma_wait3A_27 : memref<8x256xf32, #tpu.memory_space<hbm>>) dst(%arg4 : memref<8x256xf32, #tpu.memory_space<vmem>>)
        tpu.yield
      }) : () -> ()
      %scan3A_14 = arith.constant 0 : i32
      %scan3A_15 = arith.constant 0 : i32
      %scan3A_16 = arith.constant 8 : i32
      %scan3A_17 = arith.addi %scan3A_15, %scan3A_16 : i32
      %scan3A_18 = arith.constant 1 : i32
      %scan3A_19 = scf.for %scan3A_22 = %scan3A_15 to %scan3A_17 step %scan3A_18 iter_args(%scan3A_23 = %scan3A_14) -> (i32)  : i32 {
        %broadcast_in_dim3A = arith.constant -1 : i32
        %broadcast_in_dim3A_24 = vector.broadcast %broadcast_in_dim3A : i32 to vector<16xi32>
        %swap3A = arith.constant 0 : index
        %swap3A_25 = tpu.vector_load %arg5[%swap3A] {strides = array<i32>} : memref<64xi32, #tpu.memory_space<vmem>>, vector<16xi32>,
        tpu.vector_store %arg5[%swap3A], %broadcast_in_dim3A_24 {strides = array<i32>} : memref<64xi32, #tpu.memory_space<vmem>>, vector<16xi32>,
        %broadcast_in_dim3A_26 = arith.constant -1 : i32
        %broadcast_in_dim3A_27 = vector.broadcast %broadcast_in_dim3A_26 : i32 to vector<16xi32>
        %swap3A_28 = arith.constant 16 : index
        %swap3A_29 = tpu.vector_load %arg5[%swap3A_28] {strides = array<i32>} : memref<64xi32, #tpu.memory_space<vmem>>, vector<16xi32>,
        tpu.vector_store %arg5[%swap3A_28], %broadcast_in_dim3A_27 {strides = array<i32>} : memref<64xi32, #tpu.memory_space<vmem>>, vector<16xi32>,
        %broadcast_in_dim3A_30 = arith.constant -1 : i32
        %broadcast_in_dim3A_31 = vector.broadcast %broadcast_in_dim3A_30 : i32 to vector<16xi32>
        %swap3A_32 = arith.constant 32 : index
        %swap3A_33 = tpu.vector_load %arg5[%swap3A_32] {strides = array<i32>} : memref<64xi32, #tpu.memory_space<vmem>>, vector<16xi32>,
        tpu.vector_store %arg5[%swap3A_32], %broadcast_in_dim3A_31 {strides = array<i32>} : memref<64xi32, #tpu.memory_space<vmem>>, vector<16xi32>,
        %broadcast_in_dim3A_34 = arith.constant -1 : i32
        %broadcast_in_dim3A_35 = vector.broadcast %broadcast_in_dim3A_34 : i32 to vector<16xi32>
        %swap3A_36 = arith.constant 48 : index
        %swap3A_37 = tpu.vector_load %arg5[%swap3A_36] {strides = array<i32>} : memref<64xi32, #tpu.memory_space<vmem>>, vector<16xi32>,
        tpu.vector_store %arg5[%swap3A_36], %broadcast_in_dim3A_35 {strides = array<i32>} : memref<64xi32, #tpu.memory_space<vmem>>, vector<16xi32>,
        %scan3A_38 = arith.constant 0 : i32
        %scan3A_39 = arith.constant 0 : i32
        %scan3A_40 = arith.constant 16 : i32
        %scan3A_41 = arith.addi %scan3A_39, %scan3A_40 : i32
        %scan3A_42 = arith.constant 1 : i32
        %scan3A_43 = scf.for %scan3A_47 = %scan3A_39 to %scan3A_41 step %scan3A_42 iter_args(%scan3A_48 = %scan3A_38) -> (i32)  : i32 {
          %mul3A_49 = arith.constant 16 : i32
          %mul3A_50 = arith.muli %scan3A_47, %mul3A_49 : i32
          %get3A = arith.index_cast %scan3A_22 : i32 to index
          %get3A_51 = arith.index_cast %mul3A_50 : i32 to index
          %get3A_52 = tpu.vector_load %arg4[%get3A, %get3A_51] {strides = array<i32>} : memref<8x256xf32, #tpu.memory_space<vmem>>, vector<16xf32>,
          %ne3A = arith.constant 0.000000e+00 : f32
          %ne3A_53 = vector.broadcast %ne3A : f32 to vector<16xf32>
          %ne3A_54 = arith.cmpf one, %get3A_52, %ne3A_53 : vector<16xf32>
          %lt3A = arith.constant 32 : i32
          %lt3A_55 = arith.cmpi slt, %scan3A_48, %lt3A : i32
          %broadcast_in_dim3A_56 = vector.broadcast %lt3A_55 : i1 to vector<16xi1>
          %and3A = arith.andi %ne3A_54, %broadcast_in_dim3A_56 : vector<16xi1>
          %mul3A_57 = arith.constant 16 : i32
          %mul3A_58 = arith.muli %scan3A_47, %mul3A_57 : i32
          %add3A_59 = vector.broadcast %mul3A_58 : i32 to vector<16xi32>
          %add3A_60 = arith.addi %iota3A, %add3A_59 : vector<16xi32>
          %convert_element_type3A = arith.extui %and3A : vector<16xi1> to vector<16xi32>
          %broadcast_in_dim3A_61 = arith.constant true
          %broadcast_in_dim3A_62 = vector.broadcast %broadcast_in_dim3A_61 : i1 to vector<16xi1>
          %masked_cumsum3A = tpu.scan <sum>, %convert_element_type3A masked %broadcast_in_dim3A_62 : vector<16xi32>, vector<16xi1> -> vector<16xi32>
          %add3A_63 = vector.broadcast %scan3A_48 : i32 to vector<16xi32>
          %add3A_64 = arith.addi %add3A_63, %masked_cumsum3A : vector<16xi32>
          %sub3A = arith.constant 1 : i32
          %sub3A_65 = vector.broadcast %sub3A : i32 to vector<16xi32>
          %sub3A_66 = arith.subi %add3A_64, %sub3A_65 : vector<16xi32>
          %jit3A = arith.constant 63 : i32
          %broadcast_in_dim3A_67 = vector.broadcast %jit3A : i32 to vector<16xi32>
          %select_n3A = arith.select %and3A, %sub3A_66, %broadcast_in_dim3A_67 : vector<16xi1>, vector<16xi32>
          tpu.vector_store_idx %arg5[%select_n3A], %add3A_60 : memref<64xi32, #tpu.memory_space<vmem>>[vector<16xi32>], vector<16xi32>,
          %reduce_max3A = arith.constant true
          %reduce_max3A_68 = vector.broadcast %reduce_max3A : i1 to vector<16xi1>
          %reduce_max3A_69 = arith.constant -2147483648 : i32
          %reduce_max3A_70 = vector.broadcast %reduce_max3A_69 : i32 to vector<16xi32>
          %reduce_max3A_71 = arith.xori %masked_cumsum3A, %reduce_max3A_70 : vector<16xi32>
          %reduce_max3A_72 = tpu.scan <max>, %reduce_max3A_71 masked %reduce_max3A_68 : vector<16xi32>, vector<16xi1> -> vector<16xi32>
          %reduce_max3A_73 = arith.xori %reduce_max3A_72, %reduce_max3A_70 : vector<16xi32>
          %reduce_max3A_74 = vector.extract %reduce_max3A_73[15] : i32 from vector<16xi32>
          %add3A_75 = arith.addi %scan3A_48, %reduce_max3A_74 : i32
          scf.yield %add3A_75 : i32
        }
        %scan3A_44 = arith.constant 16 : i32
        %add3A_45 = arith.addi %add3A_13, %scan3A_22 : i32
        "tpu.region"() ({
          %run_scoped3A = tpu.sem_alloc : memref<!tpu.dma_semaphore, #tpu.memory_space<semaphore_mem>>
          %dma_start3A = arith.constant 0 : i32
          %dma_start3A_47 = tpu.memref_slice %arg3[%add3A_45, %dma_start3A] : memref<512x64xi32, #tpu.memory_space<hbm>> -> memref<1x64xi32, #tpu.memory_space<hbm>>
          %dma_start3A_48 = tpu.memref_squeeze %dma_start3A_47 : memref<1x64xi32, #tpu.memory_space<hbm>> -> memref<64xi32, #tpu.memory_space<hbm>>
          %dma_start3A_49 = arith.constant 0 : i32
          %dma_start3A_50 = tpu.memref_slice %arg3[%add3A_45, %dma_start3A_49] : memref<512x64xi32, #tpu.memory_space<hbm>> -> memref<1x64xi32, #tpu.memory_space<hbm>>
          %dma_start3A_51 = tpu.memref_squeeze %dma_start3A_50 : memref<1x64xi32, #tpu.memory_space<hbm>> -> memref<64xi32, #tpu.memory_space<hbm>>
          tpu.enqueue_dma source(%arg5 : memref<64xi32, #tpu.memory_space<vmem>>) target(%dma_start3A_51 : memref<64xi32, #tpu.memory_space<hbm>>) target_semaphore(%run_scoped3A : memref<!tpu.dma_semaphore, #tpu.memory_space<semaphore_mem>>)
          %dma_wait3A = arith.constant 0 : i32
          %dma_wait3A_52 = tpu.memref_slice %arg3[%add3A_45, %dma_wait3A] : memref<512x64xi32, #tpu.memory_space<hbm>> -> memref<1x64xi32, #tpu.memory_space<hbm>>
          %dma_wait3A_53 = tpu.memref_squeeze %dma_wait3A_52 : memref<1x64xi32, #tpu.memory_space<hbm>> -> memref<64xi32, #tpu.memory_space<hbm>>
          %dma_wait3A_54 = arith.constant 0 : i32
          %dma_wait3A_55 = tpu.memref_slice %arg3[%add3A_45, %dma_wait3A_54] : memref<512x64xi32, #tpu.memory_space<hbm>> -> memref<1x64xi32, #tpu.memory_space<hbm>>
          %dma_wait3A_56 = tpu.memref_squeeze %dma_wait3A_55 : memref<1x64xi32, #tpu.memory_space<hbm>> -> memref<64xi32, #tpu.memory_space<hbm>>
          tpu.wait_dma2 semaphore(%run_scoped3A : memref<!tpu.dma_semaphore, #tpu.memory_space<semaphore_mem>>) src(%arg5 : memref<64xi32, #tpu.memory_space<vmem>>) dst(%dma_wait3A_56 : memref<64xi32, #tpu.memory_space<hbm>>)
          tpu.yield
        }) : () -> ()
        %scan3A_46 = arith.constant 0 : i32
        scf.yield %scan3A_46 : i32
      }
      %scan3A_20 = arith.constant 8 : i32
      %scan3A_21 = arith.constant 0 : i32
      scf.yield %scan3A_21 : i32
    }
    %scan3A_8 = arith.constant 2 : i32
    return
  }
}

#map = affine_map<(d0, d1) -> (0, 0)>
#map1 = affine_map<(d0, d1) -> (0)>
module attributes {stable_mosaic.version = 14 : i64} {
  func.func @k(%arg0: i32, %arg1: i32, %arg2: memref<32768x16xf32, #tpu.memory_space<hbm>>, %arg3: memref<262144xi32, #tpu.memory_space<hbm>>, %arg4: memref<262144x16xf32, #tpu.memory_space<hbm>>, %arg5: memref<128xi32, #tpu.memory_space<vmem>>, %arg6: memref<128x16xf32, #tpu.memory_space<vmem>>, %arg7: memref<!tpu.dma_semaphore, #tpu.memory_space<semaphore_mem>>) attributes {dimension_semantics = [#tpu.dimension_semantics<core_parallel>, #tpu.dimension_semantics<subcore_parallel>], iteration_bounds = array<i64: 2, 16>, scalar_prefetch = 0 : i64, scratch_operands = 3 : i64, tpu.core_type = #tpu.core_type<sc_vector_subcore>, window_params = [{transform_indices = #map}, {transform_indices = #map1}, {transform_indices = #map}]} {
    %mul3A = arith.constant 2 : i32
    %mul3A_0 = arith.muli %arg1, %mul3A : i32
    %add3A = arith.addi %mul3A_0, %arg0 : i32
    %mul3A_1 = arith.constant 8192 : i32
    %mul3A_2 = arith.muli %add3A, %mul3A_1 : i32
    %scan3A = arith.constant 0 : i32
    %scan3A_3 = arith.constant 0 : i32
    %scan3A_4 = arith.constant 64 : i32
    %scan3A_5 = arith.addi %scan3A_3, %scan3A_4 : i32
    %scan3A_6 = arith.constant 1 : i32
    %scan3A_7 = scf.for %scan3A_9 = %scan3A_3 to %scan3A_5 step %scan3A_6 iter_args(%scan3A_10 = %scan3A) -> (i32)  : i32 {
      %mul3A_11 = arith.constant 128 : i32
      %mul3A_12 = arith.muli %scan3A_9, %mul3A_11 : i32
      %add3A_13 = arith.addi %mul3A_2, %mul3A_12 : i32
      "tpu.region"() ({
        %run_scoped3A = tpu.sem_alloc : memref<!tpu.dma_semaphore, #tpu.memory_space<semaphore_mem>>
        %dma_start3A_19 = tpu.memref_slice %arg3[%add3A_13] : memref<262144xi32, #tpu.memory_space<hbm>> -> memref<128xi32, #tpu.memory_space<hbm>>
        %dma_start3A_20 = tpu.memref_slice %arg3[%add3A_13] : memref<262144xi32, #tpu.memory_space<hbm>> -> memref<128xi32, #tpu.memory_space<hbm>>
        tpu.enqueue_dma source(%dma_start3A_20 : memref<128xi32, #tpu.memory_space<hbm>>) target(%arg5 : memref<128xi32, #tpu.memory_space<vmem>>) target_semaphore(%run_scoped3A : memref<!tpu.dma_semaphore, #tpu.memory_space<semaphore_mem>>)
        %dma_wait3A_21 = tpu.memref_slice %arg3[%add3A_13] : memref<262144xi32, #tpu.memory_space<hbm>> -> memref<128xi32, #tpu.memory_space<hbm>>
        %dma_wait3A_22 = tpu.memref_slice %arg3[%add3A_13] : memref<262144xi32, #tpu.memory_space<hbm>> -> memref<128xi32, #tpu.memory_space<hbm>>
        tpu.wait_dma2 semaphore(%run_scoped3A : memref<!tpu.dma_semaphore, #tpu.memory_space<semaphore_mem>>) src(%dma_wait3A_22 : memref<128xi32, #tpu.memory_space<hbm>>) dst(%arg5 : memref<128xi32, #tpu.memory_space<vmem>>)
        tpu.yield
      }) : () -> ()
      %dma_start3A = arith.constant 0 : i32
      %dma_start3A_14 = arith.constant 0 : i32
      %dma_start3A_15 = tpu.memref_slice %arg2[%dma_start3A, %dma_start3A_14] : memref<32768x16xf32, #tpu.memory_space<hbm>> -> memref<32768x16xf32, #tpu.memory_space<hbm>>
      tpu.enqueue_indirect_dma source(%dma_start3A_15 : memref<32768x16xf32, #tpu.memory_space<hbm>>) target(%arg6 : memref<128x16xf32, #tpu.memory_space<vmem>>) offsets(%arg5 : memref<128xi32, #tpu.memory_space<vmem>>) semaphore(%arg7 : memref<!tpu.dma_semaphore, #tpu.memory_space<semaphore_mem>>)
      %dma_wait3A = arith.constant 0 : i32
      %dma_wait3A_16 = arith.constant 0 : i32
      %dma_wait3A_17 = tpu.memref_slice %arg2[%dma_wait3A, %dma_wait3A_16] : memref<32768x16xf32, #tpu.memory_space<hbm>> -> memref<32768x16xf32, #tpu.memory_space<hbm>>
      tpu.wait_indirect_dma semaphore(%arg7 : memref<!tpu.dma_semaphore, #tpu.memory_space<semaphore_mem>>) src(%dma_wait3A_17 : memref<32768x16xf32, #tpu.memory_space<hbm>>) dst(%arg6 : memref<128x16xf32, #tpu.memory_space<vmem>>)
      "tpu.region"() ({
        %run_scoped3A = tpu.sem_alloc : memref<!tpu.dma_semaphore, #tpu.memory_space<semaphore_mem>>
        %dma_start3A_19 = arith.constant 0 : i32
        %dma_start3A_20 = tpu.memref_slice %arg4[%add3A_13, %dma_start3A_19] : memref<262144x16xf32, #tpu.memory_space<hbm>> -> memref<128x16xf32, #tpu.memory_space<hbm>>
        %dma_start3A_21 = arith.constant 0 : i32
        %dma_start3A_22 = tpu.memref_slice %arg4[%add3A_13, %dma_start3A_21] : memref<262144x16xf32, #tpu.memory_space<hbm>> -> memref<128x16xf32, #tpu.memory_space<hbm>>
        tpu.enqueue_dma source(%arg6 : memref<128x16xf32, #tpu.memory_space<vmem>>) target(%dma_start3A_22 : memref<128x16xf32, #tpu.memory_space<hbm>>) target_semaphore(%run_scoped3A : memref<!tpu.dma_semaphore, #tpu.memory_space<semaphore_mem>>)
        %dma_wait3A_23 = arith.constant 0 : i32
        %dma_wait3A_24 = tpu.memref_slice %arg4[%add3A_13, %dma_wait3A_23] : memref<262144x16xf32, #tpu.memory_space<hbm>> -> memref<128x16xf32, #tpu.memory_space<hbm>>
        %dma_wait3A_25 = arith.constant 0 : i32
        %dma_wait3A_26 = tpu.memref_slice %arg4[%add3A_13, %dma_wait3A_25] : memref<262144x16xf32, #tpu.memory_space<hbm>> -> memref<128x16xf32, #tpu.memory_space<hbm>>
        tpu.wait_dma2 semaphore(%run_scoped3A : memref<!tpu.dma_semaphore, #tpu.memory_space<semaphore_mem>>) src(%arg6 : memref<128x16xf32, #tpu.memory_space<vmem>>) dst(%dma_wait3A_26 : memref<128x16xf32, #tpu.memory_space<hbm>>)
        tpu.yield
      }) : () -> ()
      %scan3A_18 = arith.constant 0 : i32
      scf.yield %scan3A_18 : i32
    }
    %scan3A_8 = arith.constant 64 : i32
    return
  }
}

#map = affine_map<(d0, d1) -> (0, 0)>
#map1 = affine_map<(d0, d1) -> (0)>
module attributes {stable_mosaic.version = 14 : i64} {
  func.func @k(%arg0: i32, %arg1: i32, %arg2: memref<8192x80xf32, #tpu.memory_space<hbm>>, %arg3: memref<65536xi32, #tpu.memory_space<hbm>>, %arg4: memref<65536x80xf32, #tpu.memory_space<hbm>>, %arg5: memref<128xi32, #tpu.memory_space<vmem>>, %arg6: memref<128x80xf32, #tpu.memory_space<vmem>>, %arg7: memref<!tpu.dma_semaphore, #tpu.memory_space<semaphore_mem>>) attributes {dimension_semantics = [#tpu.dimension_semantics<core_parallel>, #tpu.dimension_semantics<subcore_parallel>], iteration_bounds = array<i64: 2, 16>, scalar_prefetch = 0 : i64, scratch_operands = 3 : i64, tpu.core_type = #tpu.core_type<sc_vector_subcore>, window_params = [{transform_indices = #map}, {transform_indices = #map1}, {transform_indices = #map}]} {
    %mul3A = arith.constant 2 : i32
    %mul3A_0 = arith.muli %arg1, %mul3A : i32
    %add3A = arith.addi %mul3A_0, %arg0 : i32
    %mul3A_1 = arith.constant 2048 : i32
    %mul3A_2 = arith.muli %add3A, %mul3A_1 : i32
    %scan3A = arith.constant 0 : i32
    %scan3A_3 = arith.constant 0 : i32
    %scan3A_4 = arith.constant 16 : i32
    %scan3A_5 = arith.addi %scan3A_3, %scan3A_4 : i32
    %scan3A_6 = arith.constant 1 : i32
    %scan3A_7 = scf.for %scan3A_9 = %scan3A_3 to %scan3A_5 step %scan3A_6 iter_args(%scan3A_10 = %scan3A) -> (i32)  : i32 {
      %mul3A_11 = arith.constant 128 : i32
      %mul3A_12 = arith.muli %scan3A_9, %mul3A_11 : i32
      %add3A_13 = arith.addi %mul3A_2, %mul3A_12 : i32
      "tpu.region"() ({
        %run_scoped3A = tpu.sem_alloc : memref<!tpu.dma_semaphore, #tpu.memory_space<semaphore_mem>>
        %dma_start3A_19 = tpu.memref_slice %arg3[%add3A_13] : memref<65536xi32, #tpu.memory_space<hbm>> -> memref<128xi32, #tpu.memory_space<hbm>>
        %dma_start3A_20 = tpu.memref_slice %arg3[%add3A_13] : memref<65536xi32, #tpu.memory_space<hbm>> -> memref<128xi32, #tpu.memory_space<hbm>>
        tpu.enqueue_dma source(%dma_start3A_20 : memref<128xi32, #tpu.memory_space<hbm>>) target(%arg5 : memref<128xi32, #tpu.memory_space<vmem>>) target_semaphore(%run_scoped3A : memref<!tpu.dma_semaphore, #tpu.memory_space<semaphore_mem>>)
        %dma_wait3A_21 = tpu.memref_slice %arg3[%add3A_13] : memref<65536xi32, #tpu.memory_space<hbm>> -> memref<128xi32, #tpu.memory_space<hbm>>
        %dma_wait3A_22 = tpu.memref_slice %arg3[%add3A_13] : memref<65536xi32, #tpu.memory_space<hbm>> -> memref<128xi32, #tpu.memory_space<hbm>>
        tpu.wait_dma2 semaphore(%run_scoped3A : memref<!tpu.dma_semaphore, #tpu.memory_space<semaphore_mem>>) src(%dma_wait3A_22 : memref<128xi32, #tpu.memory_space<hbm>>) dst(%arg5 : memref<128xi32, #tpu.memory_space<vmem>>)
        tpu.yield
      }) : () -> ()
      %dma_start3A = arith.constant 0 : i32
      %dma_start3A_14 = arith.constant 0 : i32
      %dma_start3A_15 = tpu.memref_slice %arg2[%dma_start3A, %dma_start3A_14] : memref<8192x80xf32, #tpu.memory_space<hbm>> -> memref<8192x80xf32, #tpu.memory_space<hbm>>
      tpu.enqueue_indirect_dma source(%dma_start3A_15 : memref<8192x80xf32, #tpu.memory_space<hbm>>) target(%arg6 : memref<128x80xf32, #tpu.memory_space<vmem>>) offsets(%arg5 : memref<128xi32, #tpu.memory_space<vmem>>) semaphore(%arg7 : memref<!tpu.dma_semaphore, #tpu.memory_space<semaphore_mem>>)
      %dma_wait3A = arith.constant 0 : i32
      %dma_wait3A_16 = arith.constant 0 : i32
      %dma_wait3A_17 = tpu.memref_slice %arg2[%dma_wait3A, %dma_wait3A_16] : memref<8192x80xf32, #tpu.memory_space<hbm>> -> memref<8192x80xf32, #tpu.memory_space<hbm>>
      tpu.wait_indirect_dma semaphore(%arg7 : memref<!tpu.dma_semaphore, #tpu.memory_space<semaphore_mem>>) src(%dma_wait3A_17 : memref<8192x80xf32, #tpu.memory_space<hbm>>) dst(%arg6 : memref<128x80xf32, #tpu.memory_space<vmem>>)
      "tpu.region"() ({
        %run_scoped3A = tpu.sem_alloc : memref<!tpu.dma_semaphore, #tpu.memory_space<semaphore_mem>>
        %dma_start3A_19 = arith.constant 0 : i32
        %dma_start3A_20 = tpu.memref_slice %arg4[%add3A_13, %dma_start3A_19] : memref<65536x80xf32, #tpu.memory_space<hbm>> -> memref<128x80xf32, #tpu.memory_space<hbm>>
        %dma_start3A_21 = arith.constant 0 : i32
        %dma_start3A_22 = tpu.memref_slice %arg4[%add3A_13, %dma_start3A_21] : memref<65536x80xf32, #tpu.memory_space<hbm>> -> memref<128x80xf32, #tpu.memory_space<hbm>>
        tpu.enqueue_dma source(%arg6 : memref<128x80xf32, #tpu.memory_space<vmem>>) target(%dma_start3A_22 : memref<128x80xf32, #tpu.memory_space<hbm>>) target_semaphore(%run_scoped3A : memref<!tpu.dma_semaphore, #tpu.memory_space<semaphore_mem>>)
        %dma_wait3A_23 = arith.constant 0 : i32
        %dma_wait3A_24 = tpu.memref_slice %arg4[%add3A_13, %dma_wait3A_23] : memref<65536x80xf32, #tpu.memory_space<hbm>> -> memref<128x80xf32, #tpu.memory_space<hbm>>
        %dma_wait3A_25 = arith.constant 0 : i32
        %dma_wait3A_26 = tpu.memref_slice %arg4[%add3A_13, %dma_wait3A_25] : memref<65536x80xf32, #tpu.memory_space<hbm>> -> memref<128x80xf32, #tpu.memory_space<hbm>>
        tpu.wait_dma2 semaphore(%run_scoped3A : memref<!tpu.dma_semaphore, #tpu.memory_space<semaphore_mem>>) src(%arg6 : memref<128x80xf32, #tpu.memory_space<vmem>>) dst(%dma_wait3A_26 : memref<128x80xf32, #tpu.memory_space<hbm>>)
        tpu.yield
      }) : () -> ()
      %scan3A_18 = arith.constant 0 : i32
      scf.yield %scan3A_18 : i32
    }
    %scan3A_8 = arith.constant 16 : i32
    return
  }
}

#map = affine_map<(d0, d1) -> (0, 0)>
module attributes {stable_mosaic.version = 14 : i64} {
  func.func @k(%arg0: i32, %arg1: i32, %arg2: memref<128x64xf32, #tpu.memory_space<hbm>>, %arg3: memref<128x64xi32, #tpu.memory_space<hbm>>, %arg4: memref<4x64xf32, #tpu.memory_space<vmem>>, %arg5: memref<64xi32, #tpu.memory_space<vmem>>) attributes {dimension_semantics = [#tpu.dimension_semantics<core_parallel>, #tpu.dimension_semantics<subcore_parallel>], iteration_bounds = array<i64: 2, 16>, scalar_prefetch = 0 : i64, scratch_operands = 2 : i64, tpu.core_type = #tpu.core_type<sc_vector_subcore>, window_params = [{transform_indices = #map}, {transform_indices = #map}]} {
    %mul3A = arith.constant 2 : i32
    %mul3A_0 = arith.muli %arg1, %mul3A : i32
    %add3A = arith.addi %mul3A_0, %arg0 : i32
    %mul3A_1 = arith.constant 4 : i32
    %mul3A_2 = arith.muli %add3A, %mul3A_1 : i32
    %iota3A = tpu.iota {dimensions = array<i32: 0>} : vector<16xi32>
    %scan3A = arith.constant 0 : i32
    %scan3A_3 = arith.constant 0 : i32
    %mul3A_4 = arith.constant 4 : i32
    %mul3A_5 = arith.muli %scan3A_3, %mul3A_4 : i32
    %add3A_6 = arith.addi %mul3A_2, %mul3A_5 : i32
    "tpu.region"() ({
      %run_scoped3A = tpu.sem_alloc : memref<!tpu.dma_semaphore, #tpu.memory_space<semaphore_mem>>
      %dma_start3A = arith.constant 0 : i32
      %dma_start3A_16 = tpu.memref_slice %arg2[%add3A_6, %dma_start3A] : memref<128x64xf32, #tpu.memory_space<hbm>> -> memref<4x64xf32, #tpu.memory_space<hbm>>
      %dma_start3A_17 = arith.constant 0 : i32
      %dma_start3A_18 = tpu.memref_slice %arg2[%add3A_6, %dma_start3A_17] : memref<128x64xf32, #tpu.memory_space<hbm>> -> memref<4x64xf32, #tpu.memory_space<hbm>>
      tpu.enqueue_dma source(%dma_start3A_18 : memref<4x64xf32, #tpu.memory_space<hbm>>) target(%arg4 : memref<4x64xf32, #tpu.memory_space<vmem>>) target_semaphore(%run_scoped3A : memref<!tpu.dma_semaphore, #tpu.memory_space<semaphore_mem>>)
      %dma_wait3A = arith.constant 0 : i32
      %dma_wait3A_19 = tpu.memref_slice %arg2[%add3A_6, %dma_wait3A] : memref<128x64xf32, #tpu.memory_space<hbm>> -> memref<4x64xf32, #tpu.memory_space<hbm>>
      %dma_wait3A_20 = arith.constant 0 : i32
      %dma_wait3A_21 = tpu.memref_slice %arg2[%add3A_6, %dma_wait3A_20] : memref<128x64xf32, #tpu.memory_space<hbm>> -> memref<4x64xf32, #tpu.memory_space<hbm>>
      tpu.wait_dma2 semaphore(%run_scoped3A : memref<!tpu.dma_semaphore, #tpu.memory_space<semaphore_mem>>) src(%dma_wait3A_21 : memref<4x64xf32, #tpu.memory_space<hbm>>) dst(%arg4 : memref<4x64xf32, #tpu.memory_space<vmem>>)
      tpu.yield
    }) : () -> ()
    %scan3A_7 = arith.constant 0 : i32
    %scan3A_8 = arith.constant 0 : i32
    %scan3A_9 = arith.constant 4 : i32
    %scan3A_10 = arith.addi %scan3A_8, %scan3A_9 : i32
    %scan3A_11 = arith.constant 1 : i32
    %scan3A_12 = scf.for %scan3A_16 = %scan3A_8 to %scan3A_10 step %scan3A_11 iter_args(%scan3A_17 = %scan3A_7) -> (i32)  : i32 {
      %broadcast_in_dim3A = arith.constant -1 : i32
      %broadcast_in_dim3A_18 = vector.broadcast %broadcast_in_dim3A : i32 to vector<16xi32>
      %swap3A = arith.constant 0 : index
      %swap3A_19 = tpu.vector_load %arg5[%swap3A] {strides = array<i32>} : memref<64xi32, #tpu.memory_space<vmem>>, vector<16xi32>,
      tpu.vector_store %arg5[%swap3A], %broadcast_in_dim3A_18 {strides = array<i32>} : memref<64xi32, #tpu.memory_space<vmem>>, vector<16xi32>,
      %broadcast_in_dim3A_20 = arith.constant -1 : i32
      %broadcast_in_dim3A_21 = vector.broadcast %broadcast_in_dim3A_20 : i32 to vector<16xi32>
      %swap3A_22 = arith.constant 16 : index
      %swap3A_23 = tpu.vector_load %arg5[%swap3A_22] {strides = array<i32>} : memref<64xi32, #tpu.memory_space<vmem>>, vector<16xi32>,
      tpu.vector_store %arg5[%swap3A_22], %broadcast_in_dim3A_21 {strides = array<i32>} : memref<64xi32, #tpu.memory_space<vmem>>, vector<16xi32>,
      %broadcast_in_dim3A_24 = arith.constant -1 : i32
      %broadcast_in_dim3A_25 = vector.broadcast %broadcast_in_dim3A_24 : i32 to vector<16xi32>
      %swap3A_26 = arith.constant 32 : index
      %swap3A_27 = tpu.vector_load %arg5[%swap3A_26] {strides = array<i32>} : memref<64xi32, #tpu.memory_space<vmem>>, vector<16xi32>,
      tpu.vector_store %arg5[%swap3A_26], %broadcast_in_dim3A_25 {strides = array<i32>} : memref<64xi32, #tpu.memory_space<vmem>>, vector<16xi32>,
      %broadcast_in_dim3A_28 = arith.constant -1 : i32
      %broadcast_in_dim3A_29 = vector.broadcast %broadcast_in_dim3A_28 : i32 to vector<16xi32>
      %swap3A_30 = arith.constant 48 : index
      %swap3A_31 = tpu.vector_load %arg5[%swap3A_30] {strides = array<i32>} : memref<64xi32, #tpu.memory_space<vmem>>, vector<16xi32>,
      tpu.vector_store %arg5[%swap3A_30], %broadcast_in_dim3A_29 {strides = array<i32>} : memref<64xi32, #tpu.memory_space<vmem>>, vector<16xi32>,
      %scan3A_32 = arith.constant 0 : i32
      %scan3A_33 = arith.constant 0 : i32
      %scan3A_34 = arith.constant 4 : i32
      %scan3A_35 = arith.addi %scan3A_33, %scan3A_34 : i32
      %scan3A_36 = arith.constant 1 : i32
      %scan3A_37 = scf.for %scan3A_41 = %scan3A_33 to %scan3A_35 step %scan3A_36 iter_args(%scan3A_42 = %scan3A_32) -> (i32)  : i32 {
        %mul3A_43 = arith.constant 16 : i32
        %mul3A_44 = arith.muli %scan3A_41, %mul3A_43 : i32
        %get3A = arith.index_cast %scan3A_16 : i32 to index
        %get3A_45 = arith.index_cast %mul3A_44 : i32 to index
        %get3A_46 = tpu.vector_load %arg4[%get3A, %get3A_45] {strides = array<i32>} : memref<4x64xf32, #tpu.memory_space<vmem>>, vector<16xf32>,
        %ne3A = arith.constant 0.000000e+00 : f32
        %ne3A_47 = vector.broadcast %ne3A : f32 to vector<16xf32>
        %ne3A_48 = arith.cmpf one, %get3A_46, %ne3A_47 : vector<16xf32>
        %lt3A = arith.constant 32 : i32
        %lt3A_49 = arith.cmpi slt, %scan3A_42, %lt3A : i32
        %broadcast_in_dim3A_50 = vector.broadcast %lt3A_49 : i1 to vector<16xi1>
        %and3A = arith.andi %ne3A_48, %broadcast_in_dim3A_50 : vector<16xi1>
        %mul3A_51 = arith.constant 16 : i32
        %mul3A_52 = arith.muli %scan3A_41, %mul3A_51 : i32
        %add3A_53 = vector.broadcast %mul3A_52 : i32 to vector<16xi32>
        %add3A_54 = arith.addi %iota3A, %add3A_53 : vector<16xi32>
        %convert_element_type3A = arith.extui %and3A : vector<16xi1> to vector<16xi32>
        %broadcast_in_dim3A_55 = arith.constant true
        %broadcast_in_dim3A_56 = vector.broadcast %broadcast_in_dim3A_55 : i1 to vector<16xi1>
        %masked_cumsum3A = tpu.scan <sum>, %convert_element_type3A masked %broadcast_in_dim3A_56 : vector<16xi32>, vector<16xi1> -> vector<16xi32>
        %add3A_57 = vector.broadcast %scan3A_42 : i32 to vector<16xi32>
        %add3A_58 = arith.addi %add3A_57, %masked_cumsum3A : vector<16xi32>
        %sub3A = arith.constant 1 : i32
        %sub3A_59 = vector.broadcast %sub3A : i32 to vector<16xi32>
        %sub3A_60 = arith.subi %add3A_58, %sub3A_59 : vector<16xi32>
        %jit3A = arith.constant 63 : i32
        %broadcast_in_dim3A_61 = vector.broadcast %jit3A : i32 to vector<16xi32>
        %select_n3A = arith.select %and3A, %sub3A_60, %broadcast_in_dim3A_61 : vector<16xi1>, vector<16xi32>
        tpu.vector_store_idx %arg5[%select_n3A], %add3A_54 : memref<64xi32, #tpu.memory_space<vmem>>[vector<16xi32>], vector<16xi32>,
        %reduce_max3A = arith.constant true
        %reduce_max3A_62 = vector.broadcast %reduce_max3A : i1 to vector<16xi1>
        %reduce_max3A_63 = arith.constant -2147483648 : i32
        %reduce_max3A_64 = vector.broadcast %reduce_max3A_63 : i32 to vector<16xi32>
        %reduce_max3A_65 = arith.xori %masked_cumsum3A, %reduce_max3A_64 : vector<16xi32>
        %reduce_max3A_66 = tpu.scan <max>, %reduce_max3A_65 masked %reduce_max3A_62 : vector<16xi32>, vector<16xi1> -> vector<16xi32>
        %reduce_max3A_67 = arith.xori %reduce_max3A_66, %reduce_max3A_64 : vector<16xi32>
        %reduce_max3A_68 = vector.extract %reduce_max3A_67[15] : i32 from vector<16xi32>
        %add3A_69 = arith.addi %scan3A_42, %reduce_max3A_68 : i32
        scf.yield %add3A_69 : i32
      }
      %scan3A_38 = arith.constant 4 : i32
      %add3A_39 = arith.addi %add3A_6, %scan3A_16 : i32
      "tpu.region"() ({
        %run_scoped3A = tpu.sem_alloc : memref<!tpu.dma_semaphore, #tpu.memory_space<semaphore_mem>>
        %dma_start3A = arith.constant 0 : i32
        %dma_start3A_41 = tpu.memref_slice %arg3[%add3A_39, %dma_start3A] : memref<128x64xi32, #tpu.memory_space<hbm>> -> memref<1x64xi32, #tpu.memory_space<hbm>>
        %dma_start3A_42 = tpu.memref_squeeze %dma_start3A_41 : memref<1x64xi32, #tpu.memory_space<hbm>> -> memref<64xi32, #tpu.memory_space<hbm>>
        %dma_start3A_43 = arith.constant 0 : i32
        %dma_start3A_44 = tpu.memref_slice %arg3[%add3A_39, %dma_start3A_43] : memref<128x64xi32, #tpu.memory_space<hbm>> -> memref<1x64xi32, #tpu.memory_space<hbm>>
        %dma_start3A_45 = tpu.memref_squeeze %dma_start3A_44 : memref<1x64xi32, #tpu.memory_space<hbm>> -> memref<64xi32, #tpu.memory_space<hbm>>
        tpu.enqueue_dma source(%arg5 : memref<64xi32, #tpu.memory_space<vmem>>) target(%dma_start3A_45 : memref<64xi32, #tpu.memory_space<hbm>>) target_semaphore(%run_scoped3A : memref<!tpu.dma_semaphore, #tpu.memory_space<semaphore_mem>>)
        %dma_wait3A = arith.constant 0 : i32
        %dma_wait3A_46 = tpu.memref_slice %arg3[%add3A_39, %dma_wait3A] : memref<128x64xi32, #tpu.memory_space<hbm>> -> memref<1x64xi32, #tpu.memory_space<hbm>>
        %dma_wait3A_47 = tpu.memref_squeeze %dma_wait3A_46 : memref<1x64xi32, #tpu.memory_space<hbm>> -> memref<64xi32, #tpu.memory_space<hbm>>
        %dma_wait3A_48 = arith.constant 0 : i32
        %dma_wait3A_49 = tpu.memref_slice %arg3[%add3A_39, %dma_wait3A_48] : memref<128x64xi32, #tpu.memory_space<hbm>> -> memref<1x64xi32, #tpu.memory_space<hbm>>
        %dma_wait3A_50 = tpu.memref_squeeze %dma_wait3A_49 : memref<1x64xi32, #tpu.memory_space<hbm>> -> memref<64xi32, #tpu.memory_space<hbm>>
        tpu.wait_dma2 semaphore(%run_scoped3A : memref<!tpu.dma_semaphore, #tpu.memory_space<semaphore_mem>>) src(%arg5 : memref<64xi32, #tpu.memory_space<vmem>>) dst(%dma_wait3A_50 : memref<64xi32, #tpu.memory_space<hbm>>)
        tpu.yield
      }) : () -> ()
      %scan3A_40 = arith.constant 0 : i32
      scf.yield %scan3A_40 : i32
    }
    %scan3A_13 = arith.constant 4 : i32
    %scan3A_14 = arith.constant 0 : i32
    %scan3A_15 = arith.constant 1 : i32
    return
  }
}

#map = affine_map<(d0, d1) -> (0, 0)>
#map1 = affine_map<(d0, d1) -> (0)>
module attributes {stable_mosaic.version = 14 : i64} {
  func.func @k(%arg0: i32, %arg1: i32, %arg2: memref<2048x144xf32, #tpu.memory_space<hbm>>, %arg3: memref<16384xi32, #tpu.memory_space<hbm>>, %arg4: memref<16384x144xf32, #tpu.memory_space<hbm>>, %arg5: memref<128xi32, #tpu.memory_space<vmem>>, %arg6: memref<128x144xf32, #tpu.memory_space<vmem>>, %arg7: memref<!tpu.dma_semaphore, #tpu.memory_space<semaphore_mem>>) attributes {dimension_semantics = [#tpu.dimension_semantics<core_parallel>, #tpu.dimension_semantics<subcore_parallel>], iteration_bounds = array<i64: 2, 16>, scalar_prefetch = 0 : i64, scratch_operands = 3 : i64, tpu.core_type = #tpu.core_type<sc_vector_subcore>, window_params = [{transform_indices = #map}, {transform_indices = #map1}, {transform_indices = #map}]} {
    %mul3A = arith.constant 2 : i32
    %mul3A_0 = arith.muli %arg1, %mul3A : i32
    %add3A = arith.addi %mul3A_0, %arg0 : i32
    %mul3A_1 = arith.constant 512 : i32
    %mul3A_2 = arith.muli %add3A, %mul3A_1 : i32
    %scan3A = arith.constant 0 : i32
    %scan3A_3 = arith.constant 0 : i32
    %scan3A_4 = arith.constant 4 : i32
    %scan3A_5 = arith.addi %scan3A_3, %scan3A_4 : i32
    %scan3A_6 = arith.constant 1 : i32
    %scan3A_7 = scf.for %scan3A_9 = %scan3A_3 to %scan3A_5 step %scan3A_6 iter_args(%scan3A_10 = %scan3A) -> (i32)  : i32 {
      %mul3A_11 = arith.constant 128 : i32
      %mul3A_12 = arith.muli %scan3A_9, %mul3A_11 : i32
      %add3A_13 = arith.addi %mul3A_2, %mul3A_12 : i32
      "tpu.region"() ({
        %run_scoped3A = tpu.sem_alloc : memref<!tpu.dma_semaphore, #tpu.memory_space<semaphore_mem>>
        %dma_start3A_19 = tpu.memref_slice %arg3[%add3A_13] : memref<16384xi32, #tpu.memory_space<hbm>> -> memref<128xi32, #tpu.memory_space<hbm>>
        %dma_start3A_20 = tpu.memref_slice %arg3[%add3A_13] : memref<16384xi32, #tpu.memory_space<hbm>> -> memref<128xi32, #tpu.memory_space<hbm>>
        tpu.enqueue_dma source(%dma_start3A_20 : memref<128xi32, #tpu.memory_space<hbm>>) target(%arg5 : memref<128xi32, #tpu.memory_space<vmem>>) target_semaphore(%run_scoped3A : memref<!tpu.dma_semaphore, #tpu.memory_space<semaphore_mem>>)
        %dma_wait3A_21 = tpu.memref_slice %arg3[%add3A_13] : memref<16384xi32, #tpu.memory_space<hbm>> -> memref<128xi32, #tpu.memory_space<hbm>>
        %dma_wait3A_22 = tpu.memref_slice %arg3[%add3A_13] : memref<16384xi32, #tpu.memory_space<hbm>> -> memref<128xi32, #tpu.memory_space<hbm>>
        tpu.wait_dma2 semaphore(%run_scoped3A : memref<!tpu.dma_semaphore, #tpu.memory_space<semaphore_mem>>) src(%dma_wait3A_22 : memref<128xi32, #tpu.memory_space<hbm>>) dst(%arg5 : memref<128xi32, #tpu.memory_space<vmem>>)
        tpu.yield
      }) : () -> ()
      %dma_start3A = arith.constant 0 : i32
      %dma_start3A_14 = arith.constant 0 : i32
      %dma_start3A_15 = tpu.memref_slice %arg2[%dma_start3A, %dma_start3A_14] : memref<2048x144xf32, #tpu.memory_space<hbm>> -> memref<2048x144xf32, #tpu.memory_space<hbm>>
      tpu.enqueue_indirect_dma source(%dma_start3A_15 : memref<2048x144xf32, #tpu.memory_space<hbm>>) target(%arg6 : memref<128x144xf32, #tpu.memory_space<vmem>>) offsets(%arg5 : memref<128xi32, #tpu.memory_space<vmem>>) semaphore(%arg7 : memref<!tpu.dma_semaphore, #tpu.memory_space<semaphore_mem>>)
      %dma_wait3A = arith.constant 0 : i32
      %dma_wait3A_16 = arith.constant 0 : i32
      %dma_wait3A_17 = tpu.memref_slice %arg2[%dma_wait3A, %dma_wait3A_16] : memref<2048x144xf32, #tpu.memory_space<hbm>> -> memref<2048x144xf32, #tpu.memory_space<hbm>>
      tpu.wait_indirect_dma semaphore(%arg7 : memref<!tpu.dma_semaphore, #tpu.memory_space<semaphore_mem>>) src(%dma_wait3A_17 : memref<2048x144xf32, #tpu.memory_space<hbm>>) dst(%arg6 : memref<128x144xf32, #tpu.memory_space<vmem>>)
      "tpu.region"() ({
        %run_scoped3A = tpu.sem_alloc : memref<!tpu.dma_semaphore, #tpu.memory_space<semaphore_mem>>
        %dma_start3A_19 = arith.constant 0 : i32
        %dma_start3A_20 = tpu.memref_slice %arg4[%add3A_13, %dma_start3A_19] : memref<16384x144xf32, #tpu.memory_space<hbm>> -> memref<128x144xf32, #tpu.memory_space<hbm>>
        %dma_start3A_21 = arith.constant 0 : i32
        %dma_start3A_22 = tpu.memref_slice %arg4[%add3A_13, %dma_start3A_21] : memref<16384x144xf32, #tpu.memory_space<hbm>> -> memref<128x144xf32, #tpu.memory_space<hbm>>
        tpu.enqueue_dma source(%arg6 : memref<128x144xf32, #tpu.memory_space<vmem>>) target(%dma_start3A_22 : memref<128x144xf32, #tpu.memory_space<hbm>>) target_semaphore(%run_scoped3A : memref<!tpu.dma_semaphore, #tpu.memory_space<semaphore_mem>>)
        %dma_wait3A_23 = arith.constant 0 : i32
        %dma_wait3A_24 = tpu.memref_slice %arg4[%add3A_13, %dma_wait3A_23] : memref<16384x144xf32, #tpu.memory_space<hbm>> -> memref<128x144xf32, #tpu.memory_space<hbm>>
        %dma_wait3A_25 = arith.constant 0 : i32
        %dma_wait3A_26 = tpu.memref_slice %arg4[%add3A_13, %dma_wait3A_25] : memref<16384x144xf32, #tpu.memory_space<hbm>> -> memref<128x144xf32, #tpu.memory_space<hbm>>
        tpu.wait_dma2 semaphore(%run_scoped3A : memref<!tpu.dma_semaphore, #tpu.memory_space<semaphore_mem>>) src(%arg6 : memref<128x144xf32, #tpu.memory_space<vmem>>) dst(%dma_wait3A_26 : memref<128x144xf32, #tpu.memory_space<hbm>>)
        tpu.yield
      }) : () -> ()
      %scan3A_18 = arith.constant 0 : i32
      scf.yield %scan3A_18 : i32
    }
    %scan3A_8 = arith.constant 4 : i32
    return
  }
}

#map = affine_map<(d0, d1) -> (0, 0)>
#map1 = affine_map<(d0, d1) -> (0)>
module attributes {stable_mosaic.version = 14 : i64} {
  func.func @k(%arg0: i32, %arg1: i32, %arg2: memref<512x272xf32, #tpu.memory_space<hbm>>, %arg3: memref<4096xi32, #tpu.memory_space<hbm>>, %arg4: memref<4096x272xf32, #tpu.memory_space<hbm>>, %arg5: memref<128xi32, #tpu.memory_space<vmem>>, %arg6: memref<128x272xf32, #tpu.memory_space<vmem>>, %arg7: memref<!tpu.dma_semaphore, #tpu.memory_space<semaphore_mem>>) attributes {dimension_semantics = [#tpu.dimension_semantics<core_parallel>, #tpu.dimension_semantics<subcore_parallel>], iteration_bounds = array<i64: 2, 16>, scalar_prefetch = 0 : i64, scratch_operands = 3 : i64, tpu.core_type = #tpu.core_type<sc_vector_subcore>, window_params = [{transform_indices = #map}, {transform_indices = #map1}, {transform_indices = #map}]} {
    %mul3A = arith.constant 2 : i32
    %mul3A_0 = arith.muli %arg1, %mul3A : i32
    %add3A = arith.addi %mul3A_0, %arg0 : i32
    %mul3A_1 = arith.constant 128 : i32
    %mul3A_2 = arith.muli %add3A, %mul3A_1 : i32
    %scan3A = arith.constant 0 : i32
    %scan3A_3 = arith.constant 0 : i32
    %mul3A_4 = arith.constant 128 : i32
    %mul3A_5 = arith.muli %scan3A_3, %mul3A_4 : i32
    %add3A_6 = arith.addi %mul3A_2, %mul3A_5 : i32
    "tpu.region"() ({
      %run_scoped3A = tpu.sem_alloc : memref<!tpu.dma_semaphore, #tpu.memory_space<semaphore_mem>>
      %dma_start3A_13 = tpu.memref_slice %arg3[%add3A_6] : memref<4096xi32, #tpu.memory_space<hbm>> -> memref<128xi32, #tpu.memory_space<hbm>>
      %dma_start3A_14 = tpu.memref_slice %arg3[%add3A_6] : memref<4096xi32, #tpu.memory_space<hbm>> -> memref<128xi32, #tpu.memory_space<hbm>>
      tpu.enqueue_dma source(%dma_start3A_14 : memref<128xi32, #tpu.memory_space<hbm>>) target(%arg5 : memref<128xi32, #tpu.memory_space<vmem>>) target_semaphore(%run_scoped3A : memref<!tpu.dma_semaphore, #tpu.memory_space<semaphore_mem>>)
      %dma_wait3A_15 = tpu.memref_slice %arg3[%add3A_6] : memref<4096xi32, #tpu.memory_space<hbm>> -> memref<128xi32, #tpu.memory_space<hbm>>
      %dma_wait3A_16 = tpu.memref_slice %arg3[%add3A_6] : memref<4096xi32, #tpu.memory_space<hbm>> -> memref<128xi32, #tpu.memory_space<hbm>>
      tpu.wait_dma2 semaphore(%run_scoped3A : memref<!tpu.dma_semaphore, #tpu.memory_space<semaphore_mem>>) src(%dma_wait3A_16 : memref<128xi32, #tpu.memory_space<hbm>>) dst(%arg5 : memref<128xi32, #tpu.memory_space<vmem>>)
      tpu.yield
    }) : () -> ()
    %dma_start3A = arith.constant 0 : i32
    %dma_start3A_7 = arith.constant 0 : i32
    %dma_start3A_8 = tpu.memref_slice %arg2[%dma_start3A, %dma_start3A_7] : memref<512x272xf32, #tpu.memory_space<hbm>> -> memref<512x272xf32, #tpu.memory_space<hbm>>
    tpu.enqueue_indirect_dma source(%dma_start3A_8 : memref<512x272xf32, #tpu.memory_space<hbm>>) target(%arg6 : memref<128x272xf32, #tpu.memory_space<vmem>>) offsets(%arg5 : memref<128xi32, #tpu.memory_space<vmem>>) semaphore(%arg7 : memref<!tpu.dma_semaphore, #tpu.memory_space<semaphore_mem>>)
    %dma_wait3A = arith.constant 0 : i32
    %dma_wait3A_9 = arith.constant 0 : i32
    %dma_wait3A_10 = tpu.memref_slice %arg2[%dma_wait3A, %dma_wait3A_9] : memref<512x272xf32, #tpu.memory_space<hbm>> -> memref<512x272xf32, #tpu.memory_space<hbm>>
    tpu.wait_indirect_dma semaphore(%arg7 : memref<!tpu.dma_semaphore, #tpu.memory_space<semaphore_mem>>) src(%dma_wait3A_10 : memref<512x272xf32, #tpu.memory_space<hbm>>) dst(%arg6 : memref<128x272xf32, #tpu.memory_space<vmem>>)
    "tpu.region"() ({
      %run_scoped3A = tpu.sem_alloc : memref<!tpu.dma_semaphore, #tpu.memory_space<semaphore_mem>>
      %dma_start3A_13 = arith.constant 0 : i32
      %dma_start3A_14 = tpu.memref_slice %arg4[%add3A_6, %dma_start3A_13] : memref<4096x272xf32, #tpu.memory_space<hbm>> -> memref<128x272xf32, #tpu.memory_space<hbm>>
      %dma_start3A_15 = arith.constant 0 : i32
      %dma_start3A_16 = tpu.memref_slice %arg4[%add3A_6, %dma_start3A_15] : memref<4096x272xf32, #tpu.memory_space<hbm>> -> memref<128x272xf32, #tpu.memory_space<hbm>>
      tpu.enqueue_dma source(%arg6 : memref<128x272xf32, #tpu.memory_space<vmem>>) target(%dma_start3A_16 : memref<128x272xf32, #tpu.memory_space<hbm>>) target_semaphore(%run_scoped3A : memref<!tpu.dma_semaphore, #tpu.memory_space<semaphore_mem>>)
      %dma_wait3A_17 = arith.constant 0 : i32
      %dma_wait3A_18 = tpu.memref_slice %arg4[%add3A_6, %dma_wait3A_17] : memref<4096x272xf32, #tpu.memory_space<hbm>> -> memref<128x272xf32, #tpu.memory_space<hbm>>
      %dma_wait3A_19 = arith.constant 0 : i32
      %dma_wait3A_20 = tpu.memref_slice %arg4[%add3A_6, %dma_wait3A_19] : memref<4096x272xf32, #tpu.memory_space<hbm>> -> memref<128x272xf32, #tpu.memory_space<hbm>>
      tpu.wait_dma2 semaphore(%run_scoped3A : memref<!tpu.dma_semaphore, #tpu.memory_space<semaphore_mem>>) src(%arg6 : memref<128x272xf32, #tpu.memory_space<vmem>>) dst(%dma_wait3A_20 : memref<128x272xf32, #tpu.memory_space<hbm>>)
      tpu.yield
    }) : () -> ()
    %scan3A_11 = arith.constant 0 : i32
    %scan3A_12 = arith.constant 1 : i32
    return
  }
}

#map = affine_map<(d0, d1) -> (0, 0)>
#map1 = affine_map<(d0, d1) -> (0)>
module attributes {stable_mosaic.version = 14 : i64} {
  func.func @k(%arg0: i32, %arg1: i32, %arg2: memref<128x512xf32, #tpu.memory_space<hbm>>, %arg3: memref<1536xi32, #tpu.memory_space<hbm>>, %arg4: memref<1536x512xf32, #tpu.memory_space<hbm>>, %arg5: memref<48xi32, #tpu.memory_space<vmem>>, %arg6: memref<48x512xf32, #tpu.memory_space<vmem>>, %arg7: memref<!tpu.dma_semaphore, #tpu.memory_space<semaphore_mem>>) attributes {dimension_semantics = [#tpu.dimension_semantics<core_parallel>, #tpu.dimension_semantics<subcore_parallel>], iteration_bounds = array<i64: 2, 16>, scalar_prefetch = 0 : i64, scratch_operands = 3 : i64, tpu.core_type = #tpu.core_type<sc_vector_subcore>, window_params = [{transform_indices = #map}, {transform_indices = #map1}, {transform_indices = #map}]} {
    %mul3A = arith.constant 2 : i32
    %mul3A_0 = arith.muli %arg1, %mul3A : i32
    %add3A = arith.addi %mul3A_0, %arg0 : i32
    %mul3A_1 = arith.constant 48 : i32
    %mul3A_2 = arith.muli %add3A, %mul3A_1 : i32
    %scan3A = arith.constant 0 : i32
    %scan3A_3 = arith.constant 0 : i32
    %mul3A_4 = arith.constant 48 : i32
    %mul3A_5 = arith.muli %scan3A_3, %mul3A_4 : i32
    %add3A_6 = arith.addi %mul3A_2, %mul3A_5 : i32
    "tpu.region"() ({
      %run_scoped3A = tpu.sem_alloc : memref<!tpu.dma_semaphore, #tpu.memory_space<semaphore_mem>>
      %dma_start3A_13 = tpu.memref_slice %arg3[%add3A_6] : memref<1536xi32, #tpu.memory_space<hbm>> -> memref<48xi32, #tpu.memory_space<hbm>>
      %dma_start3A_14 = tpu.memref_slice %arg3[%add3A_6] : memref<1536xi32, #tpu.memory_space<hbm>> -> memref<48xi32, #tpu.memory_space<hbm>>
      tpu.enqueue_dma source(%dma_start3A_14 : memref<48xi32, #tpu.memory_space<hbm>>) target(%arg5 : memref<48xi32, #tpu.memory_space<vmem>>) target_semaphore(%run_scoped3A : memref<!tpu.dma_semaphore, #tpu.memory_space<semaphore_mem>>)
      %dma_wait3A_15 = tpu.memref_slice %arg3[%add3A_6] : memref<1536xi32, #tpu.memory_space<hbm>> -> memref<48xi32, #tpu.memory_space<hbm>>
      %dma_wait3A_16 = tpu.memref_slice %arg3[%add3A_6] : memref<1536xi32, #tpu.memory_space<hbm>> -> memref<48xi32, #tpu.memory_space<hbm>>
      tpu.wait_dma2 semaphore(%run_scoped3A : memref<!tpu.dma_semaphore, #tpu.memory_space<semaphore_mem>>) src(%dma_wait3A_16 : memref<48xi32, #tpu.memory_space<hbm>>) dst(%arg5 : memref<48xi32, #tpu.memory_space<vmem>>)
      tpu.yield
    }) : () -> ()
    %dma_start3A = arith.constant 0 : i32
    %dma_start3A_7 = arith.constant 0 : i32
    %dma_start3A_8 = tpu.memref_slice %arg2[%dma_start3A, %dma_start3A_7] : memref<128x512xf32, #tpu.memory_space<hbm>> -> memref<128x512xf32, #tpu.memory_space<hbm>>
    tpu.enqueue_indirect_dma source(%dma_start3A_8 : memref<128x512xf32, #tpu.memory_space<hbm>>) target(%arg6 : memref<48x512xf32, #tpu.memory_space<vmem>>) offsets(%arg5 : memref<48xi32, #tpu.memory_space<vmem>>) semaphore(%arg7 : memref<!tpu.dma_semaphore, #tpu.memory_space<semaphore_mem>>)
    %dma_wait3A = arith.constant 0 : i32
    %dma_wait3A_9 = arith.constant 0 : i32
    %dma_wait3A_10 = tpu.memref_slice %arg2[%dma_wait3A, %dma_wait3A_9] : memref<128x512xf32, #tpu.memory_space<hbm>> -> memref<128x512xf32, #tpu.memory_space<hbm>>
    tpu.wait_indirect_dma semaphore(%arg7 : memref<!tpu.dma_semaphore, #tpu.memory_space<semaphore_mem>>) src(%dma_wait3A_10 : memref<128x512xf32, #tpu.memory_space<hbm>>) dst(%arg6 : memref<48x512xf32, #tpu.memory_space<vmem>>)
    "tpu.region"() ({
      %run_scoped3A = tpu.sem_alloc : memref<!tpu.dma_semaphore, #tpu.memory_space<semaphore_mem>>
      %dma_start3A_13 = arith.constant 0 : i32
      %dma_start3A_14 = tpu.memref_slice %arg4[%add3A_6, %dma_start3A_13] : memref<1536x512xf32, #tpu.memory_space<hbm>> -> memref<48x512xf32, #tpu.memory_space<hbm>>
      %dma_start3A_15 = arith.constant 0 : i32
      %dma_start3A_16 = tpu.memref_slice %arg4[%add3A_6, %dma_start3A_15] : memref<1536x512xf32, #tpu.memory_space<hbm>> -> memref<48x512xf32, #tpu.memory_space<hbm>>
      tpu.enqueue_dma source(%arg6 : memref<48x512xf32, #tpu.memory_space<vmem>>) target(%dma_start3A_16 : memref<48x512xf32, #tpu.memory_space<hbm>>) target_semaphore(%run_scoped3A : memref<!tpu.dma_semaphore, #tpu.memory_space<semaphore_mem>>)
      %dma_wait3A_17 = arith.constant 0 : i32
      %dma_wait3A_18 = tpu.memref_slice %arg4[%add3A_6, %dma_wait3A_17] : memref<1536x512xf32, #tpu.memory_space<hbm>> -> memref<48x512xf32, #tpu.memory_space<hbm>>
      %dma_wait3A_19 = arith.constant 0 : i32
      %dma_wait3A_20 = tpu.memref_slice %arg4[%add3A_6, %dma_wait3A_19] : memref<1536x512xf32, #tpu.memory_space<hbm>> -> memref<48x512xf32, #tpu.memory_space<hbm>>
      tpu.wait_dma2 semaphore(%run_scoped3A : memref<!tpu.dma_semaphore, #tpu.memory_space<semaphore_mem>>) src(%arg6 : memref<48x512xf32, #tpu.memory_space<vmem>>) dst(%dma_wait3A_20 : memref<48x512xf32, #tpu.memory_space<hbm>>)
      tpu.yield
    }) : () -> ()
    %scan3A_11 = arith.constant 0 : i32
    %scan3A_12 = arith.constant 1 : i32
    return
  }
}

#map = affine_map<(d0, d1) -> (0, 0)>
#map1 = affine_map<(d0, d1) -> (0)>
module attributes {stable_mosaic.version = 14 : i64} {
  func.func @k(%arg0: i32, %arg1: i32, %arg2: memref<512x256xf32, #tpu.memory_space<hbm>>, %arg3: memref<6144xi32, #tpu.memory_space<hbm>>, %arg4: memref<6144x256xf32, #tpu.memory_space<hbm>>, %arg5: memref<96xi32, #tpu.memory_space<vmem>>, %arg6: memref<96x256xf32, #tpu.memory_space<vmem>>, %arg7: memref<!tpu.dma_semaphore, #tpu.memory_space<semaphore_mem>>) attributes {dimension_semantics = [#tpu.dimension_semantics<core_parallel>, #tpu.dimension_semantics<subcore_parallel>], iteration_bounds = array<i64: 2, 16>, scalar_prefetch = 0 : i64, scratch_operands = 3 : i64, tpu.core_type = #tpu.core_type<sc_vector_subcore>, window_params = [{transform_indices = #map}, {transform_indices = #map1}, {transform_indices = #map}]} {
    %mul3A = arith.constant 2 : i32
    %mul3A_0 = arith.muli %arg1, %mul3A : i32
    %add3A = arith.addi %mul3A_0, %arg0 : i32
    %mul3A_1 = arith.constant 192 : i32
    %mul3A_2 = arith.muli %add3A, %mul3A_1 : i32
    %scan3A = arith.constant 0 : i32
    %scan3A_3 = arith.constant 0 : i32
    %scan3A_4 = arith.constant 2 : i32
    %scan3A_5 = arith.addi %scan3A_3, %scan3A_4 : i32
    %scan3A_6 = arith.constant 1 : i32
    %scan3A_7 = scf.for %scan3A_9 = %scan3A_3 to %scan3A_5 step %scan3A_6 iter_args(%scan3A_10 = %scan3A) -> (i32)  : i32 {
      %mul3A_11 = arith.constant 96 : i32
      %mul3A_12 = arith.muli %scan3A_9, %mul3A_11 : i32
      %add3A_13 = arith.addi %mul3A_2, %mul3A_12 : i32
      "tpu.region"() ({
        %run_scoped3A = tpu.sem_alloc : memref<!tpu.dma_semaphore, #tpu.memory_space<semaphore_mem>>
        %dma_start3A_19 = tpu.memref_slice %arg3[%add3A_13] : memref<6144xi32, #tpu.memory_space<hbm>> -> memref<96xi32, #tpu.memory_space<hbm>>
        %dma_start3A_20 = tpu.memref_slice %arg3[%add3A_13] : memref<6144xi32, #tpu.memory_space<hbm>> -> memref<96xi32, #tpu.memory_space<hbm>>
        tpu.enqueue_dma source(%dma_start3A_20 : memref<96xi32, #tpu.memory_space<hbm>>) target(%arg5 : memref<96xi32, #tpu.memory_space<vmem>>) target_semaphore(%run_scoped3A : memref<!tpu.dma_semaphore, #tpu.memory_space<semaphore_mem>>)
        %dma_wait3A_21 = tpu.memref_slice %arg3[%add3A_13] : memref<6144xi32, #tpu.memory_space<hbm>> -> memref<96xi32, #tpu.memory_space<hbm>>
        %dma_wait3A_22 = tpu.memref_slice %arg3[%add3A_13] : memref<6144xi32, #tpu.memory_space<hbm>> -> memref<96xi32, #tpu.memory_space<hbm>>
        tpu.wait_dma2 semaphore(%run_scoped3A : memref<!tpu.dma_semaphore, #tpu.memory_space<semaphore_mem>>) src(%dma_wait3A_22 : memref<96xi32, #tpu.memory_space<hbm>>) dst(%arg5 : memref<96xi32, #tpu.memory_space<vmem>>)
        tpu.yield
      }) : () -> ()
      %dma_start3A = arith.constant 0 : i32
      %dma_start3A_14 = arith.constant 0 : i32
      %dma_start3A_15 = tpu.memref_slice %arg2[%dma_start3A, %dma_start3A_14] : memref<512x256xf32, #tpu.memory_space<hbm>> -> memref<512x256xf32, #tpu.memory_space<hbm>>
      tpu.enqueue_indirect_dma source(%dma_start3A_15 : memref<512x256xf32, #tpu.memory_space<hbm>>) target(%arg6 : memref<96x256xf32, #tpu.memory_space<vmem>>) offsets(%arg5 : memref<96xi32, #tpu.memory_space<vmem>>) semaphore(%arg7 : memref<!tpu.dma_semaphore, #tpu.memory_space<semaphore_mem>>)
      %dma_wait3A = arith.constant 0 : i32
      %dma_wait3A_16 = arith.constant 0 : i32
      %dma_wait3A_17 = tpu.memref_slice %arg2[%dma_wait3A, %dma_wait3A_16] : memref<512x256xf32, #tpu.memory_space<hbm>> -> memref<512x256xf32, #tpu.memory_space<hbm>>
      tpu.wait_indirect_dma semaphore(%arg7 : memref<!tpu.dma_semaphore, #tpu.memory_space<semaphore_mem>>) src(%dma_wait3A_17 : memref<512x256xf32, #tpu.memory_space<hbm>>) dst(%arg6 : memref<96x256xf32, #tpu.memory_space<vmem>>)
      "tpu.region"() ({
        %run_scoped3A = tpu.sem_alloc : memref<!tpu.dma_semaphore, #tpu.memory_space<semaphore_mem>>
        %dma_start3A_19 = arith.constant 0 : i32
        %dma_start3A_20 = tpu.memref_slice %arg4[%add3A_13, %dma_start3A_19] : memref<6144x256xf32, #tpu.memory_space<hbm>> -> memref<96x256xf32, #tpu.memory_space<hbm>>
        %dma_start3A_21 = arith.constant 0 : i32
        %dma_start3A_22 = tpu.memref_slice %arg4[%add3A_13, %dma_start3A_21] : memref<6144x256xf32, #tpu.memory_space<hbm>> -> memref<96x256xf32, #tpu.memory_space<hbm>>
        tpu.enqueue_dma source(%arg6 : memref<96x256xf32, #tpu.memory_space<vmem>>) target(%dma_start3A_22 : memref<96x256xf32, #tpu.memory_space<hbm>>) target_semaphore(%run_scoped3A : memref<!tpu.dma_semaphore, #tpu.memory_space<semaphore_mem>>)
        %dma_wait3A_23 = arith.constant 0 : i32
        %dma_wait3A_24 = tpu.memref_slice %arg4[%add3A_13, %dma_wait3A_23] : memref<6144x256xf32, #tpu.memory_space<hbm>> -> memref<96x256xf32, #tpu.memory_space<hbm>>
        %dma_wait3A_25 = arith.constant 0 : i32
        %dma_wait3A_26 = tpu.memref_slice %arg4[%add3A_13, %dma_wait3A_25] : memref<6144x256xf32, #tpu.memory_space<hbm>> -> memref<96x256xf32, #tpu.memory_space<hbm>>
        tpu.wait_dma2 semaphore(%run_scoped3A : memref<!tpu.dma_semaphore, #tpu.memory_space<semaphore_mem>>) src(%arg6 : memref<96x256xf32, #tpu.memory_space<vmem>>) dst(%dma_wait3A_26 : memref<96x256xf32, #tpu.memory_space<hbm>>)
        tpu.yield
      }) : () -> ()
      %scan3A_18 = arith.constant 0 : i32
      scf.yield %scan3A_18 : i32
    }
    %scan3A_8 = arith.constant 2 : i32
    return
  }
}

#map = affine_map<(d0, d1) -> (0, 0)>
#map1 = affine_map<(d0, d1) -> (0)>
module attributes {stable_mosaic.version = 14 : i64} {
  func.func @k(%arg0: i32, %arg1: i32, %arg2: memref<2048x256xf32, #tpu.memory_space<hbm>>, %arg3: memref<24576xi32, #tpu.memory_space<hbm>>, %arg4: memref<24576x256xf32, #tpu.memory_space<hbm>>, %arg5: memref<128xi32, #tpu.memory_space<vmem>>, %arg6: memref<128x256xf32, #tpu.memory_space<vmem>>, %arg7: memref<!tpu.dma_semaphore, #tpu.memory_space<semaphore_mem>>) attributes {dimension_semantics = [#tpu.dimension_semantics<core_parallel>, #tpu.dimension_semantics<subcore_parallel>], iteration_bounds = array<i64: 2, 16>, scalar_prefetch = 0 : i64, scratch_operands = 3 : i64, tpu.core_type = #tpu.core_type<sc_vector_subcore>, window_params = [{transform_indices = #map}, {transform_indices = #map1}, {transform_indices = #map}]} {
    %mul3A = arith.constant 2 : i32
    %mul3A_0 = arith.muli %arg1, %mul3A : i32
    %add3A = arith.addi %mul3A_0, %arg0 : i32
    %mul3A_1 = arith.constant 768 : i32
    %mul3A_2 = arith.muli %add3A, %mul3A_1 : i32
    %scan3A = arith.constant 0 : i32
    %scan3A_3 = arith.constant 0 : i32
    %scan3A_4 = arith.constant 6 : i32
    %scan3A_5 = arith.addi %scan3A_3, %scan3A_4 : i32
    %scan3A_6 = arith.constant 1 : i32
    %scan3A_7 = scf.for %scan3A_9 = %scan3A_3 to %scan3A_5 step %scan3A_6 iter_args(%scan3A_10 = %scan3A) -> (i32)  : i32 {
      %mul3A_11 = arith.constant 128 : i32
      %mul3A_12 = arith.muli %scan3A_9, %mul3A_11 : i32
      %add3A_13 = arith.addi %mul3A_2, %mul3A_12 : i32
      "tpu.region"() ({
        %run_scoped3A = tpu.sem_alloc : memref<!tpu.dma_semaphore, #tpu.memory_space<semaphore_mem>>
        %dma_start3A_19 = tpu.memref_slice %arg3[%add3A_13] : memref<24576xi32, #tpu.memory_space<hbm>> -> memref<128xi32, #tpu.memory_space<hbm>>
        %dma_start3A_20 = tpu.memref_slice %arg3[%add3A_13] : memref<24576xi32, #tpu.memory_space<hbm>> -> memref<128xi32, #tpu.memory_space<hbm>>
        tpu.enqueue_dma source(%dma_start3A_20 : memref<128xi32, #tpu.memory_space<hbm>>) target(%arg5 : memref<128xi32, #tpu.memory_space<vmem>>) target_semaphore(%run_scoped3A : memref<!tpu.dma_semaphore, #tpu.memory_space<semaphore_mem>>)
        %dma_wait3A_21 = tpu.memref_slice %arg3[%add3A_13] : memref<24576xi32, #tpu.memory_space<hbm>> -> memref<128xi32, #tpu.memory_space<hbm>>
        %dma_wait3A_22 = tpu.memref_slice %arg3[%add3A_13] : memref<24576xi32, #tpu.memory_space<hbm>> -> memref<128xi32, #tpu.memory_space<hbm>>
        tpu.wait_dma2 semaphore(%run_scoped3A : memref<!tpu.dma_semaphore, #tpu.memory_space<semaphore_mem>>) src(%dma_wait3A_22 : memref<128xi32, #tpu.memory_space<hbm>>) dst(%arg5 : memref<128xi32, #tpu.memory_space<vmem>>)
        tpu.yield
      }) : () -> ()
      %dma_start3A = arith.constant 0 : i32
      %dma_start3A_14 = arith.constant 0 : i32
      %dma_start3A_15 = tpu.memref_slice %arg2[%dma_start3A, %dma_start3A_14] : memref<2048x256xf32, #tpu.memory_space<hbm>> -> memref<2048x256xf32, #tpu.memory_space<hbm>>
      tpu.enqueue_indirect_dma source(%dma_start3A_15 : memref<2048x256xf32, #tpu.memory_space<hbm>>) target(%arg6 : memref<128x256xf32, #tpu.memory_space<vmem>>) offsets(%arg5 : memref<128xi32, #tpu.memory_space<vmem>>) semaphore(%arg7 : memref<!tpu.dma_semaphore, #tpu.memory_space<semaphore_mem>>)
      %dma_wait3A = arith.constant 0 : i32
      %dma_wait3A_16 = arith.constant 0 : i32
      %dma_wait3A_17 = tpu.memref_slice %arg2[%dma_wait3A, %dma_wait3A_16] : memref<2048x256xf32, #tpu.memory_space<hbm>> -> memref<2048x256xf32, #tpu.memory_space<hbm>>
      tpu.wait_indirect_dma semaphore(%arg7 : memref<!tpu.dma_semaphore, #tpu.memory_space<semaphore_mem>>) src(%dma_wait3A_17 : memref<2048x256xf32, #tpu.memory_space<hbm>>) dst(%arg6 : memref<128x256xf32, #tpu.memory_space<vmem>>)
      "tpu.region"() ({
        %run_scoped3A = tpu.sem_alloc : memref<!tpu.dma_semaphore, #tpu.memory_space<semaphore_mem>>
        %dma_start3A_19 = arith.constant 0 : i32
        %dma_start3A_20 = tpu.memref_slice %arg4[%add3A_13, %dma_start3A_19] : memref<24576x256xf32, #tpu.memory_space<hbm>> -> memref<128x256xf32, #tpu.memory_space<hbm>>
        %dma_start3A_21 = arith.constant 0 : i32
        %dma_start3A_22 = tpu.memref_slice %arg4[%add3A_13, %dma_start3A_21] : memref<24576x256xf32, #tpu.memory_space<hbm>> -> memref<128x256xf32, #tpu.memory_space<hbm>>
        tpu.enqueue_dma source(%arg6 : memref<128x256xf32, #tpu.memory_space<vmem>>) target(%dma_start3A_22 : memref<128x256xf32, #tpu.memory_space<hbm>>) target_semaphore(%run_scoped3A : memref<!tpu.dma_semaphore, #tpu.memory_space<semaphore_mem>>)
        %dma_wait3A_23 = arith.constant 0 : i32
        %dma_wait3A_24 = tpu.memref_slice %arg4[%add3A_13, %dma_wait3A_23] : memref<24576x256xf32, #tpu.memory_space<hbm>> -> memref<128x256xf32, #tpu.memory_space<hbm>>
        %dma_wait3A_25 = arith.constant 0 : i32
        %dma_wait3A_26 = tpu.memref_slice %arg4[%add3A_13, %dma_wait3A_25] : memref<24576x256xf32, #tpu.memory_space<hbm>> -> memref<128x256xf32, #tpu.memory_space<hbm>>
        tpu.wait_dma2 semaphore(%run_scoped3A : memref<!tpu.dma_semaphore, #tpu.memory_space<semaphore_mem>>) src(%arg6 : memref<128x256xf32, #tpu.memory_space<vmem>>) dst(%dma_wait3A_26 : memref<128x256xf32, #tpu.memory_space<hbm>>)
        tpu.yield
      }) : () -> ()
      %scan3A_18 = arith.constant 0 : i32
      scf.yield %scan3A_18 : i32
    }
    %scan3A_8 = arith.constant 6 : i32
    return
  }
}

#map = affine_map<(d0, d1) -> (0, 0)>
#map1 = affine_map<(d0, d1) -> (0)>
module attributes {stable_mosaic.version = 14 : i64} {
  func.func @k(%arg0: i32, %arg1: i32, %arg2: memref<8192x128xf32, #tpu.memory_space<hbm>>, %arg3: memref<98304xi32, #tpu.memory_space<hbm>>, %arg4: memref<98304x128xf32, #tpu.memory_space<hbm>>, %arg5: memref<128xi32, #tpu.memory_space<vmem>>, %arg6: memref<128x128xf32, #tpu.memory_space<vmem>>, %arg7: memref<!tpu.dma_semaphore, #tpu.memory_space<semaphore_mem>>) attributes {dimension_semantics = [#tpu.dimension_semantics<core_parallel>, #tpu.dimension_semantics<subcore_parallel>], iteration_bounds = array<i64: 2, 16>, scalar_prefetch = 0 : i64, scratch_operands = 3 : i64, tpu.core_type = #tpu.core_type<sc_vector_subcore>, window_params = [{transform_indices = #map}, {transform_indices = #map1}, {transform_indices = #map}]} {
    %mul3A = arith.constant 2 : i32
    %mul3A_0 = arith.muli %arg1, %mul3A : i32
    %add3A = arith.addi %mul3A_0, %arg0 : i32
    %mul3A_1 = arith.constant 3072 : i32
    %mul3A_2 = arith.muli %add3A, %mul3A_1 : i32
    %scan3A = arith.constant 0 : i32
    %scan3A_3 = arith.constant 0 : i32
    %scan3A_4 = arith.constant 24 : i32
    %scan3A_5 = arith.addi %scan3A_3, %scan3A_4 : i32
    %scan3A_6 = arith.constant 1 : i32
    %scan3A_7 = scf.for %scan3A_9 = %scan3A_3 to %scan3A_5 step %scan3A_6 iter_args(%scan3A_10 = %scan3A) -> (i32)  : i32 {
      %mul3A_11 = arith.constant 128 : i32
      %mul3A_12 = arith.muli %scan3A_9, %mul3A_11 : i32
      %add3A_13 = arith.addi %mul3A_2, %mul3A_12 : i32
      "tpu.region"() ({
        %run_scoped3A = tpu.sem_alloc : memref<!tpu.dma_semaphore, #tpu.memory_space<semaphore_mem>>
        %dma_start3A_19 = tpu.memref_slice %arg3[%add3A_13] : memref<98304xi32, #tpu.memory_space<hbm>> -> memref<128xi32, #tpu.memory_space<hbm>>
        %dma_start3A_20 = tpu.memref_slice %arg3[%add3A_13] : memref<98304xi32, #tpu.memory_space<hbm>> -> memref<128xi32, #tpu.memory_space<hbm>>
        tpu.enqueue_dma source(%dma_start3A_20 : memref<128xi32, #tpu.memory_space<hbm>>) target(%arg5 : memref<128xi32, #tpu.memory_space<vmem>>) target_semaphore(%run_scoped3A : memref<!tpu.dma_semaphore, #tpu.memory_space<semaphore_mem>>)
        %dma_wait3A_21 = tpu.memref_slice %arg3[%add3A_13] : memref<98304xi32, #tpu.memory_space<hbm>> -> memref<128xi32, #tpu.memory_space<hbm>>
        %dma_wait3A_22 = tpu.memref_slice %arg3[%add3A_13] : memref<98304xi32, #tpu.memory_space<hbm>> -> memref<128xi32, #tpu.memory_space<hbm>>
        tpu.wait_dma2 semaphore(%run_scoped3A : memref<!tpu.dma_semaphore, #tpu.memory_space<semaphore_mem>>) src(%dma_wait3A_22 : memref<128xi32, #tpu.memory_space<hbm>>) dst(%arg5 : memref<128xi32, #tpu.memory_space<vmem>>)
        tpu.yield
      }) : () -> ()
      %dma_start3A = arith.constant 0 : i32
      %dma_start3A_14 = arith.constant 0 : i32
      %dma_start3A_15 = tpu.memref_slice %arg2[%dma_start3A, %dma_start3A_14] : memref<8192x128xf32, #tpu.memory_space<hbm>> -> memref<8192x128xf32, #tpu.memory_space<hbm>>
      tpu.enqueue_indirect_dma source(%dma_start3A_15 : memref<8192x128xf32, #tpu.memory_space<hbm>>) target(%arg6 : memref<128x128xf32, #tpu.memory_space<vmem>>) offsets(%arg5 : memref<128xi32, #tpu.memory_space<vmem>>) semaphore(%arg7 : memref<!tpu.dma_semaphore, #tpu.memory_space<semaphore_mem>>)
      %dma_wait3A = arith.constant 0 : i32
      %dma_wait3A_16 = arith.constant 0 : i32
      %dma_wait3A_17 = tpu.memref_slice %arg2[%dma_wait3A, %dma_wait3A_16] : memref<8192x128xf32, #tpu.memory_space<hbm>> -> memref<8192x128xf32, #tpu.memory_space<hbm>>
      tpu.wait_indirect_dma semaphore(%arg7 : memref<!tpu.dma_semaphore, #tpu.memory_space<semaphore_mem>>) src(%dma_wait3A_17 : memref<8192x128xf32, #tpu.memory_space<hbm>>) dst(%arg6 : memref<128x128xf32, #tpu.memory_space<vmem>>)
      "tpu.region"() ({
        %run_scoped3A = tpu.sem_alloc : memref<!tpu.dma_semaphore, #tpu.memory_space<semaphore_mem>>
        %dma_start3A_19 = arith.constant 0 : i32
        %dma_start3A_20 = tpu.memref_slice %arg4[%add3A_13, %dma_start3A_19] : memref<98304x128xf32, #tpu.memory_space<hbm>> -> memref<128x128xf32, #tpu.memory_space<hbm>>
        %dma_start3A_21 = arith.constant 0 : i32
        %dma_start3A_22 = tpu.memref_slice %arg4[%add3A_13, %dma_start3A_21] : memref<98304x128xf32, #tpu.memory_space<hbm>> -> memref<128x128xf32, #tpu.memory_space<hbm>>
        tpu.enqueue_dma source(%arg6 : memref<128x128xf32, #tpu.memory_space<vmem>>) target(%dma_start3A_22 : memref<128x128xf32, #tpu.memory_space<hbm>>) target_semaphore(%run_scoped3A : memref<!tpu.dma_semaphore, #tpu.memory_space<semaphore_mem>>)
        %dma_wait3A_23 = arith.constant 0 : i32
        %dma_wait3A_24 = tpu.memref_slice %arg4[%add3A_13, %dma_wait3A_23] : memref<98304x128xf32, #tpu.memory_space<hbm>> -> memref<128x128xf32, #tpu.memory_space<hbm>>
        %dma_wait3A_25 = arith.constant 0 : i32
        %dma_wait3A_26 = tpu.memref_slice %arg4[%add3A_13, %dma_wait3A_25] : memref<98304x128xf32, #tpu.memory_space<hbm>> -> memref<128x128xf32, #tpu.memory_space<hbm>>
        tpu.wait_dma2 semaphore(%run_scoped3A : memref<!tpu.dma_semaphore, #tpu.memory_space<semaphore_mem>>) src(%arg6 : memref<128x128xf32, #tpu.memory_space<vmem>>) dst(%dma_wait3A_26 : memref<128x128xf32, #tpu.memory_space<hbm>>)
        tpu.yield
      }) : () -> ()
      %scan3A_18 = arith.constant 0 : i32
      scf.yield %scan3A_18 : i32
    }
    %scan3A_8 = arith.constant 24 : i32
    return
  }
}

module attributes {stable_mosaic.version = 14 : i64} {
  func.func @_fps_kernel(%arg0: memref<8x3x4096xf32, #tpu.memory_space<vmem>>, %arg1: memref<8x1024xi32, #tpu.memory_space<vmem>>, %arg2: memref<8x4096xf32, #tpu.memory_space<vmem>>, %arg3: memref<8x1xi32, #tpu.memory_space<vmem>>) attributes {dimension_semantics = [], scalar_prefetch = 0 : i64, scratch_operands = 2 : i64, tpu.core_type = #tpu.core_type<tc>} {
    %get3A = arith.constant 0 : index
    %get3A_0 = arith.constant 0 : index
    %get3A_1 = arith.constant 0 : index
    %get3A_2 = vector.load %arg0[%get3A, %get3A_0, %get3A_1] : memref<8x3x4096xf32, #tpu.memory_space<vmem>>, vector<8x1x4096xf32>
    %get3A_3 = vector.shape_cast %get3A_2 : vector<8x1x4096xf32> to vector<8x4096xf32>
    %get3A_4 = arith.constant 0 : index
    %get3A_5 = arith.constant 1 : index
    %get3A_6 = arith.constant 0 : index
    %get3A_7 = vector.load %arg0[%get3A_4, %get3A_5, %get3A_6] : memref<8x3x4096xf32, #tpu.memory_space<vmem>>, vector<8x1x4096xf32>
    %get3A_8 = vector.shape_cast %get3A_7 : vector<8x1x4096xf32> to vector<8x4096xf32>
    %get3A_9 = arith.constant 0 : index
    %get3A_10 = arith.constant 2 : index
    %get3A_11 = arith.constant 0 : index
    %get3A_12 = vector.load %arg0[%get3A_9, %get3A_10, %get3A_11] : memref<8x3x4096xf32, #tpu.memory_space<vmem>>, vector<8x1x4096xf32>
    %get3A_13 = vector.shape_cast %get3A_12 : vector<8x1x4096xf32> to vector<8x4096xf32>
    %iota3A = tpu.iota {dimensions = array<i32: 1>} : vector<8x4096xi32>
    %broadcast_in_dim3A = arith.constant 1.000000e+10 : f32
    %broadcast_in_dim3A_14 = vector.broadcast %broadcast_in_dim3A : f32 to vector<8x4096xf32>
    %swap3A = arith.constant 0 : index
    %swap3A_15 = arith.constant 0 : index
    %swap3A_16 = vector.load %arg2[%swap3A, %swap3A_15] : memref<8x4096xf32, #tpu.memory_space<vmem>>, vector<8x4096xf32>
    tpu.vector_store %arg2[%swap3A, %swap3A_15], %broadcast_in_dim3A_14 {strides = array<i32>} : memref<8x4096xf32, #tpu.memory_space<vmem>>, vector<8x4096xf32>,
    %broadcast_in_dim3A_17 = arith.constant 0 : i32
    %broadcast_in_dim3A_18 = vector.broadcast %broadcast_in_dim3A_17 : i32 to vector<8x1xi32>
    %swap3A_19 = arith.constant 0 : index
    %swap3A_20 = arith.constant 0 : index
    %swap3A_21 = vector.load %arg3[%swap3A_19, %swap3A_20] : memref<8x1xi32, #tpu.memory_space<vmem>>, vector<8x1xi32>
    tpu.vector_store %arg3[%swap3A_19, %swap3A_20], %broadcast_in_dim3A_18 {strides = array<i32>} : memref<8x1xi32, #tpu.memory_space<vmem>>, vector<8x1xi32>,
    %broadcast_in_dim3A_22 = arith.constant 0 : i32
    %broadcast_in_dim3A_23 = vector.broadcast %broadcast_in_dim3A_22 : i32 to vector<8x1024xi32>
    %swap3A_24 = arith.constant 0 : index
    %swap3A_25 = arith.constant 0 : index
    %swap3A_26 = vector.load %arg1[%swap3A_24, %swap3A_25] : memref<8x1024xi32, #tpu.memory_space<vmem>>, vector<8x1024xi32>
    tpu.vector_store %arg1[%swap3A_24, %swap3A_25], %broadcast_in_dim3A_23 {strides = array<i32>} : memref<8x1024xi32, #tpu.memory_space<vmem>>, vector<8x1024xi32>,
    %scan3A = arith.constant 0 : i32
    %scan3A_27 = arith.constant 1024 : i32
    %scan3A_28 = arith.addi %scan3A, %scan3A_27 : i32
    %scan3A_29 = arith.constant 1 : i32
    scf.for %scan3A_31 = %scan3A to %scan3A_28 step %scan3A_29  : i32 {
      %get3A_32 = arith.constant 0 : index
      %get3A_33 = arith.constant 0 : index
      %get3A_34 = vector.load %arg3[%get3A_32, %get3A_33] : memref<8x1xi32, #tpu.memory_space<vmem>>, vector<8x1xi32>
      %eq3A = vector.broadcast %get3A_34 : vector<8x1xi32> to vector<8x4096xi32>
      %eq3A_35 = arith.cmpi eq, %iota3A, %eq3A : vector<8x4096xi32>
      %convert_element_type3A = arith.extui %eq3A_35 : vector<8x4096xi1> to vector<8x4096xi32>
      %convert_element_type3A_36 = arith.sitofp %convert_element_type3A : vector<8x4096xi32> to vector<8x4096xf32>
      %mul3A = arith.mulf %get3A_3, %convert_element_type3A_36 : vector<8x4096xf32>
      %reduce_sum3A = arith.constant dense<0.000000e+00> : vector<8xf32>
      %reduce_sum3A_37 = vector.multi_reduction <add>, %mul3A, %reduce_sum3A [1] : vector<8x4096xf32> to vector<8xf32>
      %broadcast_in_dim3A_38 = vector.shape_cast %reduce_sum3A_37 : vector<8xf32> to vector<8x1xf32>
      %mul3A_39 = arith.mulf %get3A_8, %convert_element_type3A_36 : vector<8x4096xf32>
      %reduce_sum3A_40 = arith.constant dense<0.000000e+00> : vector<8xf32>
      %reduce_sum3A_41 = vector.multi_reduction <add>, %mul3A_39, %reduce_sum3A_40 [1] : vector<8x4096xf32> to vector<8xf32>
      %broadcast_in_dim3A_42 = vector.shape_cast %reduce_sum3A_41 : vector<8xf32> to vector<8x1xf32>
      %mul3A_43 = arith.mulf %get3A_13, %convert_element_type3A_36 : vector<8x4096xf32>
      %reduce_sum3A_44 = arith.constant dense<0.000000e+00> : vector<8xf32>
      %reduce_sum3A_45 = vector.multi_reduction <add>, %mul3A_43, %reduce_sum3A_44 [1] : vector<8x4096xf32> to vector<8xf32>
      %broadcast_in_dim3A_46 = vector.shape_cast %reduce_sum3A_45 : vector<8xf32> to vector<8x1xf32>
      %sub3A = vector.broadcast %broadcast_in_dim3A_38 : vector<8x1xf32> to vector<8x4096xf32>
      %sub3A_47 = arith.subf %get3A_3, %sub3A : vector<8x4096xf32>
      %sub3A_48 = vector.broadcast %broadcast_in_dim3A_42 : vector<8x1xf32> to vector<8x4096xf32>
      %sub3A_49 = arith.subf %get3A_8, %sub3A_48 : vector<8x4096xf32>
      %sub3A_50 = vector.broadcast %broadcast_in_dim3A_46 : vector<8x1xf32> to vector<8x4096xf32>
      %sub3A_51 = arith.subf %get3A_13, %sub3A_50 : vector<8x4096xf32>
      %mul3A_52 = arith.mulf %sub3A_47, %sub3A_47 : vector<8x4096xf32>
      %mul3A_53 = arith.mulf %sub3A_49, %sub3A_49 : vector<8x4096xf32>
      %add3A = arith.addf %mul3A_52, %mul3A_53 : vector<8x4096xf32>
      %mul3A_54 = arith.mulf %sub3A_51, %sub3A_51 : vector<8x4096xf32>
      %add3A_55 = arith.addf %add3A, %mul3A_54 : vector<8x4096xf32>
      %get3A_56 = arith.constant 0 : index
      %get3A_57 = arith.constant 0 : index
      %get3A_58 = vector.load %arg2[%get3A_56, %get3A_57] : memref<8x4096xf32, #tpu.memory_space<vmem>>, vector<8x4096xf32>
      %min3A = arith.minimumf %get3A_58, %add3A_55 : vector<8x4096xf32>
      %swap3A_59 = arith.constant 0 : index
      %swap3A_60 = arith.constant 0 : index
      %swap3A_61 = vector.load %arg2[%swap3A_59, %swap3A_60] : memref<8x4096xf32, #tpu.memory_space<vmem>>, vector<8x4096xf32>
      tpu.vector_store %arg2[%swap3A_59, %swap3A_60], %min3A {strides = array<i32>} : memref<8x4096xf32, #tpu.memory_space<vmem>>, vector<8x4096xf32>,
      %reduce_max3A = arith.constant dense<0xFF800000> : vector<8xf32>
      %reduce_max3A_62 = vector.multi_reduction <maximumf>, %min3A, %reduce_max3A [1] : vector<8x4096xf32> to vector<8xf32>
      %broadcast_in_dim3A_63 = vector.shape_cast %reduce_max3A_62 : vector<8xf32> to vector<8x1xf32>
      %eq3A_64 = vector.broadcast %broadcast_in_dim3A_63 : vector<8x1xf32> to vector<8x4096xf32>
      %eq3A_65 = arith.cmpf oeq, %min3A, %eq3A_64 : vector<8x4096xf32>
      %convert_element_type3A_66 = arith.extui %eq3A_65 : vector<8x4096xi1> to vector<8x4096xi32>
      %mul3A_67 = arith.muli %iota3A, %convert_element_type3A_66 : vector<8x4096xi32>
      %sub3A_68 = arith.constant 1 : i32
      %sub3A_69 = vector.broadcast %sub3A_68 : i32 to vector<8x4096xi32>
      %sub3A_70 = arith.subi %sub3A_69, %convert_element_type3A_66 : vector<8x4096xi32>
      %mul3A_71 = arith.constant 4096 : i32
      %mul3A_72 = vector.broadcast %mul3A_71 : i32 to vector<8x4096xi32>
      %mul3A_73 = arith.muli %mul3A_72, %sub3A_70 : vector<8x4096xi32>
      %add3A_74 = arith.addi %mul3A_67, %mul3A_73 : vector<8x4096xi32>
      %reduce_min3A = arith.constant dense<2147483647> : vector<8xi32>
      %reduce_min3A_75 = vector.multi_reduction <minsi>, %add3A_74, %reduce_min3A [1] : vector<8x4096xi32> to vector<8xi32>
      %broadcast_in_dim3A_76 = vector.shape_cast %reduce_min3A_75 : vector<8xi32> to vector<8x1xi32>
      %swap3A_77 = arith.constant 0 : index
      %swap3A_78 = arith.constant 0 : index
      %swap3A_79 = vector.load %arg3[%swap3A_77, %swap3A_78] : memref<8x1xi32, #tpu.memory_space<vmem>>, vector<8x1xi32>
      tpu.vector_store %arg3[%swap3A_77, %swap3A_78], %broadcast_in_dim3A_76 {strides = array<i32>} : memref<8x1xi32, #tpu.memory_space<vmem>>, vector<8x1xi32>,
      %iota3A_80 = tpu.iota {dimensions = array<i32: 1>} : vector<8x1024xi32>
      %eq3A_81 = vector.broadcast %scan3A_31 : i32 to vector<8x1024xi32>
      %eq3A_82 = arith.cmpi eq, %iota3A_80, %eq3A_81 : vector<8x1024xi32>
      %convert_element_type3A_83 = arith.extui %eq3A_82 : vector<8x1024xi1> to vector<8x1024xi32>
      %get3A_84 = arith.constant 0 : index
      %get3A_85 = arith.constant 0 : index
      %get3A_86 = vector.load %arg1[%get3A_84, %get3A_85] : memref<8x1024xi32, #tpu.memory_space<vmem>>, vector<8x1024xi32>
      %broadcast_in_dim3A_87 = vector.shape_cast %get3A_34 : vector<8x1xi32> to vector<8x1xi32>
      %broadcast_in_dim3A_88 = vector.broadcast %broadcast_in_dim3A_87 : vector<8x1xi32> to vector<8x1024xi32>
      %sub3A_89 = arith.subi %broadcast_in_dim3A_88, %get3A_86 : vector<8x1024xi32>
      %mul3A_90 = arith.muli %sub3A_89, %convert_element_type3A_83 : vector<8x1024xi32>
      %add3A_91 = arith.addi %get3A_86, %mul3A_90 : vector<8x1024xi32>
      %swap3A_92 = arith.constant 0 : index
      %swap3A_93 = arith.constant 0 : index
      %swap3A_94 = vector.load %arg1[%swap3A_92, %swap3A_93] : memref<8x1024xi32, #tpu.memory_space<vmem>>, vector<8x1024xi32>
      tpu.vector_store %arg1[%swap3A_92, %swap3A_93], %add3A_91 {strides = array<i32>} : memref<8x1024xi32, #tpu.memory_space<vmem>>, vector<8x1024xi32>,
    }
    %scan3A_30 = arith.constant 1024 : i32
    return
  }
}

module attributes {stable_mosaic.version = 14 : i64} {
  func.func @_ballmask_kernel(%arg0: i32, %arg1: i32, %arg2: memref<1x256x3xf32, #tpu.memory_space<vmem>>, %arg3: memref<1x3x4096xf32, #tpu.memory_space<vmem>>, %arg4: memref<1x256x4096xf32, #tpu.memory_space<vmem>>) attributes {dimension_semantics = [#tpu.dimension_semantics<arbitrary>, #tpu.dimension_semantics<arbitrary>], iteration_bounds = array<i64: 8, 4>, scalar_prefetch = 0 : i64, scratch_operands = 0 : i64, tpu.core_type = #tpu.core_type<tc>, window_params = [{transform_indices = @transform_0, window_bounds = array<i64: 1, 256, 3>}, {transform_indices = @transform_1, window_bounds = array<i64: 1, 3, 4096>}, {transform_indices = @transform_2, window_bounds = array<i64: 1, 256, 4096>}]} {
    %get3A = arith.constant 0 : index
    %get3A_0 = arith.constant 0 : index
    %get3A_1 = arith.constant 0 : index
    %get3A_2 = vector.load %arg2[%get3A, %get3A_0, %get3A_1] : memref<1x256x3xf32, #tpu.memory_space<vmem>>, vector<1x256x3xf32>
    %get3A_3 = vector.shape_cast %get3A_2 : vector<1x256x3xf32> to vector<256x3xf32>
    %get3A_4 = arith.constant 0 : index
    %get3A_5 = arith.constant 0 : index
    %get3A_6 = arith.constant 0 : index
    %get3A_7 = vector.load %arg3[%get3A_4, %get3A_5, %get3A_6] : memref<1x3x4096xf32, #tpu.memory_space<vmem>>, vector<1x3x4096xf32>
    %get3A_8 = vector.shape_cast %get3A_7 : vector<1x3x4096xf32> to vector<3x4096xf32>
    %slice3A = vector.extract_strided_slice %get3A_3 {offsets = [0, 0], sizes = [256, 1], strides = [1, 1]} : vector<256x3xf32> to vector<256x1xf32>
    %slice3A_9 = vector.extract_strided_slice %get3A_3 {offsets = [0, 1], sizes = [256, 1], strides = [1, 1]} : vector<256x3xf32> to vector<256x1xf32>
    %slice3A_10 = vector.extract_strided_slice %get3A_3 {offsets = [0, 2], sizes = [256, 1], strides = [1, 1]} : vector<256x3xf32> to vector<256x1xf32>
    %slice3A_11 = vector.extract_strided_slice %get3A_8 {offsets = [0, 0], sizes = [1, 4096], strides = [1, 1]} : vector<3x4096xf32> to vector<1x4096xf32>
    %slice3A_12 = vector.extract_strided_slice %get3A_8 {offsets = [1, 0], sizes = [1, 4096], strides = [1, 1]} : vector<3x4096xf32> to vector<1x4096xf32>
    %slice3A_13 = vector.extract_strided_slice %get3A_8 {offsets = [2, 0], sizes = [1, 4096], strides = [1, 1]} : vector<3x4096xf32> to vector<1x4096xf32>
    %sub3A = vector.broadcast %slice3A : vector<256x1xf32> to vector<256x4096xf32>
    %sub3A_14 = vector.broadcast %slice3A_11 : vector<1x4096xf32> to vector<256x4096xf32>
    %sub3A_15 = arith.subf %sub3A, %sub3A_14 : vector<256x4096xf32>
    %sub3A_16 = vector.broadcast %slice3A_9 : vector<256x1xf32> to vector<256x4096xf32>
    %sub3A_17 = vector.broadcast %slice3A_12 : vector<1x4096xf32> to vector<256x4096xf32>
    %sub3A_18 = arith.subf %sub3A_16, %sub3A_17 : vector<256x4096xf32>
    %sub3A_19 = vector.broadcast %slice3A_10 : vector<256x1xf32> to vector<256x4096xf32>
    %sub3A_20 = vector.broadcast %slice3A_13 : vector<1x4096xf32> to vector<256x4096xf32>
    %sub3A_21 = arith.subf %sub3A_19, %sub3A_20 : vector<256x4096xf32>
    %mul3A = arith.mulf %sub3A_15, %sub3A_15 : vector<256x4096xf32>
    %mul3A_22 = arith.mulf %sub3A_18, %sub3A_18 : vector<256x4096xf32>
    %add3A = arith.addf %mul3A, %mul3A_22 : vector<256x4096xf32>
    %mul3A_23 = arith.mulf %sub3A_21, %sub3A_21 : vector<256x4096xf32>
    %add3A_24 = arith.addf %add3A, %mul3A_23 : vector<256x4096xf32>
    %le3A = arith.constant 0.00999999977 : f32
    %le3A_25 = vector.broadcast %le3A : f32 to vector<256x4096xf32>
    %le3A_26 = arith.cmpf ole, %add3A_24, %le3A_25 : vector<256x4096xf32>
    %convert_element_type3A = arith.extui %le3A_26 : vector<256x4096xi1> to vector<256x4096xi32>
    %convert_element_type3A_27 = arith.sitofp %convert_element_type3A : vector<256x4096xi32> to vector<256x4096xf32>
    %swap3A = arith.constant 0 : index
    %swap3A_28 = arith.constant 0 : index
    %swap3A_29 = arith.constant 0 : index
    %swap3A_30 = vector.load %arg4[%swap3A, %swap3A_28, %swap3A_29] : memref<1x256x4096xf32, #tpu.memory_space<vmem>>, vector<1x256x4096xf32>
    %swap3A_31 = vector.shape_cast %swap3A_30 : vector<1x256x4096xf32> to vector<256x4096xf32>
    %swap3A_32 = vector.shape_cast %convert_element_type3A_27 : vector<256x4096xf32> to vector<1x256x4096xf32>
    tpu.vector_store %arg4[%swap3A, %swap3A_28, %swap3A_29], %swap3A_32 {strides = array<i32>} : memref<1x256x4096xf32, #tpu.memory_space<vmem>>, vector<1x256x4096xf32>,
    return
  }
  func.func @transform_0(%arg0: i32, %arg1: i32) -> (i32, i32, i32) {
    %c0_i32 = arith.constant 0 : i32
    %c0_i32_0 = arith.constant 0 : i32
    return %arg0, %arg1, %c0_i32 : i32, i32, i32
  }
  func.func @transform_1(%arg0: i32, %arg1: i32) -> (i32, i32, i32) {
    %c0_i32 = arith.constant 0 : i32
    %c0_i32_0 = arith.constant 0 : i32
    %c0_i32_1 = arith.constant 0 : i32
    return %arg0, %c0_i32, %c0_i32_0 : i32, i32, i32
  }
  func.func @transform_2(%arg0: i32, %arg1: i32) -> (i32, i32, i32) {
    %c0_i32 = arith.constant 0 : i32
    %c0_i32_0 = arith.constant 0 : i32
    return %arg0, %arg1, %c0_i32 : i32, i32, i32
  }
}

module attributes {stable_mosaic.version = 14 : i64} {
  func.func @_fps_kernel(%arg0: memref<8x3x1024xf32, #tpu.memory_space<vmem>>, %arg1: memref<8x256xi32, #tpu.memory_space<vmem>>, %arg2: memref<8x1024xf32, #tpu.memory_space<vmem>>, %arg3: memref<8x1xi32, #tpu.memory_space<vmem>>) attributes {dimension_semantics = [], scalar_prefetch = 0 : i64, scratch_operands = 2 : i64, tpu.core_type = #tpu.core_type<tc>} {
    %get3A = arith.constant 0 : index
    %get3A_0 = arith.constant 0 : index
    %get3A_1 = arith.constant 0 : index
    %get3A_2 = vector.load %arg0[%get3A, %get3A_0, %get3A_1] : memref<8x3x1024xf32, #tpu.memory_space<vmem>>, vector<8x1x1024xf32>
    %get3A_3 = vector.shape_cast %get3A_2 : vector<8x1x1024xf32> to vector<8x1024xf32>
    %get3A_4 = arith.constant 0 : index
    %get3A_5 = arith.constant 1 : index
    %get3A_6 = arith.constant 0 : index
    %get3A_7 = vector.load %arg0[%get3A_4, %get3A_5, %get3A_6] : memref<8x3x1024xf32, #tpu.memory_space<vmem>>, vector<8x1x1024xf32>
    %get3A_8 = vector.shape_cast %get3A_7 : vector<8x1x1024xf32> to vector<8x1024xf32>
    %get3A_9 = arith.constant 0 : index
    %get3A_10 = arith.constant 2 : index
    %get3A_11 = arith.constant 0 : index
    %get3A_12 = vector.load %arg0[%get3A_9, %get3A_10, %get3A_11] : memref<8x3x1024xf32, #tpu.memory_space<vmem>>, vector<8x1x1024xf32>
    %get3A_13 = vector.shape_cast %get3A_12 : vector<8x1x1024xf32> to vector<8x1024xf32>
    %iota3A = tpu.iota {dimensions = array<i32: 1>} : vector<8x1024xi32>
    %broadcast_in_dim3A = arith.constant 1.000000e+10 : f32
    %broadcast_in_dim3A_14 = vector.broadcast %broadcast_in_dim3A : f32 to vector<8x1024xf32>
    %swap3A = arith.constant 0 : index
    %swap3A_15 = arith.constant 0 : index
    %swap3A_16 = vector.load %arg2[%swap3A, %swap3A_15] : memref<8x1024xf32, #tpu.memory_space<vmem>>, vector<8x1024xf32>
    tpu.vector_store %arg2[%swap3A, %swap3A_15], %broadcast_in_dim3A_14 {strides = array<i32>} : memref<8x1024xf32, #tpu.memory_space<vmem>>, vector<8x1024xf32>,
    %broadcast_in_dim3A_17 = arith.constant 0 : i32
    %broadcast_in_dim3A_18 = vector.broadcast %broadcast_in_dim3A_17 : i32 to vector<8x1xi32>
    %swap3A_19 = arith.constant 0 : index
    %swap3A_20 = arith.constant 0 : index
    %swap3A_21 = vector.load %arg3[%swap3A_19, %swap3A_20] : memref<8x1xi32, #tpu.memory_space<vmem>>, vector<8x1xi32>
    tpu.vector_store %arg3[%swap3A_19, %swap3A_20], %broadcast_in_dim3A_18 {strides = array<i32>} : memref<8x1xi32, #tpu.memory_space<vmem>>, vector<8x1xi32>,
    %broadcast_in_dim3A_22 = arith.constant 0 : i32
    %broadcast_in_dim3A_23 = vector.broadcast %broadcast_in_dim3A_22 : i32 to vector<8x256xi32>
    %swap3A_24 = arith.constant 0 : index
    %swap3A_25 = arith.constant 0 : index
    %swap3A_26 = vector.load %arg1[%swap3A_24, %swap3A_25] : memref<8x256xi32, #tpu.memory_space<vmem>>, vector<8x256xi32>
    tpu.vector_store %arg1[%swap3A_24, %swap3A_25], %broadcast_in_dim3A_23 {strides = array<i32>} : memref<8x256xi32, #tpu.memory_space<vmem>>, vector<8x256xi32>,
    %scan3A = arith.constant 0 : i32
    %scan3A_27 = arith.constant 256 : i32
    %scan3A_28 = arith.addi %scan3A, %scan3A_27 : i32
    %scan3A_29 = arith.constant 1 : i32
    scf.for %scan3A_31 = %scan3A to %scan3A_28 step %scan3A_29  : i32 {
      %get3A_32 = arith.constant 0 : index
      %get3A_33 = arith.constant 0 : index
      %get3A_34 = vector.load %arg3[%get3A_32, %get3A_33] : memref<8x1xi32, #tpu.memory_space<vmem>>, vector<8x1xi32>
      %eq3A = vector.broadcast %get3A_34 : vector<8x1xi32> to vector<8x1024xi32>
      %eq3A_35 = arith.cmpi eq, %iota3A, %eq3A : vector<8x1024xi32>
      %convert_element_type3A = arith.extui %eq3A_35 : vector<8x1024xi1> to vector<8x1024xi32>
      %convert_element_type3A_36 = arith.sitofp %convert_element_type3A : vector<8x1024xi32> to vector<8x1024xf32>
      %mul3A = arith.mulf %get3A_3, %convert_element_type3A_36 : vector<8x1024xf32>
      %reduce_sum3A = arith.constant dense<0.000000e+00> : vector<8xf32>
      %reduce_sum3A_37 = vector.multi_reduction <add>, %mul3A, %reduce_sum3A [1] : vector<8x1024xf32> to vector<8xf32>
      %broadcast_in_dim3A_38 = vector.shape_cast %reduce_sum3A_37 : vector<8xf32> to vector<8x1xf32>
      %mul3A_39 = arith.mulf %get3A_8, %convert_element_type3A_36 : vector<8x1024xf32>
      %reduce_sum3A_40 = arith.constant dense<0.000000e+00> : vector<8xf32>
      %reduce_sum3A_41 = vector.multi_reduction <add>, %mul3A_39, %reduce_sum3A_40 [1] : vector<8x1024xf32> to vector<8xf32>
      %broadcast_in_dim3A_42 = vector.shape_cast %reduce_sum3A_41 : vector<8xf32> to vector<8x1xf32>
      %mul3A_43 = arith.mulf %get3A_13, %convert_element_type3A_36 : vector<8x1024xf32>
      %reduce_sum3A_44 = arith.constant dense<0.000000e+00> : vector<8xf32>
      %reduce_sum3A_45 = vector.multi_reduction <add>, %mul3A_43, %reduce_sum3A_44 [1] : vector<8x1024xf32> to vector<8xf32>
      %broadcast_in_dim3A_46 = vector.shape_cast %reduce_sum3A_45 : vector<8xf32> to vector<8x1xf32>
      %sub3A = vector.broadcast %broadcast_in_dim3A_38 : vector<8x1xf32> to vector<8x1024xf32>
      %sub3A_47 = arith.subf %get3A_3, %sub3A : vector<8x1024xf32>
      %sub3A_48 = vector.broadcast %broadcast_in_dim3A_42 : vector<8x1xf32> to vector<8x1024xf32>
      %sub3A_49 = arith.subf %get3A_8, %sub3A_48 : vector<8x1024xf32>
      %sub3A_50 = vector.broadcast %broadcast_in_dim3A_46 : vector<8x1xf32> to vector<8x1024xf32>
      %sub3A_51 = arith.subf %get3A_13, %sub3A_50 : vector<8x1024xf32>
      %mul3A_52 = arith.mulf %sub3A_47, %sub3A_47 : vector<8x1024xf32>
      %mul3A_53 = arith.mulf %sub3A_49, %sub3A_49 : vector<8x1024xf32>
      %add3A = arith.addf %mul3A_52, %mul3A_53 : vector<8x1024xf32>
      %mul3A_54 = arith.mulf %sub3A_51, %sub3A_51 : vector<8x1024xf32>
      %add3A_55 = arith.addf %add3A, %mul3A_54 : vector<8x1024xf32>
      %get3A_56 = arith.constant 0 : index
      %get3A_57 = arith.constant 0 : index
      %get3A_58 = vector.load %arg2[%get3A_56, %get3A_57] : memref<8x1024xf32, #tpu.memory_space<vmem>>, vector<8x1024xf32>
      %min3A = arith.minimumf %get3A_58, %add3A_55 : vector<8x1024xf32>
      %swap3A_59 = arith.constant 0 : index
      %swap3A_60 = arith.constant 0 : index
      %swap3A_61 = vector.load %arg2[%swap3A_59, %swap3A_60] : memref<8x1024xf32, #tpu.memory_space<vmem>>, vector<8x1024xf32>
      tpu.vector_store %arg2[%swap3A_59, %swap3A_60], %min3A {strides = array<i32>} : memref<8x1024xf32, #tpu.memory_space<vmem>>, vector<8x1024xf32>,
      %reduce_max3A = arith.constant dense<0xFF800000> : vector<8xf32>
      %reduce_max3A_62 = vector.multi_reduction <maximumf>, %min3A, %reduce_max3A [1] : vector<8x1024xf32> to vector<8xf32>
      %broadcast_in_dim3A_63 = vector.shape_cast %reduce_max3A_62 : vector<8xf32> to vector<8x1xf32>
      %eq3A_64 = vector.broadcast %broadcast_in_dim3A_63 : vector<8x1xf32> to vector<8x1024xf32>
      %eq3A_65 = arith.cmpf oeq, %min3A, %eq3A_64 : vector<8x1024xf32>
      %convert_element_type3A_66 = arith.extui %eq3A_65 : vector<8x1024xi1> to vector<8x1024xi32>
      %mul3A_67 = arith.muli %iota3A, %convert_element_type3A_66 : vector<8x1024xi32>
      %sub3A_68 = arith.constant 1 : i32
      %sub3A_69 = vector.broadcast %sub3A_68 : i32 to vector<8x1024xi32>
      %sub3A_70 = arith.subi %sub3A_69, %convert_element_type3A_66 : vector<8x1024xi32>
      %mul3A_71 = arith.constant 1024 : i32
      %mul3A_72 = vector.broadcast %mul3A_71 : i32 to vector<8x1024xi32>
      %mul3A_73 = arith.muli %mul3A_72, %sub3A_70 : vector<8x1024xi32>
      %add3A_74 = arith.addi %mul3A_67, %mul3A_73 : vector<8x1024xi32>
      %reduce_min3A = arith.constant dense<2147483647> : vector<8xi32>
      %reduce_min3A_75 = vector.multi_reduction <minsi>, %add3A_74, %reduce_min3A [1] : vector<8x1024xi32> to vector<8xi32>
      %broadcast_in_dim3A_76 = vector.shape_cast %reduce_min3A_75 : vector<8xi32> to vector<8x1xi32>
      %swap3A_77 = arith.constant 0 : index
      %swap3A_78 = arith.constant 0 : index
      %swap3A_79 = vector.load %arg3[%swap3A_77, %swap3A_78] : memref<8x1xi32, #tpu.memory_space<vmem>>, vector<8x1xi32>
      tpu.vector_store %arg3[%swap3A_77, %swap3A_78], %broadcast_in_dim3A_76 {strides = array<i32>} : memref<8x1xi32, #tpu.memory_space<vmem>>, vector<8x1xi32>,
      %iota3A_80 = tpu.iota {dimensions = array<i32: 1>} : vector<8x256xi32>
      %eq3A_81 = vector.broadcast %scan3A_31 : i32 to vector<8x256xi32>
      %eq3A_82 = arith.cmpi eq, %iota3A_80, %eq3A_81 : vector<8x256xi32>
      %convert_element_type3A_83 = arith.extui %eq3A_82 : vector<8x256xi1> to vector<8x256xi32>
      %get3A_84 = arith.constant 0 : index
      %get3A_85 = arith.constant 0 : index
      %get3A_86 = vector.load %arg1[%get3A_84, %get3A_85] : memref<8x256xi32, #tpu.memory_space<vmem>>, vector<8x256xi32>
      %broadcast_in_dim3A_87 = vector.shape_cast %get3A_34 : vector<8x1xi32> to vector<8x1xi32>
      %broadcast_in_dim3A_88 = vector.broadcast %broadcast_in_dim3A_87 : vector<8x1xi32> to vector<8x256xi32>
      %sub3A_89 = arith.subi %broadcast_in_dim3A_88, %get3A_86 : vector<8x256xi32>
      %mul3A_90 = arith.muli %sub3A_89, %convert_element_type3A_83 : vector<8x256xi32>
      %add3A_91 = arith.addi %get3A_86, %mul3A_90 : vector<8x256xi32>
      %swap3A_92 = arith.constant 0 : index
      %swap3A_93 = arith.constant 0 : index
      %swap3A_94 = vector.load %arg1[%swap3A_92, %swap3A_93] : memref<8x256xi32, #tpu.memory_space<vmem>>, vector<8x256xi32>
      tpu.vector_store %arg1[%swap3A_92, %swap3A_93], %add3A_91 {strides = array<i32>} : memref<8x256xi32, #tpu.memory_space<vmem>>, vector<8x256xi32>,
    }
    %scan3A_30 = arith.constant 256 : i32
    return
  }
}

module attributes {stable_mosaic.version = 14 : i64} {
  func.func @_ballmask_kernel(%arg0: i32, %arg1: i32, %arg2: memref<1x256x3xf32, #tpu.memory_space<vmem>>, %arg3: memref<1x3x1024xf32, #tpu.memory_space<vmem>>, %arg4: memref<1x256x1024xf32, #tpu.memory_space<vmem>>) attributes {dimension_semantics = [#tpu.dimension_semantics<arbitrary>, #tpu.dimension_semantics<arbitrary>], iteration_bounds = array<i64: 8, 1>, scalar_prefetch = 0 : i64, scratch_operands = 0 : i64, tpu.core_type = #tpu.core_type<tc>, window_params = [{transform_indices = @transform_0, window_bounds = array<i64: 1, 256, 3>}, {transform_indices = @transform_1, window_bounds = array<i64: 1, 3, 1024>}, {transform_indices = @transform_2, window_bounds = array<i64: 1, 256, 1024>}]} {
    %get3A = arith.constant 0 : index
    %get3A_0 = arith.constant 0 : index
    %get3A_1 = arith.constant 0 : index
    %get3A_2 = vector.load %arg2[%get3A, %get3A_0, %get3A_1] : memref<1x256x3xf32, #tpu.memory_space<vmem>>, vector<1x256x3xf32>
    %get3A_3 = vector.shape_cast %get3A_2 : vector<1x256x3xf32> to vector<256x3xf32>
    %get3A_4 = arith.constant 0 : index
    %get3A_5 = arith.constant 0 : index
    %get3A_6 = arith.constant 0 : index
    %get3A_7 = vector.load %arg3[%get3A_4, %get3A_5, %get3A_6] : memref<1x3x1024xf32, #tpu.memory_space<vmem>>, vector<1x3x1024xf32>
    %get3A_8 = vector.shape_cast %get3A_7 : vector<1x3x1024xf32> to vector<3x1024xf32>
    %slice3A = vector.extract_strided_slice %get3A_3 {offsets = [0, 0], sizes = [256, 1], strides = [1, 1]} : vector<256x3xf32> to vector<256x1xf32>
    %slice3A_9 = vector.extract_strided_slice %get3A_3 {offsets = [0, 1], sizes = [256, 1], strides = [1, 1]} : vector<256x3xf32> to vector<256x1xf32>
    %slice3A_10 = vector.extract_strided_slice %get3A_3 {offsets = [0, 2], sizes = [256, 1], strides = [1, 1]} : vector<256x3xf32> to vector<256x1xf32>
    %slice3A_11 = vector.extract_strided_slice %get3A_8 {offsets = [0, 0], sizes = [1, 1024], strides = [1, 1]} : vector<3x1024xf32> to vector<1x1024xf32>
    %slice3A_12 = vector.extract_strided_slice %get3A_8 {offsets = [1, 0], sizes = [1, 1024], strides = [1, 1]} : vector<3x1024xf32> to vector<1x1024xf32>
    %slice3A_13 = vector.extract_strided_slice %get3A_8 {offsets = [2, 0], sizes = [1, 1024], strides = [1, 1]} : vector<3x1024xf32> to vector<1x1024xf32>
    %sub3A = vector.broadcast %slice3A : vector<256x1xf32> to vector<256x1024xf32>
    %sub3A_14 = vector.broadcast %slice3A_11 : vector<1x1024xf32> to vector<256x1024xf32>
    %sub3A_15 = arith.subf %sub3A, %sub3A_14 : vector<256x1024xf32>
    %sub3A_16 = vector.broadcast %slice3A_9 : vector<256x1xf32> to vector<256x1024xf32>
    %sub3A_17 = vector.broadcast %slice3A_12 : vector<1x1024xf32> to vector<256x1024xf32>
    %sub3A_18 = arith.subf %sub3A_16, %sub3A_17 : vector<256x1024xf32>
    %sub3A_19 = vector.broadcast %slice3A_10 : vector<256x1xf32> to vector<256x1024xf32>
    %sub3A_20 = vector.broadcast %slice3A_13 : vector<1x1024xf32> to vector<256x1024xf32>
    %sub3A_21 = arith.subf %sub3A_19, %sub3A_20 : vector<256x1024xf32>
    %mul3A = arith.mulf %sub3A_15, %sub3A_15 : vector<256x1024xf32>
    %mul3A_22 = arith.mulf %sub3A_18, %sub3A_18 : vector<256x1024xf32>
    %add3A = arith.addf %mul3A, %mul3A_22 : vector<256x1024xf32>
    %mul3A_23 = arith.mulf %sub3A_21, %sub3A_21 : vector<256x1024xf32>
    %add3A_24 = arith.addf %add3A, %mul3A_23 : vector<256x1024xf32>
    %le3A = arith.constant 4.000000e-02 : f32
    %le3A_25 = vector.broadcast %le3A : f32 to vector<256x1024xf32>
    %le3A_26 = arith.cmpf ole, %add3A_24, %le3A_25 : vector<256x1024xf32>
    %convert_element_type3A = arith.extui %le3A_26 : vector<256x1024xi1> to vector<256x1024xi32>
    %convert_element_type3A_27 = arith.sitofp %convert_element_type3A : vector<256x1024xi32> to vector<256x1024xf32>
    %swap3A = arith.constant 0 : index
    %swap3A_28 = arith.constant 0 : index
    %swap3A_29 = arith.constant 0 : index
    %swap3A_30 = vector.load %arg4[%swap3A, %swap3A_28, %swap3A_29] : memref<1x256x1024xf32, #tpu.memory_space<vmem>>, vector<1x256x1024xf32>
    %swap3A_31 = vector.shape_cast %swap3A_30 : vector<1x256x1024xf32> to vector<256x1024xf32>
    %swap3A_32 = vector.shape_cast %convert_element_type3A_27 : vector<256x1024xf32> to vector<1x256x1024xf32>
    tpu.vector_store %arg4[%swap3A, %swap3A_28, %swap3A_29], %swap3A_32 {strides = array<i32>} : memref<1x256x1024xf32, #tpu.memory_space<vmem>>, vector<1x256x1024xf32>,
    return
  }
  func.func @transform_0(%arg0: i32, %arg1: i32) -> (i32, i32, i32) {
    %c0_i32 = arith.constant 0 : i32
    %c0_i32_0 = arith.constant 0 : i32
    return %arg0, %arg1, %c0_i32 : i32, i32, i32
  }
  func.func @transform_1(%arg0: i32, %arg1: i32) -> (i32, i32, i32) {
    %c0_i32 = arith.constant 0 : i32
    %c0_i32_0 = arith.constant 0 : i32
    %c0_i32_1 = arith.constant 0 : i32
    return %arg0, %c0_i32, %c0_i32_0 : i32, i32, i32
  }
  func.func @transform_2(%arg0: i32, %arg1: i32) -> (i32, i32, i32) {
    %c0_i32 = arith.constant 0 : i32
    %c0_i32_0 = arith.constant 0 : i32
    return %arg0, %arg1, %c0_i32 : i32, i32, i32
  }
}

module attributes {stable_mosaic.version = 14 : i64} {
  func.func @_fps_kernel(%arg0: memref<8x3x256xf32, #tpu.memory_space<vmem>>, %arg1: memref<8x64xi32, #tpu.memory_space<vmem>>, %arg2: memref<8x256xf32, #tpu.memory_space<vmem>>, %arg3: memref<8x1xi32, #tpu.memory_space<vmem>>) attributes {dimension_semantics = [], scalar_prefetch = 0 : i64, scratch_operands = 2 : i64, tpu.core_type = #tpu.core_type<tc>} {
    %get3A = arith.constant 0 : index
    %get3A_0 = arith.constant 0 : index
    %get3A_1 = arith.constant 0 : index
    %get3A_2 = vector.load %arg0[%get3A, %get3A_0, %get3A_1] : memref<8x3x256xf32, #tpu.memory_space<vmem>>, vector<8x1x256xf32>
    %get3A_3 = vector.shape_cast %get3A_2 : vector<8x1x256xf32> to vector<8x256xf32>
    %get3A_4 = arith.constant 0 : index
    %get3A_5 = arith.constant 1 : index
    %get3A_6 = arith.constant 0 : index
    %get3A_7 = vector.load %arg0[%get3A_4, %get3A_5, %get3A_6] : memref<8x3x256xf32, #tpu.memory_space<vmem>>, vector<8x1x256xf32>
    %get3A_8 = vector.shape_cast %get3A_7 : vector<8x1x256xf32> to vector<8x256xf32>
    %get3A_9 = arith.constant 0 : index
    %get3A_10 = arith.constant 2 : index
    %get3A_11 = arith.constant 0 : index
    %get3A_12 = vector.load %arg0[%get3A_9, %get3A_10, %get3A_11] : memref<8x3x256xf32, #tpu.memory_space<vmem>>, vector<8x1x256xf32>
    %get3A_13 = vector.shape_cast %get3A_12 : vector<8x1x256xf32> to vector<8x256xf32>
    %iota3A = tpu.iota {dimensions = array<i32: 1>} : vector<8x256xi32>
    %broadcast_in_dim3A = arith.constant 1.000000e+10 : f32
    %broadcast_in_dim3A_14 = vector.broadcast %broadcast_in_dim3A : f32 to vector<8x256xf32>
    %swap3A = arith.constant 0 : index
    %swap3A_15 = arith.constant 0 : index
    %swap3A_16 = vector.load %arg2[%swap3A, %swap3A_15] : memref<8x256xf32, #tpu.memory_space<vmem>>, vector<8x256xf32>
    tpu.vector_store %arg2[%swap3A, %swap3A_15], %broadcast_in_dim3A_14 {strides = array<i32>} : memref<8x256xf32, #tpu.memory_space<vmem>>, vector<8x256xf32>,
    %broadcast_in_dim3A_17 = arith.constant 0 : i32
    %broadcast_in_dim3A_18 = vector.broadcast %broadcast_in_dim3A_17 : i32 to vector<8x1xi32>
    %swap3A_19 = arith.constant 0 : index
    %swap3A_20 = arith.constant 0 : index
    %swap3A_21 = vector.load %arg3[%swap3A_19, %swap3A_20] : memref<8x1xi32, #tpu.memory_space<vmem>>, vector<8x1xi32>
    tpu.vector_store %arg3[%swap3A_19, %swap3A_20], %broadcast_in_dim3A_18 {strides = array<i32>} : memref<8x1xi32, #tpu.memory_space<vmem>>, vector<8x1xi32>,
    %broadcast_in_dim3A_22 = arith.constant 0 : i32
    %broadcast_in_dim3A_23 = vector.broadcast %broadcast_in_dim3A_22 : i32 to vector<8x64xi32>
    %swap3A_24 = arith.constant 0 : index
    %swap3A_25 = arith.constant 0 : index
    %swap3A_26 = vector.load %arg1[%swap3A_24, %swap3A_25] : memref<8x64xi32, #tpu.memory_space<vmem>>, vector<8x64xi32>
    tpu.vector_store %arg1[%swap3A_24, %swap3A_25], %broadcast_in_dim3A_23 {strides = array<i32>} : memref<8x64xi32, #tpu.memory_space<vmem>>, vector<8x64xi32>,
    %scan3A = arith.constant 0 : i32
    %scan3A_27 = arith.constant 64 : i32
    %scan3A_28 = arith.addi %scan3A, %scan3A_27 : i32
    %scan3A_29 = arith.constant 1 : i32
    scf.for %scan3A_31 = %scan3A to %scan3A_28 step %scan3A_29  : i32 {
      %get3A_32 = arith.constant 0 : index
      %get3A_33 = arith.constant 0 : index
      %get3A_34 = vector.load %arg3[%get3A_32, %get3A_33] : memref<8x1xi32, #tpu.memory_space<vmem>>, vector<8x1xi32>
      %eq3A = vector.broadcast %get3A_34 : vector<8x1xi32> to vector<8x256xi32>
      %eq3A_35 = arith.cmpi eq, %iota3A, %eq3A : vector<8x256xi32>
      %convert_element_type3A = arith.extui %eq3A_35 : vector<8x256xi1> to vector<8x256xi32>
      %convert_element_type3A_36 = arith.sitofp %convert_element_type3A : vector<8x256xi32> to vector<8x256xf32>
      %mul3A = arith.mulf %get3A_3, %convert_element_type3A_36 : vector<8x256xf32>
      %reduce_sum3A = arith.constant dense<0.000000e+00> : vector<8xf32>
      %reduce_sum3A_37 = vector.multi_reduction <add>, %mul3A, %reduce_sum3A [1] : vector<8x256xf32> to vector<8xf32>
      %broadcast_in_dim3A_38 = vector.shape_cast %reduce_sum3A_37 : vector<8xf32> to vector<8x1xf32>
      %mul3A_39 = arith.mulf %get3A_8, %convert_element_type3A_36 : vector<8x256xf32>
      %reduce_sum3A_40 = arith.constant dense<0.000000e+00> : vector<8xf32>
      %reduce_sum3A_41 = vector.multi_reduction <add>, %mul3A_39, %reduce_sum3A_40 [1] : vector<8x256xf32> to vector<8xf32>
      %broadcast_in_dim3A_42 = vector.shape_cast %reduce_sum3A_41 : vector<8xf32> to vector<8x1xf32>
      %mul3A_43 = arith.mulf %get3A_13, %convert_element_type3A_36 : vector<8x256xf32>
      %reduce_sum3A_44 = arith.constant dense<0.000000e+00> : vector<8xf32>
      %reduce_sum3A_45 = vector.multi_reduction <add>, %mul3A_43, %reduce_sum3A_44 [1] : vector<8x256xf32> to vector<8xf32>
      %broadcast_in_dim3A_46 = vector.shape_cast %reduce_sum3A_45 : vector<8xf32> to vector<8x1xf32>
      %sub3A = vector.broadcast %broadcast_in_dim3A_38 : vector<8x1xf32> to vector<8x256xf32>
      %sub3A_47 = arith.subf %get3A_3, %sub3A : vector<8x256xf32>
      %sub3A_48 = vector.broadcast %broadcast_in_dim3A_42 : vector<8x1xf32> to vector<8x256xf32>
      %sub3A_49 = arith.subf %get3A_8, %sub3A_48 : vector<8x256xf32>
      %sub3A_50 = vector.broadcast %broadcast_in_dim3A_46 : vector<8x1xf32> to vector<8x256xf32>
      %sub3A_51 = arith.subf %get3A_13, %sub3A_50 : vector<8x256xf32>
      %mul3A_52 = arith.mulf %sub3A_47, %sub3A_47 : vector<8x256xf32>
      %mul3A_53 = arith.mulf %sub3A_49, %sub3A_49 : vector<8x256xf32>
      %add3A = arith.addf %mul3A_52, %mul3A_53 : vector<8x256xf32>
      %mul3A_54 = arith.mulf %sub3A_51, %sub3A_51 : vector<8x256xf32>
      %add3A_55 = arith.addf %add3A, %mul3A_54 : vector<8x256xf32>
      %get3A_56 = arith.constant 0 : index
      %get3A_57 = arith.constant 0 : index
      %get3A_58 = vector.load %arg2[%get3A_56, %get3A_57] : memref<8x256xf32, #tpu.memory_space<vmem>>, vector<8x256xf32>
      %min3A = arith.minimumf %get3A_58, %add3A_55 : vector<8x256xf32>
      %swap3A_59 = arith.constant 0 : index
      %swap3A_60 = arith.constant 0 : index
      %swap3A_61 = vector.load %arg2[%swap3A_59, %swap3A_60] : memref<8x256xf32, #tpu.memory_space<vmem>>, vector<8x256xf32>
      tpu.vector_store %arg2[%swap3A_59, %swap3A_60], %min3A {strides = array<i32>} : memref<8x256xf32, #tpu.memory_space<vmem>>, vector<8x256xf32>,
      %reduce_max3A = arith.constant dense<0xFF800000> : vector<8xf32>
      %reduce_max3A_62 = vector.multi_reduction <maximumf>, %min3A, %reduce_max3A [1] : vector<8x256xf32> to vector<8xf32>
      %broadcast_in_dim3A_63 = vector.shape_cast %reduce_max3A_62 : vector<8xf32> to vector<8x1xf32>
      %eq3A_64 = vector.broadcast %broadcast_in_dim3A_63 : vector<8x1xf32> to vector<8x256xf32>
      %eq3A_65 = arith.cmpf oeq, %min3A, %eq3A_64 : vector<8x256xf32>
      %convert_element_type3A_66 = arith.extui %eq3A_65 : vector<8x256xi1> to vector<8x256xi32>
      %mul3A_67 = arith.muli %iota3A, %convert_element_type3A_66 : vector<8x256xi32>
      %sub3A_68 = arith.constant 1 : i32
      %sub3A_69 = vector.broadcast %sub3A_68 : i32 to vector<8x256xi32>
      %sub3A_70 = arith.subi %sub3A_69, %convert_element_type3A_66 : vector<8x256xi32>
      %mul3A_71 = arith.constant 256 : i32
      %mul3A_72 = vector.broadcast %mul3A_71 : i32 to vector<8x256xi32>
      %mul3A_73 = arith.muli %mul3A_72, %sub3A_70 : vector<8x256xi32>
      %add3A_74 = arith.addi %mul3A_67, %mul3A_73 : vector<8x256xi32>
      %reduce_min3A = arith.constant dense<2147483647> : vector<8xi32>
      %reduce_min3A_75 = vector.multi_reduction <minsi>, %add3A_74, %reduce_min3A [1] : vector<8x256xi32> to vector<8xi32>
      %broadcast_in_dim3A_76 = vector.shape_cast %reduce_min3A_75 : vector<8xi32> to vector<8x1xi32>
      %swap3A_77 = arith.constant 0 : index
      %swap3A_78 = arith.constant 0 : index
      %swap3A_79 = vector.load %arg3[%swap3A_77, %swap3A_78] : memref<8x1xi32, #tpu.memory_space<vmem>>, vector<8x1xi32>
      tpu.vector_store %arg3[%swap3A_77, %swap3A_78], %broadcast_in_dim3A_76 {strides = array<i32>} : memref<8x1xi32, #tpu.memory_space<vmem>>, vector<8x1xi32>,
      %iota3A_80 = tpu.iota {dimensions = array<i32: 1>} : vector<8x64xi32>
      %eq3A_81 = vector.broadcast %scan3A_31 : i32 to vector<8x64xi32>
      %eq3A_82 = arith.cmpi eq, %iota3A_80, %eq3A_81 : vector<8x64xi32>
      %convert_element_type3A_83 = arith.extui %eq3A_82 : vector<8x64xi1> to vector<8x64xi32>
      %get3A_84 = arith.constant 0 : index
      %get3A_85 = arith.constant 0 : index
      %get3A_86 = vector.load %arg1[%get3A_84, %get3A_85] : memref<8x64xi32, #tpu.memory_space<vmem>>, vector<8x64xi32>
      %broadcast_in_dim3A_87 = vector.shape_cast %get3A_34 : vector<8x1xi32> to vector<8x1xi32>
      %broadcast_in_dim3A_88 = vector.broadcast %broadcast_in_dim3A_87 : vector<8x1xi32> to vector<8x64xi32>
      %sub3A_89 = arith.subi %broadcast_in_dim3A_88, %get3A_86 : vector<8x64xi32>
      %mul3A_90 = arith.muli %sub3A_89, %convert_element_type3A_83 : vector<8x64xi32>
      %add3A_91 = arith.addi %get3A_86, %mul3A_90 : vector<8x64xi32>
      %swap3A_92 = arith.constant 0 : index
      %swap3A_93 = arith.constant 0 : index
      %swap3A_94 = vector.load %arg1[%swap3A_92, %swap3A_93] : memref<8x64xi32, #tpu.memory_space<vmem>>, vector<8x64xi32>
      tpu.vector_store %arg1[%swap3A_92, %swap3A_93], %add3A_91 {strides = array<i32>} : memref<8x64xi32, #tpu.memory_space<vmem>>, vector<8x64xi32>,
    }
    %scan3A_30 = arith.constant 64 : i32
    return
  }
}

module attributes {stable_mosaic.version = 14 : i64} {
  func.func @_ballmask_kernel(%arg0: i32, %arg1: i32, %arg2: memref<1x64x3xf32, #tpu.memory_space<vmem>>, %arg3: memref<1x3x256xf32, #tpu.memory_space<vmem>>, %arg4: memref<1x64x256xf32, #tpu.memory_space<vmem>>) attributes {dimension_semantics = [#tpu.dimension_semantics<arbitrary>, #tpu.dimension_semantics<arbitrary>], iteration_bounds = array<i64: 8, 1>, scalar_prefetch = 0 : i64, scratch_operands = 0 : i64, tpu.core_type = #tpu.core_type<tc>, window_params = [{transform_indices = @transform_0, window_bounds = array<i64: 1, 64, 3>}, {transform_indices = @transform_1, window_bounds = array<i64: 1, 3, 256>}, {transform_indices = @transform_2, window_bounds = array<i64: 1, 64, 256>}]} {
    %get3A = arith.constant 0 : index
    %get3A_0 = arith.constant 0 : index
    %get3A_1 = arith.constant 0 : index
    %get3A_2 = vector.load %arg2[%get3A, %get3A_0, %get3A_1] : memref<1x64x3xf32, #tpu.memory_space<vmem>>, vector<1x64x3xf32>
    %get3A_3 = vector.shape_cast %get3A_2 : vector<1x64x3xf32> to vector<64x3xf32>
    %get3A_4 = arith.constant 0 : index
    %get3A_5 = arith.constant 0 : index
    %get3A_6 = arith.constant 0 : index
    %get3A_7 = vector.load %arg3[%get3A_4, %get3A_5, %get3A_6] : memref<1x3x256xf32, #tpu.memory_space<vmem>>, vector<1x3x256xf32>
    %get3A_8 = vector.shape_cast %get3A_7 : vector<1x3x256xf32> to vector<3x256xf32>
    %slice3A = vector.extract_strided_slice %get3A_3 {offsets = [0, 0], sizes = [64, 1], strides = [1, 1]} : vector<64x3xf32> to vector<64x1xf32>
    %slice3A_9 = vector.extract_strided_slice %get3A_3 {offsets = [0, 1], sizes = [64, 1], strides = [1, 1]} : vector<64x3xf32> to vector<64x1xf32>
    %slice3A_10 = vector.extract_strided_slice %get3A_3 {offsets = [0, 2], sizes = [64, 1], strides = [1, 1]} : vector<64x3xf32> to vector<64x1xf32>
    %slice3A_11 = vector.extract_strided_slice %get3A_8 {offsets = [0, 0], sizes = [1, 256], strides = [1, 1]} : vector<3x256xf32> to vector<1x256xf32>
    %slice3A_12 = vector.extract_strided_slice %get3A_8 {offsets = [1, 0], sizes = [1, 256], strides = [1, 1]} : vector<3x256xf32> to vector<1x256xf32>
    %slice3A_13 = vector.extract_strided_slice %get3A_8 {offsets = [2, 0], sizes = [1, 256], strides = [1, 1]} : vector<3x256xf32> to vector<1x256xf32>
    %sub3A = vector.broadcast %slice3A : vector<64x1xf32> to vector<64x256xf32>
    %sub3A_14 = vector.broadcast %slice3A_11 : vector<1x256xf32> to vector<64x256xf32>
    %sub3A_15 = arith.subf %sub3A, %sub3A_14 : vector<64x256xf32>
    %sub3A_16 = vector.broadcast %slice3A_9 : vector<64x1xf32> to vector<64x256xf32>
    %sub3A_17 = vector.broadcast %slice3A_12 : vector<1x256xf32> to vector<64x256xf32>
    %sub3A_18 = arith.subf %sub3A_16, %sub3A_17 : vector<64x256xf32>
    %sub3A_19 = vector.broadcast %slice3A_10 : vector<64x1xf32> to vector<64x256xf32>
    %sub3A_20 = vector.broadcast %slice3A_13 : vector<1x256xf32> to vector<64x256xf32>
    %sub3A_21 = arith.subf %sub3A_19, %sub3A_20 : vector<64x256xf32>
    %mul3A = arith.mulf %sub3A_15, %sub3A_15 : vector<64x256xf32>
    %mul3A_22 = arith.mulf %sub3A_18, %sub3A_18 : vector<64x256xf32>
    %add3A = arith.addf %mul3A, %mul3A_22 : vector<64x256xf32>
    %mul3A_23 = arith.mulf %sub3A_21, %sub3A_21 : vector<64x256xf32>
    %add3A_24 = arith.addf %add3A, %mul3A_23 : vector<64x256xf32>
    %le3A = arith.constant 1.600000e-01 : f32
    %le3A_25 = vector.broadcast %le3A : f32 to vector<64x256xf32>
    %le3A_26 = arith.cmpf ole, %add3A_24, %le3A_25 : vector<64x256xf32>
    %convert_element_type3A = arith.extui %le3A_26 : vector<64x256xi1> to vector<64x256xi32>
    %convert_element_type3A_27 = arith.sitofp %convert_element_type3A : vector<64x256xi32> to vector<64x256xf32>
    %swap3A = arith.constant 0 : index
    %swap3A_28 = arith.constant 0 : index
    %swap3A_29 = arith.constant 0 : index
    %swap3A_30 = vector.load %arg4[%swap3A, %swap3A_28, %swap3A_29] : memref<1x64x256xf32, #tpu.memory_space<vmem>>, vector<1x64x256xf32>
    %swap3A_31 = vector.shape_cast %swap3A_30 : vector<1x64x256xf32> to vector<64x256xf32>
    %swap3A_32 = vector.shape_cast %convert_element_type3A_27 : vector<64x256xf32> to vector<1x64x256xf32>
    tpu.vector_store %arg4[%swap3A, %swap3A_28, %swap3A_29], %swap3A_32 {strides = array<i32>} : memref<1x64x256xf32, #tpu.memory_space<vmem>>, vector<1x64x256xf32>,
    return
  }
  func.func @transform_0(%arg0: i32, %arg1: i32) -> (i32, i32, i32) {
    %c0_i32 = arith.constant 0 : i32
    %c0_i32_0 = arith.constant 0 : i32
    return %arg0, %arg1, %c0_i32 : i32, i32, i32
  }
  func.func @transform_1(%arg0: i32, %arg1: i32) -> (i32, i32, i32) {
    %c0_i32 = arith.constant 0 : i32
    %c0_i32_0 = arith.constant 0 : i32
    %c0_i32_1 = arith.constant 0 : i32
    return %arg0, %c0_i32, %c0_i32_0 : i32, i32, i32
  }
  func.func @transform_2(%arg0: i32, %arg1: i32) -> (i32, i32, i32) {
    %c0_i32 = arith.constant 0 : i32
    %c0_i32_0 = arith.constant 0 : i32
    return %arg0, %arg1, %c0_i32 : i32, i32, i32
  }
}

module attributes {stable_mosaic.version = 14 : i64} {
  func.func @_fps_kernel(%arg0: memref<8x3x64xf32, #tpu.memory_space<vmem>>, %arg1: memref<8x16xi32, #tpu.memory_space<vmem>>, %arg2: memref<8x64xf32, #tpu.memory_space<vmem>>, %arg3: memref<8x1xi32, #tpu.memory_space<vmem>>) attributes {dimension_semantics = [], scalar_prefetch = 0 : i64, scratch_operands = 2 : i64, tpu.core_type = #tpu.core_type<tc>} {
    %get3A = arith.constant 0 : index
    %get3A_0 = arith.constant 0 : index
    %get3A_1 = arith.constant 0 : index
    %get3A_2 = vector.load %arg0[%get3A, %get3A_0, %get3A_1] : memref<8x3x64xf32, #tpu.memory_space<vmem>>, vector<8x1x64xf32>
    %get3A_3 = vector.shape_cast %get3A_2 : vector<8x1x64xf32> to vector<8x64xf32>
    %get3A_4 = arith.constant 0 : index
    %get3A_5 = arith.constant 1 : index
    %get3A_6 = arith.constant 0 : index
    %get3A_7 = vector.load %arg0[%get3A_4, %get3A_5, %get3A_6] : memref<8x3x64xf32, #tpu.memory_space<vmem>>, vector<8x1x64xf32>
    %get3A_8 = vector.shape_cast %get3A_7 : vector<8x1x64xf32> to vector<8x64xf32>
    %get3A_9 = arith.constant 0 : index
    %get3A_10 = arith.constant 2 : index
    %get3A_11 = arith.constant 0 : index
    %get3A_12 = vector.load %arg0[%get3A_9, %get3A_10, %get3A_11] : memref<8x3x64xf32, #tpu.memory_space<vmem>>, vector<8x1x64xf32>
    %get3A_13 = vector.shape_cast %get3A_12 : vector<8x1x64xf32> to vector<8x64xf32>
    %iota3A = tpu.iota {dimensions = array<i32: 1>} : vector<8x64xi32>
    %broadcast_in_dim3A = arith.constant 1.000000e+10 : f32
    %broadcast_in_dim3A_14 = vector.broadcast %broadcast_in_dim3A : f32 to vector<8x64xf32>
    %swap3A = arith.constant 0 : index
    %swap3A_15 = arith.constant 0 : index
    %swap3A_16 = vector.load %arg2[%swap3A, %swap3A_15] : memref<8x64xf32, #tpu.memory_space<vmem>>, vector<8x64xf32>
    tpu.vector_store %arg2[%swap3A, %swap3A_15], %broadcast_in_dim3A_14 {strides = array<i32>} : memref<8x64xf32, #tpu.memory_space<vmem>>, vector<8x64xf32>,
    %broadcast_in_dim3A_17 = arith.constant 0 : i32
    %broadcast_in_dim3A_18 = vector.broadcast %broadcast_in_dim3A_17 : i32 to vector<8x1xi32>
    %swap3A_19 = arith.constant 0 : index
    %swap3A_20 = arith.constant 0 : index
    %swap3A_21 = vector.load %arg3[%swap3A_19, %swap3A_20] : memref<8x1xi32, #tpu.memory_space<vmem>>, vector<8x1xi32>
    tpu.vector_store %arg3[%swap3A_19, %swap3A_20], %broadcast_in_dim3A_18 {strides = array<i32>} : memref<8x1xi32, #tpu.memory_space<vmem>>, vector<8x1xi32>,
    %broadcast_in_dim3A_22 = arith.constant 0 : i32
    %broadcast_in_dim3A_23 = vector.broadcast %broadcast_in_dim3A_22 : i32 to vector<8x16xi32>
    %swap3A_24 = arith.constant 0 : index
    %swap3A_25 = arith.constant 0 : index
    %swap3A_26 = vector.load %arg1[%swap3A_24, %swap3A_25] : memref<8x16xi32, #tpu.memory_space<vmem>>, vector<8x16xi32>
    tpu.vector_store %arg1[%swap3A_24, %swap3A_25], %broadcast_in_dim3A_23 {strides = array<i32>} : memref<8x16xi32, #tpu.memory_space<vmem>>, vector<8x16xi32>,
    %scan3A = arith.constant 0 : i32
    %scan3A_27 = arith.constant 16 : i32
    %scan3A_28 = arith.addi %scan3A, %scan3A_27 : i32
    %scan3A_29 = arith.constant 1 : i32
    scf.for %scan3A_31 = %scan3A to %scan3A_28 step %scan3A_29  : i32 {
      %get3A_32 = arith.constant 0 : index
      %get3A_33 = arith.constant 0 : index
      %get3A_34 = vector.load %arg3[%get3A_32, %get3A_33] : memref<8x1xi32, #tpu.memory_space<vmem>>, vector<8x1xi32>
      %eq3A = vector.broadcast %get3A_34 : vector<8x1xi32> to vector<8x64xi32>
      %eq3A_35 = arith.cmpi eq, %iota3A, %eq3A : vector<8x64xi32>
      %convert_element_type3A = arith.extui %eq3A_35 : vector<8x64xi1> to vector<8x64xi32>
      %convert_element_type3A_36 = arith.sitofp %convert_element_type3A : vector<8x64xi32> to vector<8x64xf32>
      %mul3A = arith.mulf %get3A_3, %convert_element_type3A_36 : vector<8x64xf32>
      %reduce_sum3A = arith.constant dense<0.000000e+00> : vector<8xf32>
      %reduce_sum3A_37 = vector.multi_reduction <add>, %mul3A, %reduce_sum3A [1] : vector<8x64xf32> to vector<8xf32>
      %broadcast_in_dim3A_38 = vector.shape_cast %reduce_sum3A_37 : vector<8xf32> to vector<8x1xf32>
      %mul3A_39 = arith.mulf %get3A_8, %convert_element_type3A_36 : vector<8x64xf32>
      %reduce_sum3A_40 = arith.constant dense<0.000000e+00> : vector<8xf32>
      %reduce_sum3A_41 = vector.multi_reduction <add>, %mul3A_39, %reduce_sum3A_40 [1] : vector<8x64xf32> to vector<8xf32>
      %broadcast_in_dim3A_42 = vector.shape_cast %reduce_sum3A_41 : vector<8xf32> to vector<8x1xf32>
      %mul3A_43 = arith.mulf %get3A_13, %convert_element_type3A_36 : vector<8x64xf32>
      %reduce_sum3A_44 = arith.constant dense<0.000000e+00> : vector<8xf32>
      %reduce_sum3A_45 = vector.multi_reduction <add>, %mul3A_43, %reduce_sum3A_44 [1] : vector<8x64xf32> to vector<8xf32>
      %broadcast_in_dim3A_46 = vector.shape_cast %reduce_sum3A_45 : vector<8xf32> to vector<8x1xf32>
      %sub3A = vector.broadcast %broadcast_in_dim3A_38 : vector<8x1xf32> to vector<8x64xf32>
      %sub3A_47 = arith.subf %get3A_3, %sub3A : vector<8x64xf32>
      %sub3A_48 = vector.broadcast %broadcast_in_dim3A_42 : vector<8x1xf32> to vector<8x64xf32>
      %sub3A_49 = arith.subf %get3A_8, %sub3A_48 : vector<8x64xf32>
      %sub3A_50 = vector.broadcast %broadcast_in_dim3A_46 : vector<8x1xf32> to vector<8x64xf32>
      %sub3A_51 = arith.subf %get3A_13, %sub3A_50 : vector<8x64xf32>
      %mul3A_52 = arith.mulf %sub3A_47, %sub3A_47 : vector<8x64xf32>
      %mul3A_53 = arith.mulf %sub3A_49, %sub3A_49 : vector<8x64xf32>
      %add3A = arith.addf %mul3A_52, %mul3A_53 : vector<8x64xf32>
      %mul3A_54 = arith.mulf %sub3A_51, %sub3A_51 : vector<8x64xf32>
      %add3A_55 = arith.addf %add3A, %mul3A_54 : vector<8x64xf32>
      %get3A_56 = arith.constant 0 : index
      %get3A_57 = arith.constant 0 : index
      %get3A_58 = vector.load %arg2[%get3A_56, %get3A_57] : memref<8x64xf32, #tpu.memory_space<vmem>>, vector<8x64xf32>
      %min3A = arith.minimumf %get3A_58, %add3A_55 : vector<8x64xf32>
      %swap3A_59 = arith.constant 0 : index
      %swap3A_60 = arith.constant 0 : index
      %swap3A_61 = vector.load %arg2[%swap3A_59, %swap3A_60] : memref<8x64xf32, #tpu.memory_space<vmem>>, vector<8x64xf32>
      tpu.vector_store %arg2[%swap3A_59, %swap3A_60], %min3A {strides = array<i32>} : memref<8x64xf32, #tpu.memory_space<vmem>>, vector<8x64xf32>,
      %reduce_max3A = arith.constant dense<0xFF800000> : vector<8xf32>
      %reduce_max3A_62 = vector.multi_reduction <maximumf>, %min3A, %reduce_max3A [1] : vector<8x64xf32> to vector<8xf32>
      %broadcast_in_dim3A_63 = vector.shape_cast %reduce_max3A_62 : vector<8xf32> to vector<8x1xf32>
      %eq3A_64 = vector.broadcast %broadcast_in_dim3A_63 : vector<8x1xf32> to vector<8x64xf32>
      %eq3A_65 = arith.cmpf oeq, %min3A, %eq3A_64 : vector<8x64xf32>
      %convert_element_type3A_66 = arith.extui %eq3A_65 : vector<8x64xi1> to vector<8x64xi32>
      %mul3A_67 = arith.muli %iota3A, %convert_element_type3A_66 : vector<8x64xi32>
      %sub3A_68 = arith.constant 1 : i32
      %sub3A_69 = vector.broadcast %sub3A_68 : i32 to vector<8x64xi32>
      %sub3A_70 = arith.subi %sub3A_69, %convert_element_type3A_66 : vector<8x64xi32>
      %mul3A_71 = arith.constant 64 : i32
      %mul3A_72 = vector.broadcast %mul3A_71 : i32 to vector<8x64xi32>
      %mul3A_73 = arith.muli %mul3A_72, %sub3A_70 : vector<8x64xi32>
      %add3A_74 = arith.addi %mul3A_67, %mul3A_73 : vector<8x64xi32>
      %reduce_min3A = arith.constant dense<2147483647> : vector<8xi32>
      %reduce_min3A_75 = vector.multi_reduction <minsi>, %add3A_74, %reduce_min3A [1] : vector<8x64xi32> to vector<8xi32>
      %broadcast_in_dim3A_76 = vector.shape_cast %reduce_min3A_75 : vector<8xi32> to vector<8x1xi32>
      %swap3A_77 = arith.constant 0 : index
      %swap3A_78 = arith.constant 0 : index
      %swap3A_79 = vector.load %arg3[%swap3A_77, %swap3A_78] : memref<8x1xi32, #tpu.memory_space<vmem>>, vector<8x1xi32>
      tpu.vector_store %arg3[%swap3A_77, %swap3A_78], %broadcast_in_dim3A_76 {strides = array<i32>} : memref<8x1xi32, #tpu.memory_space<vmem>>, vector<8x1xi32>,
      %iota3A_80 = tpu.iota {dimensions = array<i32: 1>} : vector<8x16xi32>
      %eq3A_81 = vector.broadcast %scan3A_31 : i32 to vector<8x16xi32>
      %eq3A_82 = arith.cmpi eq, %iota3A_80, %eq3A_81 : vector<8x16xi32>
      %convert_element_type3A_83 = arith.extui %eq3A_82 : vector<8x16xi1> to vector<8x16xi32>
      %get3A_84 = arith.constant 0 : index
      %get3A_85 = arith.constant 0 : index
      %get3A_86 = vector.load %arg1[%get3A_84, %get3A_85] : memref<8x16xi32, #tpu.memory_space<vmem>>, vector<8x16xi32>
      %broadcast_in_dim3A_87 = vector.shape_cast %get3A_34 : vector<8x1xi32> to vector<8x1xi32>
      %broadcast_in_dim3A_88 = vector.broadcast %broadcast_in_dim3A_87 : vector<8x1xi32> to vector<8x16xi32>
      %sub3A_89 = arith.subi %broadcast_in_dim3A_88, %get3A_86 : vector<8x16xi32>
      %mul3A_90 = arith.muli %sub3A_89, %convert_element_type3A_83 : vector<8x16xi32>
      %add3A_91 = arith.addi %get3A_86, %mul3A_90 : vector<8x16xi32>
      %swap3A_92 = arith.constant 0 : index
      %swap3A_93 = arith.constant 0 : index
      %swap3A_94 = vector.load %arg1[%swap3A_92, %swap3A_93] : memref<8x16xi32, #tpu.memory_space<vmem>>, vector<8x16xi32>
      tpu.vector_store %arg1[%swap3A_92, %swap3A_93], %add3A_91 {strides = array<i32>} : memref<8x16xi32, #tpu.memory_space<vmem>>, vector<8x16xi32>,
    }
    %scan3A_30 = arith.constant 16 : i32
    return
  }
}

module attributes {stable_mosaic.version = 14 : i64} {
  func.func @_ballmask_kernel(%arg0: i32, %arg1: i32, %arg2: memref<1x16x3xf32, #tpu.memory_space<vmem>>, %arg3: memref<1x3x64xf32, #tpu.memory_space<vmem>>, %arg4: memref<1x16x64xf32, #tpu.memory_space<vmem>>) attributes {dimension_semantics = [#tpu.dimension_semantics<arbitrary>, #tpu.dimension_semantics<arbitrary>], iteration_bounds = array<i64: 8, 1>, scalar_prefetch = 0 : i64, scratch_operands = 0 : i64, tpu.core_type = #tpu.core_type<tc>, window_params = [{transform_indices = @transform_0, window_bounds = array<i64: 1, 16, 3>}, {transform_indices = @transform_1, window_bounds = array<i64: 1, 3, 64>}, {transform_indices = @transform_2, window_bounds = array<i64: 1, 16, 64>}]} {
    %get3A = arith.constant 0 : index
    %get3A_0 = arith.constant 0 : index
    %get3A_1 = arith.constant 0 : index
    %get3A_2 = vector.load %arg2[%get3A, %get3A_0, %get3A_1] : memref<1x16x3xf32, #tpu.memory_space<vmem>>, vector<1x16x3xf32>
    %get3A_3 = vector.shape_cast %get3A_2 : vector<1x16x3xf32> to vector<16x3xf32>
    %get3A_4 = arith.constant 0 : index
    %get3A_5 = arith.constant 0 : index
    %get3A_6 = arith.constant 0 : index
    %get3A_7 = vector.load %arg3[%get3A_4, %get3A_5, %get3A_6] : memref<1x3x64xf32, #tpu.memory_space<vmem>>, vector<1x3x64xf32>
    %get3A_8 = vector.shape_cast %get3A_7 : vector<1x3x64xf32> to vector<3x64xf32>
    %slice3A = vector.extract_strided_slice %get3A_3 {offsets = [0, 0], sizes = [16, 1], strides = [1, 1]} : vector<16x3xf32> to vector<16x1xf32>
    %slice3A_9 = vector.extract_strided_slice %get3A_3 {offsets = [0, 1], sizes = [16, 1], strides = [1, 1]} : vector<16x3xf32> to vector<16x1xf32>
    %slice3A_10 = vector.extract_strided_slice %get3A_3 {offsets = [0, 2], sizes = [16, 1], strides = [1, 1]} : vector<16x3xf32> to vector<16x1xf32>
    %slice3A_11 = vector.extract_strided_slice %get3A_8 {offsets = [0, 0], sizes = [1, 64], strides = [1, 1]} : vector<3x64xf32> to vector<1x64xf32>
    %slice3A_12 = vector.extract_strided_slice %get3A_8 {offsets = [1, 0], sizes = [1, 64], strides = [1, 1]} : vector<3x64xf32> to vector<1x64xf32>
    %slice3A_13 = vector.extract_strided_slice %get3A_8 {offsets = [2, 0], sizes = [1, 64], strides = [1, 1]} : vector<3x64xf32> to vector<1x64xf32>
    %sub3A = vector.broadcast %slice3A : vector<16x1xf32> to vector<16x64xf32>
    %sub3A_14 = vector.broadcast %slice3A_11 : vector<1x64xf32> to vector<16x64xf32>
    %sub3A_15 = arith.subf %sub3A, %sub3A_14 : vector<16x64xf32>
    %sub3A_16 = vector.broadcast %slice3A_9 : vector<16x1xf32> to vector<16x64xf32>
    %sub3A_17 = vector.broadcast %slice3A_12 : vector<1x64xf32> to vector<16x64xf32>
    %sub3A_18 = arith.subf %sub3A_16, %sub3A_17 : vector<16x64xf32>
    %sub3A_19 = vector.broadcast %slice3A_10 : vector<16x1xf32> to vector<16x64xf32>
    %sub3A_20 = vector.broadcast %slice3A_13 : vector<1x64xf32> to vector<16x64xf32>
    %sub3A_21 = arith.subf %sub3A_19, %sub3A_20 : vector<16x64xf32>
    %mul3A = arith.mulf %sub3A_15, %sub3A_15 : vector<16x64xf32>
    %mul3A_22 = arith.mulf %sub3A_18, %sub3A_18 : vector<16x64xf32>
    %add3A = arith.addf %mul3A, %mul3A_22 : vector<16x64xf32>
    %mul3A_23 = arith.mulf %sub3A_21, %sub3A_21 : vector<16x64xf32>
    %add3A_24 = arith.addf %add3A, %mul3A_23 : vector<16x64xf32>
    %le3A = arith.constant 6.400000e-01 : f32
    %le3A_25 = vector.broadcast %le3A : f32 to vector<16x64xf32>
    %le3A_26 = arith.cmpf ole, %add3A_24, %le3A_25 : vector<16x64xf32>
    %convert_element_type3A = arith.extui %le3A_26 : vector<16x64xi1> to vector<16x64xi32>
    %convert_element_type3A_27 = arith.sitofp %convert_element_type3A : vector<16x64xi32> to vector<16x64xf32>
    %swap3A = arith.constant 0 : index
    %swap3A_28 = arith.constant 0 : index
    %swap3A_29 = arith.constant 0 : index
    %swap3A_30 = vector.load %arg4[%swap3A, %swap3A_28, %swap3A_29] : memref<1x16x64xf32, #tpu.memory_space<vmem>>, vector<1x16x64xf32>
    %swap3A_31 = vector.shape_cast %swap3A_30 : vector<1x16x64xf32> to vector<16x64xf32>
    %swap3A_32 = vector.shape_cast %convert_element_type3A_27 : vector<16x64xf32> to vector<1x16x64xf32>
    tpu.vector_store %arg4[%swap3A, %swap3A_28, %swap3A_29], %swap3A_32 {strides = array<i32>} : memref<1x16x64xf32, #tpu.memory_space<vmem>>, vector<1x16x64xf32>,
    return
  }
  func.func @transform_0(%arg0: i32, %arg1: i32) -> (i32, i32, i32) {
    %c0_i32 = arith.constant 0 : i32
    %c0_i32_0 = arith.constant 0 : i32
    return %arg0, %arg1, %c0_i32 : i32, i32, i32
  }
  func.func @transform_1(%arg0: i32, %arg1: i32) -> (i32, i32, i32) {
    %c0_i32 = arith.constant 0 : i32
    %c0_i32_0 = arith.constant 0 : i32
    %c0_i32_1 = arith.constant 0 : i32
    return %arg0, %c0_i32, %c0_i32_0 : i32, i32, i32
  }
  func.func @transform_2(%arg0: i32, %arg1: i32) -> (i32, i32, i32) {
    %c0_i32 = arith.constant 0 : i32
    %c0_i32_0 = arith.constant 0 : i32
    return %arg0, %arg1, %c0_i32 : i32, i32, i32
  }
}

module attributes {stable_mosaic.version = 14 : i64} {
  func.func @_top3_kernel(%arg0: i32, %arg1: i32, %arg2: memref<1x64x3xf32, #tpu.memory_space<vmem>>, %arg3: memref<1x16x3xf32, #tpu.memory_space<vmem>>, %arg4: memref<1x64x128xf32, #tpu.memory_space<vmem>>, %arg5: memref<1x64x128xi32, #tpu.memory_space<vmem>>) attributes {dimension_semantics = [#tpu.dimension_semantics<arbitrary>, #tpu.dimension_semantics<arbitrary>], iteration_bounds = array<i64: 8, 1>, scalar_prefetch = 0 : i64, scratch_operands = 0 : i64, tpu.core_type = #tpu.core_type<tc>, window_params = [{transform_indices = @transform_0, window_bounds = array<i64: 1, 64, 3>}, {transform_indices = @transform_1, window_bounds = array<i64: 1, 16, 3>}, {transform_indices = @transform_2, window_bounds = array<i64: 1, 64, 128>}, {transform_indices = @transform_3, window_bounds = array<i64: 1, 64, 128>}]} {
    %get3A = arith.constant 0 : index
    %get3A_0 = arith.constant 0 : index
    %get3A_1 = arith.constant 0 : index
    %get3A_2 = vector.load %arg2[%get3A, %get3A_0, %get3A_1] : memref<1x64x3xf32, #tpu.memory_space<vmem>>, vector<1x64x3xf32>
    %get3A_3 = vector.shape_cast %get3A_2 : vector<1x64x3xf32> to vector<64x3xf32>
    %get3A_4 = arith.constant 0 : index
    %get3A_5 = arith.constant 0 : index
    %get3A_6 = arith.constant 0 : index
    %get3A_7 = vector.load %arg3[%get3A_4, %get3A_5, %get3A_6] : memref<1x16x3xf32, #tpu.memory_space<vmem>>, vector<1x16x3xf32>
    %get3A_8 = vector.shape_cast %get3A_7 : vector<1x16x3xf32> to vector<16x3xf32>
    %slice3A = vector.extract_strided_slice %get3A_3 {offsets = [0, 0], sizes = [64, 1], strides = [1, 1]} : vector<64x3xf32> to vector<64x1xf32>
    %slice3A_9 = vector.extract_strided_slice %get3A_3 {offsets = [0, 1], sizes = [64, 1], strides = [1, 1]} : vector<64x3xf32> to vector<64x1xf32>
    %slice3A_10 = vector.extract_strided_slice %get3A_3 {offsets = [0, 2], sizes = [64, 1], strides = [1, 1]} : vector<64x3xf32> to vector<64x1xf32>
    %slice3A_11 = vector.extract_strided_slice %get3A_8 {offsets = [0, 0], sizes = [16, 1], strides = [1, 1]} : vector<16x3xf32> to vector<16x1xf32>
    %reshape3A = vector.shape_cast %slice3A_11 : vector<16x1xf32> to vector<1x16xf32>
    %slice3A_12 = vector.extract_strided_slice %get3A_8 {offsets = [0, 1], sizes = [16, 1], strides = [1, 1]} : vector<16x3xf32> to vector<16x1xf32>
    %reshape3A_13 = vector.shape_cast %slice3A_12 : vector<16x1xf32> to vector<1x16xf32>
    %slice3A_14 = vector.extract_strided_slice %get3A_8 {offsets = [0, 2], sizes = [16, 1], strides = [1, 1]} : vector<16x3xf32> to vector<16x1xf32>
    %reshape3A_15 = vector.shape_cast %slice3A_14 : vector<16x1xf32> to vector<1x16xf32>
    %sub3A = vector.broadcast %slice3A : vector<64x1xf32> to vector<64x16xf32>
    %sub3A_16 = vector.broadcast %reshape3A : vector<1x16xf32> to vector<64x16xf32>
    %sub3A_17 = arith.subf %sub3A, %sub3A_16 : vector<64x16xf32>
    %sub3A_18 = vector.broadcast %slice3A_9 : vector<64x1xf32> to vector<64x16xf32>
    %sub3A_19 = vector.broadcast %reshape3A_13 : vector<1x16xf32> to vector<64x16xf32>
    %sub3A_20 = arith.subf %sub3A_18, %sub3A_19 : vector<64x16xf32>
    %sub3A_21 = vector.broadcast %slice3A_10 : vector<64x1xf32> to vector<64x16xf32>
    %sub3A_22 = vector.broadcast %reshape3A_15 : vector<1x16xf32> to vector<64x16xf32>
    %sub3A_23 = arith.subf %sub3A_21, %sub3A_22 : vector<64x16xf32>
    %mul3A = arith.mulf %sub3A_17, %sub3A_17 : vector<64x16xf32>
    %mul3A_24 = arith.mulf %sub3A_20, %sub3A_20 : vector<64x16xf32>
    %add3A = arith.addf %mul3A, %mul3A_24 : vector<64x16xf32>
    %mul3A_25 = arith.mulf %sub3A_23, %sub3A_23 : vector<64x16xf32>
    %add3A_26 = arith.addf %add3A, %mul3A_25 : vector<64x16xf32>
    %iota3A = tpu.iota {dimensions = array<i32: 1>} : vector<64x16xi32>
    %iota3A_27 = tpu.iota {dimensions = array<i32: 1>} : vector<64x128xi32>
    %broadcast_in_dim3A = arith.constant 0.000000e+00 : f32
    %broadcast_in_dim3A_28 = vector.broadcast %broadcast_in_dim3A : f32 to vector<64x128xf32>
    %broadcast_in_dim3A_29 = arith.constant 0 : i32
    %broadcast_in_dim3A_30 = vector.broadcast %broadcast_in_dim3A_29 : i32 to vector<64x128xi32>
    %reduce_min3A = arith.constant dense<0x7F800000> : vector<64xf32>
    %reduce_min3A_31 = vector.multi_reduction <minimumf>, %add3A_26, %reduce_min3A [1] : vector<64x16xf32> to vector<64xf32>
    %broadcast_in_dim3A_32 = vector.shape_cast %reduce_min3A_31 : vector<64xf32> to vector<64x1xf32>
    %eq3A = vector.broadcast %broadcast_in_dim3A_32 : vector<64x1xf32> to vector<64x16xf32>
    %eq3A_33 = arith.cmpf oeq, %add3A_26, %eq3A : vector<64x16xf32>
    %convert_element_type3A = arith.extui %eq3A_33 : vector<64x16xi1> to vector<64x16xi32>
    %mul3A_34 = arith.muli %iota3A, %convert_element_type3A : vector<64x16xi32>
    %sub3A_35 = arith.constant 1 : i32
    %sub3A_36 = vector.broadcast %sub3A_35 : i32 to vector<64x16xi32>
    %sub3A_37 = arith.subi %sub3A_36, %convert_element_type3A : vector<64x16xi32>
    %mul3A_38 = arith.constant 16 : i32
    %mul3A_39 = vector.broadcast %mul3A_38 : i32 to vector<64x16xi32>
    %mul3A_40 = arith.muli %mul3A_39, %sub3A_37 : vector<64x16xi32>
    %add3A_41 = arith.addi %mul3A_34, %mul3A_40 : vector<64x16xi32>
    %reduce_min3A_42 = arith.constant dense<2147483647> : vector<64xi32>
    %reduce_min3A_43 = vector.multi_reduction <minsi>, %add3A_41, %reduce_min3A_42 [1] : vector<64x16xi32> to vector<64xi32>
    %broadcast_in_dim3A_44 = vector.shape_cast %reduce_min3A_43 : vector<64xi32> to vector<64x1xi32>
    %eq3A_45 = arith.constant 0 : i32
    %eq3A_46 = vector.broadcast %eq3A_45 : i32 to vector<64x128xi32>
    %eq3A_47 = arith.cmpi eq, %iota3A_27, %eq3A_46 : vector<64x128xi32>
    %convert_element_type3A_48 = arith.extui %eq3A_47 : vector<64x128xi1> to vector<64x128xi32>
    %convert_element_type3A_49 = arith.sitofp %convert_element_type3A_48 : vector<64x128xi32> to vector<64x128xf32>
    %mul3A_50 = vector.broadcast %broadcast_in_dim3A_32 : vector<64x1xf32> to vector<64x128xf32>
    %mul3A_51 = arith.mulf %convert_element_type3A_49, %mul3A_50 : vector<64x128xf32>
    %add3A_52 = arith.addf %broadcast_in_dim3A_28, %mul3A_51 : vector<64x128xf32>
    %eq3A_53 = arith.constant 0 : i32
    %eq3A_54 = vector.broadcast %eq3A_53 : i32 to vector<64x128xi32>
    %eq3A_55 = arith.cmpi eq, %iota3A_27, %eq3A_54 : vector<64x128xi32>
    %convert_element_type3A_56 = arith.extui %eq3A_55 : vector<64x128xi1> to vector<64x128xi32>
    %mul3A_57 = vector.broadcast %broadcast_in_dim3A_44 : vector<64x1xi32> to vector<64x128xi32>
    %mul3A_58 = arith.muli %convert_element_type3A_56, %mul3A_57 : vector<64x128xi32>
    %add3A_59 = arith.addi %broadcast_in_dim3A_30, %mul3A_58 : vector<64x128xi32>
    %eq3A_60 = vector.broadcast %broadcast_in_dim3A_44 : vector<64x1xi32> to vector<64x16xi32>
    %eq3A_61 = arith.cmpi eq, %iota3A, %eq3A_60 : vector<64x16xi32>
    %convert_element_type3A_62 = arith.extui %eq3A_61 : vector<64x16xi1> to vector<64x16xi32>
    %convert_element_type3A_63 = arith.sitofp %convert_element_type3A_62 : vector<64x16xi32> to vector<64x16xf32>
    %mul3A_64 = arith.constant 1.000000e+10 : f32
    %mul3A_65 = vector.broadcast %mul3A_64 : f32 to vector<64x16xf32>
    %mul3A_66 = arith.mulf %convert_element_type3A_63, %mul3A_65 : vector<64x16xf32>
    %add3A_67 = arith.addf %add3A_26, %mul3A_66 : vector<64x16xf32>
    %reduce_min3A_68 = arith.constant dense<0x7F800000> : vector<64xf32>
    %reduce_min3A_69 = vector.multi_reduction <minimumf>, %add3A_67, %reduce_min3A_68 [1] : vector<64x16xf32> to vector<64xf32>
    %broadcast_in_dim3A_70 = vector.shape_cast %reduce_min3A_69 : vector<64xf32> to vector<64x1xf32>
    %eq3A_71 = vector.broadcast %broadcast_in_dim3A_70 : vector<64x1xf32> to vector<64x16xf32>
    %eq3A_72 = arith.cmpf oeq, %add3A_67, %eq3A_71 : vector<64x16xf32>
    %convert_element_type3A_73 = arith.extui %eq3A_72 : vector<64x16xi1> to vector<64x16xi32>
    %mul3A_74 = arith.muli %iota3A, %convert_element_type3A_73 : vector<64x16xi32>
    %sub3A_75 = arith.constant 1 : i32
    %sub3A_76 = vector.broadcast %sub3A_75 : i32 to vector<64x16xi32>
    %sub3A_77 = arith.subi %sub3A_76, %convert_element_type3A_73 : vector<64x16xi32>
    %mul3A_78 = arith.constant 16 : i32
    %mul3A_79 = vector.broadcast %mul3A_78 : i32 to vector<64x16xi32>
    %mul3A_80 = arith.muli %mul3A_79, %sub3A_77 : vector<64x16xi32>
    %add3A_81 = arith.addi %mul3A_74, %mul3A_80 : vector<64x16xi32>
    %reduce_min3A_82 = arith.constant dense<2147483647> : vector<64xi32>
    %reduce_min3A_83 = vector.multi_reduction <minsi>, %add3A_81, %reduce_min3A_82 [1] : vector<64x16xi32> to vector<64xi32>
    %broadcast_in_dim3A_84 = vector.shape_cast %reduce_min3A_83 : vector<64xi32> to vector<64x1xi32>
    %eq3A_85 = arith.constant 1 : i32
    %eq3A_86 = vector.broadcast %eq3A_85 : i32 to vector<64x128xi32>
    %eq3A_87 = arith.cmpi eq, %iota3A_27, %eq3A_86 : vector<64x128xi32>
    %convert_element_type3A_88 = arith.extui %eq3A_87 : vector<64x128xi1> to vector<64x128xi32>
    %convert_element_type3A_89 = arith.sitofp %convert_element_type3A_88 : vector<64x128xi32> to vector<64x128xf32>
    %mul3A_90 = vector.broadcast %broadcast_in_dim3A_70 : vector<64x1xf32> to vector<64x128xf32>
    %mul3A_91 = arith.mulf %convert_element_type3A_89, %mul3A_90 : vector<64x128xf32>
    %add3A_92 = arith.addf %add3A_52, %mul3A_91 : vector<64x128xf32>
    %eq3A_93 = arith.constant 1 : i32
    %eq3A_94 = vector.broadcast %eq3A_93 : i32 to vector<64x128xi32>
    %eq3A_95 = arith.cmpi eq, %iota3A_27, %eq3A_94 : vector<64x128xi32>
    %convert_element_type3A_96 = arith.extui %eq3A_95 : vector<64x128xi1> to vector<64x128xi32>
    %mul3A_97 = vector.broadcast %broadcast_in_dim3A_84 : vector<64x1xi32> to vector<64x128xi32>
    %mul3A_98 = arith.muli %convert_element_type3A_96, %mul3A_97 : vector<64x128xi32>
    %add3A_99 = arith.addi %add3A_59, %mul3A_98 : vector<64x128xi32>
    %eq3A_100 = vector.broadcast %broadcast_in_dim3A_84 : vector<64x1xi32> to vector<64x16xi32>
    %eq3A_101 = arith.cmpi eq, %iota3A, %eq3A_100 : vector<64x16xi32>
    %convert_element_type3A_102 = arith.extui %eq3A_101 : vector<64x16xi1> to vector<64x16xi32>
    %convert_element_type3A_103 = arith.sitofp %convert_element_type3A_102 : vector<64x16xi32> to vector<64x16xf32>
    %mul3A_104 = arith.constant 1.000000e+10 : f32
    %mul3A_105 = vector.broadcast %mul3A_104 : f32 to vector<64x16xf32>
    %mul3A_106 = arith.mulf %convert_element_type3A_103, %mul3A_105 : vector<64x16xf32>
    %add3A_107 = arith.addf %add3A_67, %mul3A_106 : vector<64x16xf32>
    %reduce_min3A_108 = arith.constant dense<0x7F800000> : vector<64xf32>
    %reduce_min3A_109 = vector.multi_reduction <minimumf>, %add3A_107, %reduce_min3A_108 [1] : vector<64x16xf32> to vector<64xf32>
    %broadcast_in_dim3A_110 = vector.shape_cast %reduce_min3A_109 : vector<64xf32> to vector<64x1xf32>
    %eq3A_111 = vector.broadcast %broadcast_in_dim3A_110 : vector<64x1xf32> to vector<64x16xf32>
    %eq3A_112 = arith.cmpf oeq, %add3A_107, %eq3A_111 : vector<64x16xf32>
    %convert_element_type3A_113 = arith.extui %eq3A_112 : vector<64x16xi1> to vector<64x16xi32>
    %mul3A_114 = arith.muli %iota3A, %convert_element_type3A_113 : vector<64x16xi32>
    %sub3A_115 = arith.constant 1 : i32
    %sub3A_116 = vector.broadcast %sub3A_115 : i32 to vector<64x16xi32>
    %sub3A_117 = arith.subi %sub3A_116, %convert_element_type3A_113 : vector<64x16xi32>
    %mul3A_118 = arith.constant 16 : i32
    %mul3A_119 = vector.broadcast %mul3A_118 : i32 to vector<64x16xi32>
    %mul3A_120 = arith.muli %mul3A_119, %sub3A_117 : vector<64x16xi32>
    %add3A_121 = arith.addi %mul3A_114, %mul3A_120 : vector<64x16xi32>
    %reduce_min3A_122 = arith.constant dense<2147483647> : vector<64xi32>
    %reduce_min3A_123 = vector.multi_reduction <minsi>, %add3A_121, %reduce_min3A_122 [1] : vector<64x16xi32> to vector<64xi32>
    %broadcast_in_dim3A_124 = vector.shape_cast %reduce_min3A_123 : vector<64xi32> to vector<64x1xi32>
    %eq3A_125 = arith.constant 2 : i32
    %eq3A_126 = vector.broadcast %eq3A_125 : i32 to vector<64x128xi32>
    %eq3A_127 = arith.cmpi eq, %iota3A_27, %eq3A_126 : vector<64x128xi32>
    %convert_element_type3A_128 = arith.extui %eq3A_127 : vector<64x128xi1> to vector<64x128xi32>
    %convert_element_type3A_129 = arith.sitofp %convert_element_type3A_128 : vector<64x128xi32> to vector<64x128xf32>
    %mul3A_130 = vector.broadcast %broadcast_in_dim3A_110 : vector<64x1xf32> to vector<64x128xf32>
    %mul3A_131 = arith.mulf %convert_element_type3A_129, %mul3A_130 : vector<64x128xf32>
    %add3A_132 = arith.addf %add3A_92, %mul3A_131 : vector<64x128xf32>
    %eq3A_133 = arith.constant 2 : i32
    %eq3A_134 = vector.broadcast %eq3A_133 : i32 to vector<64x128xi32>
    %eq3A_135 = arith.cmpi eq, %iota3A_27, %eq3A_134 : vector<64x128xi32>
    %convert_element_type3A_136 = arith.extui %eq3A_135 : vector<64x128xi1> to vector<64x128xi32>
    %mul3A_137 = vector.broadcast %broadcast_in_dim3A_124 : vector<64x1xi32> to vector<64x128xi32>
    %mul3A_138 = arith.muli %convert_element_type3A_136, %mul3A_137 : vector<64x128xi32>
    %add3A_139 = arith.addi %add3A_99, %mul3A_138 : vector<64x128xi32>
    %swap3A = arith.constant 0 : index
    %swap3A_140 = arith.constant 0 : index
    %swap3A_141 = arith.constant 0 : index
    %swap3A_142 = vector.load %arg4[%swap3A, %swap3A_140, %swap3A_141] : memref<1x64x128xf32, #tpu.memory_space<vmem>>, vector<1x64x128xf32>
    %swap3A_143 = vector.shape_cast %swap3A_142 : vector<1x64x128xf32> to vector<64x128xf32>
    %swap3A_144 = vector.shape_cast %add3A_132 : vector<64x128xf32> to vector<1x64x128xf32>
    tpu.vector_store %arg4[%swap3A, %swap3A_140, %swap3A_141], %swap3A_144 {strides = array<i32>} : memref<1x64x128xf32, #tpu.memory_space<vmem>>, vector<1x64x128xf32>,
    %swap3A_145 = arith.constant 0 : index
    %swap3A_146 = arith.constant 0 : index
    %swap3A_147 = arith.constant 0 : index
    %swap3A_148 = vector.load %arg5[%swap3A_145, %swap3A_146, %swap3A_147] : memref<1x64x128xi32, #tpu.memory_space<vmem>>, vector<1x64x128xi32>
    %swap3A_149 = vector.shape_cast %swap3A_148 : vector<1x64x128xi32> to vector<64x128xi32>
    %swap3A_150 = vector.shape_cast %add3A_139 : vector<64x128xi32> to vector<1x64x128xi32>
    tpu.vector_store %arg5[%swap3A_145, %swap3A_146, %swap3A_147], %swap3A_150 {strides = array<i32>} : memref<1x64x128xi32, #tpu.memory_space<vmem>>, vector<1x64x128xi32>,
    return
  }
  func.func @transform_0(%arg0: i32, %arg1: i32) -> (i32, i32, i32) {
    %c0_i32 = arith.constant 0 : i32
    %c0_i32_0 = arith.constant 0 : i32
    return %arg0, %arg1, %c0_i32 : i32, i32, i32
  }
  func.func @transform_1(%arg0: i32, %arg1: i32) -> (i32, i32, i32) {
    %c0_i32 = arith.constant 0 : i32
    %c0_i32_0 = arith.constant 0 : i32
    %c0_i32_1 = arith.constant 0 : i32
    return %arg0, %c0_i32, %c0_i32_0 : i32, i32, i32
  }
  func.func @transform_2(%arg0: i32, %arg1: i32) -> (i32, i32, i32) {
    %c0_i32 = arith.constant 0 : i32
    %c0_i32_0 = arith.constant 0 : i32
    return %arg0, %arg1, %c0_i32 : i32, i32, i32
  }
  func.func @transform_3(%arg0: i32, %arg1: i32) -> (i32, i32, i32) {
    %c0_i32 = arith.constant 0 : i32
    %c0_i32_0 = arith.constant 0 : i32
    return %arg0, %arg1, %c0_i32 : i32, i32, i32
  }
}

module attributes {stable_mosaic.version = 14 : i64} {
  func.func @_top3_kernel(%arg0: i32, %arg1: i32, %arg2: memref<1x256x3xf32, #tpu.memory_space<vmem>>, %arg3: memref<1x64x3xf32, #tpu.memory_space<vmem>>, %arg4: memref<1x256x128xf32, #tpu.memory_space<vmem>>, %arg5: memref<1x256x128xi32, #tpu.memory_space<vmem>>) attributes {dimension_semantics = [#tpu.dimension_semantics<arbitrary>, #tpu.dimension_semantics<arbitrary>], iteration_bounds = array<i64: 8, 1>, scalar_prefetch = 0 : i64, scratch_operands = 0 : i64, tpu.core_type = #tpu.core_type<tc>, window_params = [{transform_indices = @transform_0, window_bounds = array<i64: 1, 256, 3>}, {transform_indices = @transform_1, window_bounds = array<i64: 1, 64, 3>}, {transform_indices = @transform_2, window_bounds = array<i64: 1, 256, 128>}, {transform_indices = @transform_3, window_bounds = array<i64: 1, 256, 128>}]} {
    %get3A = arith.constant 0 : index
    %get3A_0 = arith.constant 0 : index
    %get3A_1 = arith.constant 0 : index
    %get3A_2 = vector.load %arg2[%get3A, %get3A_0, %get3A_1] : memref<1x256x3xf32, #tpu.memory_space<vmem>>, vector<1x256x3xf32>
    %get3A_3 = vector.shape_cast %get3A_2 : vector<1x256x3xf32> to vector<256x3xf32>
    %get3A_4 = arith.constant 0 : index
    %get3A_5 = arith.constant 0 : index
    %get3A_6 = arith.constant 0 : index
    %get3A_7 = vector.load %arg3[%get3A_4, %get3A_5, %get3A_6] : memref<1x64x3xf32, #tpu.memory_space<vmem>>, vector<1x64x3xf32>
    %get3A_8 = vector.shape_cast %get3A_7 : vector<1x64x3xf32> to vector<64x3xf32>
    %slice3A = vector.extract_strided_slice %get3A_3 {offsets = [0, 0], sizes = [256, 1], strides = [1, 1]} : vector<256x3xf32> to vector<256x1xf32>
    %slice3A_9 = vector.extract_strided_slice %get3A_3 {offsets = [0, 1], sizes = [256, 1], strides = [1, 1]} : vector<256x3xf32> to vector<256x1xf32>
    %slice3A_10 = vector.extract_strided_slice %get3A_3 {offsets = [0, 2], sizes = [256, 1], strides = [1, 1]} : vector<256x3xf32> to vector<256x1xf32>
    %slice3A_11 = vector.extract_strided_slice %get3A_8 {offsets = [0, 0], sizes = [64, 1], strides = [1, 1]} : vector<64x3xf32> to vector<64x1xf32>
    %reshape3A = vector.shape_cast %slice3A_11 : vector<64x1xf32> to vector<1x64xf32>
    %slice3A_12 = vector.extract_strided_slice %get3A_8 {offsets = [0, 1], sizes = [64, 1], strides = [1, 1]} : vector<64x3xf32> to vector<64x1xf32>
    %reshape3A_13 = vector.shape_cast %slice3A_12 : vector<64x1xf32> to vector<1x64xf32>
    %slice3A_14 = vector.extract_strided_slice %get3A_8 {offsets = [0, 2], sizes = [64, 1], strides = [1, 1]} : vector<64x3xf32> to vector<64x1xf32>
    %reshape3A_15 = vector.shape_cast %slice3A_14 : vector<64x1xf32> to vector<1x64xf32>
    %sub3A = vector.broadcast %slice3A : vector<256x1xf32> to vector<256x64xf32>
    %sub3A_16 = vector.broadcast %reshape3A : vector<1x64xf32> to vector<256x64xf32>
    %sub3A_17 = arith.subf %sub3A, %sub3A_16 : vector<256x64xf32>
    %sub3A_18 = vector.broadcast %slice3A_9 : vector<256x1xf32> to vector<256x64xf32>
    %sub3A_19 = vector.broadcast %reshape3A_13 : vector<1x64xf32> to vector<256x64xf32>
    %sub3A_20 = arith.subf %sub3A_18, %sub3A_19 : vector<256x64xf32>
    %sub3A_21 = vector.broadcast %slice3A_10 : vector<256x1xf32> to vector<256x64xf32>
    %sub3A_22 = vector.broadcast %reshape3A_15 : vector<1x64xf32> to vector<256x64xf32>
    %sub3A_23 = arith.subf %sub3A_21, %sub3A_22 : vector<256x64xf32>
    %mul3A = arith.mulf %sub3A_17, %sub3A_17 : vector<256x64xf32>
    %mul3A_24 = arith.mulf %sub3A_20, %sub3A_20 : vector<256x64xf32>
    %add3A = arith.addf %mul3A, %mul3A_24 : vector<256x64xf32>
    %mul3A_25 = arith.mulf %sub3A_23, %sub3A_23 : vector<256x64xf32>
    %add3A_26 = arith.addf %add3A, %mul3A_25 : vector<256x64xf32>
    %iota3A = tpu.iota {dimensions = array<i32: 1>} : vector<256x64xi32>
    %iota3A_27 = tpu.iota {dimensions = array<i32: 1>} : vector<256x128xi32>
    %broadcast_in_dim3A = arith.constant 0.000000e+00 : f32
    %broadcast_in_dim3A_28 = vector.broadcast %broadcast_in_dim3A : f32 to vector<256x128xf32>
    %broadcast_in_dim3A_29 = arith.constant 0 : i32
    %broadcast_in_dim3A_30 = vector.broadcast %broadcast_in_dim3A_29 : i32 to vector<256x128xi32>
    %reduce_min3A = arith.constant dense<0x7F800000> : vector<256xf32>
    %reduce_min3A_31 = vector.multi_reduction <minimumf>, %add3A_26, %reduce_min3A [1] : vector<256x64xf32> to vector<256xf32>
    %broadcast_in_dim3A_32 = vector.shape_cast %reduce_min3A_31 : vector<256xf32> to vector<256x1xf32>
    %eq3A = vector.broadcast %broadcast_in_dim3A_32 : vector<256x1xf32> to vector<256x64xf32>
    %eq3A_33 = arith.cmpf oeq, %add3A_26, %eq3A : vector<256x64xf32>
    %convert_element_type3A = arith.extui %eq3A_33 : vector<256x64xi1> to vector<256x64xi32>
    %mul3A_34 = arith.muli %iota3A, %convert_element_type3A : vector<256x64xi32>
    %sub3A_35 = arith.constant 1 : i32
    %sub3A_36 = vector.broadcast %sub3A_35 : i32 to vector<256x64xi32>
    %sub3A_37 = arith.subi %sub3A_36, %convert_element_type3A : vector<256x64xi32>
    %mul3A_38 = arith.constant 64 : i32
    %mul3A_39 = vector.broadcast %mul3A_38 : i32 to vector<256x64xi32>
    %mul3A_40 = arith.muli %mul3A_39, %sub3A_37 : vector<256x64xi32>
    %add3A_41 = arith.addi %mul3A_34, %mul3A_40 : vector<256x64xi32>
    %reduce_min3A_42 = arith.constant dense<2147483647> : vector<256xi32>
    %reduce_min3A_43 = vector.multi_reduction <minsi>, %add3A_41, %reduce_min3A_42 [1] : vector<256x64xi32> to vector<256xi32>
    %broadcast_in_dim3A_44 = vector.shape_cast %reduce_min3A_43 : vector<256xi32> to vector<256x1xi32>
    %eq3A_45 = arith.constant 0 : i32
    %eq3A_46 = vector.broadcast %eq3A_45 : i32 to vector<256x128xi32>
    %eq3A_47 = arith.cmpi eq, %iota3A_27, %eq3A_46 : vector<256x128xi32>
    %convert_element_type3A_48 = arith.extui %eq3A_47 : vector<256x128xi1> to vector<256x128xi32>
    %convert_element_type3A_49 = arith.sitofp %convert_element_type3A_48 : vector<256x128xi32> to vector<256x128xf32>
    %mul3A_50 = vector.broadcast %broadcast_in_dim3A_32 : vector<256x1xf32> to vector<256x128xf32>
    %mul3A_51 = arith.mulf %convert_element_type3A_49, %mul3A_50 : vector<256x128xf32>
    %add3A_52 = arith.addf %broadcast_in_dim3A_28, %mul3A_51 : vector<256x128xf32>
    %eq3A_53 = arith.constant 0 : i32
    %eq3A_54 = vector.broadcast %eq3A_53 : i32 to vector<256x128xi32>
    %eq3A_55 = arith.cmpi eq, %iota3A_27, %eq3A_54 : vector<256x128xi32>
    %convert_element_type3A_56 = arith.extui %eq3A_55 : vector<256x128xi1> to vector<256x128xi32>
    %mul3A_57 = vector.broadcast %broadcast_in_dim3A_44 : vector<256x1xi32> to vector<256x128xi32>
    %mul3A_58 = arith.muli %convert_element_type3A_56, %mul3A_57 : vector<256x128xi32>
    %add3A_59 = arith.addi %broadcast_in_dim3A_30, %mul3A_58 : vector<256x128xi32>
    %eq3A_60 = vector.broadcast %broadcast_in_dim3A_44 : vector<256x1xi32> to vector<256x64xi32>
    %eq3A_61 = arith.cmpi eq, %iota3A, %eq3A_60 : vector<256x64xi32>
    %convert_element_type3A_62 = arith.extui %eq3A_61 : vector<256x64xi1> to vector<256x64xi32>
    %convert_element_type3A_63 = arith.sitofp %convert_element_type3A_62 : vector<256x64xi32> to vector<256x64xf32>
    %mul3A_64 = arith.constant 1.000000e+10 : f32
    %mul3A_65 = vector.broadcast %mul3A_64 : f32 to vector<256x64xf32>
    %mul3A_66 = arith.mulf %convert_element_type3A_63, %mul3A_65 : vector<256x64xf32>
    %add3A_67 = arith.addf %add3A_26, %mul3A_66 : vector<256x64xf32>
    %reduce_min3A_68 = arith.constant dense<0x7F800000> : vector<256xf32>
    %reduce_min3A_69 = vector.multi_reduction <minimumf>, %add3A_67, %reduce_min3A_68 [1] : vector<256x64xf32> to vector<256xf32>
    %broadcast_in_dim3A_70 = vector.shape_cast %reduce_min3A_69 : vector<256xf32> to vector<256x1xf32>
    %eq3A_71 = vector.broadcast %broadcast_in_dim3A_70 : vector<256x1xf32> to vector<256x64xf32>
    %eq3A_72 = arith.cmpf oeq, %add3A_67, %eq3A_71 : vector<256x64xf32>
    %convert_element_type3A_73 = arith.extui %eq3A_72 : vector<256x64xi1> to vector<256x64xi32>
    %mul3A_74 = arith.muli %iota3A, %convert_element_type3A_73 : vector<256x64xi32>
    %sub3A_75 = arith.constant 1 : i32
    %sub3A_76 = vector.broadcast %sub3A_75 : i32 to vector<256x64xi32>
    %sub3A_77 = arith.subi %sub3A_76, %convert_element_type3A_73 : vector<256x64xi32>
    %mul3A_78 = arith.constant 64 : i32
    %mul3A_79 = vector.broadcast %mul3A_78 : i32 to vector<256x64xi32>
    %mul3A_80 = arith.muli %mul3A_79, %sub3A_77 : vector<256x64xi32>
    %add3A_81 = arith.addi %mul3A_74, %mul3A_80 : vector<256x64xi32>
    %reduce_min3A_82 = arith.constant dense<2147483647> : vector<256xi32>
    %reduce_min3A_83 = vector.multi_reduction <minsi>, %add3A_81, %reduce_min3A_82 [1] : vector<256x64xi32> to vector<256xi32>
    %broadcast_in_dim3A_84 = vector.shape_cast %reduce_min3A_83 : vector<256xi32> to vector<256x1xi32>
    %eq3A_85 = arith.constant 1 : i32
    %eq3A_86 = vector.broadcast %eq3A_85 : i32 to vector<256x128xi32>
    %eq3A_87 = arith.cmpi eq, %iota3A_27, %eq3A_86 : vector<256x128xi32>
    %convert_element_type3A_88 = arith.extui %eq3A_87 : vector<256x128xi1> to vector<256x128xi32>
    %convert_element_type3A_89 = arith.sitofp %convert_element_type3A_88 : vector<256x128xi32> to vector<256x128xf32>
    %mul3A_90 = vector.broadcast %broadcast_in_dim3A_70 : vector<256x1xf32> to vector<256x128xf32>
    %mul3A_91 = arith.mulf %convert_element_type3A_89, %mul3A_90 : vector<256x128xf32>
    %add3A_92 = arith.addf %add3A_52, %mul3A_91 : vector<256x128xf32>
    %eq3A_93 = arith.constant 1 : i32
    %eq3A_94 = vector.broadcast %eq3A_93 : i32 to vector<256x128xi32>
    %eq3A_95 = arith.cmpi eq, %iota3A_27, %eq3A_94 : vector<256x128xi32>
    %convert_element_type3A_96 = arith.extui %eq3A_95 : vector<256x128xi1> to vector<256x128xi32>
    %mul3A_97 = vector.broadcast %broadcast_in_dim3A_84 : vector<256x1xi32> to vector<256x128xi32>
    %mul3A_98 = arith.muli %convert_element_type3A_96, %mul3A_97 : vector<256x128xi32>
    %add3A_99 = arith.addi %add3A_59, %mul3A_98 : vector<256x128xi32>
    %eq3A_100 = vector.broadcast %broadcast_in_dim3A_84 : vector<256x1xi32> to vector<256x64xi32>
    %eq3A_101 = arith.cmpi eq, %iota3A, %eq3A_100 : vector<256x64xi32>
    %convert_element_type3A_102 = arith.extui %eq3A_101 : vector<256x64xi1> to vector<256x64xi32>
    %convert_element_type3A_103 = arith.sitofp %convert_element_type3A_102 : vector<256x64xi32> to vector<256x64xf32>
    %mul3A_104 = arith.constant 1.000000e+10 : f32
    %mul3A_105 = vector.broadcast %mul3A_104 : f32 to vector<256x64xf32>
    %mul3A_106 = arith.mulf %convert_element_type3A_103, %mul3A_105 : vector<256x64xf32>
    %add3A_107 = arith.addf %add3A_67, %mul3A_106 : vector<256x64xf32>
    %reduce_min3A_108 = arith.constant dense<0x7F800000> : vector<256xf32>
    %reduce_min3A_109 = vector.multi_reduction <minimumf>, %add3A_107, %reduce_min3A_108 [1] : vector<256x64xf32> to vector<256xf32>
    %broadcast_in_dim3A_110 = vector.shape_cast %reduce_min3A_109 : vector<256xf32> to vector<256x1xf32>
    %eq3A_111 = vector.broadcast %broadcast_in_dim3A_110 : vector<256x1xf32> to vector<256x64xf32>
    %eq3A_112 = arith.cmpf oeq, %add3A_107, %eq3A_111 : vector<256x64xf32>
    %convert_element_type3A_113 = arith.extui %eq3A_112 : vector<256x64xi1> to vector<256x64xi32>
    %mul3A_114 = arith.muli %iota3A, %convert_element_type3A_113 : vector<256x64xi32>
    %sub3A_115 = arith.constant 1 : i32
    %sub3A_116 = vector.broadcast %sub3A_115 : i32 to vector<256x64xi32>
    %sub3A_117 = arith.subi %sub3A_116, %convert_element_type3A_113 : vector<256x64xi32>
    %mul3A_118 = arith.constant 64 : i32
    %mul3A_119 = vector.broadcast %mul3A_118 : i32 to vector<256x64xi32>
    %mul3A_120 = arith.muli %mul3A_119, %sub3A_117 : vector<256x64xi32>
    %add3A_121 = arith.addi %mul3A_114, %mul3A_120 : vector<256x64xi32>
    %reduce_min3A_122 = arith.constant dense<2147483647> : vector<256xi32>
    %reduce_min3A_123 = vector.multi_reduction <minsi>, %add3A_121, %reduce_min3A_122 [1] : vector<256x64xi32> to vector<256xi32>
    %broadcast_in_dim3A_124 = vector.shape_cast %reduce_min3A_123 : vector<256xi32> to vector<256x1xi32>
    %eq3A_125 = arith.constant 2 : i32
    %eq3A_126 = vector.broadcast %eq3A_125 : i32 to vector<256x128xi32>
    %eq3A_127 = arith.cmpi eq, %iota3A_27, %eq3A_126 : vector<256x128xi32>
    %convert_element_type3A_128 = arith.extui %eq3A_127 : vector<256x128xi1> to vector<256x128xi32>
    %convert_element_type3A_129 = arith.sitofp %convert_element_type3A_128 : vector<256x128xi32> to vector<256x128xf32>
    %mul3A_130 = vector.broadcast %broadcast_in_dim3A_110 : vector<256x1xf32> to vector<256x128xf32>
    %mul3A_131 = arith.mulf %convert_element_type3A_129, %mul3A_130 : vector<256x128xf32>
    %add3A_132 = arith.addf %add3A_92, %mul3A_131 : vector<256x128xf32>
    %eq3A_133 = arith.constant 2 : i32
    %eq3A_134 = vector.broadcast %eq3A_133 : i32 to vector<256x128xi32>
    %eq3A_135 = arith.cmpi eq, %iota3A_27, %eq3A_134 : vector<256x128xi32>
    %convert_element_type3A_136 = arith.extui %eq3A_135 : vector<256x128xi1> to vector<256x128xi32>
    %mul3A_137 = vector.broadcast %broadcast_in_dim3A_124 : vector<256x1xi32> to vector<256x128xi32>
    %mul3A_138 = arith.muli %convert_element_type3A_136, %mul3A_137 : vector<256x128xi32>
    %add3A_139 = arith.addi %add3A_99, %mul3A_138 : vector<256x128xi32>
    %swap3A = arith.constant 0 : index
    %swap3A_140 = arith.constant 0 : index
    %swap3A_141 = arith.constant 0 : index
    %swap3A_142 = vector.load %arg4[%swap3A, %swap3A_140, %swap3A_141] : memref<1x256x128xf32, #tpu.memory_space<vmem>>, vector<1x256x128xf32>
    %swap3A_143 = vector.shape_cast %swap3A_142 : vector<1x256x128xf32> to vector<256x128xf32>
    %swap3A_144 = vector.shape_cast %add3A_132 : vector<256x128xf32> to vector<1x256x128xf32>
    tpu.vector_store %arg4[%swap3A, %swap3A_140, %swap3A_141], %swap3A_144 {strides = array<i32>} : memref<1x256x128xf32, #tpu.memory_space<vmem>>, vector<1x256x128xf32>,
    %swap3A_145 = arith.constant 0 : index
    %swap3A_146 = arith.constant 0 : index
    %swap3A_147 = arith.constant 0 : index
    %swap3A_148 = vector.load %arg5[%swap3A_145, %swap3A_146, %swap3A_147] : memref<1x256x128xi32, #tpu.memory_space<vmem>>, vector<1x256x128xi32>
    %swap3A_149 = vector.shape_cast %swap3A_148 : vector<1x256x128xi32> to vector<256x128xi32>
    %swap3A_150 = vector.shape_cast %add3A_139 : vector<256x128xi32> to vector<1x256x128xi32>
    tpu.vector_store %arg5[%swap3A_145, %swap3A_146, %swap3A_147], %swap3A_150 {strides = array<i32>} : memref<1x256x128xi32, #tpu.memory_space<vmem>>, vector<1x256x128xi32>,
    return
  }
  func.func @transform_0(%arg0: i32, %arg1: i32) -> (i32, i32, i32) {
    %c0_i32 = arith.constant 0 : i32
    %c0_i32_0 = arith.constant 0 : i32
    return %arg0, %arg1, %c0_i32 : i32, i32, i32
  }
  func.func @transform_1(%arg0: i32, %arg1: i32) -> (i32, i32, i32) {
    %c0_i32 = arith.constant 0 : i32
    %c0_i32_0 = arith.constant 0 : i32
    %c0_i32_1 = arith.constant 0 : i32
    return %arg0, %c0_i32, %c0_i32_0 : i32, i32, i32
  }
  func.func @transform_2(%arg0: i32, %arg1: i32) -> (i32, i32, i32) {
    %c0_i32 = arith.constant 0 : i32
    %c0_i32_0 = arith.constant 0 : i32
    return %arg0, %arg1, %c0_i32 : i32, i32, i32
  }
  func.func @transform_3(%arg0: i32, %arg1: i32) -> (i32, i32, i32) {
    %c0_i32 = arith.constant 0 : i32
    %c0_i32_0 = arith.constant 0 : i32
    return %arg0, %arg1, %c0_i32 : i32, i32, i32
  }
}

module attributes {stable_mosaic.version = 14 : i64} {
  func.func @_top3_kernel(%arg0: i32, %arg1: i32, %arg2: memref<1x256x3xf32, #tpu.memory_space<vmem>>, %arg3: memref<1x256x3xf32, #tpu.memory_space<vmem>>, %arg4: memref<1x256x128xf32, #tpu.memory_space<vmem>>, %arg5: memref<1x256x128xi32, #tpu.memory_space<vmem>>) attributes {dimension_semantics = [#tpu.dimension_semantics<arbitrary>, #tpu.dimension_semantics<arbitrary>], iteration_bounds = array<i64: 8, 4>, scalar_prefetch = 0 : i64, scratch_operands = 0 : i64, tpu.core_type = #tpu.core_type<tc>, window_params = [{transform_indices = @transform_0, window_bounds = array<i64: 1, 256, 3>}, {transform_indices = @transform_1, window_bounds = array<i64: 1, 256, 3>}, {transform_indices = @transform_2, window_bounds = array<i64: 1, 256, 128>}, {transform_indices = @transform_3, window_bounds = array<i64: 1, 256, 128>}]} {
    %get3A = arith.constant 0 : index
    %get3A_0 = arith.constant 0 : index
    %get3A_1 = arith.constant 0 : index
    %get3A_2 = vector.load %arg2[%get3A, %get3A_0, %get3A_1] : memref<1x256x3xf32, #tpu.memory_space<vmem>>, vector<1x256x3xf32>
    %get3A_3 = vector.shape_cast %get3A_2 : vector<1x256x3xf32> to vector<256x3xf32>
    %get3A_4 = arith.constant 0 : index
    %get3A_5 = arith.constant 0 : index
    %get3A_6 = arith.constant 0 : index
    %get3A_7 = vector.load %arg3[%get3A_4, %get3A_5, %get3A_6] : memref<1x256x3xf32, #tpu.memory_space<vmem>>, vector<1x256x3xf32>
    %get3A_8 = vector.shape_cast %get3A_7 : vector<1x256x3xf32> to vector<256x3xf32>
    %slice3A = vector.extract_strided_slice %get3A_3 {offsets = [0, 0], sizes = [256, 1], strides = [1, 1]} : vector<256x3xf32> to vector<256x1xf32>
    %slice3A_9 = vector.extract_strided_slice %get3A_3 {offsets = [0, 1], sizes = [256, 1], strides = [1, 1]} : vector<256x3xf32> to vector<256x1xf32>
    %slice3A_10 = vector.extract_strided_slice %get3A_3 {offsets = [0, 2], sizes = [256, 1], strides = [1, 1]} : vector<256x3xf32> to vector<256x1xf32>
    %slice3A_11 = vector.extract_strided_slice %get3A_8 {offsets = [0, 0], sizes = [256, 1], strides = [1, 1]} : vector<256x3xf32> to vector<256x1xf32>
    %reshape3A = vector.shape_cast %slice3A_11 : vector<256x1xf32> to vector<1x256xf32>
    %slice3A_12 = vector.extract_strided_slice %get3A_8 {offsets = [0, 1], sizes = [256, 1], strides = [1, 1]} : vector<256x3xf32> to vector<256x1xf32>
    %reshape3A_13 = vector.shape_cast %slice3A_12 : vector<256x1xf32> to vector<1x256xf32>
    %slice3A_14 = vector.extract_strided_slice %get3A_8 {offsets = [0, 2], sizes = [256, 1], strides = [1, 1]} : vector<256x3xf32> to vector<256x1xf32>
    %reshape3A_15 = vector.shape_cast %slice3A_14 : vector<256x1xf32> to vector<1x256xf32>
    %sub3A = vector.broadcast %slice3A : vector<256x1xf32> to vector<256x256xf32>
    %sub3A_16 = vector.broadcast %reshape3A : vector<1x256xf32> to vector<256x256xf32>
    %sub3A_17 = arith.subf %sub3A, %sub3A_16 : vector<256x256xf32>
    %sub3A_18 = vector.broadcast %slice3A_9 : vector<256x1xf32> to vector<256x256xf32>
    %sub3A_19 = vector.broadcast %reshape3A_13 : vector<1x256xf32> to vector<256x256xf32>
    %sub3A_20 = arith.subf %sub3A_18, %sub3A_19 : vector<256x256xf32>
    %sub3A_21 = vector.broadcast %slice3A_10 : vector<256x1xf32> to vector<256x256xf32>
    %sub3A_22 = vector.broadcast %reshape3A_15 : vector<1x256xf32> to vector<256x256xf32>
    %sub3A_23 = arith.subf %sub3A_21, %sub3A_22 : vector<256x256xf32>
    %mul3A = arith.mulf %sub3A_17, %sub3A_17 : vector<256x256xf32>
    %mul3A_24 = arith.mulf %sub3A_20, %sub3A_20 : vector<256x256xf32>
    %add3A = arith.addf %mul3A, %mul3A_24 : vector<256x256xf32>
    %mul3A_25 = arith.mulf %sub3A_23, %sub3A_23 : vector<256x256xf32>
    %add3A_26 = arith.addf %add3A, %mul3A_25 : vector<256x256xf32>
    %iota3A = tpu.iota {dimensions = array<i32: 1>} : vector<256x256xi32>
    %iota3A_27 = tpu.iota {dimensions = array<i32: 1>} : vector<256x128xi32>
    %broadcast_in_dim3A = arith.constant 0.000000e+00 : f32
    %broadcast_in_dim3A_28 = vector.broadcast %broadcast_in_dim3A : f32 to vector<256x128xf32>
    %broadcast_in_dim3A_29 = arith.constant 0 : i32
    %broadcast_in_dim3A_30 = vector.broadcast %broadcast_in_dim3A_29 : i32 to vector<256x128xi32>
    %reduce_min3A = arith.constant dense<0x7F800000> : vector<256xf32>
    %reduce_min3A_31 = vector.multi_reduction <minimumf>, %add3A_26, %reduce_min3A [1] : vector<256x256xf32> to vector<256xf32>
    %broadcast_in_dim3A_32 = vector.shape_cast %reduce_min3A_31 : vector<256xf32> to vector<256x1xf32>
    %eq3A = vector.broadcast %broadcast_in_dim3A_32 : vector<256x1xf32> to vector<256x256xf32>
    %eq3A_33 = arith.cmpf oeq, %add3A_26, %eq3A : vector<256x256xf32>
    %convert_element_type3A = arith.extui %eq3A_33 : vector<256x256xi1> to vector<256x256xi32>
    %mul3A_34 = arith.muli %iota3A, %convert_element_type3A : vector<256x256xi32>
    %sub3A_35 = arith.constant 1 : i32
    %sub3A_36 = vector.broadcast %sub3A_35 : i32 to vector<256x256xi32>
    %sub3A_37 = arith.subi %sub3A_36, %convert_element_type3A : vector<256x256xi32>
    %mul3A_38 = arith.constant 256 : i32
    %mul3A_39 = vector.broadcast %mul3A_38 : i32 to vector<256x256xi32>
    %mul3A_40 = arith.muli %mul3A_39, %sub3A_37 : vector<256x256xi32>
    %add3A_41 = arith.addi %mul3A_34, %mul3A_40 : vector<256x256xi32>
    %reduce_min3A_42 = arith.constant dense<2147483647> : vector<256xi32>
    %reduce_min3A_43 = vector.multi_reduction <minsi>, %add3A_41, %reduce_min3A_42 [1] : vector<256x256xi32> to vector<256xi32>
    %broadcast_in_dim3A_44 = vector.shape_cast %reduce_min3A_43 : vector<256xi32> to vector<256x1xi32>
    %eq3A_45 = arith.constant 0 : i32
    %eq3A_46 = vector.broadcast %eq3A_45 : i32 to vector<256x128xi32>
    %eq3A_47 = arith.cmpi eq, %iota3A_27, %eq3A_46 : vector<256x128xi32>
    %convert_element_type3A_48 = arith.extui %eq3A_47 : vector<256x128xi1> to vector<256x128xi32>
    %convert_element_type3A_49 = arith.sitofp %convert_element_type3A_48 : vector<256x128xi32> to vector<256x128xf32>
    %mul3A_50 = vector.broadcast %broadcast_in_dim3A_32 : vector<256x1xf32> to vector<256x128xf32>
    %mul3A_51 = arith.mulf %convert_element_type3A_49, %mul3A_50 : vector<256x128xf32>
    %add3A_52 = arith.addf %broadcast_in_dim3A_28, %mul3A_51 : vector<256x128xf32>
    %eq3A_53 = arith.constant 0 : i32
    %eq3A_54 = vector.broadcast %eq3A_53 : i32 to vector<256x128xi32>
    %eq3A_55 = arith.cmpi eq, %iota3A_27, %eq3A_54 : vector<256x128xi32>
    %convert_element_type3A_56 = arith.extui %eq3A_55 : vector<256x128xi1> to vector<256x128xi32>
    %mul3A_57 = vector.broadcast %broadcast_in_dim3A_44 : vector<256x1xi32> to vector<256x128xi32>
    %mul3A_58 = arith.muli %convert_element_type3A_56, %mul3A_57 : vector<256x128xi32>
    %add3A_59 = arith.addi %broadcast_in_dim3A_30, %mul3A_58 : vector<256x128xi32>
    %eq3A_60 = vector.broadcast %broadcast_in_dim3A_44 : vector<256x1xi32> to vector<256x256xi32>
    %eq3A_61 = arith.cmpi eq, %iota3A, %eq3A_60 : vector<256x256xi32>
    %convert_element_type3A_62 = arith.extui %eq3A_61 : vector<256x256xi1> to vector<256x256xi32>
    %convert_element_type3A_63 = arith.sitofp %convert_element_type3A_62 : vector<256x256xi32> to vector<256x256xf32>
    %mul3A_64 = arith.constant 1.000000e+10 : f32
    %mul3A_65 = vector.broadcast %mul3A_64 : f32 to vector<256x256xf32>
    %mul3A_66 = arith.mulf %convert_element_type3A_63, %mul3A_65 : vector<256x256xf32>
    %add3A_67 = arith.addf %add3A_26, %mul3A_66 : vector<256x256xf32>
    %reduce_min3A_68 = arith.constant dense<0x7F800000> : vector<256xf32>
    %reduce_min3A_69 = vector.multi_reduction <minimumf>, %add3A_67, %reduce_min3A_68 [1] : vector<256x256xf32> to vector<256xf32>
    %broadcast_in_dim3A_70 = vector.shape_cast %reduce_min3A_69 : vector<256xf32> to vector<256x1xf32>
    %eq3A_71 = vector.broadcast %broadcast_in_dim3A_70 : vector<256x1xf32> to vector<256x256xf32>
    %eq3A_72 = arith.cmpf oeq, %add3A_67, %eq3A_71 : vector<256x256xf32>
    %convert_element_type3A_73 = arith.extui %eq3A_72 : vector<256x256xi1> to vector<256x256xi32>
    %mul3A_74 = arith.muli %iota3A, %convert_element_type3A_73 : vector<256x256xi32>
    %sub3A_75 = arith.constant 1 : i32
    %sub3A_76 = vector.broadcast %sub3A_75 : i32 to vector<256x256xi32>
    %sub3A_77 = arith.subi %sub3A_76, %convert_element_type3A_73 : vector<256x256xi32>
    %mul3A_78 = arith.constant 256 : i32
    %mul3A_79 = vector.broadcast %mul3A_78 : i32 to vector<256x256xi32>
    %mul3A_80 = arith.muli %mul3A_79, %sub3A_77 : vector<256x256xi32>
    %add3A_81 = arith.addi %mul3A_74, %mul3A_80 : vector<256x256xi32>
    %reduce_min3A_82 = arith.constant dense<2147483647> : vector<256xi32>
    %reduce_min3A_83 = vector.multi_reduction <minsi>, %add3A_81, %reduce_min3A_82 [1] : vector<256x256xi32> to vector<256xi32>
    %broadcast_in_dim3A_84 = vector.shape_cast %reduce_min3A_83 : vector<256xi32> to vector<256x1xi32>
    %eq3A_85 = arith.constant 1 : i32
    %eq3A_86 = vector.broadcast %eq3A_85 : i32 to vector<256x128xi32>
    %eq3A_87 = arith.cmpi eq, %iota3A_27, %eq3A_86 : vector<256x128xi32>
    %convert_element_type3A_88 = arith.extui %eq3A_87 : vector<256x128xi1> to vector<256x128xi32>
    %convert_element_type3A_89 = arith.sitofp %convert_element_type3A_88 : vector<256x128xi32> to vector<256x128xf32>
    %mul3A_90 = vector.broadcast %broadcast_in_dim3A_70 : vector<256x1xf32> to vector<256x128xf32>
    %mul3A_91 = arith.mulf %convert_element_type3A_89, %mul3A_90 : vector<256x128xf32>
    %add3A_92 = arith.addf %add3A_52, %mul3A_91 : vector<256x128xf32>
    %eq3A_93 = arith.constant 1 : i32
    %eq3A_94 = vector.broadcast %eq3A_93 : i32 to vector<256x128xi32>
    %eq3A_95 = arith.cmpi eq, %iota3A_27, %eq3A_94 : vector<256x128xi32>
    %convert_element_type3A_96 = arith.extui %eq3A_95 : vector<256x128xi1> to vector<256x128xi32>
    %mul3A_97 = vector.broadcast %broadcast_in_dim3A_84 : vector<256x1xi32> to vector<256x128xi32>
    %mul3A_98 = arith.muli %convert_element_type3A_96, %mul3A_97 : vector<256x128xi32>
    %add3A_99 = arith.addi %add3A_59, %mul3A_98 : vector<256x128xi32>
    %eq3A_100 = vector.broadcast %broadcast_in_dim3A_84 : vector<256x1xi32> to vector<256x256xi32>
    %eq3A_101 = arith.cmpi eq, %iota3A, %eq3A_100 : vector<256x256xi32>
    %convert_element_type3A_102 = arith.extui %eq3A_101 : vector<256x256xi1> to vector<256x256xi32>
    %convert_element_type3A_103 = arith.sitofp %convert_element_type3A_102 : vector<256x256xi32> to vector<256x256xf32>
    %mul3A_104 = arith.constant 1.000000e+10 : f32
    %mul3A_105 = vector.broadcast %mul3A_104 : f32 to vector<256x256xf32>
    %mul3A_106 = arith.mulf %convert_element_type3A_103, %mul3A_105 : vector<256x256xf32>
    %add3A_107 = arith.addf %add3A_67, %mul3A_106 : vector<256x256xf32>
    %reduce_min3A_108 = arith.constant dense<0x7F800000> : vector<256xf32>
    %reduce_min3A_109 = vector.multi_reduction <minimumf>, %add3A_107, %reduce_min3A_108 [1] : vector<256x256xf32> to vector<256xf32>
    %broadcast_in_dim3A_110 = vector.shape_cast %reduce_min3A_109 : vector<256xf32> to vector<256x1xf32>
    %eq3A_111 = vector.broadcast %broadcast_in_dim3A_110 : vector<256x1xf32> to vector<256x256xf32>
    %eq3A_112 = arith.cmpf oeq, %add3A_107, %eq3A_111 : vector<256x256xf32>
    %convert_element_type3A_113 = arith.extui %eq3A_112 : vector<256x256xi1> to vector<256x256xi32>
    %mul3A_114 = arith.muli %iota3A, %convert_element_type3A_113 : vector<256x256xi32>
    %sub3A_115 = arith.constant 1 : i32
    %sub3A_116 = vector.broadcast %sub3A_115 : i32 to vector<256x256xi32>
    %sub3A_117 = arith.subi %sub3A_116, %convert_element_type3A_113 : vector<256x256xi32>
    %mul3A_118 = arith.constant 256 : i32
    %mul3A_119 = vector.broadcast %mul3A_118 : i32 to vector<256x256xi32>
    %mul3A_120 = arith.muli %mul3A_119, %sub3A_117 : vector<256x256xi32>
    %add3A_121 = arith.addi %mul3A_114, %mul3A_120 : vector<256x256xi32>
    %reduce_min3A_122 = arith.constant dense<2147483647> : vector<256xi32>
    %reduce_min3A_123 = vector.multi_reduction <minsi>, %add3A_121, %reduce_min3A_122 [1] : vector<256x256xi32> to vector<256xi32>
    %broadcast_in_dim3A_124 = vector.shape_cast %reduce_min3A_123 : vector<256xi32> to vector<256x1xi32>
    %eq3A_125 = arith.constant 2 : i32
    %eq3A_126 = vector.broadcast %eq3A_125 : i32 to vector<256x128xi32>
    %eq3A_127 = arith.cmpi eq, %iota3A_27, %eq3A_126 : vector<256x128xi32>
    %convert_element_type3A_128 = arith.extui %eq3A_127 : vector<256x128xi1> to vector<256x128xi32>
    %convert_element_type3A_129 = arith.sitofp %convert_element_type3A_128 : vector<256x128xi32> to vector<256x128xf32>
    %mul3A_130 = vector.broadcast %broadcast_in_dim3A_110 : vector<256x1xf32> to vector<256x128xf32>
    %mul3A_131 = arith.mulf %convert_element_type3A_129, %mul3A_130 : vector<256x128xf32>
    %add3A_132 = arith.addf %add3A_92, %mul3A_131 : vector<256x128xf32>
    %eq3A_133 = arith.constant 2 : i32
    %eq3A_134 = vector.broadcast %eq3A_133 : i32 to vector<256x128xi32>
    %eq3A_135 = arith.cmpi eq, %iota3A_27, %eq3A_134 : vector<256x128xi32>
    %convert_element_type3A_136 = arith.extui %eq3A_135 : vector<256x128xi1> to vector<256x128xi32>
    %mul3A_137 = vector.broadcast %broadcast_in_dim3A_124 : vector<256x1xi32> to vector<256x128xi32>
    %mul3A_138 = arith.muli %convert_element_type3A_136, %mul3A_137 : vector<256x128xi32>
    %add3A_139 = arith.addi %add3A_99, %mul3A_138 : vector<256x128xi32>
    %swap3A = arith.constant 0 : index
    %swap3A_140 = arith.constant 0 : index
    %swap3A_141 = arith.constant 0 : index
    %swap3A_142 = vector.load %arg4[%swap3A, %swap3A_140, %swap3A_141] : memref<1x256x128xf32, #tpu.memory_space<vmem>>, vector<1x256x128xf32>
    %swap3A_143 = vector.shape_cast %swap3A_142 : vector<1x256x128xf32> to vector<256x128xf32>
    %swap3A_144 = vector.shape_cast %add3A_132 : vector<256x128xf32> to vector<1x256x128xf32>
    tpu.vector_store %arg4[%swap3A, %swap3A_140, %swap3A_141], %swap3A_144 {strides = array<i32>} : memref<1x256x128xf32, #tpu.memory_space<vmem>>, vector<1x256x128xf32>,
    %swap3A_145 = arith.constant 0 : index
    %swap3A_146 = arith.constant 0 : index
    %swap3A_147 = arith.constant 0 : index
    %swap3A_148 = vector.load %arg5[%swap3A_145, %swap3A_146, %swap3A_147] : memref<1x256x128xi32, #tpu.memory_space<vmem>>, vector<1x256x128xi32>
    %swap3A_149 = vector.shape_cast %swap3A_148 : vector<1x256x128xi32> to vector<256x128xi32>
    %swap3A_150 = vector.shape_cast %add3A_139 : vector<256x128xi32> to vector<1x256x128xi32>
    tpu.vector_store %arg5[%swap3A_145, %swap3A_146, %swap3A_147], %swap3A_150 {strides = array<i32>} : memref<1x256x128xi32, #tpu.memory_space<vmem>>, vector<1x256x128xi32>,
    return
  }
  func.func @transform_0(%arg0: i32, %arg1: i32) -> (i32, i32, i32) {
    %c0_i32 = arith.constant 0 : i32
    %c0_i32_0 = arith.constant 0 : i32
    return %arg0, %arg1, %c0_i32 : i32, i32, i32
  }
  func.func @transform_1(%arg0: i32, %arg1: i32) -> (i32, i32, i32) {
    %c0_i32 = arith.constant 0 : i32
    %c0_i32_0 = arith.constant 0 : i32
    %c0_i32_1 = arith.constant 0 : i32
    return %arg0, %c0_i32, %c0_i32_0 : i32, i32, i32
  }
  func.func @transform_2(%arg0: i32, %arg1: i32) -> (i32, i32, i32) {
    %c0_i32 = arith.constant 0 : i32
    %c0_i32_0 = arith.constant 0 : i32
    return %arg0, %arg1, %c0_i32 : i32, i32, i32
  }
  func.func @transform_3(%arg0: i32, %arg1: i32) -> (i32, i32, i32) {
    %c0_i32 = arith.constant 0 : i32
    %c0_i32_0 = arith.constant 0 : i32
    return %arg0, %arg1, %c0_i32 : i32, i32, i32
  }
}

module attributes {stable_mosaic.version = 14 : i64} {
  func.func @_top3_kernel(%arg0: i32, %arg1: i32, %arg2: memref<1x256x3xf32, #tpu.memory_space<vmem>>, %arg3: memref<1x1024x3xf32, #tpu.memory_space<vmem>>, %arg4: memref<1x256x128xf32, #tpu.memory_space<vmem>>, %arg5: memref<1x256x128xi32, #tpu.memory_space<vmem>>) attributes {dimension_semantics = [#tpu.dimension_semantics<arbitrary>, #tpu.dimension_semantics<arbitrary>], iteration_bounds = array<i64: 8, 16>, scalar_prefetch = 0 : i64, scratch_operands = 0 : i64, tpu.core_type = #tpu.core_type<tc>, window_params = [{transform_indices = @transform_0, window_bounds = array<i64: 1, 256, 3>}, {transform_indices = @transform_1, window_bounds = array<i64: 1, 1024, 3>}, {transform_indices = @transform_2, window_bounds = array<i64: 1, 256, 128>}, {transform_indices = @transform_3, window_bounds = array<i64: 1, 256, 128>}]} {
    %get3A = arith.constant 0 : index
    %get3A_0 = arith.constant 0 : index
    %get3A_1 = arith.constant 0 : index
    %get3A_2 = vector.load %arg2[%get3A, %get3A_0, %get3A_1] : memref<1x256x3xf32, #tpu.memory_space<vmem>>, vector<1x256x3xf32>
    %get3A_3 = vector.shape_cast %get3A_2 : vector<1x256x3xf32> to vector<256x3xf32>
    %get3A_4 = arith.constant 0 : index
    %get3A_5 = arith.constant 0 : index
    %get3A_6 = arith.constant 0 : index
    %get3A_7 = vector.load %arg3[%get3A_4, %get3A_5, %get3A_6] : memref<1x1024x3xf32, #tpu.memory_space<vmem>>, vector<1x1024x3xf32>
    %get3A_8 = vector.shape_cast %get3A_7 : vector<1x1024x3xf32> to vector<1024x3xf32>
    %slice3A = vector.extract_strided_slice %get3A_3 {offsets = [0, 0], sizes = [256, 1], strides = [1, 1]} : vector<256x3xf32> to vector<256x1xf32>
    %slice3A_9 = vector.extract_strided_slice %get3A_3 {offsets = [0, 1], sizes = [256, 1], strides = [1, 1]} : vector<256x3xf32> to vector<256x1xf32>
    %slice3A_10 = vector.extract_strided_slice %get3A_3 {offsets = [0, 2], sizes = [256, 1], strides = [1, 1]} : vector<256x3xf32> to vector<256x1xf32>
    %slice3A_11 = vector.extract_strided_slice %get3A_8 {offsets = [0, 0], sizes = [1024, 1], strides = [1, 1]} : vector<1024x3xf32> to vector<1024x1xf32>
    %reshape3A = vector.shape_cast %slice3A_11 : vector<1024x1xf32> to vector<1x1024xf32>
    %slice3A_12 = vector.extract_strided_slice %get3A_8 {offsets = [0, 1], sizes = [1024, 1], strides = [1, 1]} : vector<1024x3xf32> to vector<1024x1xf32>
    %reshape3A_13 = vector.shape_cast %slice3A_12 : vector<1024x1xf32> to vector<1x1024xf32>
    %slice3A_14 = vector.extract_strided_slice %get3A_8 {offsets = [0, 2], sizes = [1024, 1], strides = [1, 1]} : vector<1024x3xf32> to vector<1024x1xf32>
    %reshape3A_15 = vector.shape_cast %slice3A_14 : vector<1024x1xf32> to vector<1x1024xf32>
    %sub3A = vector.broadcast %slice3A : vector<256x1xf32> to vector<256x1024xf32>
    %sub3A_16 = vector.broadcast %reshape3A : vector<1x1024xf32> to vector<256x1024xf32>
    %sub3A_17 = arith.subf %sub3A, %sub3A_16 : vector<256x1024xf32>
    %sub3A_18 = vector.broadcast %slice3A_9 : vector<256x1xf32> to vector<256x1024xf32>
    %sub3A_19 = vector.broadcast %reshape3A_13 : vector<1x1024xf32> to vector<256x1024xf32>
    %sub3A_20 = arith.subf %sub3A_18, %sub3A_19 : vector<256x1024xf32>
    %sub3A_21 = vector.broadcast %slice3A_10 : vector<256x1xf32> to vector<256x1024xf32>
    %sub3A_22 = vector.broadcast %reshape3A_15 : vector<1x1024xf32> to vector<256x1024xf32>
    %sub3A_23 = arith.subf %sub3A_21, %sub3A_22 : vector<256x1024xf32>
    %mul3A = arith.mulf %sub3A_17, %sub3A_17 : vector<256x1024xf32>
    %mul3A_24 = arith.mulf %sub3A_20, %sub3A_20 : vector<256x1024xf32>
    %add3A = arith.addf %mul3A, %mul3A_24 : vector<256x1024xf32>
    %mul3A_25 = arith.mulf %sub3A_23, %sub3A_23 : vector<256x1024xf32>
    %add3A_26 = arith.addf %add3A, %mul3A_25 : vector<256x1024xf32>
    %iota3A = tpu.iota {dimensions = array<i32: 1>} : vector<256x1024xi32>
    %iota3A_27 = tpu.iota {dimensions = array<i32: 1>} : vector<256x128xi32>
    %broadcast_in_dim3A = arith.constant 0.000000e+00 : f32
    %broadcast_in_dim3A_28 = vector.broadcast %broadcast_in_dim3A : f32 to vector<256x128xf32>
    %broadcast_in_dim3A_29 = arith.constant 0 : i32
    %broadcast_in_dim3A_30 = vector.broadcast %broadcast_in_dim3A_29 : i32 to vector<256x128xi32>
    %reduce_min3A = arith.constant dense<0x7F800000> : vector<256xf32>
    %reduce_min3A_31 = vector.multi_reduction <minimumf>, %add3A_26, %reduce_min3A [1] : vector<256x1024xf32> to vector<256xf32>
    %broadcast_in_dim3A_32 = vector.shape_cast %reduce_min3A_31 : vector<256xf32> to vector<256x1xf32>
    %eq3A = vector.broadcast %broadcast_in_dim3A_32 : vector<256x1xf32> to vector<256x1024xf32>
    %eq3A_33 = arith.cmpf oeq, %add3A_26, %eq3A : vector<256x1024xf32>
    %convert_element_type3A = arith.extui %eq3A_33 : vector<256x1024xi1> to vector<256x1024xi32>
    %mul3A_34 = arith.muli %iota3A, %convert_element_type3A : vector<256x1024xi32>
    %sub3A_35 = arith.constant 1 : i32
    %sub3A_36 = vector.broadcast %sub3A_35 : i32 to vector<256x1024xi32>
    %sub3A_37 = arith.subi %sub3A_36, %convert_element_type3A : vector<256x1024xi32>
    %mul3A_38 = arith.constant 1024 : i32
    %mul3A_39 = vector.broadcast %mul3A_38 : i32 to vector<256x1024xi32>
    %mul3A_40 = arith.muli %mul3A_39, %sub3A_37 : vector<256x1024xi32>
    %add3A_41 = arith.addi %mul3A_34, %mul3A_40 : vector<256x1024xi32>
    %reduce_min3A_42 = arith.constant dense<2147483647> : vector<256xi32>
    %reduce_min3A_43 = vector.multi_reduction <minsi>, %add3A_41, %reduce_min3A_42 [1] : vector<256x1024xi32> to vector<256xi32>
    %broadcast_in_dim3A_44 = vector.shape_cast %reduce_min3A_43 : vector<256xi32> to vector<256x1xi32>
    %eq3A_45 = arith.constant 0 : i32
    %eq3A_46 = vector.broadcast %eq3A_45 : i32 to vector<256x128xi32>
    %eq3A_47 = arith.cmpi eq, %iota3A_27, %eq3A_46 : vector<256x128xi32>
    %convert_element_type3A_48 = arith.extui %eq3A_47 : vector<256x128xi1> to vector<256x128xi32>
    %convert_element_type3A_49 = arith.sitofp %convert_element_type3A_48 : vector<256x128xi32> to vector<256x128xf32>
    %mul3A_50 = vector.broadcast %broadcast_in_dim3A_32 : vector<256x1xf32> to vector<256x128xf32>
    %mul3A_51 = arith.mulf %convert_element_type3A_49, %mul3A_50 : vector<256x128xf32>
    %add3A_52 = arith.addf %broadcast_in_dim3A_28, %mul3A_51 : vector<256x128xf32>
    %eq3A_53 = arith.constant 0 : i32
    %eq3A_54 = vector.broadcast %eq3A_53 : i32 to vector<256x128xi32>
    %eq3A_55 = arith.cmpi eq, %iota3A_27, %eq3A_54 : vector<256x128xi32>
    %convert_element_type3A_56 = arith.extui %eq3A_55 : vector<256x128xi1> to vector<256x128xi32>
    %mul3A_57 = vector.broadcast %broadcast_in_dim3A_44 : vector<256x1xi32> to vector<256x128xi32>
    %mul3A_58 = arith.muli %convert_element_type3A_56, %mul3A_57 : vector<256x128xi32>
    %add3A_59 = arith.addi %broadcast_in_dim3A_30, %mul3A_58 : vector<256x128xi32>
    %eq3A_60 = vector.broadcast %broadcast_in_dim3A_44 : vector<256x1xi32> to vector<256x1024xi32>
    %eq3A_61 = arith.cmpi eq, %iota3A, %eq3A_60 : vector<256x1024xi32>
    %convert_element_type3A_62 = arith.extui %eq3A_61 : vector<256x1024xi1> to vector<256x1024xi32>
    %convert_element_type3A_63 = arith.sitofp %convert_element_type3A_62 : vector<256x1024xi32> to vector<256x1024xf32>
    %mul3A_64 = arith.constant 1.000000e+10 : f32
    %mul3A_65 = vector.broadcast %mul3A_64 : f32 to vector<256x1024xf32>
    %mul3A_66 = arith.mulf %convert_element_type3A_63, %mul3A_65 : vector<256x1024xf32>
    %add3A_67 = arith.addf %add3A_26, %mul3A_66 : vector<256x1024xf32>
    %reduce_min3A_68 = arith.constant dense<0x7F800000> : vector<256xf32>
    %reduce_min3A_69 = vector.multi_reduction <minimumf>, %add3A_67, %reduce_min3A_68 [1] : vector<256x1024xf32> to vector<256xf32>
    %broadcast_in_dim3A_70 = vector.shape_cast %reduce_min3A_69 : vector<256xf32> to vector<256x1xf32>
    %eq3A_71 = vector.broadcast %broadcast_in_dim3A_70 : vector<256x1xf32> to vector<256x1024xf32>
    %eq3A_72 = arith.cmpf oeq, %add3A_67, %eq3A_71 : vector<256x1024xf32>
    %convert_element_type3A_73 = arith.extui %eq3A_72 : vector<256x1024xi1> to vector<256x1024xi32>
    %mul3A_74 = arith.muli %iota3A, %convert_element_type3A_73 : vector<256x1024xi32>
    %sub3A_75 = arith.constant 1 : i32
    %sub3A_76 = vector.broadcast %sub3A_75 : i32 to vector<256x1024xi32>
    %sub3A_77 = arith.subi %sub3A_76, %convert_element_type3A_73 : vector<256x1024xi32>
    %mul3A_78 = arith.constant 1024 : i32
    %mul3A_79 = vector.broadcast %mul3A_78 : i32 to vector<256x1024xi32>
    %mul3A_80 = arith.muli %mul3A_79, %sub3A_77 : vector<256x1024xi32>
    %add3A_81 = arith.addi %mul3A_74, %mul3A_80 : vector<256x1024xi32>
    %reduce_min3A_82 = arith.constant dense<2147483647> : vector<256xi32>
    %reduce_min3A_83 = vector.multi_reduction <minsi>, %add3A_81, %reduce_min3A_82 [1] : vector<256x1024xi32> to vector<256xi32>
    %broadcast_in_dim3A_84 = vector.shape_cast %reduce_min3A_83 : vector<256xi32> to vector<256x1xi32>
    %eq3A_85 = arith.constant 1 : i32
    %eq3A_86 = vector.broadcast %eq3A_85 : i32 to vector<256x128xi32>
    %eq3A_87 = arith.cmpi eq, %iota3A_27, %eq3A_86 : vector<256x128xi32>
    %convert_element_type3A_88 = arith.extui %eq3A_87 : vector<256x128xi1> to vector<256x128xi32>
    %convert_element_type3A_89 = arith.sitofp %convert_element_type3A_88 : vector<256x128xi32> to vector<256x128xf32>
    %mul3A_90 = vector.broadcast %broadcast_in_dim3A_70 : vector<256x1xf32> to vector<256x128xf32>
    %mul3A_91 = arith.mulf %convert_element_type3A_89, %mul3A_90 : vector<256x128xf32>
    %add3A_92 = arith.addf %add3A_52, %mul3A_91 : vector<256x128xf32>
    %eq3A_93 = arith.constant 1 : i32
    %eq3A_94 = vector.broadcast %eq3A_93 : i32 to vector<256x128xi32>
    %eq3A_95 = arith.cmpi eq, %iota3A_27, %eq3A_94 : vector<256x128xi32>
    %convert_element_type3A_96 = arith.extui %eq3A_95 : vector<256x128xi1> to vector<256x128xi32>
    %mul3A_97 = vector.broadcast %broadcast_in_dim3A_84 : vector<256x1xi32> to vector<256x128xi32>
    %mul3A_98 = arith.muli %convert_element_type3A_96, %mul3A_97 : vector<256x128xi32>
    %add3A_99 = arith.addi %add3A_59, %mul3A_98 : vector<256x128xi32>
    %eq3A_100 = vector.broadcast %broadcast_in_dim3A_84 : vector<256x1xi32> to vector<256x1024xi32>
    %eq3A_101 = arith.cmpi eq, %iota3A, %eq3A_100 : vector<256x1024xi32>
    %convert_element_type3A_102 = arith.extui %eq3A_101 : vector<256x1024xi1> to vector<256x1024xi32>
    %convert_element_type3A_103 = arith.sitofp %convert_element_type3A_102 : vector<256x1024xi32> to vector<256x1024xf32>
    %mul3A_104 = arith.constant 1.000000e+10 : f32
    %mul3A_105 = vector.broadcast %mul3A_104 : f32 to vector<256x1024xf32>
    %mul3A_106 = arith.mulf %convert_element_type3A_103, %mul3A_105 : vector<256x1024xf32>
    %add3A_107 = arith.addf %add3A_67, %mul3A_106 : vector<256x1024xf32>
    %reduce_min3A_108 = arith.constant dense<0x7F800000> : vector<256xf32>
    %reduce_min3A_109 = vector.multi_reduction <minimumf>, %add3A_107, %reduce_min3A_108 [1] : vector<256x1024xf32> to vector<256xf32>
    %broadcast_in_dim3A_110 = vector.shape_cast %reduce_min3A_109 : vector<256xf32> to vector<256x1xf32>
    %eq3A_111 = vector.broadcast %broadcast_in_dim3A_110 : vector<256x1xf32> to vector<256x1024xf32>
    %eq3A_112 = arith.cmpf oeq, %add3A_107, %eq3A_111 : vector<256x1024xf32>
    %convert_element_type3A_113 = arith.extui %eq3A_112 : vector<256x1024xi1> to vector<256x1024xi32>
    %mul3A_114 = arith.muli %iota3A, %convert_element_type3A_113 : vector<256x1024xi32>
    %sub3A_115 = arith.constant 1 : i32
    %sub3A_116 = vector.broadcast %sub3A_115 : i32 to vector<256x1024xi32>
    %sub3A_117 = arith.subi %sub3A_116, %convert_element_type3A_113 : vector<256x1024xi32>
    %mul3A_118 = arith.constant 1024 : i32
    %mul3A_119 = vector.broadcast %mul3A_118 : i32 to vector<256x1024xi32>
    %mul3A_120 = arith.muli %mul3A_119, %sub3A_117 : vector<256x1024xi32>
    %add3A_121 = arith.addi %mul3A_114, %mul3A_120 : vector<256x1024xi32>
    %reduce_min3A_122 = arith.constant dense<2147483647> : vector<256xi32>
    %reduce_min3A_123 = vector.multi_reduction <minsi>, %add3A_121, %reduce_min3A_122 [1] : vector<256x1024xi32> to vector<256xi32>
    %broadcast_in_dim3A_124 = vector.shape_cast %reduce_min3A_123 : vector<256xi32> to vector<256x1xi32>
    %eq3A_125 = arith.constant 2 : i32
    %eq3A_126 = vector.broadcast %eq3A_125 : i32 to vector<256x128xi32>
    %eq3A_127 = arith.cmpi eq, %iota3A_27, %eq3A_126 : vector<256x128xi32>
    %convert_element_type3A_128 = arith.extui %eq3A_127 : vector<256x128xi1> to vector<256x128xi32>
    %convert_element_type3A_129 = arith.sitofp %convert_element_type3A_128 : vector<256x128xi32> to vector<256x128xf32>
    %mul3A_130 = vector.broadcast %broadcast_in_dim3A_110 : vector<256x1xf32> to vector<256x128xf32>
    %mul3A_131 = arith.mulf %convert_element_type3A_129, %mul3A_130 : vector<256x128xf32>
    %add3A_132 = arith.addf %add3A_92, %mul3A_131 : vector<256x128xf32>
    %eq3A_133 = arith.constant 2 : i32
    %eq3A_134 = vector.broadcast %eq3A_133 : i32 to vector<256x128xi32>
    %eq3A_135 = arith.cmpi eq, %iota3A_27, %eq3A_134 : vector<256x128xi32>
    %convert_element_type3A_136 = arith.extui %eq3A_135 : vector<256x128xi1> to vector<256x128xi32>
    %mul3A_137 = vector.broadcast %broadcast_in_dim3A_124 : vector<256x1xi32> to vector<256x128xi32>
    %mul3A_138 = arith.muli %convert_element_type3A_136, %mul3A_137 : vector<256x128xi32>
    %add3A_139 = arith.addi %add3A_99, %mul3A_138 : vector<256x128xi32>
    %swap3A = arith.constant 0 : index
    %swap3A_140 = arith.constant 0 : index
    %swap3A_141 = arith.constant 0 : index
    %swap3A_142 = vector.load %arg4[%swap3A, %swap3A_140, %swap3A_141] : memref<1x256x128xf32, #tpu.memory_space<vmem>>, vector<1x256x128xf32>
    %swap3A_143 = vector.shape_cast %swap3A_142 : vector<1x256x128xf32> to vector<256x128xf32>
    %swap3A_144 = vector.shape_cast %add3A_132 : vector<256x128xf32> to vector<1x256x128xf32>
    tpu.vector_store %arg4[%swap3A, %swap3A_140, %swap3A_141], %swap3A_144 {strides = array<i32>} : memref<1x256x128xf32, #tpu.memory_space<vmem>>, vector<1x256x128xf32>,
    %swap3A_145 = arith.constant 0 : index
    %swap3A_146 = arith.constant 0 : index
    %swap3A_147 = arith.constant 0 : index
    %swap3A_148 = vector.load %arg5[%swap3A_145, %swap3A_146, %swap3A_147] : memref<1x256x128xi32, #tpu.memory_space<vmem>>, vector<1x256x128xi32>
    %swap3A_149 = vector.shape_cast %swap3A_148 : vector<1x256x128xi32> to vector<256x128xi32>
    %swap3A_150 = vector.shape_cast %add3A_139 : vector<256x128xi32> to vector<1x256x128xi32>
    tpu.vector_store %arg5[%swap3A_145, %swap3A_146, %swap3A_147], %swap3A_150 {strides = array<i32>} : memref<1x256x128xi32, #tpu.memory_space<vmem>>, vector<1x256x128xi32>,
    return
  }
  func.func @transform_0(%arg0: i32, %arg1: i32) -> (i32, i32, i32) {
    %c0_i32 = arith.constant 0 : i32
    %c0_i32_0 = arith.constant 0 : i32
    return %arg0, %arg1, %c0_i32 : i32, i32, i32
  }
  func.func @transform_1(%arg0: i32, %arg1: i32) -> (i32, i32, i32) {
    %c0_i32 = arith.constant 0 : i32
    %c0_i32_0 = arith.constant 0 : i32
    %c0_i32_1 = arith.constant 0 : i32
    return %arg0, %c0_i32, %c0_i32_0 : i32, i32, i32
  }
  func.func @transform_2(%arg0: i32, %arg1: i32) -> (i32, i32, i32) {
    %c0_i32 = arith.constant 0 : i32
    %c0_i32_0 = arith.constant 0 : i32
    return %arg0, %arg1, %c0_i32 : i32, i32, i32
  }
  func.func @transform_3(%arg0: i32, %arg1: i32) -> (i32, i32, i32) {
    %c0_i32 = arith.constant 0 : i32
    %c0_i32_0 = arith.constant 0 : i32
    return %arg0, %arg1, %c0_i32 : i32, i32, i32
  }
}

module attributes {stable_mosaic.version = 14 : i64} {
  func.func @_head_kernel(%arg0: i32, %arg1: memref<1x128x4096xf32, #tpu.memory_space<vmem>>, %arg2: memref<13x128xf32, #tpu.memory_space<vmem>>, %arg3: memref<13xf32, #tpu.memory_space<vmem>>, %arg4: memref<1x13x4096xf32, #tpu.memory_space<vmem>>) attributes {dimension_semantics = [#tpu.dimension_semantics<arbitrary>], iteration_bounds = array<i64: 8>, scalar_prefetch = 0 : i64, scratch_operands = 0 : i64, tpu.core_type = #tpu.core_type<tc>, window_params = [{transform_indices = @transform_0, window_bounds = array<i64: 1, 128, 4096>}, {pipeline_mode = #tpu.pipeline_mode<synchronous>, transform_indices = @transform_1, window_bounds = array<i64: 13, 128>}, {pipeline_mode = #tpu.pipeline_mode<synchronous>, transform_indices = @transform_2, window_bounds = array<i64: 13>}, {transform_indices = @transform_3, window_bounds = array<i64: 1, 13, 4096>}]} {
    %get3A = arith.constant 0 : index
    %get3A_0 = arith.constant 0 : index
    %get3A_1 = arith.constant 0 : index
    %get3A_2 = vector.load %arg1[%get3A, %get3A_0, %get3A_1] : memref<1x128x4096xf32, #tpu.memory_space<vmem>>, vector<1x128x4096xf32>
    %get3A_3 = vector.shape_cast %get3A_2 : vector<1x128x4096xf32> to vector<128x4096xf32>
    %get3A_4 = arith.constant 0 : index
    %get3A_5 = arith.constant 0 : index
    %get3A_6 = vector.load %arg2[%get3A_4, %get3A_5] : memref<13x128xf32, #tpu.memory_space<vmem>>, vector<13x128xf32>
    %dot_general3A = arith.constant dense<0.000000e+00> : vector<13x4096xf32>
    %dot_general3A_7 = tpu.matmul %get3A_6, %get3A_3, %dot_general3A {dimension_numbers = #tpu.dot_dimension_numbers<[1], [0], [0], [1], [0, 0, 1, 1], [], []>, transpose_lhs_hint = false} : vector<13x128xf32>, vector<128x4096xf32>, vector<13x4096xf32> -> vector<13x4096xf32>
    %get3A_8 = arith.constant 0 : index
    %get3A_9 = vector.load %arg3[%get3A_8] : memref<13xf32, #tpu.memory_space<vmem>>, vector<13xf32>
    %broadcast_in_dim3A = vector.shape_cast %get3A_9 : vector<13xf32> to vector<13x1xf32>
    %add3A = vector.broadcast %broadcast_in_dim3A : vector<13x1xf32> to vector<13x4096xf32>
    %add3A_10 = arith.addf %dot_general3A_7, %add3A : vector<13x4096xf32>
    %swap3A = arith.constant 0 : index
    %swap3A_11 = arith.constant 0 : index
    %swap3A_12 = arith.constant 0 : index
    %swap3A_13 = vector.load %arg4[%swap3A, %swap3A_11, %swap3A_12] : memref<1x13x4096xf32, #tpu.memory_space<vmem>>, vector<1x13x4096xf32>
    %swap3A_14 = vector.shape_cast %swap3A_13 : vector<1x13x4096xf32> to vector<13x4096xf32>
    %swap3A_15 = vector.shape_cast %add3A_10 : vector<13x4096xf32> to vector<1x13x4096xf32>
    tpu.vector_store %arg4[%swap3A, %swap3A_11, %swap3A_12], %swap3A_15 {strides = array<i32>} : memref<1x13x4096xf32, #tpu.memory_space<vmem>>, vector<1x13x4096xf32>,
    return
  }
  func.func @transform_0(%arg0: i32) -> (i32, i32, i32) {
    %c0_i32 = arith.constant 0 : i32
    %c0_i32_0 = arith.constant 0 : i32
    %c0_i32_1 = arith.constant 0 : i32
    return %arg0, %c0_i32, %c0_i32_0 : i32, i32, i32
  }
  func.func @transform_1(%arg0: i32) -> (i32, i32) {
    %c0_i32 = arith.constant 0 : i32
    %c0_i32_0 = arith.constant 0 : i32
    %c0_i32_1 = arith.constant 0 : i32
    return %c0_i32, %c0_i32_0 : i32, i32
  }
  func.func @transform_2(%arg0: i32) -> i32 {
    %c0_i32 = arith.constant 0 : i32
    %c0_i32_0 = arith.constant 0 : i32
    return %c0_i32 : i32
  }
  func.func @transform_3(%arg0: i32) -> (i32, i32, i32) {
    %c0_i32 = arith.constant 0 : i32
    %c0_i32_0 = arith.constant 0 : i32
    %c0_i32_1 = arith.constant 0 : i32
    return %arg0, %c0_i32, %c0_i32_0 : i32, i32, i32
  }
}

</mosaic_0001>

<sc_bundles>
// kernel: gather_offload_async_start.1
scs
__scs_entry_jumppad:
0x0: {  	(pc) =	sbr.rel $0x88, $3  }
0x1: {  	(tag) =	ssettag $0x0;
	lr =	simm.s32 $0x1  }
0x2: {  	[smem:$0x3F52] =	sst lr;
	_ =	strace $0xD0000000  }
0x3: {  	_ = 	snop  }
0x4: {  	_ = 	snop  }
0x5: {  	_ = 	snop  }
0x6: {  	_ = 	snop  }
0x7: {  	_ = 	snop  }
__scs_overlays_trampoline_lowered:
0x8: {  	[smem:$0x3F61] =	sst s0  }
0x9: {  	[smem:$0x3F62] =	sst s1  }
0xa: {  	[smem:$0x3F63] =	sst s2  }
0xb: {  	[smem:$0x3F64] =	sst s3  }
0xc: {  	[smem:$0x3F65] =	sst s4  }
0xd: {  	[smem:$0x3F66] =	sst s5  }
0xe: {  	[smem:$0x3F67] =	sst s6  }
0xf: {  	[smem:$0x3F68] =	sst s7  }
0x10: {  	[smem:$0x3F69] =	sst s8  }
0x11: {  	[smem:$0x3F6A] =	sst s9;
	s0 =	simm.s32 @!p0 $0x0  }
0x12: {  	s1 =	sld [smem:$0x3F50];
	s0 =	simm.s32 @p0 $0x1  }
0x13: {  	[smem:$0x3F6B] =	sst s0;
	s0 =	simm.s32 @!p1 $0x0  }
0x14: {  	s2 =	sld [smem:$0x3F4F];
	s0 =	simm.s32 @p1 $0x1  }
0x15: {  	[smem:$0x3F6C] =	sst s0;
	s0 =	simm.s32 @!p2 $0x0  }
0x16: {  	s3 =	sld [smem:$0x3FDB];
	s0 =	simm.s32 @p2 $0x1  }
0x17: {  	s4 =	simm.s32 $0x1BF5;
	[smem:$0x3F6E] =	sst s0  }
0x18: {  	s0 =	sld [smem:$0x3F51];
	_ =	swait.ge [sflag:s4], $0x0  }
0x19: {  	s7 =	sld [smem:$0x3F52]  }
0x1a: {  	s8 =	sadd.s32 $0xFFFFE003, lr  }
0x1b: {  	s9 =	sadd.s32 $0xFFFFFEF7, lr;
	s5 =	simm.s32 $0xFFFFFFFF;
	p2 =	slt.u32 s8, $0xFFFFF086  }
0x1c: {  	p1 =	slt.u32 s9, $0xF7A;
	s5 =	simm.s32 @!p2 $0x0  }
0x1d: {  	s5 =	simm.s32 @p1 $0x1;
	p0 =	seq.s32 s7, s2  }
0x1e: {  	s7 =	smul.u32 @!p0 $0xF7A, s2;
	p2 =	seq.s32 @!p0 s5, $0x0  }
0x1f: {  	s9 =	smul.u32 $0xF7A, s1;
	s8 =	simm.s32 @!p0 $0x1BF5;
	p2 =	por !p2, p0  }
0x20: {  	[sflag:s8] =	ssyncset.s32 @!p0 $0xFFFFF086;
	s6 =	sadd.s32 @!p0 s3, s7;
	s7 =	simm.s32 @!p0 $0x108  }
0x21: {  	s3 =	sadd.s32 s3, s9;
	s6 =	sadd.s32 @!p0 $0x88, s6;
	s7 =	simm.s32 @p2 $0x1082  }
0x22: {  	[simem:s7], [sflag:s8] =	dma.local @!p0 [hbm:s6], $0xF7A  }
0x23: {  	s9 =	sor.u32 $0xD0000000, s2;
	s6 =	simm.s32 $0x108;
	_ =	swait.ge @!p0 [sflag:s8], $0x0  }
0x24: {  	s3 =	sadd.s32 $0x88, s3;
	s6 =	simm.s32 @!p1 $0x1082;
	[sflag:s4] =	ssyncset.s32 $0xFFFFF086  }
0x25: {  	[simem:s6], [sflag:s4] =	dma.local [hbm:s3], $0xF7A  }
0x26: {  	[smem:$0x3F52] =	sst s1;
	(tag) =	ssettag s2;
	_ =	strace s9  }
0x27: {  	s1 =	sld [smem:$0x3F62]  }
0x28: {  	s2 =	sld [smem:$0x3F63]  }
0x29: {  	s4 =	sld [smem:$0x3F65]  }
0x2a: {  	p0 =	seq.s32 s5, $0x0;
	s5 =	sld [smem:$0x3F66]  }
0x2b: {  	s6 =	sld [smem:$0x3F67]  }
0x2c: {  	s7 =	sld [smem:$0x3F68]  }
0x2d: {  	s3 =	simm.s32 $0x108;
	s8 =	sld [smem:$0x3F69]  }
0x2e: {  	s3 =	simm.s32 @!p0 $0x1082;
	s9 =	sld [smem:$0x3F6A]  }
0x2f: {  	lr =	sadd.s32 s0, s3;
	s0 =	sld [smem:$0x3F61]  }
0x30: {  	s3 =	sld [smem:$0x3F64]  }
0x31: {  	[smem:$0x3F6D] =	sst s10  }
0x32: {  	s10 =	sld [smem:$0x3F6B];
	_ =	sdelay $0x3  }
0x33: {  	p0 =	seq.s32 s10, $0x1;
	s10 =	sld [smem:$0x3F6D];
	_ =	sdelay $0x3  }
0x34: {  	[smem:$0x3F6D] =	sst s10  }
0x35: {  	s10 =	sld [smem:$0x3F6C];
	_ =	sdelay $0x3  }
0x36: {  	p1 =	seq.s32 s10, $0x1;
	s10 =	sld [smem:$0x3F6D];
	_ =	sdelay $0x3  }
0x37: {  	[smem:$0x3F6D] =	sst s10  }
0x38: {  	s10 =	sld [smem:$0x3F6E]  }
0x39: {  	_ = 	snop;
	(pc) =	sbr.ind lr, $3  }
0x3a: {  	_ = 	snop  }
0x3b: {  	_ = 	snop  }
0x3c: {  	p2 =	seq.s32 s10, $0x1;
	s10 =	sld [smem:$0x3F6D]  }
0x3d: {  	_ =	shalt  }
0x3e: {  	_ =	shalt  }
0x3f: {  	_ =	shalt  }
0x40: {  	_ =	shalt  }
0x41: {  	_ =	shalt  }
0x42: {  	_ =	shalt  }
0x43: {  	_ =	shalt  }
0x44: {  	_ =	shalt  }
0x45: {  	_ =	shalt  }
0x46: {  	_ =	shalt  }
0x47: {  	_ =	shalt  }
0x48: {  	_ =	shalt  }
0x49: {  	_ =	shalt  }
0x4a: {  	_ =	shalt  }
0x4b: {  	_ =	shalt  }
0x4c: {  	_ =	shalt  }
0x4d: {  	_ =	shalt  }
0x4e: {  	_ =	shalt  }
0x4f: {  	_ =	shalt  }
0x50: {  	_ =	shalt  }
0x51: {  	_ =	shalt  }
0x52: {  	_ =	shalt  }
0x53: {  	_ =	shalt  }
0x54: {  	_ =	shalt  }
0x55: {  	_ =	shalt  }
0x56: {  	_ =	shalt  }
0x57: {  	_ =	shalt  }
0x58: {  	_ =	shalt  }
0x59: {  	_ =	shalt  }
0x5a: {  	_ =	shalt  }
0x5b: {  	_ =	shalt  }
0x5c: {  	_ =	shalt  }
0x5d: {  	_ =	shalt  }
0x5e: {  	_ =	shalt  }
0x5f: {  	_ =	shalt  }
0x60: {  	_ =	shalt  }
0x61: {  	_ =	shalt  }
0x62: {  	_ =	shalt  }
0x63: {  	_ =	shalt  }
0x64: {  	_ =	shalt  }
0x65: {  	_ =	shalt  }
0x66: {  	_ =	shalt  }
0x67: {  	_ =	shalt  }
0x68: {  	_ =	shalt  }
0x69: {  	_ =	shalt  }
0x6a: {  	_ =	shalt  }
0x6b: {  	_ =	shalt  }
0x6c: {  	_ =	shalt  }
0x6d: {  	_ =	shalt  }
0x6e: {  	_ =	shalt  }
0x6f: {  	_ =	shalt  }
0x70: {  	_ =	shalt  }
0x71: {  	_ =	shalt  }
0x72: {  	_ =	shalt  }
0x73: {  	_ =	shalt  }
0x74: {  	_ =	shalt  }
0x75: {  	_ =	shalt  }
0x76: {  	_ =	shalt  }
0x77: {  	_ =	shalt  }
0x78: {  	_ =	shalt  }
0x79: {  	_ =	shalt  }
0x7a: {  	_ =	shalt  }
0x7b: {  	_ =	shalt  }
0x7c: {  	_ =	shalt  }
0x7d: {  	_ =	shalt  }
0x7e: {  	_ =	shalt  }
0x7f: {  	_ =	shalt  }
0x80: {  	_ =	shalt  }
0x81: {  	_ =	shalt  }
0x82: {  	_ =	shalt  }
0x83: {  	_ =	shalt  }
0x84: {  	_ =	shalt  }
0x85: {  	_ =	shalt  }
0x86: {  	_ =	shalt  }
0x87: {  	_ =	shalt  }
.Lfunc_end0:
.L_simem_size_0:
called_computation.2_lowered:
.L_overlay_start_0:
0x88: {  	s2 =	sld [smem:$0x3FD9]  }
0x89: {  	s3 =	sld [smem:$0x3FFE];
	_ =	sdelay $0x1  }
0x8a: {  	s1 =	srdreg.scid  }
0x8b: {  	s0 =	sand.u32 $0x1, s1  }
0x8c: {  	s17 =	sshll.u32 s0, $0xA;
	s2 =	sadd.s32 s3, s2  }
0x8d: {  	s2 =	sadd.s32 s2, s17  }
0x8e: {  	[smem:$0x3F79] =	sst s2  }
0x8f: {  	_ = 	snop  }
0x90: {  	(tm) =	ssettm $0x1  }
0x91: {  	s18 =	sld [smem:$0x3FFB];
	_ =	sdelay $0x3  }
0x92: {  	_ =	strace s18  }
0x93: {  	s2 =	sld [smem:$0x3FFC];
	_ =	sdelay $0x3  }
0x94: {  	_ =	strace s2  }
0x95: {  	s2 =	sld [smem:$0x3FFD];
	_ =	sdelay $0x3  }
0x96: {  	_ =	strace s2  }
0x97: {  	_ =	strace $0x8FFFFFFF  }
0x98: {  	s19 =	sld [smem:$0x3FDB];
	_ =	sdelay $0x1  }
0x99: {  	s20 =	simm.s32 $_scs_section_size  }
0x9a: {  	s4 =	simm.s32 $_size__tile_overlayer_lowered;
	s5 =	simm.s32 $_tile_overlayer_lowered  }
0x9b: {  	s6 =	simm.s32 $0x1BFF;
	s21 =	sshll.u32 s5, $0x1;
	s3 =	sadd.s32 s20, s19  }
0x9c: {  	s22 =	simm.s32 $0x0;
	s4 =	sshll.u32 s4, $0x1;
	s5 =	sadd.s32 s21, s3  }
0x9d: {  	[timem:s22], [sflag:s6] =	dma.local [hbm:s5], s4  }
0x9e: {  	_ =	swait.ge [sflag:s6], s4  }
0x9f: {  	s4 =	ssub.s32 $0x0, s4;
	[sflag:s6] =	ssyncset.done $0x0  }
0xa0: {  	[sflag:s6] =	ssyncadd.s32 s4;
	_ =	sdelay $0x1  }
0xa1: {  	s23 =	simm.s32 $0x1B8B  }
0xa2: {  	_ =	swait.ge [sflag:s23], $0x1  }
0xa3: {  	[sflag:s23] =	ssyncset.done $0x0  }
0xa4: {  	[sflag:s23] =	ssyncadd.s32 $0xFFFFFFFF  }
0xa5: {  	s4 =	sld [smem:$0x0]  }
0xa6: {  	s5 =	sand.u32 $0xFFFFFFFE, s1  }
0xa7: {  	p0 =	sne.s32 s1, s5  }
0xa8: {  	s5 =	sshll.u32 @p0 s5, $0xE  }
0xa9: {  	s5 =	sadd.s32 @p0 $0x11B8D, s5;
	s6 =	sshll.u32 @p0 s4, $0x11  }
0xaa: {  	s5 =	sor.u32 @p0 s6, s5  }
0xab: {  	[sflag:s5] =	ssyncadd.remote.s32 @p0 $0x1;
	_ =	sdelay $0x1  }
0xac: {  	s5 =	simm.s32 @p0 $0x1B8D  }
0xad: {  	_ =	swait.eq @p0 [sflag:s5], $0x1  }
0xae: {  	[sflag:s5] =	ssyncadd.s32 @p0 $0xFFFFFFFF  }
0xaf: {  	s6 =	sshll.u32 @!p0 s1, $0xE  }
0xb0: {  	s6 =	sor.u32 @!p0 $0x4000, s6;
	s5 =	simm.s32 @!p0 $0x1B8D  }
0xb1: {  	s4 =	sshll.u32 @!p0 s4, $0x11;
	s6 =	sadd.s32 @!p0 $0x11B8D, s6;
	_ =	swait.eq @!p0 [sflag:s5], $0x1  }
0xb2: {  	s4 =	sor.u32 @!p0 s4, s6;
	[sflag:s5] =	ssyncadd.s32 @!p0 $0xFFFFFFFF  }
0xb3: {  	s25 =	simm.s32 $0x1B8E;
	s24 =	sld [smem:$0x3FFE];
	[sflag:s4] =	ssyncadd.remote.s32 @!p0 $0x1  }
0xb4: {  	s26 =	simm.s32 $execute0_lowered;
	[smem:$0x3FD2] =	sst s25  }
0xb5: {  	s5 =	sshll.u32 s26, $0x1;
	_ =	strace $0x8000004C;
	[dreg:$0x1] =	wrdreg $0xFFFFFFFF  }
0xb6: {  	s28 =	simm.s32 $_size_execute0_lowered;
	s3 =	sadd.s32 s3, s5;
	[dreg:$0x0] =	wrdreg $0x0  }
0xb7: {  	s5 =	sshll.u32 s28, $0x1;
	[dreg:$0x2] =	wrdreg s3  }
0xb8: {  	[dreg:$0x3] =	wrdreg s5  }
0xb9: {  	[dreg:$0x4] =	wrdreg $0xC0  }
0xba: {  	_ =	task [dreg:s22], $0x5FFFF  }
0xbb: {  	[dreg:$0x1] =	wrdreg $0xFFFFFFFF  }
0xbc: {  	[dreg:$0x0] =	wrdreg $0x60  }
0xbd: {  	[dreg:$0x2] =	wrdreg s24  }
0xbe: {  	[dreg:$0x3] =	wrdreg $0x9  }
0xbf: {  	_ =	task.clear_ibuf [dreg:s22], $0x4FFFF;
	_ =	strace $0x9000004C  }
0xc0: {  	s29 =	simm.s32 $0x9;
	_ =	strace $0x8000004E  }
0xc1: {  	_ =	swait.ge [sflag:s29], $0x1  }
0xc2: {  	[sflag:s29] =	ssyncadd.s32 $0xFFFFFFFF  }
0xc3: {  	_ =	strace $0x9000004E  }
0xc4: {  	_ =	sfence  }
0xc5: {  	s30 =	sld [smem:$0x0];
	_ =	sdelay $0x2  }
0xc6: {  	s31 =	sshll.u32 s1, $0xD;
	s1 =	sshrl.u32 s1, $0x2  }
0xc7: {  	s4 =	sand.u32 $0x4000, s31;
	s1 =	sadd.s32 s1, s30  }
0xc8: {  	s0 =	sor.u32 s4, s0;
	s1 =	sshll.u32 s1, $0x11  }
0xc9: {  	s0 =	sor.u32 s1, s0  }
0xca: {  	s0 =	sadd.s32 $0x8F2B, s0  }
0xcb: {  	[sflag:s0] =	ssyncadd.remote.s32 $0x1  }
0xcc: {  	_ =	sfence.sel $0xFFFF  }
0xcd: {  	[dreg:$0x0] =	wrdreg $0xFFFFFFFF;
	(pc) =	sbr.abs _section_cstart, $3  }
0xce: {  	[dreg:$0x1] =	wrdreg $0xFFFFFFFF  }
0xcf: {  	_ =	task.clear_ibuf [dreg:s22], $0x2FFFF;
	_ =	strace $0x9FFFFFFF  }
0xd0: {  	(tm) =	ssettm $0x7FFFFFFF  }
0xd1: {  	_ =	shalt  }
tec
execute0_lowered:
.L_overlay_start_1:
0x0: {  	(tag) =	ssettag $0x1  }
0x1: {  	s7 =	rddreg [dreg:$0x0]  }
0x2: {  	s0 =	rddreg [dreg:$0x1];
	_ =	strace $0x8000004D  }
0x3: {  	s1 =	srdreg.scid;
	s4 =	simm.s32 $0x1;
	s9 =	simm.s32 $0x3  }
0x4: {  	s12 =	simm.s32 $0x0;
	s10 =	simm.s32 $0x0;
	s5 =	sshll.u32 s1, $0x4  }
.Ltmp0:
0x5: {  	s1 =	stileid.u32;
	s5 =	sand.u32 $0x10, s5;
	(pc) =	sbr.rel .LBB2_1-.Ltmp0, $4  }
0x6: {  	s2 =	sadd.s32 $0x80400, s7;
	s3 =	sadd.s32 $0x80000, s7;
	s6 =	sor.u32 s1, s5  }
0x7: {  	[sflag:s4] =	ssyncpa.u1 $0x0;
	s5 =	simm.s32 $0x2;
	s6 =	sshll.u32 s6, $0x6  }
0x8: {  	s7 =	sadd.s32 $0x8A0400, s7;
	[sflag:s5] =	ssyncpa.u1 $0x0;
	s8 =	sadd.s32 $0x40, s6  }
0x9: {  	vm0 =	vmmov $0xff;
	vm1 =	vcmask $0x3F20;
	[sflag:s9] =	ssyncpa.u1 $0x0;
	s9 =	simm.s32 $0x40;
	s11 =	smov.u32 s6  }
.LBB2_9:
0xa: {  	p0 =	seq.s32 s10, $0x2  }
.Ltmp1:
0xb: {  	_ = 	snop;
	(pc) =	sbr.rel @p0 .LBB2_11-.Ltmp1, $1  }
0xc: {  	_ =	sdelay $0x3  }
.LBB2_10:
0xd: {  	s12 =	sadd.s32 $0x40, s11  }
0xe: {  	s13 =	smov.u32 s6;
	p0 =	slt.s32 s12, s8  }
0xf: {  	s13 =	smov.u32 @p0 s12  }
0x10: {  	s10 =	sadd.s32 $0x1, s10;
	s12 =	smov.u32 s11;
	s11 =	smov.u32 s13  }
.LBB2_1:
0x11: {  	p0 =	sne.s32 s10, $0x0  }
.Ltmp2:
0x12: {  	_ = 	snop;
	(pc) =	sbr.rel @!p0 .LBB2_2-.Ltmp2, $1  }
0x13: {  	_ =	sdelay $0x3  }
0x14: {  	s13 =	sand.u32 $0x1, s10  }
0x15: {  	p0 =	seq.s32 s13, $0x0  }
.Ltmp3:
0x16: {  	_ = 	snop;
	(pc) =	sbr.rel @p0 .LBB2_9-.Ltmp3, $1  }
0x17: {  	_ =	sdelay $0x3  }
0x18: {  	_ =	swait.ge [sflag:s5], $0x40  }
0x19: {  	[sflag:s5] =	ssyncset.done $0x0  }
0x1a: {  	s13 =	simm.s32 $0x0;
	[sflag:s5] =	ssyncadd.s32 $0xFFFFFFC0  }
0x1b: {  	v0 =	vld.msk [tilespmem:s13+$0x40 ss:$0x1], $0xffff;
	_ =	sdelay $0x4  }
0x1c: {  	v1 =	vshll.u32 v0, $0x4  }
0x1d: {  	vm2 =	veq.s32 v0, $0x80000000;
	v0 =	vshll.u32 v0, $0x11;
	v1 =	vand.u32 $0x1FF80, v1  }
0x1e: {  	v0 =	vand.u32 $0xE0000, v0;
	v1 =	vsel vm2, $0xFFFFFF80, v1  }
0x1f: {  	v0 =	vsel vm2, $0xFFFE0000, v0;
	v2 =	vand.u32 $0xFFFFFC00, v1  }
0x20: {  	v1 =	vand.u32 $0x380, v1;
	v0 =	vadd.s32 v0, v2  }
0x21: {  	v0 =	vor.u32 v1, v0  }
0x22: {  	v0 =	vshrl.u32 v0, $0x3;
	_ =	sdelay $0x3  }
0x23: {  	s13 =	simm.s32 $0x2080  }
0x24: {  	[tilespmem:s13], [sflag:$0x1] =	stream.indirect_vreg.gather [hbm:s2], $0x80, v0, vm0, $0x38;
	[tilespmem:$0x4080] =	vst v63  }
0x25: {  	s14 =	simm.s32 $0x2480;
	s31 =	simm.s32 $0x10  }
0x26: {  	[tilespmem:s14], [sflag:$0x1] =	stream.indirect_vreg.gather [hbm:s2], $0x80, v0, vm1, $0x38;
	[tilespmem:$0x4080] =	vst v63  }
0x27: {  	s14 =	simm.s32 $0x80;
	v0 =	vld.msk [tilespmem:s31+$0x40 ss:$0x1], $0xffff  }
.LBB2_5:
0x28: {  	p0 =	sne.s32 s14, $0xC0;
	_ =	sdelay $0x4  }
0x29: {  	v1 =	vshll.u32 v0, $0x4  }
0x2a: {  	vm2 =	veq.s32 v0, $0x80000000;
	v0 =	vshll.u32 v0, $0x11;
	v1 =	vand.u32 $0x1FF80, v1  }
0x2b: {  	v0 =	vand.u32 $0xE0000, v0;
	v1 =	vsel vm2, $0xFFFFFF80, v1  }
0x2c: {  	v0 =	vsel vm2, $0xFFFE0000, v0;
	v2 =	vand.u32 $0xFFFFFC00, v1  }
0x2d: {  	v1 =	vand.u32 $0x380, v1;
	v0 =	vadd.s32 v0, v2  }
0x2e: {  	v0 =	vor.u32 v1, v0  }
0x2f: {  	v0 =	vshrl.u32 v0, $0x3;
	_ =	sdelay $0x3  }
.Ltmp4:
0x30: {  	s13 =	sadd.s32 $0x800, s13;
	(pc) =	sbr.rel @p0 .LBB2_5-.Ltmp4, $4  }
0x31: {  	[tilespmem:s13], [sflag:$0x1] =	stream.indirect_vreg.gather [hbm:s2], $0x80, v0, vm0, $0x38;
	[tilespmem:$0x4080] =	vst v63  }
0x32: {  	s15 =	sshra.s32 s14, $0x2;
	s16 =	sadd.s32 $0x400, s13  }
0x33: {  	[tilespmem:s16], [sflag:$0x1] =	stream.indirect_vreg.gather [hbm:s2], $0x80, v0, vm1, $0x38;
	[tilespmem:$0x4080] =	vst v63  }
0x34: {  	s14 =	sadd.s32 $0x40, s14;
	v0 =	vld.msk [tilespmem:s15+$0x40 ss:$0x1], $0xffff  }
0x35: {  	_ =	sdelay $0x3  }
0x36: {  	v1 =	vshll.u32 v0, $0x4  }
0x37: {  	vm2 =	veq.s32 v0, $0x80000000;
	v63 =	vshll.u32 v0, $0x11;
	v1 =	vand.u32 $0x1FF80, v1  }
0x38: {  	v0 =	vand.u32 $0xE0000, v63;
	v1 =	vsel vm2, $0xFFFFFF80, v1  }
0x39: {  	v0 =	vsel vm2, $0xFFFE0000, v0;
	v2 =	vand.u32 $0xFFFFFC00, v1  }
0x3a: {  	v1 =	vand.u32 $0x380, v1;
	v0 =	vadd.s32 v0, v2  }
0x3b: {  	v0 =	vor.u32 v1, v0  }
0x3c: {  	v0 =	vshrl.u32 v0, $0x3;
	_ =	sdelay $0x3  }
0x3d: {  	s13 =	sadd.s32 $0x800, s13  }
0x3e: {  	[tilespmem:s13], [sflag:$0x1] =	stream.indirect_vreg.gather [hbm:s2], $0x80, v0, vm0, $0x38;
	[tilespmem:$0x4080] =	vst v63  }
0x3f: {  	s13 =	sadd.s32 $0x400, s13  }
0x40: {  	[tilespmem:s13], [sflag:$0x1] =	stream.indirect_vreg.gather [hbm:s2], $0x80, v0, vm1, $0x38;
	[tilespmem:$0x4080] =	vst v63  }
0x41: {  	s12 =	sshll.u32 s12, $0x4;
	s14 =	simm.s32 $0x80;
	_ =	swait.ge [sflag:s4], $0x2000  }
0x42: {  	s15 =	simm.s32 $0x2480;
	s12 =	sadd.s32 s12, s7;
	[sflag:s4] =	ssyncset.done $0x0  }
0x43: {  	s16 =	sadd.s32 $0x0, s12;
	s13 =	simm.s32 $0x2080;
	[sflag:s4] =	ssyncadd.s32 $0xFFFFE000  }
.LBB2_7:
0x44: {  	[hbm:s16] =	stream.linear.scatter [tilespmem:s13], [sflag:$0x3], $0x400, $0x38;
	[tilespmem:$0x4080] =	vst v63  }
0x45: {  	s16 =	smov.u32 s14;
	s13 =	smov.u32 s15;
	p0 =	sne.s32 s14, $0x380  }
.Ltmp5:
0x46: {  	s14 =	sadd.s32 $0x80, s14;
	(pc) =	sbr.rel @p0 .LBB2_7-.Ltmp5, $2  }
0x47: {  	_ =	sdelay $0x2  }
0x48: {  	s15 =	sadd.s32 $0x400, s15;
	s16 =	sadd.s32 s16, s12  }
.Ltmp6:
0x49: {  	(pc) =	sbr.rel .LBB2_9-.Ltmp6, $2  }
0x4a: {  	_ =	sdelay $0x2  }
0x4b: {  	[hbm:s16] =	stream.linear.scatter [tilespmem:s13], [sflag:$0x3], $0x400, $0x38;
	[tilespmem:$0x4080] =	vst v63  }
.LBB2_2:
.Ltmp7:
0x4c: {  	(pc) =	sbr.rel .LBB2_10-.Ltmp7, $4  }
0x4d: {  	_ = 	snop  }
0x4e: {  	s12 =	sshrl.u32 s11, $0x3  }
0x4f: {  	s13 =	sand.u32 $0x7, s11;
	s12 =	sadd.s32 s3, s12  }
0x50: {  	[tilespmem:s9], [sflag:$0x2] =	stream.linear.gather [hbm4b:s12+s13], $0x40, $0x38;
	[tilespmem:$0x4080] =	vst v63  }
.LBB2_11:
0x51: {  	s2 =	simm.s32 $0x3  }
0x52: {  	_ =	swait.ge [sflag:s2], $0x2000  }
0x53: {  	[sflag:s2] =	ssyncset.done $0x0  }
0x54: {  	[sflag:s2] =	ssyncadd.s32 $0xFFFFE000  }
0x55: {  	_ =	sfence.sel $0x180000  }
0x56: {  	s3 =	simm.s32 $0x2;
	[bflag:$0x0] =	sbarrier.arrive $0xFFFF  }
0x57: {  	[sflag:s3] =	ssyncpa.u1 $0x1  }
0x58: {  	s31 =	simm.s32 $0x1;
	[sflag:s2] =	ssyncpa.u1 $0x1  }
0x59: {  	[sflag:s31] =	ssyncpa.u1 $0x1  }
0x5a: {  	p0 =	sne.s32 s1, $0x0;
	_ =	strace $0x9000004D  }
0x5b: {  	s0 =	sadd.s32 @!p0 $0x100000, s0;
	[bflag:$0x2] =	sbarrier.arrive $0xFFFF  }
0x5c: {  	[sflag:s0] =	ssyncadd.tile.s32 @!p0 $0x1;
	_ =	shalt  }
.Lfunc_end2:
_tile_overlayer_lowered:
.L_overlay_start_2:
0x5d: {  	(tag) =	ssettag $0x2  }
0x5e: {  	s0 =	rddreg [dreg:$0x0];
	s2 =	stileid.u32  }
0x5f: {  	s1 =	rddreg [dreg:$0x1];
	p0 =	sne.s32 s2, $0x0  }
0x60: {  	s3 =	rddreg [dreg:$0x2];
	[bflag:$0x3] =	sbarrier.arrive $0xFFFF;
	s2 =	simm.s32 @!p0 $0x1C01  }
0x61: {  	[timem:s3], [sflag:s2] =	dma.local @!p0 [hbm:s0], s1  }
0x62: {  	s0 =	simm.s32 @!p0 $0x1  }
0x63: {  	_ =	swait.ge @!p0 [sflag:s0], s1  }
0x64: {  	s1 =	ssub.s32 @!p0 $0x0, s1;
	[sflag:s0] =	ssyncset.done @!p0 $0x0  }
0x65: {  	[sflag:s0] =	ssyncadd.s32 @!p0 s1  }
0x66: {  	[bflag:$0x3] =	sbarrier.arrive $0xFFFF  }
0x67: {  	_ =	shalt  }

// kernel: gather_offload_async_start
scs
__scs_entry_jumppad:
0x0: {  	(pc) =	sbr.rel $0x88, $3  }
0x1: {  	(tag) =	ssettag $0x0;
	lr =	simm.s32 $0x1  }
0x2: {  	[smem:$0x3F52] =	sst lr;
	_ =	strace $0xD0000000  }
0x3: {  	_ = 	snop  }
0x4: {  	_ = 	snop  }
0x5: {  	_ = 	snop  }
0x6: {  	_ = 	snop  }
0x7: {  	_ = 	snop  }
__scs_overlays_trampoline_lowered:
0x8: {  	[smem:$0x3F61] =	sst s0  }
0x9: {  	[smem:$0x3F62] =	sst s1  }
0xa: {  	[smem:$0x3F63] =	sst s2  }
0xb: {  	[smem:$0x3F64] =	sst s3  }
0xc: {  	[smem:$0x3F65] =	sst s4  }
0xd: {  	[smem:$0x3F66] =	sst s5  }
0xe: {  	[smem:$0x3F67] =	sst s6  }
0xf: {  	[smem:$0x3F68] =	sst s7  }
0x10: {  	[smem:$0x3F69] =	sst s8  }
0x11: {  	[smem:$0x3F6A] =	sst s9;
	s0 =	simm.s32 @!p0 $0x0  }
0x12: {  	s1 =	sld [smem:$0x3F50];
	s0 =	simm.s32 @p0 $0x1  }
0x13: {  	[smem:$0x3F6B] =	sst s0;
	s0 =	simm.s32 @!p1 $0x0  }
0x14: {  	s2 =	sld [smem:$0x3F4F];
	s0 =	simm.s32 @p1 $0x1  }
0x15: {  	[smem:$0x3F6C] =	sst s0;
	s0 =	simm.s32 @!p2 $0x0  }
0x16: {  	s3 =	sld [smem:$0x3FDB];
	s0 =	simm.s32 @p2 $0x1  }
0x17: {  	s4 =	simm.s32 $0x1BF5;
	[smem:$0x3F6E] =	sst s0  }
0x18: {  	s0 =	sld [smem:$0x3F51];
	_ =	swait.ge [sflag:s4], $0x0  }
0x19: {  	s7 =	sld [smem:$0x3F52]  }
0x1a: {  	s8 =	sadd.s32 $0xFFFFE003, lr  }
0x1b: {  	s9 =	sadd.s32 $0xFFFFFEF7, lr;
	s5 =	simm.s32 $0xFFFFFFFF;
	p2 =	slt.u32 s8, $0xFFFFF086  }
0x1c: {  	p1 =	slt.u32 s9, $0xF7A;
	s5 =	simm.s32 @!p2 $0x0  }
0x1d: {  	s5 =	simm.s32 @p1 $0x1;
	p0 =	seq.s32 s7, s2  }
0x1e: {  	s7 =	smul.u32 @!p0 $0xF7A, s2;
	p2 =	seq.s32 @!p0 s5, $0x0  }
0x1f: {  	s9 =	smul.u32 $0xF7A, s1;
	s8 =	simm.s32 @!p0 $0x1BF5;
	p2 =	por !p2, p0  }
0x20: {  	[sflag:s8] =	ssyncset.s32 @!p0 $0xFFFFF086;
	s6 =	sadd.s32 @!p0 s3, s7;
	s7 =	simm.s32 @!p0 $0x108  }
0x21: {  	s3 =	sadd.s32 s3, s9;
	s6 =	sadd.s32 @!p0 $0x88, s6;
	s7 =	simm.s32 @p2 $0x1082  }
0x22: {  	[simem:s7], [sflag:s8] =	dma.local @!p0 [hbm:s6], $0xF7A  }
0x23: {  	s9 =	sor.u32 $0xD0000000, s2;
	s6 =	simm.s32 $0x108;
	_ =	swait.ge @!p0 [sflag:s8], $0x0  }
0x24: {  	s3 =	sadd.s32 $0x88, s3;
	s6 =	simm.s32 @!p1 $0x1082;
	[sflag:s4] =	ssyncset.s32 $0xFFFFF086  }
0x25: {  	[simem:s6], [sflag:s4] =	dma.local [hbm:s3], $0xF7A  }
0x26: {  	[smem:$0x3F52] =	sst s1;
	(tag) =	ssettag s2;
	_ =	strace s9  }
0x27: {  	s1 =	sld [smem:$0x3F62]  }
0x28: {  	s2 =	sld [smem:$0x3F63]  }
0x29: {  	s4 =	sld [smem:$0x3F65]  }
0x2a: {  	p0 =	seq.s32 s5, $0x0;
	s5 =	sld [smem:$0x3F66]  }
0x2b: {  	s6 =	sld [smem:$0x3F67]  }
0x2c: {  	s7 =	sld [smem:$0x3F68]  }
0x2d: {  	s3 =	simm.s32 $0x108;
	s8 =	sld [smem:$0x3F69]  }
0x2e: {  	s3 =	simm.s32 @!p0 $0x1082;
	s9 =	sld [smem:$0x3F6A]  }
0x2f: {  	lr =	sadd.s32 s0, s3;
	s0 =	sld [smem:$0x3F61]  }
0x30: {  	s3 =	sld [smem:$0x3F64]  }
0x31: {  	[smem:$0x3F6D] =	sst s10  }
0x32: {  	s10 =	sld [smem:$0x3F6B];
	_ =	sdelay $0x3  }
0x33: {  	p0 =	seq.s32 s10, $0x1;
	s10 =	sld [smem:$0x3F6D];
	_ =	sdelay $0x3  }
0x34: {  	[smem:$0x3F6D] =	sst s10  }
0x35: {  	s10 =	sld [smem:$0x3F6C];
	_ =	sdelay $0x3  }
0x36: {  	p1 =	seq.s32 s10, $0x1;
	s10 =	sld [smem:$0x3F6D];
	_ =	sdelay $0x3  }
0x37: {  	[smem:$0x3F6D] =	sst s10  }
0x38: {  	s10 =	sld [smem:$0x3F6E]  }
0x39: {  	_ = 	snop;
	(pc) =	sbr.ind lr, $3  }
0x3a: {  	_ = 	snop  }
0x3b: {  	_ = 	snop  }
0x3c: {  	p2 =	seq.s32 s10, $0x1;
	s10 =	sld [smem:$0x3F6D]  }
0x3d: {  	_ =	shalt  }
0x3e: {  	_ =	shalt  }
0x3f: {  	_ =	shalt  }
0x40: {  	_ =	shalt  }
0x41: {  	_ =	shalt  }
0x42: {  	_ =	shalt  }
0x43: {  	_ =	shalt  }
0x44: {  	_ =	shalt  }
0x45: {  	_ =	shalt  }
0x46: {  	_ =	shalt  }
0x47: {  	_ =	shalt  }
0x48: {  	_ =	shalt  }
0x49: {  	_ =	shalt  }
0x4a: {  	_ =	shalt  }
0x4b: {  	_ =	shalt  }
0x4c: {  	_ =	shalt  }
0x4d: {  	_ =	shalt  }
0x4e: {  	_ =	shalt  }
0x4f: {  	_ =	shalt  }
0x50: {  	_ =	shalt  }
0x51: {  	_ =	shalt  }
0x52: {  	_ =	shalt  }
0x53: {  	_ =	shalt  }
0x54: {  	_ =	shalt  }
0x55: {  	_ =	shalt  }
0x56: {  	_ =	shalt  }
0x57: {  	_ =	shalt  }
0x58: {  	_ =	shalt  }
0x59: {  	_ =	shalt  }
0x5a: {  	_ =	shalt  }
0x5b: {  	_ =	shalt  }
0x5c: {  	_ =	shalt  }
0x5d: {  	_ =	shalt  }
0x5e: {  	_ =	shalt  }
0x5f: {  	_ =	shalt  }
0x60: {  	_ =	shalt  }
0x61: {  	_ =	shalt  }
0x62: {  	_ =	shalt  }
0x63: {  	_ =	shalt  }
0x64: {  	_ =	shalt  }
0x65: {  	_ =	shalt  }
0x66: {  	_ =	shalt  }
0x67: {  	_ =	shalt  }
0x68: {  	_ =	shalt  }
0x69: {  	_ =	shalt  }
0x6a: {  	_ =	shalt  }
0x6b: {  	_ =	shalt  }
0x6c: {  	_ =	shalt  }
0x6d: {  	_ =	shalt  }
0x6e: {  	_ =	shalt  }
0x6f: {  	_ =	shalt  }
0x70: {  	_ =	shalt  }
0x71: {  	_ =	shalt  }
0x72: {  	_ =	shalt  }
0x73: {  	_ =	shalt  }
0x74: {  	_ =	shalt  }
0x75: {  	_ =	shalt  }
0x76: {  	_ =	shalt  }
0x77: {  	_ =	shalt  }
0x78: {  	_ =	shalt  }
0x79: {  	_ =	shalt  }
0x7a: {  	_ =	shalt  }
0x7b: {  	_ =	shalt  }
0x7c: {  	_ =	shalt  }
0x7d: {  	_ =	shalt  }
0x7e: {  	_ =	shalt  }
0x7f: {  	_ =	shalt  }
0x80: {  	_ =	shalt  }
0x81: {  	_ =	shalt  }
0x82: {  	_ =	shalt  }
0x83: {  	_ =	shalt  }
0x84: {  	_ =	shalt  }
0x85: {  	_ =	shalt  }
0x86: {  	_ =	shalt  }
0x87: {  	_ =	shalt  }
.Lfunc_end0:
.L_simem_size_0:
called_computation.1_lowered:
.L_overlay_start_0:
0x88: {  	s2 =	sld [smem:$0x3FD9]  }
0x89: {  	s3 =	sld [smem:$0x3FFE];
	_ =	sdelay $0x1  }
0x8a: {  	s1 =	srdreg.scid  }
0x8b: {  	s0 =	sand.u32 $0x1, s1  }
0x8c: {  	s16 =	sshll.u32 s0, $0xA;
	s2 =	sadd.s32 s3, s2  }
0x8d: {  	s2 =	sadd.s32 s2, s16  }
0x8e: {  	[smem:$0x3F79] =	sst s2  }
0x8f: {  	_ = 	snop  }
0x90: {  	(tm) =	ssettm $0x1  }
0x91: {  	s17 =	sld [smem:$0x3FFB];
	_ =	sdelay $0x3  }
0x92: {  	_ =	strace s17  }
0x93: {  	s2 =	sld [smem:$0x3FFC];
	_ =	sdelay $0x3  }
0x94: {  	_ =	strace s2  }
0x95: {  	s2 =	sld [smem:$0x3FFD];
	_ =	sdelay $0x3  }
0x96: {  	_ =	strace s2  }
0x97: {  	_ =	strace $0x8FFFFFFF  }
0x98: {  	s18 =	sld [smem:$0x3FDB];
	_ =	sdelay $0x1  }
0x99: {  	s19 =	simm.s32 $_scs_section_size  }
0x9a: {  	s4 =	simm.s32 $_size__tile_overlayer_lowered;
	s5 =	simm.s32 $_tile_overlayer_lowered  }
0x9b: {  	s22 =	simm.s32 $0x1BFF;
	s21 =	sshll.u32 s5, $0x1;
	s2 =	sadd.s32 s19, s18  }
0x9c: {  	s6 =	simm.s32 $0x0;
	s20 =	sshll.u32 s4, $0x1;
	s4 =	sadd.s32 s21, s2  }
0x9d: {  	[timem:s6], [sflag:s22] =	dma.local [hbm:s4], s20  }
0x9e: {  	_ =	swait.ge [sflag:s22], s20  }
0x9f: {  	s3 =	ssub.s32 $0x0, s20;
	[sflag:s22] =	ssyncset.done $0x0  }
0xa0: {  	[sflag:s22] =	ssyncadd.s32 s3;
	_ =	sdelay $0x1  }
0xa1: {  	s23 =	simm.s32 $0x1B8B  }
0xa2: {  	_ =	swait.ge [sflag:s23], $0x1  }
0xa3: {  	[sflag:s23] =	ssyncset.done $0x0  }
0xa4: {  	s25 =	simm.s32 $0x1B8E;
	s24 =	sld [smem:$0x3FFE];
	[sflag:s23] =	ssyncadd.s32 $0xFFFFFFFF  }
0xa5: {  	s26 =	simm.s32 $execute0_lowered;
	[smem:$0x3FD2] =	sst s25  }
0xa6: {  	s4 =	sshll.u32 s26, $0x1;
	_ =	strace $0x80000046;
	[dreg:$0x1] =	wrdreg $0xFFFFFFFF  }
0xa7: {  	s28 =	simm.s32 $_size_execute0_lowered;
	s2 =	sadd.s32 s2, s4;
	[dreg:$0x0] =	wrdreg $0x0  }
0xa8: {  	s4 =	sshll.u32 s28, $0x1;
	[dreg:$0x2] =	wrdreg s2  }
0xa9: {  	[dreg:$0x3] =	wrdreg s4  }
0xaa: {  	[dreg:$0x4] =	wrdreg $0xC0  }
0xab: {  	_ =	task [dreg:s6], $0x5FFFF  }
0xac: {  	[dreg:$0x1] =	wrdreg $0xFFFFFFFF  }
0xad: {  	[dreg:$0x0] =	wrdreg $0x60  }
0xae: {  	[dreg:$0x2] =	wrdreg s24  }
0xaf: {  	[dreg:$0x3] =	wrdreg $0x9  }
0xb0: {  	_ =	task.clear_ibuf [dreg:s6], $0x4FFFF;
	_ =	strace $0x90000046  }
0xb1: {  	s29 =	simm.s32 $0x9;
	_ =	strace $0x80000048  }
0xb2: {  	_ =	swait.ge [sflag:s29], $0x1  }
0xb3: {  	[sflag:s29] =	ssyncadd.s32 $0xFFFFFFFF  }
0xb4: {  	_ =	strace $0x90000048  }
0xb5: {  	_ =	sfence  }
0xb6: {  	s30 =	sld [smem:$0x0];
	_ =	sdelay $0x2  }
0xb7: {  	s31 =	sshll.u32 s1, $0xD;
	s1 =	sshrl.u32 s1, $0x2  }
0xb8: {  	s3 =	sand.u32 $0x4000, s31;
	s1 =	sadd.s32 s1, s30  }
0xb9: {  	s0 =	sor.u32 s3, s0;
	s1 =	sshll.u32 s1, $0x11  }
0xba: {  	s0 =	sor.u32 s1, s0  }
0xbb: {  	s0 =	sadd.s32 $0x8F2B, s0  }
0xbc: {  	[sflag:s0] =	ssyncadd.remote.s32 $0x1  }
0xbd: {  	_ =	sfence.sel $0xFFFF  }
0xbe: {  	[dreg:$0x0] =	wrdreg $0xFFFFFFFF;
	(pc) =	sbr.abs _section_cstart, $3  }
0xbf: {  	[dreg:$0x1] =	wrdreg $0xFFFFFFFF  }
0xc0: {  	_ =	task.clear_ibuf [dreg:s6], $0x2FFFF;
	_ =	strace $0x9FFFFFFF  }
0xc1: {  	(tm) =	ssettm $0x7FFFFFFF  }
tec
execute0_lowered:
.L_overlay_start_1:
0x0: {  	(tag) =	ssettag $0x1  }
0x1: {  	s2 =	rddreg [dreg:$0x0]  }
0x2: {  	s0 =	rddreg [dreg:$0x1]  }
0x3: {  	s1 =	srdreg.scid;
	_ =	strace $0x80000047;
	s4 =	simm.s32 $0x1  }
0x4: {  	s9 =	simm.s32 $0x3;
	s12 =	simm.s32 $0x0;
	s5 =	sshll.u32 s1, $0x4  }
.Ltmp0:
0x5: {  	s1 =	stileid.u32;
	s5 =	sand.u32 $0x10, s5;
	(pc) =	sbr.rel .LBB2_1-.Ltmp0, $4  }
0x6: {  	s10 =	simm.s32 $0x0;
	s3 =	sadd.s32 $0x80000, s2;
	s6 =	sor.u32 s1, s5  }
0x7: {  	[sflag:s4] =	ssyncpa.u1 $0x0;
	s5 =	simm.s32 $0x2;
	s6 =	sshll.u32 s6, $0x8  }
0x8: {  	s7 =	sadd.s32 $0x80400, s2;
	[sflag:s5] =	ssyncpa.u1 $0x0;
	s8 =	sadd.s32 $0x100, s6  }
0x9: {  	vm0 =	vmmov $0xff;
	vm1 =	vcmask $0x3F20;
	[sflag:s9] =	ssyncpa.u1 $0x0;
	s9 =	simm.s32 $0x100;
	s11 =	smov.u32 s6  }
.LBB2_9:
0xa: {  	p0 =	seq.s32 s10, $0x2  }
.Ltmp1:
0xb: {  	_ = 	snop;
	(pc) =	sbr.rel @p0 .LBB2_11-.Ltmp1, $1  }
0xc: {  	_ =	sdelay $0x3  }
.LBB2_10:
0xd: {  	s12 =	sadd.s32 $0x100, s11  }
0xe: {  	s13 =	smov.u32 s6;
	p0 =	slt.s32 s12, s8  }
0xf: {  	s13 =	smov.u32 @p0 s12  }
0x10: {  	s10 =	sadd.s32 $0x1, s10;
	s12 =	smov.u32 s11;
	s11 =	smov.u32 s13  }
.LBB2_1:
0x11: {  	p0 =	sne.s32 s10, $0x0  }
.Ltmp2:
0x12: {  	_ = 	snop;
	(pc) =	sbr.rel @!p0 .LBB2_2-.Ltmp2, $1  }
0x13: {  	_ =	sdelay $0x3  }
0x14: {  	s13 =	sand.u32 $0x1, s10  }
0x15: {  	p0 =	seq.s32 s13, $0x0  }
.Ltmp3:
0x16: {  	_ = 	snop;
	(pc) =	sbr.rel @p0 .LBB2_9-.Ltmp3, $1  }
0x17: {  	_ =	sdelay $0x3  }
0x18: {  	_ =	swait.ge [sflag:s5], $0x100  }
0x19: {  	[sflag:s5] =	ssyncset.done $0x0  }
0x1a: {  	s13 =	simm.s32 $0x0;
	[sflag:s5] =	ssyncadd.s32 $0xFFFFFF00  }
0x1b: {  	v0 =	vld.msk [tilespmem:s13+$0x100 ss:$0x1], $0xffff;
	_ =	sdelay $0x4  }
0x1c: {  	v1 =	vshll.u32 v0, $0x4  }
0x1d: {  	vm2 =	veq.s32 v0, $0x80000000;
	v0 =	vshll.u32 v0, $0x13;
	v1 =	vand.u32 $0x7FF80, v1  }
0x1e: {  	v0 =	vand.u32 $0x380000, v0;
	v1 =	vsel vm2, $0xFFFFFF80, v1  }
0x1f: {  	v0 =	vsel vm2, $0xFFF80000, v0;
	v2 =	vand.u32 $0xFFFFFC00, v1  }
0x20: {  	v1 =	vand.u32 $0x380, v1;
	v0 =	vadd.s32 v0, v2  }
0x21: {  	v0 =	vor.u32 v1, v0  }
0x22: {  	v0 =	vshrl.u32 v0, $0x3;
	_ =	sdelay $0x3  }
0x23: {  	s13 =	simm.s32 $0x8200  }
0x24: {  	[tilespmem:s13], [sflag:$0x1] =	stream.indirect_vreg.gather [hbm:s2], $0x80, v0, vm0, $0x38;
	[tilespmem:$0x10200] =	vst v63  }
0x25: {  	s14 =	simm.s32 $0x8600;
	s31 =	simm.s32 $0x10  }
0x26: {  	[tilespmem:s14], [sflag:$0x1] =	stream.indirect_vreg.gather [hbm:s2], $0x80, v0, vm1, $0x38;
	[tilespmem:$0x10200] =	vst v63  }
0x27: {  	s14 =	simm.s32 $0x80;
	v0 =	vld.msk [tilespmem:s31+$0x100 ss:$0x1], $0xffff  }
.LBB2_5:
0x28: {  	p0 =	sne.s32 s14, $0x3C0;
	_ =	sdelay $0x4  }
0x29: {  	v1 =	vshll.u32 v0, $0x4  }
0x2a: {  	vm2 =	veq.s32 v0, $0x80000000;
	v0 =	vshll.u32 v0, $0x13;
	v1 =	vand.u32 $0x7FF80, v1  }
0x2b: {  	v0 =	vand.u32 $0x380000, v0;
	v1 =	vsel vm2, $0xFFFFFF80, v1  }
0x2c: {  	v0 =	vsel vm2, $0xFFF80000, v0;
	v2 =	vand.u32 $0xFFFFFC00, v1  }
0x2d: {  	v1 =	vand.u32 $0x380, v1;
	v0 =	vadd.s32 v0, v2  }
0x2e: {  	v0 =	vor.u32 v1, v0  }
0x2f: {  	v0 =	vshrl.u32 v0, $0x3;
	_ =	sdelay $0x3  }
.Ltmp4:
0x30: {  	s13 =	sadd.s32 $0x800, s13;
	(pc) =	sbr.rel @p0 .LBB2_5-.Ltmp4, $4  }
0x31: {  	[tilespmem:s13], [sflag:$0x1] =	stream.indirect_vreg.gather [hbm:s2], $0x80, v0, vm0, $0x38;
	[tilespmem:$0x10200] =	vst v63  }
0x32: {  	s15 =	sshra.s32 s14, $0x2;
	s16 =	sadd.s32 $0x400, s13  }
0x33: {  	[tilespmem:s16], [sflag:$0x1] =	stream.indirect_vreg.gather [hbm:s2], $0x80, v0, vm1, $0x38;
	[tilespmem:$0x10200] =	vst v63  }
0x34: {  	s14 =	sadd.s32 $0x40, s14;
	v0 =	vld.msk [tilespmem:s15+$0x100 ss:$0x1], $0xffff  }
0x35: {  	_ =	sdelay $0x3  }
0x36: {  	v1 =	vshll.u32 v0, $0x4  }
0x37: {  	vm2 =	veq.s32 v0, $0x80000000;
	v63 =	vshll.u32 v0, $0x13;
	v1 =	vand.u32 $0x7FF80, v1  }
0x38: {  	v0 =	vand.u32 $0x380000, v63;
	v1 =	vsel vm2, $0xFFFFFF80, v1  }
0x39: {  	v0 =	vsel vm2, $0xFFF80000, v0;
	v2 =	vand.u32 $0xFFFFFC00, v1  }
0x3a: {  	v1 =	vand.u32 $0x380, v1;
	v0 =	vadd.s32 v0, v2  }
0x3b: {  	v0 =	vor.u32 v1, v0  }
0x3c: {  	v0 =	vshrl.u32 v0, $0x3;
	_ =	sdelay $0x3  }
0x3d: {  	s13 =	sadd.s32 $0x800, s13  }
0x3e: {  	[tilespmem:s13], [sflag:$0x1] =	stream.indirect_vreg.gather [hbm:s2], $0x80, v0, vm0, $0x38;
	[tilespmem:$0x10200] =	vst v63  }
0x3f: {  	s13 =	sadd.s32 $0x400, s13  }
0x40: {  	[tilespmem:s13], [sflag:$0x1] =	stream.indirect_vreg.gather [hbm:s2], $0x80, v0, vm1, $0x38;
	[tilespmem:$0x10200] =	vst v63  }
0x41: {  	s12 =	sshll.u32 s12, $0x4;
	s14 =	simm.s32 $0x80;
	_ =	swait.ge [sflag:s4], $0x8000  }
0x42: {  	s15 =	simm.s32 $0x8600;
	s12 =	sadd.s32 s12, s7;
	[sflag:s4] =	ssyncset.done $0x0  }
0x43: {  	s16 =	sadd.s32 $0x0, s12;
	s13 =	simm.s32 $0x8200;
	[sflag:s4] =	ssyncadd.s32 $0xFFFF8000  }
.LBB2_7:
0x44: {  	[hbm:s16] =	stream.linear.scatter [tilespmem:s13], [sflag:$0x3], $0x400, $0x38;
	[tilespmem:$0x10200] =	vst v63  }
0x45: {  	s16 =	smov.u32 s14;
	s13 =	smov.u32 s15;
	p0 =	sne.s32 s14, $0xF80  }
.Ltmp5:
0x46: {  	s14 =	sadd.s32 $0x80, s14;
	(pc) =	sbr.rel @p0 .LBB2_7-.Ltmp5, $2  }
0x47: {  	_ =	sdelay $0x2  }
0x48: {  	s15 =	sadd.s32 $0x400, s15;
	s16 =	sadd.s32 s16, s12  }
.Ltmp6:
0x49: {  	(pc) =	sbr.rel .LBB2_9-.Ltmp6, $2  }
0x4a: {  	_ =	sdelay $0x2  }
0x4b: {  	[hbm:s16] =	stream.linear.scatter [tilespmem:s13], [sflag:$0x3], $0x400, $0x38;
	[tilespmem:$0x10200] =	vst v63  }
.LBB2_2:
.Ltmp7:
0x4c: {  	(pc) =	sbr.rel .LBB2_10-.Ltmp7, $4  }
0x4d: {  	_ = 	snop  }
0x4e: {  	s12 =	sshrl.u32 s11, $0x3  }
0x4f: {  	s13 =	sand.u32 $0x7, s11;
	s12 =	sadd.s32 s3, s12  }
0x50: {  	[tilespmem:s9], [sflag:$0x2] =	stream.linear.gather [hbm4b:s12+s13], $0x100, $0x38;
	[tilespmem:$0x10200] =	vst v63  }
.LBB2_11:
0x51: {  	s2 =	simm.s32 $0x3  }
0x52: {  	_ =	swait.ge [sflag:s2], $0x8000  }
0x53: {  	[sflag:s2] =	ssyncset.done $0x0  }
0x54: {  	[sflag:s2] =	ssyncadd.s32 $0xFFFF8000  }
0x55: {  	_ =	sfence.sel $0x180000  }
0x56: {  	s3 =	simm.s32 $0x2;
	[bflag:$0x0] =	sbarrier.arrive $0xFFFF  }
0x57: {  	[sflag:s3] =	ssyncpa.u1 $0x1  }
0x58: {  	s31 =	simm.s32 $0x1;
	[sflag:s2] =	ssyncpa.u1 $0x1  }
0x59: {  	[sflag:s31] =	ssyncpa.u1 $0x1  }
0x5a: {  	p0 =	sne.s32 s1, $0x0;
	_ =	strace $0x90000047  }
0x5b: {  	s0 =	sadd.s32 @!p0 $0x100000, s0;
	[bflag:$0x2] =	sbarrier.arrive $0xFFFF  }
0x5c: {  	[sflag:s0] =	ssyncadd.tile.s32 @!p0 $0x1;
	_ =	shalt  }
.Lfunc_end2:
_tile_overlayer_lowered:
.L_overlay_start_2:
0x5d: {  	(tag) =	ssettag $0x2  }
0x5e: {  	s0 =	rddreg [dreg:$0x0];
	s2 =	stileid.u32  }
0x5f: {  	s1 =	rddreg [dreg:$0x1];
	p0 =	sne.s32 s2, $0x0  }
0x60: {  	s3 =	rddreg [dreg:$0x2];
	[bflag:$0x3] =	sbarrier.arrive $0xFFFF;
	s2 =	simm.s32 @!p0 $0x1C01  }
0x61: {  	[timem:s3], [sflag:s2] =	dma.local @!p0 [hbm:s0], s1  }
0x62: {  	s0 =	simm.s32 @!p0 $0x1  }
0x63: {  	_ =	swait.ge @!p0 [sflag:s0], s1  }
0x64: {  	s1 =	ssub.s32 @!p0 $0x0, s1;
	[sflag:s0] =	ssyncset.done @!p0 $0x0  }
0x65: {  	[sflag:s0] =	ssyncadd.s32 @!p0 s1  }
0x66: {  	[bflag:$0x3] =	sbarrier.arrive $0xFFFF  }
0x67: {  	_ =	shalt  }

// kernel: kernel.27.cloned.1.call-start
scs
__scs_entry_jumppad:
0x0: {  	(pc) =	sbr.rel $0x88, $3  }
0x1: {  	(tag) =	ssettag $0x0;
	lr =	simm.s32 $0x1  }
0x2: {  	[smem:$0x3F52] =	sst lr;
	_ =	strace $0xD0000000  }
0x3: {  	_ = 	snop  }
0x4: {  	_ = 	snop  }
0x5: {  	_ = 	snop  }
0x6: {  	_ = 	snop  }
0x7: {  	_ = 	snop  }
__scs_overlays_trampoline_lowered:
0x8: {  	[smem:$0x3F61] =	sst s0  }
0x9: {  	[smem:$0x3F62] =	sst s1  }
0xa: {  	[smem:$0x3F63] =	sst s2  }
0xb: {  	[smem:$0x3F64] =	sst s3  }
0xc: {  	[smem:$0x3F65] =	sst s4  }
0xd: {  	[smem:$0x3F66] =	sst s5  }
0xe: {  	[smem:$0x3F67] =	sst s6  }
0xf: {  	[smem:$0x3F68] =	sst s7  }
0x10: {  	[smem:$0x3F69] =	sst s8  }
0x11: {  	[smem:$0x3F6A] =	sst s9;
	s0 =	simm.s32 @!p0 $0x0  }
0x12: {  	s1 =	sld [smem:$0x3F50];
	s0 =	simm.s32 @p0 $0x1  }
0x13: {  	[smem:$0x3F6B] =	sst s0;
	s0 =	simm.s32 @!p1 $0x0  }
0x14: {  	s2 =	sld [smem:$0x3F4F];
	s0 =	simm.s32 @p1 $0x1  }
0x15: {  	[smem:$0x3F6C] =	sst s0;
	s0 =	simm.s32 @!p2 $0x0  }
0x16: {  	s3 =	sld [smem:$0x3FDB];
	s0 =	simm.s32 @p2 $0x1  }
0x17: {  	s4 =	simm.s32 $0x1BF5;
	[smem:$0x3F6E] =	sst s0  }
0x18: {  	s0 =	sld [smem:$0x3F51];
	_ =	swait.ge [sflag:s4], $0x0  }
0x19: {  	s7 =	sld [smem:$0x3F52]  }
0x1a: {  	s8 =	sadd.s32 $0xFFFFE003, lr  }
0x1b: {  	s9 =	sadd.s32 $0xFFFFFEF7, lr;
	s5 =	simm.s32 $0xFFFFFFFF;
	p2 =	slt.u32 s8, $0xFFFFF086  }
0x1c: {  	p1 =	slt.u32 s9, $0xF7A;
	s5 =	simm.s32 @!p2 $0x0  }
0x1d: {  	s5 =	simm.s32 @p1 $0x1;
	p0 =	seq.s32 s7, s2  }
0x1e: {  	s7 =	smul.u32 @!p0 $0xF7A, s2;
	p2 =	seq.s32 @!p0 s5, $0x0  }
0x1f: {  	s9 =	smul.u32 $0xF7A, s1;
	s8 =	simm.s32 @!p0 $0x1BF5;
	p2 =	por !p2, p0  }
0x20: {  	[sflag:s8] =	ssyncset.s32 @!p0 $0xFFFFF086;
	s6 =	sadd.s32 @!p0 s3, s7;
	s7 =	simm.s32 @!p0 $0x108  }
0x21: {  	s3 =	sadd.s32 s3, s9;
	s6 =	sadd.s32 @!p0 $0x88, s6;
	s7 =	simm.s32 @p2 $0x1082  }
0x22: {  	[simem:s7], [sflag:s8] =	dma.local @!p0 [hbm:s6], $0xF7A  }
0x23: {  	s9 =	sor.u32 $0xD0000000, s2;
	s6 =	simm.s32 $0x108;
	_ =	swait.ge @!p0 [sflag:s8], $0x0  }
0x24: {  	s3 =	sadd.s32 $0x88, s3;
	s6 =	simm.s32 @!p1 $0x1082;
	[sflag:s4] =	ssyncset.s32 $0xFFFFF086  }
0x25: {  	[simem:s6], [sflag:s4] =	dma.local [hbm:s3], $0xF7A  }
0x26: {  	[smem:$0x3F52] =	sst s1;
	(tag) =	ssettag s2;
	_ =	strace s9  }
0x27: {  	s1 =	sld [smem:$0x3F62]  }
0x28: {  	s2 =	sld [smem:$0x3F63]  }
0x29: {  	s4 =	sld [smem:$0x3F65]  }
0x2a: {  	p0 =	seq.s32 s5, $0x0;
	s5 =	sld [smem:$0x3F66]  }
0x2b: {  	s6 =	sld [smem:$0x3F67]  }
0x2c: {  	s7 =	sld [smem:$0x3F68]  }
0x2d: {  	s3 =	simm.s32 $0x108;
	s8 =	sld [smem:$0x3F69]  }
0x2e: {  	s3 =	simm.s32 @!p0 $0x1082;
	s9 =	sld [smem:$0x3F6A]  }
0x2f: {  	lr =	sadd.s32 s0, s3;
	s0 =	sld [smem:$0x3F61]  }
0x30: {  	s3 =	sld [smem:$0x3F64]  }
0x31: {  	[smem:$0x3F6D] =	sst s10  }
0x32: {  	s10 =	sld [smem:$0x3F6B];
	_ =	sdelay $0x3  }
0x33: {  	p0 =	seq.s32 s10, $0x1;
	s10 =	sld [smem:$0x3F6D];
	_ =	sdelay $0x3  }
0x34: {  	[smem:$0x3F6D] =	sst s10  }
0x35: {  	s10 =	sld [smem:$0x3F6C];
	_ =	sdelay $0x3  }
0x36: {  	p1 =	seq.s32 s10, $0x1;
	s10 =	sld [smem:$0x3F6D];
	_ =	sdelay $0x3  }
0x37: {  	[smem:$0x3F6D] =	sst s10  }
0x38: {  	s10 =	sld [smem:$0x3F6E]  }
0x39: {  	_ = 	snop;
	(pc) =	sbr.ind lr, $3  }
0x3a: {  	_ = 	snop  }
0x3b: {  	_ = 	snop  }
0x3c: {  	p2 =	seq.s32 s10, $0x1;
	s10 =	sld [smem:$0x3F6D]  }
0x3d: {  	_ =	shalt  }
0x3e: {  	_ =	shalt  }
0x3f: {  	_ =	shalt  }
0x40: {  	_ =	shalt  }
0x41: {  	_ =	shalt  }
0x42: {  	_ =	shalt  }
0x43: {  	_ =	shalt  }
0x44: {  	_ =	shalt  }
0x45: {  	_ =	shalt  }
0x46: {  	_ =	shalt  }
0x47: {  	_ =	shalt  }
0x48: {  	_ =	shalt  }
0x49: {  	_ =	shalt  }
0x4a: {  	_ =	shalt  }
0x4b: {  	_ =	shalt  }
0x4c: {  	_ =	shalt  }
0x4d: {  	_ =	shalt  }
0x4e: {  	_ =	shalt  }
0x4f: {  	_ =	shalt  }
0x50: {  	_ =	shalt  }
0x51: {  	_ =	shalt  }
0x52: {  	_ =	shalt  }
0x53: {  	_ =	shalt  }
0x54: {  	_ =	shalt  }
0x55: {  	_ =	shalt  }
0x56: {  	_ =	shalt  }
0x57: {  	_ =	shalt  }
0x58: {  	_ =	shalt  }
0x59: {  	_ =	shalt  }
0x5a: {  	_ =	shalt  }
0x5b: {  	_ =	shalt  }
0x5c: {  	_ =	shalt  }
0x5d: {  	_ =	shalt  }
0x5e: {  	_ =	shalt  }
0x5f: {  	_ =	shalt  }
0x60: {  	_ =	shalt  }
0x61: {  	_ =	shalt  }
0x62: {  	_ =	shalt  }
0x63: {  	_ =	shalt  }
0x64: {  	_ =	shalt  }
0x65: {  	_ =	shalt  }
0x66: {  	_ =	shalt  }
0x67: {  	_ =	shalt  }
0x68: {  	_ =	shalt  }
0x69: {  	_ =	shalt  }
0x6a: {  	_ =	shalt  }
0x6b: {  	_ =	shalt  }
0x6c: {  	_ =	shalt  }
0x6d: {  	_ =	shalt  }
0x6e: {  	_ =	shalt  }
0x6f: {  	_ =	shalt  }
0x70: {  	_ =	shalt  }
0x71: {  	_ =	shalt  }
0x72: {  	_ =	shalt  }
0x73: {  	_ =	shalt  }
0x74: {  	_ =	shalt  }
0x75: {  	_ =	shalt  }
0x76: {  	_ =	shalt  }
0x77: {  	_ =	shalt  }
0x78: {  	_ =	shalt  }
0x79: {  	_ =	shalt  }
0x7a: {  	_ =	shalt  }
0x7b: {  	_ =	shalt  }
0x7c: {  	_ =	shalt  }
0x7d: {  	_ =	shalt  }
0x7e: {  	_ =	shalt  }
0x7f: {  	_ =	shalt  }
0x80: {  	_ =	shalt  }
0x81: {  	_ =	shalt  }
0x82: {  	_ =	shalt  }
0x83: {  	_ =	shalt  }
0x84: {  	_ =	shalt  }
0x85: {  	_ =	shalt  }
0x86: {  	_ =	shalt  }
0x87: {  	_ =	shalt  }
.Lfunc_end0:
.L_simem_size_0:
called_computation.3_lowered:
.L_overlay_start_0:
0x88: {  	s2 =	sld [smem:$0x3FD9]  }
0x89: {  	s3 =	sld [smem:$0x3FFE];
	_ =	sdelay $0x1  }
0x8a: {  	s1 =	srdreg.scid  }
0x8b: {  	s0 =	sand.u32 $0x1, s1  }
0x8c: {  	s17 =	sshll.u32 s0, $0xA;
	s2 =	sadd.s32 s3, s2  }
0x8d: {  	s2 =	sadd.s32 s2, s17  }
0x8e: {  	[smem:$0x3F79] =	sst s2  }
0x8f: {  	_ = 	snop  }
0x90: {  	(tm) =	ssettm $0x1  }
0x91: {  	s18 =	sld [smem:$0x3FFB];
	_ =	sdelay $0x3  }
0x92: {  	_ =	strace s18  }
0x93: {  	s2 =	sld [smem:$0x3FFC];
	_ =	sdelay $0x3  }
0x94: {  	_ =	strace s2  }
0x95: {  	s2 =	sld [smem:$0x3FFD];
	_ =	sdelay $0x3  }
0x96: {  	_ =	strace s2  }
0x97: {  	_ =	strace $0x8FFFFFFF  }
0x98: {  	s19 =	sld [smem:$0x3FDB];
	_ =	sdelay $0x1  }
0x99: {  	s20 =	simm.s32 $_scs_section_size  }
0x9a: {  	s4 =	simm.s32 $_size__tile_overlayer_lowered;
	s5 =	simm.s32 $_tile_overlayer_lowered  }
0x9b: {  	s6 =	simm.s32 $0x1BFF;
	s21 =	sshll.u32 s5, $0x1;
	s3 =	sadd.s32 s20, s19  }
0x9c: {  	s22 =	simm.s32 $0x0;
	s4 =	sshll.u32 s4, $0x1;
	s5 =	sadd.s32 s21, s3  }
0x9d: {  	[timem:s22], [sflag:s6] =	dma.local [hbm:s5], s4  }
0x9e: {  	_ =	swait.ge [sflag:s6], s4  }
0x9f: {  	s4 =	ssub.s32 $0x0, s4;
	[sflag:s6] =	ssyncset.done $0x0  }
0xa0: {  	[sflag:s6] =	ssyncadd.s32 s4;
	_ =	sdelay $0x1  }
0xa1: {  	s23 =	simm.s32 $0x1B8B  }
0xa2: {  	_ =	swait.ge [sflag:s23], $0x1  }
0xa3: {  	[sflag:s23] =	ssyncset.done $0x0  }
0xa4: {  	[sflag:s23] =	ssyncadd.s32 $0xFFFFFFFF  }
0xa5: {  	s4 =	sld [smem:$0x0]  }
0xa6: {  	s5 =	sand.u32 $0xFFFFFFFE, s1  }
0xa7: {  	p0 =	sne.s32 s1, s5  }
0xa8: {  	s5 =	sshll.u32 @p0 s5, $0xE  }
0xa9: {  	s5 =	sadd.s32 @p0 $0x11B8D, s5;
	s6 =	sshll.u32 @p0 s4, $0x11  }
0xaa: {  	s5 =	sor.u32 @p0 s6, s5  }
0xab: {  	[sflag:s5] =	ssyncadd.remote.s32 @p0 $0x1;
	_ =	sdelay $0x1  }
0xac: {  	s5 =	simm.s32 @p0 $0x1B8D  }
0xad: {  	_ =	swait.eq @p0 [sflag:s5], $0x1  }
0xae: {  	[sflag:s5] =	ssyncadd.s32 @p0 $0xFFFFFFFF  }
0xaf: {  	s6 =	sshll.u32 @!p0 s1, $0xE  }
0xb0: {  	s6 =	sor.u32 @!p0 $0x4000, s6;
	s5 =	simm.s32 @!p0 $0x1B8D  }
0xb1: {  	s4 =	sshll.u32 @!p0 s4, $0x11;
	s6 =	sadd.s32 @!p0 $0x11B8D, s6;
	_ =	swait.eq @!p0 [sflag:s5], $0x1  }
0xb2: {  	s4 =	sor.u32 @!p0 s4, s6;
	[sflag:s5] =	ssyncadd.s32 @!p0 $0xFFFFFFFF  }
0xb3: {  	s25 =	simm.s32 $0x1B8E;
	s24 =	sld [smem:$0x3FFE];
	[sflag:s4] =	ssyncadd.remote.s32 @!p0 $0x1  }
0xb4: {  	s26 =	simm.s32 $execute0_lowered;
	[smem:$0x3FD2] =	sst s25  }
0xb5: {  	s5 =	sshll.u32 s26, $0x1;
	_ =	strace $0x8000004F;
	[dreg:$0x1] =	wrdreg $0xFFFFFFFF  }
0xb6: {  	s28 =	simm.s32 $_size_execute0_lowered;
	s3 =	sadd.s32 s3, s5;
	[dreg:$0x0] =	wrdreg $0x0  }
0xb7: {  	s5 =	sshll.u32 s28, $0x1;
	[dreg:$0x2] =	wrdreg s3  }
0xb8: {  	[dreg:$0x3] =	wrdreg s5  }
0xb9: {  	[dreg:$0x4] =	wrdreg $0xC0  }
0xba: {  	_ =	task [dreg:s22], $0x5FFFF  }
0xbb: {  	[dreg:$0x1] =	wrdreg $0xFFFFFFFF  }
0xbc: {  	[dreg:$0x0] =	wrdreg $0x60  }
0xbd: {  	[dreg:$0x2] =	wrdreg s24  }
0xbe: {  	[dreg:$0x3] =	wrdreg $0xB  }
0xbf: {  	_ =	task.clear_ibuf [dreg:s22], $0x4FFFF;
	_ =	strace $0x9000004F  }
0xc0: {  	s29 =	simm.s32 $0xB;
	_ =	strace $0x80000051  }
0xc1: {  	_ =	swait.ge [sflag:s29], $0x1  }
0xc2: {  	[sflag:s29] =	ssyncadd.s32 $0xFFFFFFFF  }
0xc3: {  	_ =	strace $0x90000051  }
0xc4: {  	_ =	sfence  }
0xc5: {  	s30 =	sld [smem:$0x0];
	_ =	sdelay $0x2  }
0xc6: {  	s31 =	sshll.u32 s1, $0xD;
	s1 =	sshrl.u32 s1, $0x2  }
0xc7: {  	s4 =	sand.u32 $0x4000, s31;
	s1 =	sadd.s32 s1, s30  }
0xc8: {  	s0 =	sor.u32 s4, s0;
	s1 =	sshll.u32 s1, $0x11  }
0xc9: {  	s0 =	sor.u32 s1, s0  }
0xca: {  	s0 =	sadd.s32 $0x8F2B, s0  }
0xcb: {  	[sflag:s0] =	ssyncadd.remote.s32 $0x1  }
0xcc: {  	_ =	sfence.sel $0xFFFF  }
0xcd: {  	[dreg:$0x0] =	wrdreg $0xFFFFFFFF;
	(pc) =	sbr.abs _section_cstart, $3  }
0xce: {  	[dreg:$0x1] =	wrdreg $0xFFFFFFFF  }
0xcf: {  	_ =	task.clear_ibuf [dreg:s22], $0x2FFFF;
	_ =	strace $0x9FFFFFFF  }
0xd0: {  	(tm) =	ssettm $0x7FFFFFFF  }
0xd1: {  	_ =	shalt  }
tec
execute0_lowered:
.L_overlay_start_1:
0x0: {  	(tag) =	ssettag $0x1  }
0x1: {  	s4 =	rddreg [dreg:$0x0]  }
0x2: {  	s0 =	rddreg [dreg:$0x1]  }
0x3: {  	s1 =	simm.s32 $0x0;
	s2 =	srdreg.scid;
	s8 =	simm.s32 $0x8000  }
0x4: {  	s9 =	simm.s32 $0x0;
	[smem:$0x7FF] =	sst s1;
	s5 =	sand.u32 $0x1, s2  }
0x5: {  	s3 =	sadd.s32 $0x4A0400, s4;
	s2 =	stileid.u32;
	s6 =	ssub.s32 $0x2, s5  }
0x6: {  	s4 =	sadd.s32 $0xA0400, s4;
	_ =	strace $0x80000050;
	s7 =	sshrl.u32 s6, $0x1  }
0x7: {  	v0 =	vimm.s32 $0xFFFFFFFF;
	s31 =	sshll.u32 s2, $0x9;
	s5 =	sshll.u32 s5, $0x8;
	s6 =	ssub.s32 s6, s7  }
0x8: {  	vm0 =	vmxor vm0, vm0;
	v1 =	vlaneseq.u32;
	v2 =	vimm.s32 $0x0;
	s5 =	sor.u32 s5, s31;
	s7 =	simm.s32 $0x1;
	s6 =	smax.u32 s6, $0x1  }
.LBB2_1:
0x9: {  	s10 =	simm.s32 $0x0  }
.LBB2_2:
0xa: {  	s11 =	sshll.u32 s10, $0x3  }
0xb: {  	s11 =	sadd.s32 s5, s11  }
0xc: {  	s12 =	sshll.u32 s11, $0x9  }
0xd: {  	s13 =	sadd.s32 s3, s12;
	s12 =	simm.s32 $0x0  }
0xe: {  	[tilespmem:s12], [sflag:$0x1] =	stream.linear.gather [hbm4b:s13+s12], $0x8000, $0x38;
	[tilespmem:$0x8040] =	vst v63  }
0xf: {  	_ =	swait.ge [sflag:s7], $0x8000  }
0x10: {  	[sflag:s7] =	ssyncset.done $0x0  }
0x11: {  	s14 =	simm.s32 $0x0;
	s13 =	simm.s32 $0x0;
	[sflag:s7] =	ssyncadd.s32 $0xFFFF8000  }
.LBB2_3:
0x12: {  	[tilespmem:$0x8000] =	vst v0  }
0x13: {  	[tilespmem:$0x8010] =	vst v0  }
0x14: {  	[tilespmem:$0x8020] =	vst v0  }
0x15: {  	[tilespmem:$0x8030] =	vst v0  }
0x16: {  	v3 =	vld [tilespmem:s13+$0x0];
	_ =	sdelay $0x4  }
0x17: {  	p0 =	por $0x1, $0x1;
	vm3 =	vmmov vm0;
	vm1 =	vlt.f32 v3, $0.0e+00;
	vm2 =	vgt.f32 v3, $0.0e+00  }
0x18: {  	vm3 =	vmneg @p0 vm3;
	vm1 =	vmor vm2, vm1  }
0x19: {  	vm1 =	vmand vm3, vm1  }
0x1a: {  	v3 =	vsel vm1, $0x1, v2  }
0x1b: {  	(xrf0) =	vadd.scan.msk.s32 $0xffff, v3;
	_ =	sdelay $0x3  }
0x1c: {  	v3 =	vmov s12  }
0x1d: {  	v3 =	vadd.s32 $0xFFFFFFFF, v3  }
0x1e: {  	v3 =	vbroadcast v3, $0x0;
	v4, _, _ =	vpop (xrf0)  }
0x1f: {  	v5 =	vxor.u32 $0x80000000, v4  }
0x20: {  	v3 =	vadd.s32 v4, v3;
	(xrf0) =	vmax.scan.msk.u32 $0xffff, v5  }
0x21: {  	v3 =	vnsel vm1, $0x3F, v3;
	_ =	sdelay $0x3  }
0x22: {  	v4 =	vor.u32 s12, v1  }
0x23: {  	[tilespmem:v3+s8+$0x0] =	vst.idx.msk $0xffff, v4;
	v3, _, _ =	vpop (xrf0)  }
0x24: {  	(v2sf) =	vpush v3, $0xF;
	_ =	sdelay $0xa  }
0x25: {  	s16 =	sadd.s32 $0x10, s13  }
0x26: {  	s15 =	simm.s32 $0x10;
	s17 =	simm.s32 $0x20;
	s18 =	simm.s32 $0x0;
	v3 =	vld [tilespmem:s16+$0x0]  }
.LBB2_4:
0x27: {  	_ = 	snop  }
0x28: {  	p0 =	sne.s32 s17, $0xFF0  }
0x29: {  	s19 =	spop (v2sf)  }
0x2a: {  	s18 =	sadd.s32 s19, s18  }
0x2b: {  	s18 =	sadd.s32 $0x80000000, s18;
	vm1 =	vlt.f32 v3, $0.0e+00;
	vm2 =	vgt.f32 v3, $0.0e+00  }
0x2c: {  	p1 =	slt.s32 s18, $0x20;
	v3 =	vmov s18;
	vm1 =	vmor vm2, vm1;
	vm2 =	vmmov vm0  }
0x2d: {  	v3 =	vadd.s32 $0xFFFFFFFF, v3;
	vm2 =	vmneg @p1 vm2  }
0x2e: {  	v3 =	vbroadcast v3, $0x0;
	vm1 =	vmand vm2, vm1  }
0x2f: {  	v4 =	vsel vm1, $0x1, v2  }
0x30: {  	(xrf0) =	vadd.scan.msk.s32 $0xffff, v4;
	_ =	sdelay $0x5  }
0x31: {  	v4, _, _ =	vpop (xrf0)  }
0x32: {  	v3 =	vadd.s32 v4, v3;
	v4 =	vxor.u32 $0x80000000, v4  }
0x33: {  	v3 =	vnsel vm1, $0x3F, v3;
	(xrf0) =	vmax.scan.msk.u32 $0xffff, v4;
	_ =	sdelay $0x3  }
0x34: {  	v4 =	vor.u32 s15, v1;
	s15 =	smov.u32 s17  }
0x35: {  	[tilespmem:v3+s8+$0x0] =	vst.idx.msk $0xffff, v4  }
0x36: {  	v3, _, _ =	vpop (xrf0)  }
0x37: {  	(v2sf) =	vpush v3, $0xF;
	_ =	sdelay $0x8  }
.Ltmp0:
0x38: {  	(pc) =	sbr.rel @p0 .LBB2_4-.Ltmp0, $3  }
0x39: {  	_ =	sdelay $0x1  }
0x3a: {  	s16 =	sadd.s32 $0x10, s16  }
0x3b: {  	s17 =	sadd.s32 $0x10, s17;
	v3 =	vld [tilespmem:s16+$0x0]  }
0x3c: {  	_ = 	snop  }
0x3d: {  	s16 =	spop (v2sf)  }
0x3e: {  	s16 =	sadd.s32 s16, s18  }
0x3f: {  	s16 =	sadd.s32 $0x80000000, s16  }
0x40: {  	vm3 =	vmmov vm0;
	vm1 =	vlt.f32 v3, $0.0e+00;
	vm2 =	vgt.f32 v3, $0.0e+00;
	p0 =	slt.s32 s16, $0x20  }
0x41: {  	vm1 =	vmor vm2, vm1;
	vm3 =	vmneg @p0 vm3  }
0x42: {  	vm1 =	vmand vm3, vm1  }
0x43: {  	v3 =	vsel vm1, $0x1, v2  }
0x44: {  	(xrf0) =	vadd.scan.msk.s32 $0xffff, v3;
	_ =	sdelay $0x5  }
0x45: {  	v3, _, _ =	vpop (xrf0)  }
0x46: {  	v4 =	vxor.u32 $0x80000000, v3  }
0x47: {  	(xrf0) =	vmax.scan.msk.u32 $0xffff, v4;
	_ =	sdelay $0x5  }
0x48: {  	v4, _, _ =	vpop (xrf0)  }
0x49: {  	(v2sf) =	vpush v4, $0xF;
	_ =	sdelay $0x1  }
0x4a: {  	v62 =	vmov s16  }
0x4b: {  	v4 =	vadd.s32 $0xFFFFFFFF, v62  }
0x4c: {  	v4 =	vbroadcast v4, $0x0;
	_ =	sdelay $0x1  }
0x4d: {  	v3 =	vadd.s32 v3, v4  }
0x4e: {  	v3 =	vnsel vm1, $0x3F, v3;
	_ =	sdelay $0x2  }
0x4f: {  	s29 =	sadd.s32 s11, s14  }
0x50: {  	v63 =	vor.u32 s15, v1;
	s14 =	sadd.s32 $0x1, s14;
	s30 =	sshll.u32 s29, $0x3  }
0x51: {  	s15 =	sadd.s32 s4, s30;
	p0 =	sne.s32 s14, $0x8;
	[tilespmem:v3+s8+$0x0] =	vst.idx.msk $0xffff, v63  }
0x52: {  	[hbm4b:s15+s1] =	stream.linear.scatter [tilespmem:s8], [sflag:$0x1], $0x40, $0x38;
	[tilespmem:$0x8040] =	vst v63  }
.Ltmp1:
0x53: {  	_ = 	snop;
	(pc) =	sbr.rel @p0 .LBB2_3-.Ltmp1, $4  }
0x54: {  	s31 =	spop (v2sf)  }
0x55: {  	_ =	swait.ge [sflag:s7], $0x40  }
0x56: {  	[sflag:s7] =	ssyncset.done $0x0  }
0x57: {  	s13 =	sadd.s32 $0x1000, s13;
	[sflag:s7] =	ssyncadd.s32 $0xFFFFFFC0  }
0x58: {  	s10 =	sadd.s32 $0x1, s10  }
0x59: {  	p0 =	sne.s32 s10, $0x20  }
.Ltmp2:
0x5a: {  	_ = 	snop;
	(pc) =	sbr.rel @p0 .LBB2_2-.Ltmp2, $1  }
0x5b: {  	_ =	sdelay $0x3  }
0x5c: {  	s9 =	sadd.s32 $0x1, s9  }
0x5d: {  	p0 =	sne.s32 s9, s6  }
.Ltmp3:
0x5e: {  	_ = 	snop;
	(pc) =	sbr.rel @p0 .LBB2_1-.Ltmp3, $1  }
0x5f: {  	_ =	sdelay $0x3  }
0x60: {  	_ =	sfence.sel $0x180000  }
0x61: {  	[bflag:$0x0] =	sbarrier.arrive $0xFFFF  }
0x62: {  	p0 =	sne.s32 s2, $0x0;
	_ =	strace $0x90000050  }
0x63: {  	s0 =	sadd.s32 @!p0 $0x100000, s0;
	[bflag:$0x2] =	sbarrier.arrive $0xFFFF  }
0x64: {  	[sflag:s0] =	ssyncadd.tile.s32 @!p0 $0x1;
	_ =	shalt  }
.Lfunc_end2:
_tile_overlayer_lowered:
.L_overlay_start_2:
0x65: {  	(tag) =	ssettag $0x2  }
0x66: {  	s0 =	rddreg [dreg:$0x0];
	s2 =	stileid.u32  }
0x67: {  	s1 =	rddreg [dreg:$0x1];
	p0 =	sne.s32 s2, $0x0  }
0x68: {  	s3 =	rddreg [dreg:$0x2];
	[bflag:$0x3] =	sbarrier.arrive $0xFFFF;
	s2 =	simm.s32 @!p0 $0x1C01  }
0x69: {  	[timem:s3], [sflag:s2] =	dma.local @!p0 [hbm:s0], s1  }
0x6a: {  	s0 =	simm.s32 @!p0 $0x1  }
0x6b: {  	_ =	swait.ge @!p0 [sflag:s0], s1  }
0x6c: {  	s1 =	ssub.s32 @!p0 $0x0, s1;
	[sflag:s0] =	ssyncset.done @!p0 $0x0  }
0x6d: {  	[sflag:s0] =	ssyncadd.s32 @!p0 s1  }
0x6e: {  	[bflag:$0x3] =	sbarrier.arrive $0xFFFF  }
0x6f: {  	_ =	shalt  }

// kernel: kernel.30.cloned.1.call-start
scs
__scs_entry_jumppad:
0x0: {  	(pc) =	sbr.rel $0x88, $3  }
0x1: {  	(tag) =	ssettag $0x0;
	lr =	simm.s32 $0x1  }
0x2: {  	[smem:$0x3F52] =	sst lr;
	_ =	strace $0xD0000000  }
0x3: {  	_ = 	snop  }
0x4: {  	_ = 	snop  }
0x5: {  	_ = 	snop  }
0x6: {  	_ = 	snop  }
0x7: {  	_ = 	snop  }
__scs_overlays_trampoline_lowered:
0x8: {  	[smem:$0x3F61] =	sst s0  }
0x9: {  	[smem:$0x3F62] =	sst s1  }
0xa: {  	[smem:$0x3F63] =	sst s2  }
0xb: {  	[smem:$0x3F64] =	sst s3  }
0xc: {  	[smem:$0x3F65] =	sst s4  }
0xd: {  	[smem:$0x3F66] =	sst s5  }
0xe: {  	[smem:$0x3F67] =	sst s6  }
0xf: {  	[smem:$0x3F68] =	sst s7  }
0x10: {  	[smem:$0x3F69] =	sst s8  }
0x11: {  	[smem:$0x3F6A] =	sst s9;
	s0 =	simm.s32 @!p0 $0x0  }
0x12: {  	s1 =	sld [smem:$0x3F50];
	s0 =	simm.s32 @p0 $0x1  }
0x13: {  	[smem:$0x3F6B] =	sst s0;
	s0 =	simm.s32 @!p1 $0x0  }
0x14: {  	s2 =	sld [smem:$0x3F4F];
	s0 =	simm.s32 @p1 $0x1  }
0x15: {  	[smem:$0x3F6C] =	sst s0;
	s0 =	simm.s32 @!p2 $0x0  }
0x16: {  	s3 =	sld [smem:$0x3FDB];
	s0 =	simm.s32 @p2 $0x1  }
0x17: {  	s4 =	simm.s32 $0x1BF5;
	[smem:$0x3F6E] =	sst s0  }
0x18: {  	s0 =	sld [smem:$0x3F51];
	_ =	swait.ge [sflag:s4], $0x0  }
0x19: {  	s7 =	sld [smem:$0x3F52]  }
0x1a: {  	s8 =	sadd.s32 $0xFFFFE003, lr  }
0x1b: {  	s9 =	sadd.s32 $0xFFFFFEF7, lr;
	s5 =	simm.s32 $0xFFFFFFFF;
	p2 =	slt.u32 s8, $0xFFFFF086  }
0x1c: {  	p1 =	slt.u32 s9, $0xF7A;
	s5 =	simm.s32 @!p2 $0x0  }
0x1d: {  	s5 =	simm.s32 @p1 $0x1;
	p0 =	seq.s32 s7, s2  }
0x1e: {  	s7 =	smul.u32 @!p0 $0xF7A, s2;
	p2 =	seq.s32 @!p0 s5, $0x0  }
0x1f: {  	s9 =	smul.u32 $0xF7A, s1;
	s8 =	simm.s32 @!p0 $0x1BF5;
	p2 =	por !p2, p0  }
0x20: {  	[sflag:s8] =	ssyncset.s32 @!p0 $0xFFFFF086;
	s6 =	sadd.s32 @!p0 s3, s7;
	s7 =	simm.s32 @!p0 $0x108  }
0x21: {  	s3 =	sadd.s32 s3, s9;
	s6 =	sadd.s32 @!p0 $0x88, s6;
	s7 =	simm.s32 @p2 $0x1082  }
0x22: {  	[simem:s7], [sflag:s8] =	dma.local @!p0 [hbm:s6], $0xF7A  }
0x23: {  	s9 =	sor.u32 $0xD0000000, s2;
	s6 =	simm.s32 $0x108;
	_ =	swait.ge @!p0 [sflag:s8], $0x0  }
0x24: {  	s3 =	sadd.s32 $0x88, s3;
	s6 =	simm.s32 @!p1 $0x1082;
	[sflag:s4] =	ssyncset.s32 $0xFFFFF086  }
0x25: {  	[simem:s6], [sflag:s4] =	dma.local [hbm:s3], $0xF7A  }
0x26: {  	[smem:$0x3F52] =	sst s1;
	(tag) =	ssettag s2;
	_ =	strace s9  }
0x27: {  	s1 =	sld [smem:$0x3F62]  }
0x28: {  	s2 =	sld [smem:$0x3F63]  }
0x29: {  	s4 =	sld [smem:$0x3F65]  }
0x2a: {  	p0 =	seq.s32 s5, $0x0;
	s5 =	sld [smem:$0x3F66]  }
0x2b: {  	s6 =	sld [smem:$0x3F67]  }
0x2c: {  	s7 =	sld [smem:$0x3F68]  }
0x2d: {  	s3 =	simm.s32 $0x108;
	s8 =	sld [smem:$0x3F69]  }
0x2e: {  	s3 =	simm.s32 @!p0 $0x1082;
	s9 =	sld [smem:$0x3F6A]  }
0x2f: {  	lr =	sadd.s32 s0, s3;
	s0 =	sld [smem:$0x3F61]  }
0x30: {  	s3 =	sld [smem:$0x3F64]  }
0x31: {  	[smem:$0x3F6D] =	sst s10  }
0x32: {  	s10 =	sld [smem:$0x3F6B];
	_ =	sdelay $0x3  }
0x33: {  	p0 =	seq.s32 s10, $0x1;
	s10 =	sld [smem:$0x3F6D];
	_ =	sdelay $0x3  }
0x34: {  	[smem:$0x3F6D] =	sst s10  }
0x35: {  	s10 =	sld [smem:$0x3F6C];
	_ =	sdelay $0x3  }
0x36: {  	p1 =	seq.s32 s10, $0x1;
	s10 =	sld [smem:$0x3F6D];
	_ =	sdelay $0x3  }
0x37: {  	[smem:$0x3F6D] =	sst s10  }
0x38: {  	s10 =	sld [smem:$0x3F6E]  }
0x39: {  	_ = 	snop;
	(pc) =	sbr.ind lr, $3  }
0x3a: {  	_ = 	snop  }
0x3b: {  	_ = 	snop  }
0x3c: {  	p2 =	seq.s32 s10, $0x1;
	s10 =	sld [smem:$0x3F6D]  }
0x3d: {  	_ =	shalt  }
0x3e: {  	_ =	shalt  }
0x3f: {  	_ =	shalt  }
0x40: {  	_ =	shalt  }
0x41: {  	_ =	shalt  }
0x42: {  	_ =	shalt  }
0x43: {  	_ =	shalt  }
0x44: {  	_ =	shalt  }
0x45: {  	_ =	shalt  }
0x46: {  	_ =	shalt  }
0x47: {  	_ =	shalt  }
0x48: {  	_ =	shalt  }
0x49: {  	_ =	shalt  }
0x4a: {  	_ =	shalt  }
0x4b: {  	_ =	shalt  }
0x4c: {  	_ =	shalt  }
0x4d: {  	_ =	shalt  }
0x4e: {  	_ =	shalt  }
0x4f: {  	_ =	shalt  }
0x50: {  	_ =	shalt  }
0x51: {  	_ =	shalt  }
0x52: {  	_ =	shalt  }
0x53: {  	_ =	shalt  }
0x54: {  	_ =	shalt  }
0x55: {  	_ =	shalt  }
0x56: {  	_ =	shalt  }
0x57: {  	_ =	shalt  }
0x58: {  	_ =	shalt  }
0x59: {  	_ =	shalt  }
0x5a: {  	_ =	shalt  }
0x5b: {  	_ =	shalt  }
0x5c: {  	_ =	shalt  }
0x5d: {  	_ =	shalt  }
0x5e: {  	_ =	shalt  }
0x5f: {  	_ =	shalt  }
0x60: {  	_ =	shalt  }
0x61: {  	_ =	shalt  }
0x62: {  	_ =	shalt  }
0x63: {  	_ =	shalt  }
0x64: {  	_ =	shalt  }
0x65: {  	_ =	shalt  }
0x66: {  	_ =	shalt  }
0x67: {  	_ =	shalt  }
0x68: {  	_ =	shalt  }
0x69: {  	_ =	shalt  }
0x6a: {  	_ =	shalt  }
0x6b: {  	_ =	shalt  }
0x6c: {  	_ =	shalt  }
0x6d: {  	_ =	shalt  }
0x6e: {  	_ =	shalt  }
0x6f: {  	_ =	shalt  }
0x70: {  	_ =	shalt  }
0x71: {  	_ =	shalt  }
0x72: {  	_ =	shalt  }
0x73: {  	_ =	shalt  }
0x74: {  	_ =	shalt  }
0x75: {  	_ =	shalt  }
0x76: {  	_ =	shalt  }
0x77: {  	_ =	shalt  }
0x78: {  	_ =	shalt  }
0x79: {  	_ =	shalt  }
0x7a: {  	_ =	shalt  }
0x7b: {  	_ =	shalt  }
0x7c: {  	_ =	shalt  }
0x7d: {  	_ =	shalt  }
0x7e: {  	_ =	shalt  }
0x7f: {  	_ =	shalt  }
0x80: {  	_ =	shalt  }
0x81: {  	_ =	shalt  }
0x82: {  	_ =	shalt  }
0x83: {  	_ =	shalt  }
0x84: {  	_ =	shalt  }
0x85: {  	_ =	shalt  }
0x86: {  	_ =	shalt  }
0x87: {  	_ =	shalt  }
.Lfunc_end0:
.L_simem_size_0:
called_computation.4_lowered:
.L_overlay_start_0:
0x88: {  	s2 =	sld [smem:$0x3FD9]  }
0x89: {  	s3 =	sld [smem:$0x3FFE];
	_ =	sdelay $0x1  }
0x8a: {  	s1 =	srdreg.scid  }
0x8b: {  	s0 =	sand.u32 $0x1, s1  }
0x8c: {  	s17 =	sshll.u32 s0, $0xA;
	s2 =	sadd.s32 s3, s2  }
0x8d: {  	s2 =	sadd.s32 s2, s17  }
0x8e: {  	[smem:$0x3F79] =	sst s2  }
0x8f: {  	_ = 	snop  }
0x90: {  	s18 =	sld [smem:$0x3FD0];
	(tm) =	ssettm $0x1  }
0x91: {  	s19 =	sld [smem:$0x3FFB];
	_ =	sdelay $0x3  }
0x92: {  	_ =	strace s19  }
0x93: {  	s2 =	sld [smem:$0x3FFC];
	_ =	sdelay $0x3  }
0x94: {  	_ =	strace s2  }
0x95: {  	s2 =	sld [smem:$0x3FFD];
	_ =	sdelay $0x3  }
0x96: {  	_ =	strace s2  }
0x97: {  	_ =	strace $0x8FFFFFFF  }
0x98: {  	s20 =	sld [smem:$0x3FDB];
	_ =	sdelay $0x1  }
0x99: {  	s4 =	simm.s32 $_scs_section_size  }
0x9a: {  	s5 =	simm.s32 $_size__tile_overlayer_lowered;
	s6 =	simm.s32 $_tile_overlayer_lowered  }
0x9b: {  	s7 =	simm.s32 $0x1BFF;
	s21 =	sshll.u32 s6, $0x1;
	s4 =	sadd.s32 s4, s20  }
0x9c: {  	s22 =	simm.s32 $0x0;
	s5 =	sshll.u32 s5, $0x1;
	s6 =	sadd.s32 s21, s4  }
0x9d: {  	[timem:s22], [sflag:s7] =	dma.local [hbm:s6], s5  }
0x9e: {  	_ =	swait.ge [sflag:s7], s5  }
0x9f: {  	s5 =	ssub.s32 $0x0, s5;
	[sflag:s7] =	ssyncset.done $0x0  }
0xa0: {  	[sflag:s7] =	ssyncadd.s32 s5;
	_ =	sdelay $0x1  }
0xa1: {  	s23 =	simm.s32 $0x1B8B  }
0xa2: {  	_ =	swait.ge [sflag:s23], $0x1  }
0xa3: {  	[sflag:s23] =	ssyncset.done $0x0  }
0xa4: {  	[sflag:s23] =	ssyncadd.s32 $0xFFFFFFFF  }
0xa5: {  	s5 =	sld [smem:$0x0]  }
0xa6: {  	s6 =	sand.u32 $0xFFFFFFFE, s1  }
0xa7: {  	p0 =	sne.s32 s1, s6  }
0xa8: {  	s6 =	sshll.u32 @p0 s6, $0xE  }
0xa9: {  	s6 =	sadd.s32 @p0 $0x11B8D, s6;
	s7 =	sshll.u32 @p0 s5, $0x11  }
0xaa: {  	s6 =	sor.u32 @p0 s7, s6  }
0xab: {  	[sflag:s6] =	ssyncadd.remote.s32 @p0 $0x1;
	_ =	sdelay $0x1  }
0xac: {  	s6 =	simm.s32 @p0 $0x1B8D  }
0xad: {  	_ =	swait.eq @p0 [sflag:s6], $0x1  }
0xae: {  	[sflag:s6] =	ssyncadd.s32 @p0 $0xFFFFFFFF  }
0xaf: {  	s7 =	sshll.u32 @!p0 s1, $0xE  }
0xb0: {  	s7 =	sor.u32 @!p0 $0x4000, s7;
	s6 =	simm.s32 @!p0 $0x1B8D  }
0xb1: {  	s5 =	sshll.u32 @!p0 s5, $0x11;
	s7 =	sadd.s32 @!p0 $0x11B8D, s7;
	_ =	swait.eq @!p0 [sflag:s6], $0x1  }
0xb2: {  	s5 =	sor.u32 @!p0 s5, s7;
	[sflag:s6] =	ssyncadd.s32 @!p0 $0xFFFFFFFF  }
0xb3: {  	s25 =	simm.s32 $0x1B8E;
	s24 =	sld [smem:$0x3FFE];
	[sflag:s5] =	ssyncadd.remote.s32 @!p0 $0x1  }
0xb4: {  	s26 =	simm.s32 $execute0_lowered;
	[smem:$0x3FD2] =	sst s25  }
0xb5: {  	s6 =	sshll.u32 s26, $0x1;
	_ =	strace $0x80000055;
	[dreg:$0x1] =	wrdreg $0xFFFFFFFF  }
0xb6: {  	s28 =	simm.s32 $_size_execute0_lowered;
	s4 =	sadd.s32 s4, s6;
	[dreg:$0x0] =	wrdreg $0x0  }
0xb7: {  	s6 =	sshll.u32 s28, $0x1;
	[dreg:$0x2] =	wrdreg s4  }
0xb8: {  	[dreg:$0x3] =	wrdreg s6  }
0xb9: {  	[dreg:$0x4] =	wrdreg $0xC0  }
0xba: {  	_ =	task [dreg:s22], $0x5FFFF  }
0xbb: {  	[dreg:$0x1] =	wrdreg $0xFFFFFFFF  }
0xbc: {  	[dreg:$0x0] =	wrdreg $0x60  }
0xbd: {  	[dreg:$0x2] =	wrdreg s24  }
0xbe: {  	[dreg:$0x3] =	wrdreg s18  }
0xbf: {  	[dreg:$0x4] =	wrdreg $0xB  }
0xc0: {  	_ =	task.clear_ibuf [dreg:s22], $0x5FFFF;
	_ =	strace $0x90000055  }
0xc1: {  	s29 =	simm.s32 $0xB;
	_ =	strace $0x80000057  }
0xc2: {  	_ =	swait.ge [sflag:s29], $0x1  }
0xc3: {  	[sflag:s29] =	ssyncadd.s32 $0xFFFFFFFF  }
0xc4: {  	_ =	strace $0x90000057  }
0xc5: {  	_ =	sfence  }
0xc6: {  	s30 =	sld [smem:$0x0];
	_ =	sdelay $0x2  }
0xc7: {  	s31 =	sshll.u32 s1, $0xD;
	s1 =	sshrl.u32 s1, $0x2  }
0xc8: {  	s4 =	sand.u32 $0x4000, s31;
	s1 =	sadd.s32 s1, s30  }
0xc9: {  	s0 =	sor.u32 s4, s0;
	s1 =	sshll.u32 s1, $0x11  }
0xca: {  	s0 =	sor.u32 s1, s0  }
0xcb: {  	s0 =	sadd.s32 $0x8F2B, s0  }
0xcc: {  	[sflag:s0] =	ssyncadd.remote.s32 $0x1  }
0xcd: {  	_ =	sfence.sel $0xFFFF  }
0xce: {  	[dreg:$0x0] =	wrdreg $0xFFFFFFFF;
	(pc) =	sbr.abs _section_cstart, $3  }
0xcf: {  	[dreg:$0x1] =	wrdreg $0xFFFFFFFF  }
0xd0: {  	_ =	task.clear_ibuf [dreg:s22], $0x2FFFF;
	_ =	strace $0x9FFFFFFF  }
0xd1: {  	(tm) =	ssettm $0x7FFFFFFF  }
tec
execute0_lowered:
.L_overlay_start_1:
0x0: {  	(tag) =	ssettag $0x1  }
0x1: {  	s4 =	rddreg [dreg:$0x0]  }
0x2: {  	s6 =	rddreg [dreg:$0x1]  }
0x3: {  	s0 =	rddreg [dreg:$0x2];
	s2 =	simm.s32 $0x0;
	s1 =	stileid.u32  }
0x4: {  	s3 =	srdreg.scid;
	[smem:$0x7FF] =	sst s2  }
0x5: {  	s5 =	sshll.u32 s1, $0xF;
	s7 =	sand.u32 $0x1, s3;
	s3 =	sadd.s32 $0x174400, s4  }
0x6: {  	s9 =	sshll.u32 s1, $0xE;
	_ =	strace $0x80000056;
	s5 =	sadd.s32 s5, s4  }
0x7: {  	s29 =	ssub.s32 $0x2, s7;
	s10 =	sshll.u32 s7, $0xD;
	s7 =	sshll.u32 s7, $0xE  }
0x8: {  	s8 =	sshrl.u32 s29, $0x1;
	s30 =	sor.u32 s10, s9;
	s5 =	sadd.s32 s7, s5  }
0x9: {  	s7 =	simm.s32 $0x2;
	s9 =	simm.s32 $0x1;
	s10 =	simm.s32 $0x0  }
0xa: {  	s4 =	ssub.s32 s29, s8;
	s31 =	sshrl.u32 s30, $0x3;
	s5 =	sadd.s32 $0xF4400, s5  }
0xb: {  	s8 =	simm.s32 $0x80;
	s4 =	smax.u32 s4, $0x1;
	s6 =	sadd.s32 s31, s6  }
.LBB2_1:
0xc: {  	s11 =	sadd.s32 $0x0, s6  }
0xd: {  	[tilespmem:s2], [sflag:$0x2] =	stream.linear.gather [hbm4b:s11+s2], $0x80, $0x38;
	[tilespmem:$0x880] =	vst v63  }
0xe: {  	_ =	swait.ge [sflag:s7], $0x80  }
0xf: {  	[sflag:s7] =	ssyncset.done $0x0  }
0x10: {  	[sflag:s7] =	ssyncadd.s32 $0xFFFFFF80  }
0x11: {  	[tilespmem:s8], [sflag:$0x1] =	stream.indirect.gather [hbm4b:s3+s8], $0x10, s2, s8, $0xb8;
	[tilespmem:$0x880] =	vst v63  }
0x12: {  	_ =	swait.ge [sflag:s9], $0x800  }
0x13: {  	[sflag:s9] =	ssyncset.done $0x0  }
0x14: {  	[sflag:s9] =	ssyncadd.s32 $0xFFFFF800  }
0x15: {  	[hbm4b:s5+s2] =	stream.linear.scatter [tilespmem:s8], [sflag:$0x2], $0x800, $0x38;
	[tilespmem:$0x880] =	vst v63  }
0x16: {  	s12 =	simm.s32 $0x10;
	_ =	swait.ge [sflag:s7], $0x800  }
0x17: {  	s13 =	simm.s32 $0x20;
	s11 =	sadd.s32 $0x100, s5;
	[sflag:s7] =	ssyncset.done $0x0  }
.LBB2_2:
0x18: {  	s14 =	sadd.s32 s12, s6  }
0x19: {  	[sflag:s7] =	ssyncadd.s32 $0xFFFFF800;
	s12 =	smov.u32 s13;
	s15 =	sadd.s32 $0x10, s13  }
0x1a: {  	[tilespmem:s2], [sflag:$0x2] =	stream.linear.gather [hbm4b:s14+s2], $0x80, $0x38;
	[tilespmem:$0x880] =	vst v63  }
0x1b: {  	p0 =	sne.s32 s13, $0x3F0;
	_ =	swait.ge [sflag:s7], $0x80  }
0x1c: {  	[sflag:s7] =	ssyncset.done $0x0  }
0x1d: {  	[sflag:s7] =	ssyncadd.s32 $0xFFFFFF80  }
0x1e: {  	[tilespmem:s8], [sflag:$0x1] =	stream.indirect.gather [hbm4b:s3+s8], $0x10, s2, s8, $0xb8;
	[tilespmem:$0x880] =	vst v63  }
0x1f: {  	_ =	swait.ge [sflag:s9], $0x800  }
.Ltmp0:
0x20: {  	[sflag:s9] =	ssyncset.done $0x0;
	(pc) =	sbr.rel @p0 .LBB2_2-.Ltmp0, $4  }
0x21: {  	[sflag:s9] =	ssyncadd.s32 $0xFFFFF800  }
0x22: {  	[hbm4b:s11+s2] =	stream.linear.scatter [tilespmem:s8], [sflag:$0x2], $0x800, $0x38;
	[tilespmem:$0x880] =	vst v63  }
0x23: {  	_ =	swait.ge [sflag:s7], $0x800  }
0x24: {  	s13 =	smov.u32 s15;
	s11 =	sadd.s32 $0x100, s11;
	[sflag:s7] =	ssyncset.done $0x0  }
0x25: {  	s12 =	sadd.s32 s12, s6;
	[sflag:s7] =	ssyncadd.s32 $0xFFFFF800  }
0x26: {  	[tilespmem:s2], [sflag:$0x2] =	stream.linear.gather [hbm4b:s12+s2], $0x80, $0x38;
	[tilespmem:$0x880] =	vst v63  }
0x27: {  	_ =	swait.ge [sflag:s7], $0x80  }
0x28: {  	[sflag:s7] =	ssyncset.done $0x0  }
0x29: {  	[sflag:s7] =	ssyncadd.s32 $0xFFFFFF80  }
0x2a: {  	[tilespmem:s8], [sflag:$0x1] =	stream.indirect.gather [hbm4b:s3+s8], $0x10, s2, s8, $0xb8;
	[tilespmem:$0x880] =	vst v63  }
0x2b: {  	s10 =	sadd.s32 $0x1, s10;
	_ =	swait.ge [sflag:s9], $0x800  }
0x2c: {  	p0 =	sne.s32 s10, s4;
	[sflag:s9] =	ssyncset.done $0x0  }
.Ltmp1:
0x2d: {  	[sflag:s9] =	ssyncadd.s32 $0xFFFFF800;
	(pc) =	sbr.rel @p0 .LBB2_1-.Ltmp1, $4  }
0x2e: {  	[hbm4b:s11+s2] =	stream.linear.scatter [tilespmem:s8], [sflag:$0x2], $0x800, $0x38;
	[tilespmem:$0x880] =	vst v63  }
0x2f: {  	_ =	swait.ge [sflag:s7], $0x800  }
0x30: {  	[sflag:s7] =	ssyncset.done $0x0  }
0x31: {  	[sflag:s7] =	ssyncadd.s32 $0xFFFFF800  }
0x32: {  	_ =	sfence.sel $0x180000  }
0x33: {  	[bflag:$0x0] =	sbarrier.arrive $0xFFFF  }
0x34: {  	p0 =	sne.s32 s1, $0x0;
	_ =	strace $0x90000056  }
0x35: {  	s0 =	sadd.s32 @!p0 $0x100000, s0;
	[bflag:$0x2] =	sbarrier.arrive $0xFFFF  }
0x36: {  	[sflag:s0] =	ssyncadd.tile.s32 @!p0 $0x1;
	_ =	shalt  }
.Lfunc_end2:
_tile_overlayer_lowered:
.L_overlay_start_2:
0x37: {  	(tag) =	ssettag $0x2  }
0x38: {  	s0 =	rddreg [dreg:$0x0];
	s2 =	stileid.u32  }
0x39: {  	s1 =	rddreg [dreg:$0x1];
	p0 =	sne.s32 s2, $0x0  }
0x3a: {  	s3 =	rddreg [dreg:$0x2];
	[bflag:$0x3] =	sbarrier.arrive $0xFFFF;
	s2 =	simm.s32 @!p0 $0x1C02  }
0x3b: {  	[timem:s3], [sflag:s2] =	dma.local @!p0 [hbm:s0], s1  }
0x3c: {  	s0 =	simm.s32 @!p0 $0x2  }
0x3d: {  	_ =	swait.ge @!p0 [sflag:s0], s1  }
0x3e: {  	s1 =	ssub.s32 @!p0 $0x0, s1;
	[sflag:s0] =	ssyncset.done @!p0 $0x0  }
0x3f: {  	[sflag:s0] =	ssyncadd.s32 @!p0 s1  }
0x40: {  	[bflag:$0x3] =	sbarrier.arrive $0xFFFF  }
0x41: {  	_ =	shalt  }

// kernel: kernel.33.cloned.1.call-start
scs
__scs_entry_jumppad:
0x0: {  	(pc) =	sbr.rel $0x88, $3  }
0x1: {  	(tag) =	ssettag $0x0;
	lr =	simm.s32 $0x1  }
0x2: {  	[smem:$0x3F52] =	sst lr;
	_ =	strace $0xD0000000  }
0x3: {  	_ = 	snop  }
0x4: {  	_ = 	snop  }
0x5: {  	_ = 	snop  }
0x6: {  	_ = 	snop  }
0x7: {  	_ = 	snop  }
__scs_overlays_trampoline_lowered:
0x8: {  	[smem:$0x3F61] =	sst s0  }
0x9: {  	[smem:$0x3F62] =	sst s1  }
0xa: {  	[smem:$0x3F63] =	sst s2  }
0xb: {  	[smem:$0x3F64] =	sst s3  }
0xc: {  	[smem:$0x3F65] =	sst s4  }
0xd: {  	[smem:$0x3F66] =	sst s5  }
0xe: {  	[smem:$0x3F67] =	sst s6  }
0xf: {  	[smem:$0x3F68] =	sst s7  }
0x10: {  	[smem:$0x3F69] =	sst s8  }
0x11: {  	[smem:$0x3F6A] =	sst s9;
	s0 =	simm.s32 @!p0 $0x0  }
0x12: {  	s1 =	sld [smem:$0x3F50];
	s0 =	simm.s32 @p0 $0x1  }
0x13: {  	[smem:$0x3F6B] =	sst s0;
	s0 =	simm.s32 @!p1 $0x0  }
0x14: {  	s2 =	sld [smem:$0x3F4F];
	s0 =	simm.s32 @p1 $0x1  }
0x15: {  	[smem:$0x3F6C] =	sst s0;
	s0 =	simm.s32 @!p2 $0x0  }
0x16: {  	s3 =	sld [smem:$0x3FDB];
	s0 =	simm.s32 @p2 $0x1  }
0x17: {  	s4 =	simm.s32 $0x1BF5;
	[smem:$0x3F6E] =	sst s0  }
0x18: {  	s0 =	sld [smem:$0x3F51];
	_ =	swait.ge [sflag:s4], $0x0  }
0x19: {  	s7 =	sld [smem:$0x3F52]  }
0x1a: {  	s8 =	sadd.s32 $0xFFFFE003, lr  }
0x1b: {  	s9 =	sadd.s32 $0xFFFFFEF7, lr;
	s5 =	simm.s32 $0xFFFFFFFF;
	p2 =	slt.u32 s8, $0xFFFFF086  }
0x1c: {  	p1 =	slt.u32 s9, $0xF7A;
	s5 =	simm.s32 @!p2 $0x0  }
0x1d: {  	s5 =	simm.s32 @p1 $0x1;
	p0 =	seq.s32 s7, s2  }
0x1e: {  	s7 =	smul.u32 @!p0 $0xF7A, s2;
	p2 =	seq.s32 @!p0 s5, $0x0  }
0x1f: {  	s9 =	smul.u32 $0xF7A, s1;
	s8 =	simm.s32 @!p0 $0x1BF5;
	p2 =	por !p2, p0  }
0x20: {  	[sflag:s8] =	ssyncset.s32 @!p0 $0xFFFFF086;
	s6 =	sadd.s32 @!p0 s3, s7;
	s7 =	simm.s32 @!p0 $0x108  }
0x21: {  	s3 =	sadd.s32 s3, s9;
	s6 =	sadd.s32 @!p0 $0x88, s6;
	s7 =	simm.s32 @p2 $0x1082  }
0x22: {  	[simem:s7], [sflag:s8] =	dma.local @!p0 [hbm:s6], $0xF7A  }
0x23: {  	s9 =	sor.u32 $0xD0000000, s2;
	s6 =	simm.s32 $0x108;
	_ =	swait.ge @!p0 [sflag:s8], $0x0  }
0x24: {  	s3 =	sadd.s32 $0x88, s3;
	s6 =	simm.s32 @!p1 $0x1082;
	[sflag:s4] =	ssyncset.s32 $0xFFFFF086  }
0x25: {  	[simem:s6], [sflag:s4] =	dma.local [hbm:s3], $0xF7A  }
0x26: {  	[smem:$0x3F52] =	sst s1;
	(tag) =	ssettag s2;
	_ =	strace s9  }
0x27: {  	s1 =	sld [smem:$0x3F62]  }
0x28: {  	s2 =	sld [smem:$0x3F63]  }
0x29: {  	s4 =	sld [smem:$0x3F65]  }
0x2a: {  	p0 =	seq.s32 s5, $0x0;
	s5 =	sld [smem:$0x3F66]  }
0x2b: {  	s6 =	sld [smem:$0x3F67]  }
0x2c: {  	s7 =	sld [smem:$0x3F68]  }
0x2d: {  	s3 =	simm.s32 $0x108;
	s8 =	sld [smem:$0x3F69]  }
0x2e: {  	s3 =	simm.s32 @!p0 $0x1082;
	s9 =	sld [smem:$0x3F6A]  }
0x2f: {  	lr =	sadd.s32 s0, s3;
	s0 =	sld [smem:$0x3F61]  }
0x30: {  	s3 =	sld [smem:$0x3F64]  }
0x31: {  	[smem:$0x3F6D] =	sst s10  }
0x32: {  	s10 =	sld [smem:$0x3F6B];
	_ =	sdelay $0x3  }
0x33: {  	p0 =	seq.s32 s10, $0x1;
	s10 =	sld [smem:$0x3F6D];
	_ =	sdelay $0x3  }
0x34: {  	[smem:$0x3F6D] =	sst s10  }
0x35: {  	s10 =	sld [smem:$0x3F6C];
	_ =	sdelay $0x3  }
0x36: {  	p1 =	seq.s32 s10, $0x1;
	s10 =	sld [smem:$0x3F6D];
	_ =	sdelay $0x3  }
0x37: {  	[smem:$0x3F6D] =	sst s10  }
0x38: {  	s10 =	sld [smem:$0x3F6E]  }
0x39: {  	_ = 	snop;
	(pc) =	sbr.ind lr, $3  }
0x3a: {  	_ = 	snop  }
0x3b: {  	_ = 	snop  }
0x3c: {  	p2 =	seq.s32 s10, $0x1;
	s10 =	sld [smem:$0x3F6D]  }
0x3d: {  	_ =	shalt  }
0x3e: {  	_ =	shalt  }
0x3f: {  	_ =	shalt  }
0x40: {  	_ =	shalt  }
0x41: {  	_ =	shalt  }
0x42: {  	_ =	shalt  }
0x43: {  	_ =	shalt  }
0x44: {  	_ =	shalt  }
0x45: {  	_ =	shalt  }
0x46: {  	_ =	shalt  }
0x47: {  	_ =	shalt  }
0x48: {  	_ =	shalt  }
0x49: {  	_ =	shalt  }
0x4a: {  	_ =	shalt  }
0x4b: {  	_ =	shalt  }
0x4c: {  	_ =	shalt  }
0x4d: {  	_ =	shalt  }
0x4e: {  	_ =	shalt  }
0x4f: {  	_ =	shalt  }
0x50: {  	_ =	shalt  }
0x51: {  	_ =	shalt  }
0x52: {  	_ =	shalt  }
0x53: {  	_ =	shalt  }
0x54: {  	_ =	shalt  }
0x55: {  	_ =	shalt  }
0x56: {  	_ =	shalt  }
0x57: {  	_ =	shalt  }
0x58: {  	_ =	shalt  }
0x59: {  	_ =	shalt  }
0x5a: {  	_ =	shalt  }
0x5b: {  	_ =	shalt  }
0x5c: {  	_ =	shalt  }
0x5d: {  	_ =	shalt  }
0x5e: {  	_ =	shalt  }
0x5f: {  	_ =	shalt  }
0x60: {  	_ =	shalt  }
0x61: {  	_ =	shalt  }
0x62: {  	_ =	shalt  }
0x63: {  	_ =	shalt  }
0x64: {  	_ =	shalt  }
0x65: {  	_ =	shalt  }
0x66: {  	_ =	shalt  }
0x67: {  	_ =	shalt  }
0x68: {  	_ =	shalt  }
0x69: {  	_ =	shalt  }
0x6a: {  	_ =	shalt  }
0x6b: {  	_ =	shalt  }
0x6c: {  	_ =	shalt  }
0x6d: {  	_ =	shalt  }
0x6e: {  	_ =	shalt  }
0x6f: {  	_ =	shalt  }
0x70: {  	_ =	shalt  }
0x71: {  	_ =	shalt  }
0x72: {  	_ =	shalt  }
0x73: {  	_ =	shalt  }
0x74: {  	_ =	shalt  }
0x75: {  	_ =	shalt  }
0x76: {  	_ =	shalt  }
0x77: {  	_ =	shalt  }
0x78: {  	_ =	shalt  }
0x79: {  	_ =	shalt  }
0x7a: {  	_ =	shalt  }
0x7b: {  	_ =	shalt  }
0x7c: {  	_ =	shalt  }
0x7d: {  	_ =	shalt  }
0x7e: {  	_ =	shalt  }
0x7f: {  	_ =	shalt  }
0x80: {  	_ =	shalt  }
0x81: {  	_ =	shalt  }
0x82: {  	_ =	shalt  }
0x83: {  	_ =	shalt  }
0x84: {  	_ =	shalt  }
0x85: {  	_ =	shalt  }
0x86: {  	_ =	shalt  }
0x87: {  	_ =	shalt  }
.Lfunc_end0:
.L_simem_size_0:
called_computation.5_lowered:
.L_overlay_start_0:
0x88: {  	s2 =	sld [smem:$0x3FD9]  }
0x89: {  	s3 =	sld [smem:$0x3FFE];
	_ =	sdelay $0x1  }
0x8a: {  	s1 =	srdreg.scid  }
0x8b: {  	s0 =	sand.u32 $0x1, s1  }
0x8c: {  	s17 =	sshll.u32 s0, $0xA;
	s2 =	sadd.s32 s3, s2  }
0x8d: {  	s2 =	sadd.s32 s2, s17  }
0x8e: {  	[smem:$0x3F79] =	sst s2  }
0x8f: {  	_ = 	snop  }
0x90: {  	(tm) =	ssettm $0x1  }
0x91: {  	s18 =	sld [smem:$0x3FFB];
	_ =	sdelay $0x3  }
0x92: {  	_ =	strace s18  }
0x93: {  	s2 =	sld [smem:$0x3FFC];
	_ =	sdelay $0x3  }
0x94: {  	_ =	strace s2  }
0x95: {  	s2 =	sld [smem:$0x3FFD];
	_ =	sdelay $0x3  }
0x96: {  	_ =	strace s2  }
0x97: {  	_ =	strace $0x8FFFFFFF  }
0x98: {  	s19 =	sld [smem:$0x3FDB];
	_ =	sdelay $0x1  }
0x99: {  	s20 =	simm.s32 $_scs_section_size  }
0x9a: {  	s4 =	simm.s32 $_size__tile_overlayer_lowered;
	s5 =	simm.s32 $_tile_overlayer_lowered  }
0x9b: {  	s6 =	simm.s32 $0x1BFF;
	s21 =	sshll.u32 s5, $0x1;
	s3 =	sadd.s32 s20, s19  }
0x9c: {  	s22 =	simm.s32 $0x0;
	s4 =	sshll.u32 s4, $0x1;
	s5 =	sadd.s32 s21, s3  }
0x9d: {  	[timem:s22], [sflag:s6] =	dma.local [hbm:s5], s4  }
0x9e: {  	_ =	swait.ge [sflag:s6], s4  }
0x9f: {  	s4 =	ssub.s32 $0x0, s4;
	[sflag:s6] =	ssyncset.done $0x0  }
0xa0: {  	[sflag:s6] =	ssyncadd.s32 s4;
	_ =	sdelay $0x1  }
0xa1: {  	s23 =	simm.s32 $0x1B8B  }
0xa2: {  	_ =	swait.ge [sflag:s23], $0x1  }
0xa3: {  	[sflag:s23] =	ssyncset.done $0x0  }
0xa4: {  	[sflag:s23] =	ssyncadd.s32 $0xFFFFFFFF  }
0xa5: {  	s4 =	sld [smem:$0x0]  }
0xa6: {  	s5 =	sand.u32 $0xFFFFFFFE, s1  }
0xa7: {  	p0 =	sne.s32 s1, s5  }
0xa8: {  	s5 =	sshll.u32 @p0 s5, $0xE  }
0xa9: {  	s5 =	sadd.s32 @p0 $0x11B8D, s5;
	s6 =	sshll.u32 @p0 s4, $0x11  }
0xaa: {  	s5 =	sor.u32 @p0 s6, s5  }
0xab: {  	[sflag:s5] =	ssyncadd.remote.s32 @p0 $0x1;
	_ =	sdelay $0x1  }
0xac: {  	s5 =	simm.s32 @p0 $0x1B8D  }
0xad: {  	_ =	swait.eq @p0 [sflag:s5], $0x1  }
0xae: {  	[sflag:s5] =	ssyncadd.s32 @p0 $0xFFFFFFFF  }
0xaf: {  	s6 =	sshll.u32 @!p0 s1, $0xE  }
0xb0: {  	s6 =	sor.u32 @!p0 $0x4000, s6;
	s5 =	simm.s32 @!p0 $0x1B8D  }
0xb1: {  	s4 =	sshll.u32 @!p0 s4, $0x11;
	s6 =	sadd.s32 @!p0 $0x11B8D, s6;
	_ =	swait.eq @!p0 [sflag:s5], $0x1  }
0xb2: {  	s4 =	sor.u32 @!p0 s4, s6;
	[sflag:s5] =	ssyncadd.s32 @!p0 $0xFFFFFFFF  }
0xb3: {  	s25 =	simm.s32 $0x1B8E;
	s24 =	sld [smem:$0x3FFE];
	[sflag:s4] =	ssyncadd.remote.s32 @!p0 $0x1  }
0xb4: {  	s26 =	simm.s32 $execute0_lowered;
	[smem:$0x3FD2] =	sst s25  }
0xb5: {  	s5 =	sshll.u32 s26, $0x1;
	_ =	strace $0x80000052;
	[dreg:$0x1] =	wrdreg $0xFFFFFFFF  }
0xb6: {  	s28 =	simm.s32 $_size_execute0_lowered;
	s3 =	sadd.s32 s3, s5;
	[dreg:$0x0] =	wrdreg $0x0  }
0xb7: {  	s5 =	sshll.u32 s28, $0x1;
	[dreg:$0x2] =	wrdreg s3  }
0xb8: {  	[dreg:$0x3] =	wrdreg s5  }
0xb9: {  	[dreg:$0x4] =	wrdreg $0xC0  }
0xba: {  	_ =	task [dreg:s22], $0x5FFFF  }
0xbb: {  	[dreg:$0x1] =	wrdreg $0xFFFFFFFF  }
0xbc: {  	[dreg:$0x0] =	wrdreg $0x60  }
0xbd: {  	[dreg:$0x2] =	wrdreg s24  }
0xbe: {  	[dreg:$0x3] =	wrdreg $0xA  }
0xbf: {  	_ =	task.clear_ibuf [dreg:s22], $0x4FFFF;
	_ =	strace $0x90000052  }
0xc0: {  	s29 =	simm.s32 $0xA;
	_ =	strace $0x80000054  }
0xc1: {  	_ =	swait.ge [sflag:s29], $0x1  }
0xc2: {  	[sflag:s29] =	ssyncadd.s32 $0xFFFFFFFF  }
0xc3: {  	_ =	strace $0x90000054  }
0xc4: {  	_ =	sfence  }
0xc5: {  	s30 =	sld [smem:$0x0];
	_ =	sdelay $0x2  }
0xc6: {  	s31 =	sshll.u32 s1, $0xD;
	s1 =	sshrl.u32 s1, $0x2  }
0xc7: {  	s4 =	sand.u32 $0x4000, s31;
	s1 =	sadd.s32 s1, s30  }
0xc8: {  	s0 =	sor.u32 s4, s0;
	s1 =	sshll.u32 s1, $0x11  }
0xc9: {  	s0 =	sor.u32 s1, s0  }
0xca: {  	s0 =	sadd.s32 $0x8F2B, s0  }
0xcb: {  	[sflag:s0] =	ssyncadd.remote.s32 $0x1  }
0xcc: {  	_ =	sfence.sel $0xFFFF  }
0xcd: {  	[dreg:$0x0] =	wrdreg $0xFFFFFFFF;
	(pc) =	sbr.abs _section_cstart, $3  }
0xce: {  	[dreg:$0x1] =	wrdreg $0xFFFFFFFF  }
0xcf: {  	_ =	task.clear_ibuf [dreg:s22], $0x2FFFF;
	_ =	strace $0x9FFFFFFF  }
0xd0: {  	(tm) =	ssettm $0x7FFFFFFF  }
0xd1: {  	_ =	shalt  }
tec
execute0_lowered:
.L_overlay_start_1:
0x0: {  	(tag) =	ssettag $0x1  }
0x1: {  	s4 =	rddreg [dreg:$0x0]  }
0x2: {  	s0 =	rddreg [dreg:$0x1]  }
0x3: {  	s1 =	simm.s32 $0x0;
	s2 =	srdreg.scid;
	s8 =	simm.s32 $0x2000  }
0x4: {  	s9 =	simm.s32 $0x0;
	[smem:$0x7FF] =	sst s1;
	s5 =	sand.u32 $0x1, s2  }
0x5: {  	s3 =	sadd.s32 $0xB0400, s4;
	s2 =	stileid.u32;
	s6 =	ssub.s32 $0x2, s5  }
0x6: {  	s4 =	sadd.s32 $0xF0400, s4;
	_ =	strace $0x80000053;
	s7 =	sshrl.u32 s6, $0x1  }
0x7: {  	v0 =	vimm.s32 $0xFFFFFFFF;
	s31 =	sshll.u32 s2, $0x7;
	s5 =	sshll.u32 s5, $0x6;
	s6 =	ssub.s32 s6, s7  }
0x8: {  	vm0 =	vmxor vm0, vm0;
	v1 =	vlaneseq.u32;
	v2 =	vimm.s32 $0x0;
	s5 =	sor.u32 s5, s31;
	s7 =	simm.s32 $0x1;
	s6 =	smax.u32 s6, $0x1  }
.LBB2_1:
0x9: {  	s10 =	simm.s32 $0x0  }
.LBB2_2:
0xa: {  	s11 =	sshll.u32 s10, $0x3  }
0xb: {  	s11 =	sadd.s32 s5, s11  }
0xc: {  	s12 =	sshll.u32 s11, $0x7  }
0xd: {  	s13 =	sadd.s32 s3, s12;
	s12 =	simm.s32 $0x0  }
0xe: {  	[tilespmem:s12], [sflag:$0x1] =	stream.linear.gather [hbm4b:s13+s12], $0x2000, $0x38;
	[tilespmem:$0x2040] =	vst v63  }
0xf: {  	_ =	swait.ge [sflag:s7], $0x2000  }
0x10: {  	[sflag:s7] =	ssyncset.done $0x0  }
0x11: {  	s14 =	simm.s32 $0x0;
	s13 =	simm.s32 $0x0;
	[sflag:s7] =	ssyncadd.s32 $0xFFFFE000  }
.LBB2_3:
0x12: {  	[tilespmem:$0x2000] =	vst v0  }
0x13: {  	[tilespmem:$0x2010] =	vst v0  }
0x14: {  	[tilespmem:$0x2020] =	vst v0  }
0x15: {  	[tilespmem:$0x2030] =	vst v0  }
0x16: {  	v3 =	vld [tilespmem:s13+$0x0];
	_ =	sdelay $0x4  }
0x17: {  	p0 =	por $0x1, $0x1;
	vm3 =	vmmov vm0;
	vm1 =	vlt.f32 v3, $0.0e+00;
	vm2 =	vgt.f32 v3, $0.0e+00  }
0x18: {  	vm3 =	vmneg @p0 vm3;
	vm1 =	vmor vm2, vm1  }
0x19: {  	vm1 =	vmand vm3, vm1  }
0x1a: {  	v3 =	vsel vm1, $0x1, v2  }
0x1b: {  	(xrf0) =	vadd.scan.msk.s32 $0xffff, v3;
	_ =	sdelay $0x3  }
0x1c: {  	v3 =	vmov s12  }
0x1d: {  	v3 =	vadd.s32 $0xFFFFFFFF, v3  }
0x1e: {  	v3 =	vbroadcast v3, $0x0;
	v4, _, _ =	vpop (xrf0)  }
0x1f: {  	v5 =	vxor.u32 $0x80000000, v4  }
0x20: {  	v3 =	vadd.s32 v4, v3;
	(xrf0) =	vmax.scan.msk.u32 $0xffff, v5  }
0x21: {  	v3 =	vnsel vm1, $0x3F, v3;
	_ =	sdelay $0x3  }
0x22: {  	v4 =	vor.u32 s12, v1  }
0x23: {  	[tilespmem:v3+s8+$0x0] =	vst.idx.msk $0xffff, v4;
	v3, _, _ =	vpop (xrf0)  }
0x24: {  	(v2sf) =	vpush v3, $0xF;
	_ =	sdelay $0xa  }
0x25: {  	s16 =	sadd.s32 $0x10, s13  }
0x26: {  	s15 =	simm.s32 $0x10;
	s17 =	simm.s32 $0x20;
	s18 =	simm.s32 $0x0;
	v3 =	vld [tilespmem:s16+$0x0]  }
.LBB2_4:
0x27: {  	_ = 	snop  }
0x28: {  	p0 =	sne.s32 s17, $0x3F0  }
0x29: {  	s19 =	spop (v2sf)  }
0x2a: {  	s18 =	sadd.s32 s19, s18  }
0x2b: {  	s18 =	sadd.s32 $0x80000000, s18;
	vm1 =	vlt.f32 v3, $0.0e+00;
	vm2 =	vgt.f32 v3, $0.0e+00  }
0x2c: {  	p1 =	slt.s32 s18, $0x20;
	v3 =	vmov s18;
	vm1 =	vmor vm2, vm1;
	vm2 =	vmmov vm0  }
0x2d: {  	v3 =	vadd.s32 $0xFFFFFFFF, v3;
	vm2 =	vmneg @p1 vm2  }
0x2e: {  	v3 =	vbroadcast v3, $0x0;
	vm1 =	vmand vm2, vm1  }
0x2f: {  	v4 =	vsel vm1, $0x1, v2  }
0x30: {  	(xrf0) =	vadd.scan.msk.s32 $0xffff, v4;
	_ =	sdelay $0x5  }
0x31: {  	v4, _, _ =	vpop (xrf0)  }
0x32: {  	v3 =	vadd.s32 v4, v3;
	v4 =	vxor.u32 $0x80000000, v4  }
0x33: {  	v3 =	vnsel vm1, $0x3F, v3;
	(xrf0) =	vmax.scan.msk.u32 $0xffff, v4;
	_ =	sdelay $0x3  }
0x34: {  	v4 =	vor.u32 s15, v1;
	s15 =	smov.u32 s17  }
0x35: {  	[tilespmem:v3+s8+$0x0] =	vst.idx.msk $0xffff, v4  }
0x36: {  	v3, _, _ =	vpop (xrf0)  }
0x37: {  	(v2sf) =	vpush v3, $0xF;
	_ =	sdelay $0x8  }
.Ltmp0:
0x38: {  	(pc) =	sbr.rel @p0 .LBB2_4-.Ltmp0, $3  }
0x39: {  	_ =	sdelay $0x1  }
0x3a: {  	s16 =	sadd.s32 $0x10, s16  }
0x3b: {  	s17 =	sadd.s32 $0x10, s17;
	v3 =	vld [tilespmem:s16+$0x0]  }
0x3c: {  	_ = 	snop  }
0x3d: {  	s16 =	spop (v2sf)  }
0x3e: {  	s16 =	sadd.s32 s16, s18  }
0x3f: {  	s16 =	sadd.s32 $0x80000000, s16  }
0x40: {  	vm3 =	vmmov vm0;
	vm1 =	vlt.f32 v3, $0.0e+00;
	vm2 =	vgt.f32 v3, $0.0e+00;
	p0 =	slt.s32 s16, $0x20  }
0x41: {  	vm1 =	vmor vm2, vm1;
	vm3 =	vmneg @p0 vm3  }
0x42: {  	vm1 =	vmand vm3, vm1  }
0x43: {  	v3 =	vsel vm1, $0x1, v2  }
0x44: {  	(xrf0) =	vadd.scan.msk.s32 $0xffff, v3;
	_ =	sdelay $0x5  }
0x45: {  	v3, _, _ =	vpop (xrf0)  }
0x46: {  	v4 =	vxor.u32 $0x80000000, v3  }
0x47: {  	(xrf0) =	vmax.scan.msk.u32 $0xffff, v4;
	_ =	sdelay $0x5  }
0x48: {  	v4, _, _ =	vpop (xrf0)  }
0x49: {  	(v2sf) =	vpush v4, $0xF;
	_ =	sdelay $0x1  }
0x4a: {  	v62 =	vmov s16  }
0x4b: {  	v4 =	vadd.s32 $0xFFFFFFFF, v62  }
0x4c: {  	v4 =	vbroadcast v4, $0x0;
	_ =	sdelay $0x1  }
0x4d: {  	v3 =	vadd.s32 v3, v4  }
0x4e: {  	v3 =	vnsel vm1, $0x3F, v3;
	_ =	sdelay $0x2  }
0x4f: {  	s29 =	sadd.s32 s11, s14  }
0x50: {  	v63 =	vor.u32 s15, v1;
	s14 =	sadd.s32 $0x1, s14;
	s30 =	sshll.u32 s29, $0x3  }
0x51: {  	s15 =	sadd.s32 s4, s30;
	p0 =	sne.s32 s14, $0x8;
	[tilespmem:v3+s8+$0x0] =	vst.idx.msk $0xffff, v63  }
0x52: {  	[hbm4b:s15+s1] =	stream.linear.scatter [tilespmem:s8], [sflag:$0x1], $0x40, $0x38;
	[tilespmem:$0x2040] =	vst v63  }
.Ltmp1:
0x53: {  	_ = 	snop;
	(pc) =	sbr.rel @p0 .LBB2_3-.Ltmp1, $4  }
0x54: {  	s31 =	spop (v2sf)  }
0x55: {  	_ =	swait.ge [sflag:s7], $0x40  }
0x56: {  	[sflag:s7] =	ssyncset.done $0x0  }
0x57: {  	s13 =	sadd.s32 $0x400, s13;
	[sflag:s7] =	ssyncadd.s32 $0xFFFFFFC0  }
0x58: {  	s10 =	sadd.s32 $0x1, s10  }
0x59: {  	p0 =	sne.s32 s10, $0x8  }
.Ltmp2:
0x5a: {  	_ = 	snop;
	(pc) =	sbr.rel @p0 .LBB2_2-.Ltmp2, $1  }
0x5b: {  	_ =	sdelay $0x3  }
0x5c: {  	s9 =	sadd.s32 $0x1, s9  }
0x5d: {  	p0 =	sne.s32 s9, s6  }
.Ltmp3:
0x5e: {  	_ = 	snop;
	(pc) =	sbr.rel @p0 .LBB2_1-.Ltmp3, $1  }
0x5f: {  	_ =	sdelay $0x3  }
0x60: {  	_ =	sfence.sel $0x180000  }
0x61: {  	[bflag:$0x0] =	sbarrier.arrive $0xFFFF  }
0x62: {  	p0 =	sne.s32 s2, $0x0;
	_ =	strace $0x90000053  }
0x63: {  	s0 =	sadd.s32 @!p0 $0x100000, s0;
	[bflag:$0x2] =	sbarrier.arrive $0xFFFF  }
0x64: {  	[sflag:s0] =	ssyncadd.tile.s32 @!p0 $0x1;
	_ =	shalt  }
.Lfunc_end2:
_tile_overlayer_lowered:
.L_overlay_start_2:
0x65: {  	(tag) =	ssettag $0x2  }
0x66: {  	s0 =	rddreg [dreg:$0x0];
	s2 =	stileid.u32  }
0x67: {  	s1 =	rddreg [dreg:$0x1];
	p0 =	sne.s32 s2, $0x0  }
0x68: {  	s3 =	rddreg [dreg:$0x2];
	[bflag:$0x3] =	sbarrier.arrive $0xFFFF;
	s2 =	simm.s32 @!p0 $0x1C01  }
0x69: {  	[timem:s3], [sflag:s2] =	dma.local @!p0 [hbm:s0], s1  }
0x6a: {  	s0 =	simm.s32 @!p0 $0x1  }
0x6b: {  	_ =	swait.ge @!p0 [sflag:s0], s1  }
0x6c: {  	s1 =	ssub.s32 @!p0 $0x0, s1;
	[sflag:s0] =	ssyncset.done @!p0 $0x0  }
0x6d: {  	[sflag:s0] =	ssyncadd.s32 @!p0 s1  }
0x6e: {  	[bflag:$0x3] =	sbarrier.arrive $0xFFFF  }
0x6f: {  	_ =	shalt  }

// kernel: kernel.36.cloned.1.call-start
scs
__scs_entry_jumppad:
0x0: {  	(pc) =	sbr.rel $0x88, $3  }
0x1: {  	(tag) =	ssettag $0x0;
	lr =	simm.s32 $0x1  }
0x2: {  	[smem:$0x3F52] =	sst lr;
	_ =	strace $0xD0000000  }
0x3: {  	_ = 	snop  }
0x4: {  	_ = 	snop  }
0x5: {  	_ = 	snop  }
0x6: {  	_ = 	snop  }
0x7: {  	_ = 	snop  }
__scs_overlays_trampoline_lowered:
0x8: {  	[smem:$0x3F61] =	sst s0  }
0x9: {  	[smem:$0x3F62] =	sst s1  }
0xa: {  	[smem:$0x3F63] =	sst s2  }
0xb: {  	[smem:$0x3F64] =	sst s3  }
0xc: {  	[smem:$0x3F65] =	sst s4  }
0xd: {  	[smem:$0x3F66] =	sst s5  }
0xe: {  	[smem:$0x3F67] =	sst s6  }
0xf: {  	[smem:$0x3F68] =	sst s7  }
0x10: {  	[smem:$0x3F69] =	sst s8  }
0x11: {  	[smem:$0x3F6A] =	sst s9;
	s0 =	simm.s32 @!p0 $0x0  }
0x12: {  	s1 =	sld [smem:$0x3F50];
	s0 =	simm.s32 @p0 $0x1  }
0x13: {  	[smem:$0x3F6B] =	sst s0;
	s0 =	simm.s32 @!p1 $0x0  }
0x14: {  	s2 =	sld [smem:$0x3F4F];
	s0 =	simm.s32 @p1 $0x1  }
0x15: {  	[smem:$0x3F6C] =	sst s0;
	s0 =	simm.s32 @!p2 $0x0  }
0x16: {  	s3 =	sld [smem:$0x3FDB];
	s0 =	simm.s32 @p2 $0x1  }
0x17: {  	s4 =	simm.s32 $0x1BF5;
	[smem:$0x3F6E] =	sst s0  }
0x18: {  	s0 =	sld [smem:$0x3F51];
	_ =	swait.ge [sflag:s4], $0x0  }
0x19: {  	s7 =	sld [smem:$0x3F52]  }
0x1a: {  	s8 =	sadd.s32 $0xFFFFE003, lr  }
0x1b: {  	s9 =	sadd.s32 $0xFFFFFEF7, lr;
	s5 =	simm.s32 $0xFFFFFFFF;
	p2 =	slt.u32 s8, $0xFFFFF086  }
0x1c: {  	p1 =	slt.u32 s9, $0xF7A;
	s5 =	simm.s32 @!p2 $0x0  }
0x1d: {  	s5 =	simm.s32 @p1 $0x1;
	p0 =	seq.s32 s7, s2  }
0x1e: {  	s7 =	smul.u32 @!p0 $0xF7A, s2;
	p2 =	seq.s32 @!p0 s5, $0x0  }
0x1f: {  	s9 =	smul.u32 $0xF7A, s1;
	s8 =	simm.s32 @!p0 $0x1BF5;
	p2 =	por !p2, p0  }
0x20: {  	[sflag:s8] =	ssyncset.s32 @!p0 $0xFFFFF086;
	s6 =	sadd.s32 @!p0 s3, s7;
	s7 =	simm.s32 @!p0 $0x108  }
0x21: {  	s3 =	sadd.s32 s3, s9;
	s6 =	sadd.s32 @!p0 $0x88, s6;
	s7 =	simm.s32 @p2 $0x1082  }
0x22: {  	[simem:s7], [sflag:s8] =	dma.local @!p0 [hbm:s6], $0xF7A  }
0x23: {  	s9 =	sor.u32 $0xD0000000, s2;
	s6 =	simm.s32 $0x108;
	_ =	swait.ge @!p0 [sflag:s8], $0x0  }
0x24: {  	s3 =	sadd.s32 $0x88, s3;
	s6 =	simm.s32 @!p1 $0x1082;
	[sflag:s4] =	ssyncset.s32 $0xFFFFF086  }
0x25: {  	[simem:s6], [sflag:s4] =	dma.local [hbm:s3], $0xF7A  }
0x26: {  	[smem:$0x3F52] =	sst s1;
	(tag) =	ssettag s2;
	_ =	strace s9  }
0x27: {  	s1 =	sld [smem:$0x3F62]  }
0x28: {  	s2 =	sld [smem:$0x3F63]  }
0x29: {  	s4 =	sld [smem:$0x3F65]  }
0x2a: {  	p0 =	seq.s32 s5, $0x0;
	s5 =	sld [smem:$0x3F66]  }
0x2b: {  	s6 =	sld [smem:$0x3F67]  }
0x2c: {  	s7 =	sld [smem:$0x3F68]  }
0x2d: {  	s3 =	simm.s32 $0x108;
	s8 =	sld [smem:$0x3F69]  }
0x2e: {  	s3 =	simm.s32 @!p0 $0x1082;
	s9 =	sld [smem:$0x3F6A]  }
0x2f: {  	lr =	sadd.s32 s0, s3;
	s0 =	sld [smem:$0x3F61]  }
0x30: {  	s3 =	sld [smem:$0x3F64]  }
0x31: {  	[smem:$0x3F6D] =	sst s10  }
0x32: {  	s10 =	sld [smem:$0x3F6B];
	_ =	sdelay $0x3  }
0x33: {  	p0 =	seq.s32 s10, $0x1;
	s10 =	sld [smem:$0x3F6D];
	_ =	sdelay $0x3  }
0x34: {  	[smem:$0x3F6D] =	sst s10  }
0x35: {  	s10 =	sld [smem:$0x3F6C];
	_ =	sdelay $0x3  }
0x36: {  	p1 =	seq.s32 s10, $0x1;
	s10 =	sld [smem:$0x3F6D];
	_ =	sdelay $0x3  }
0x37: {  	[smem:$0x3F6D] =	sst s10  }
0x38: {  	s10 =	sld [smem:$0x3F6E]  }
0x39: {  	_ = 	snop;
	(pc) =	sbr.ind lr, $3  }
0x3a: {  	_ = 	snop  }
0x3b: {  	_ = 	snop  }
0x3c: {  	p2 =	seq.s32 s10, $0x1;
	s10 =	sld [smem:$0x3F6D]  }
0x3d: {  	_ =	shalt  }
0x3e: {  	_ =	shalt  }
0x3f: {  	_ =	shalt  }
0x40: {  	_ =	shalt  }
0x41: {  	_ =	shalt  }
0x42: {  	_ =	shalt  }
0x43: {  	_ =	shalt  }
0x44: {  	_ =	shalt  }
0x45: {  	_ =	shalt  }
0x46: {  	_ =	shalt  }
0x47: {  	_ =	shalt  }
0x48: {  	_ =	shalt  }
0x49: {  	_ =	shalt  }
0x4a: {  	_ =	shalt  }
0x4b: {  	_ =	shalt  }
0x4c: {  	_ =	shalt  }
0x4d: {  	_ =	shalt  }
0x4e: {  	_ =	shalt  }
0x4f: {  	_ =	shalt  }
0x50: {  	_ =	shalt  }
0x51: {  	_ =	shalt  }
0x52: {  	_ =	shalt  }
0x53: {  	_ =	shalt  }
0x54: {  	_ =	shalt  }
0x55: {  	_ =	shalt  }
0x56: {  	_ =	shalt  }
0x57: {  	_ =	shalt  }
0x58: {  	_ =	shalt  }
0x59: {  	_ =	shalt  }
0x5a: {  	_ =	shalt  }
0x5b: {  	_ =	shalt  }
0x5c: {  	_ =	shalt  }
0x5d: {  	_ =	shalt  }
0x5e: {  	_ =	shalt  }
0x5f: {  	_ =	shalt  }
0x60: {  	_ =	shalt  }
0x61: {  	_ =	shalt  }
0x62: {  	_ =	shalt  }
0x63: {  	_ =	shalt  }
0x64: {  	_ =	shalt  }
0x65: {  	_ =	shalt  }
0x66: {  	_ =	shalt  }
0x67: {  	_ =	shalt  }
0x68: {  	_ =	shalt  }
0x69: {  	_ =	shalt  }
0x6a: {  	_ =	shalt  }
0x6b: {  	_ =	shalt  }
0x6c: {  	_ =	shalt  }
0x6d: {  	_ =	shalt  }
0x6e: {  	_ =	shalt  }
0x6f: {  	_ =	shalt  }
0x70: {  	_ =	shalt  }
0x71: {  	_ =	shalt  }
0x72: {  	_ =	shalt  }
0x73: {  	_ =	shalt  }
0x74: {  	_ =	shalt  }
0x75: {  	_ =	shalt  }
0x76: {  	_ =	shalt  }
0x77: {  	_ =	shalt  }
0x78: {  	_ =	shalt  }
0x79: {  	_ =	shalt  }
0x7a: {  	_ =	shalt  }
0x7b: {  	_ =	shalt  }
0x7c: {  	_ =	shalt  }
0x7d: {  	_ =	shalt  }
0x7e: {  	_ =	shalt  }
0x7f: {  	_ =	shalt  }
0x80: {  	_ =	shalt  }
0x81: {  	_ =	shalt  }
0x82: {  	_ =	shalt  }
0x83: {  	_ =	shalt  }
0x84: {  	_ =	shalt  }
0x85: {  	_ =	shalt  }
0x86: {  	_ =	shalt  }
0x87: {  	_ =	shalt  }
.Lfunc_end0:
.L_simem_size_0:
called_computation.6_lowered:
.L_overlay_start_0:
0x88: {  	s2 =	sld [smem:$0x3FD9]  }
0x89: {  	s3 =	sld [smem:$0x3FFE];
	_ =	sdelay $0x1  }
0x8a: {  	s1 =	srdreg.scid  }
0x8b: {  	s0 =	sand.u32 $0x1, s1  }
0x8c: {  	s17 =	sshll.u32 s0, $0xA;
	s2 =	sadd.s32 s3, s2  }
0x8d: {  	s2 =	sadd.s32 s2, s17  }
0x8e: {  	[smem:$0x3F79] =	sst s2  }
0x8f: {  	_ = 	snop  }
0x90: {  	(tm) =	ssettm $0x1  }
0x91: {  	s18 =	sld [smem:$0x3FFB];
	_ =	sdelay $0x3  }
0x92: {  	_ =	strace s18  }
0x93: {  	s2 =	sld [smem:$0x3FFC];
	_ =	sdelay $0x3  }
0x94: {  	_ =	strace s2  }
0x95: {  	s2 =	sld [smem:$0x3FFD];
	_ =	sdelay $0x3  }
0x96: {  	_ =	strace s2  }
0x97: {  	_ =	strace $0x8FFFFFFF  }
0x98: {  	s19 =	sld [smem:$0x3FDB];
	_ =	sdelay $0x1  }
0x99: {  	s20 =	simm.s32 $_scs_section_size  }
0x9a: {  	s4 =	simm.s32 $_size__tile_overlayer_lowered;
	s5 =	simm.s32 $_tile_overlayer_lowered  }
0x9b: {  	s6 =	simm.s32 $0x1BFF;
	s21 =	sshll.u32 s5, $0x1;
	s3 =	sadd.s32 s20, s19  }
0x9c: {  	s22 =	simm.s32 $0x0;
	s4 =	sshll.u32 s4, $0x1;
	s5 =	sadd.s32 s21, s3  }
0x9d: {  	[timem:s22], [sflag:s6] =	dma.local [hbm:s5], s4  }
0x9e: {  	_ =	swait.ge [sflag:s6], s4  }
0x9f: {  	s4 =	ssub.s32 $0x0, s4;
	[sflag:s6] =	ssyncset.done $0x0  }
0xa0: {  	[sflag:s6] =	ssyncadd.s32 s4;
	_ =	sdelay $0x1  }
0xa1: {  	s23 =	simm.s32 $0x1B8B  }
0xa2: {  	_ =	swait.ge [sflag:s23], $0x1  }
0xa3: {  	[sflag:s23] =	ssyncset.done $0x0  }
0xa4: {  	[sflag:s23] =	ssyncadd.s32 $0xFFFFFFFF  }
0xa5: {  	s4 =	sld [smem:$0x0]  }
0xa6: {  	s5 =	sand.u32 $0xFFFFFFFE, s1  }
0xa7: {  	p0 =	sne.s32 s1, s5  }
0xa8: {  	s5 =	sshll.u32 @p0 s5, $0xE  }
0xa9: {  	s5 =	sadd.s32 @p0 $0x11B8D, s5;
	s6 =	sshll.u32 @p0 s4, $0x11  }
0xaa: {  	s5 =	sor.u32 @p0 s6, s5  }
0xab: {  	[sflag:s5] =	ssyncadd.remote.s32 @p0 $0x1;
	_ =	sdelay $0x1  }
0xac: {  	s5 =	simm.s32 @p0 $0x1B8D  }
0xad: {  	_ =	swait.eq @p0 [sflag:s5], $0x1  }
0xae: {  	[sflag:s5] =	ssyncadd.s32 @p0 $0xFFFFFFFF  }
0xaf: {  	s6 =	sshll.u32 @!p0 s1, $0xE  }
0xb0: {  	s6 =	sor.u32 @!p0 $0x4000, s6;
	s5 =	simm.s32 @!p0 $0x1B8D  }
0xb1: {  	s4 =	sshll.u32 @!p0 s4, $0x11;
	s6 =	sadd.s32 @!p0 $0x11B8D, s6;
	_ =	swait.eq @!p0 [sflag:s5], $0x1  }
0xb2: {  	s4 =	sor.u32 @!p0 s4, s6;
	[sflag:s5] =	ssyncadd.s32 @!p0 $0xFFFFFFFF  }
0xb3: {  	s25 =	simm.s32 $0x1B8E;
	s24 =	sld [smem:$0x3FFE];
	[sflag:s4] =	ssyncadd.remote.s32 @!p0 $0x1  }
0xb4: {  	s26 =	simm.s32 $execute0_lowered;
	[smem:$0x3FD2] =	sst s25  }
0xb5: {  	s5 =	sshll.u32 s26, $0x1;
	_ =	strace $0x8000005B;
	[dreg:$0x1] =	wrdreg $0xFFFFFFFF  }
0xb6: {  	s28 =	simm.s32 $_size_execute0_lowered;
	s3 =	sadd.s32 s3, s5;
	[dreg:$0x0] =	wrdreg $0x0  }
0xb7: {  	s5 =	sshll.u32 s28, $0x1;
	[dreg:$0x2] =	wrdreg s3  }
0xb8: {  	[dreg:$0x3] =	wrdreg s5  }
0xb9: {  	[dreg:$0x4] =	wrdreg $0xC0  }
0xba: {  	_ =	task [dreg:s22], $0x5FFFF  }
0xbb: {  	[dreg:$0x1] =	wrdreg $0xFFFFFFFF  }
0xbc: {  	[dreg:$0x0] =	wrdreg $0x60  }
0xbd: {  	[dreg:$0x2] =	wrdreg s24  }
0xbe: {  	[dreg:$0x3] =	wrdreg $0xB  }
0xbf: {  	_ =	task.clear_ibuf [dreg:s22], $0x4FFFF;
	_ =	strace $0x9000005B  }
0xc0: {  	s29 =	simm.s32 $0xB;
	_ =	strace $0x8000005D  }
0xc1: {  	_ =	swait.ge [sflag:s29], $0x1  }
0xc2: {  	[sflag:s29] =	ssyncadd.s32 $0xFFFFFFFF  }
0xc3: {  	_ =	strace $0x9000005D  }
0xc4: {  	_ =	sfence  }
0xc5: {  	s30 =	sld [smem:$0x0];
	_ =	sdelay $0x2  }
0xc6: {  	s31 =	sshll.u32 s1, $0xD;
	s1 =	sshrl.u32 s1, $0x2  }
0xc7: {  	s4 =	sand.u32 $0x4000, s31;
	s1 =	sadd.s32 s1, s30  }
0xc8: {  	s0 =	sor.u32 s4, s0;
	s1 =	sshll.u32 s1, $0x11  }
0xc9: {  	s0 =	sor.u32 s1, s0  }
0xca: {  	s0 =	sadd.s32 $0x8F2B, s0  }
0xcb: {  	[sflag:s0] =	ssyncadd.remote.s32 $0x1  }
0xcc: {  	_ =	sfence.sel $0xFFFF  }
0xcd: {  	[dreg:$0x0] =	wrdreg $0xFFFFFFFF;
	(pc) =	sbr.abs _section_cstart, $3  }
0xce: {  	[dreg:$0x1] =	wrdreg $0xFFFFFFFF  }
0xcf: {  	_ =	task.clear_ibuf [dreg:s22], $0x2FFFF;
	_ =	strace $0x9FFFFFFF  }
0xd0: {  	(tm) =	ssettm $0x7FFFFFFF  }
0xd1: {  	_ =	shalt  }
tec
execute0_lowered:
.L_overlay_start_1:
0x0: {  	(tag) =	ssettag $0x1  }
0x1: {  	s4 =	rddreg [dreg:$0x0]  }
0x2: {  	s0 =	rddreg [dreg:$0x1];
	s2 =	simm.s32 $0x0;
	s5 =	srdreg.scid  }
0x3: {  	s1 =	stileid.u32;
	s10 =	simm.s32 $0x0;
	[smem:$0x7FF] =	sst s2  }
0x4: {  	s3 =	sadd.s32 $0xBA400, s4;
	s5 =	sand.u32 $0x1, s5;
	s6 =	sshll.u32 s1, $0xC  }
0x5: {  	s8 =	smul.u32 $0xA000, s1;
	_ =	strace $0x8000005C;
	s7 =	sshll.u32 s5, $0xB  }
0x6: {  	s9 =	ssub.s32 $0x2, s5;
	s5 =	smul.u32 $0x5000, s5;
	s6 =	sor.u32 s7, s6  }
0x7: {  	s30 =	sshrl.u32 s9, $0x1;
	s8 =	sadd.s32 s8, s4;
	s6 =	sshrl.u32 s6, $0x3  }
0x8: {  	s7 =	ssub.s32 s9, s30;
	s31 =	sadd.s32 s5, s8;
	s8 =	simm.s32 $0x80  }
0x9: {  	s9 =	simm.s32 $0x1;
	s6 =	sadd.s32 s6, s4;
	s4 =	smax.u32 s7, $0x1  }
0xa: {  	s7 =	simm.s32 $0x2;
	s5 =	sadd.s32 $0xA8400, s6;
	s6 =	sadd.s32 $0xCE400, s31  }
.LBB2_1:
0xb: {  	s11 =	sadd.s32 $0x0, s5  }
0xc: {  	[tilespmem:s2], [sflag:$0x2] =	stream.linear.gather [hbm4b:s11+s2], $0x80, $0x38;
	[tilespmem:$0x2880] =	vst v63  }
0xd: {  	_ =	swait.ge [sflag:s7], $0x80  }
0xe: {  	[sflag:s7] =	ssyncset.done $0x0  }
0xf: {  	[sflag:s7] =	ssyncadd.s32 $0xFFFFFF80  }
0x10: {  	[tilespmem:s8], [sflag:$0x1] =	stream.indirect.gather [hbm4b:s3+s8], $0x50, s2, s8, $0xb8;
	[tilespmem:$0x2880] =	vst v63  }
0x11: {  	_ =	swait.ge [sflag:s9], $0x2800  }
0x12: {  	[sflag:s9] =	ssyncset.done $0x0  }
0x13: {  	[sflag:s9] =	ssyncadd.s32 $0xFFFFD800  }
0x14: {  	[hbm4b:s6+s2] =	stream.linear.scatter [tilespmem:s8], [sflag:$0x2], $0x2800, $0x38;
	[tilespmem:$0x2880] =	vst v63  }
0x15: {  	s12 =	simm.s32 $0x10;
	_ =	swait.ge [sflag:s7], $0x2800  }
0x16: {  	s13 =	simm.s32 $0x20;
	s11 =	sadd.s32 $0x500, s6;
	[sflag:s7] =	ssyncset.done $0x0  }
.LBB2_2:
0x17: {  	s14 =	sadd.s32 s12, s5  }
0x18: {  	[sflag:s7] =	ssyncadd.s32 $0xFFFFD800;
	s12 =	smov.u32 s13;
	s15 =	sadd.s32 $0x10, s13  }
0x19: {  	[tilespmem:s2], [sflag:$0x2] =	stream.linear.gather [hbm4b:s14+s2], $0x80, $0x38;
	[tilespmem:$0x2880] =	vst v63  }
0x1a: {  	p0 =	sne.s32 s13, $0xF0;
	_ =	swait.ge [sflag:s7], $0x80  }
0x1b: {  	[sflag:s7] =	ssyncset.done $0x0  }
0x1c: {  	[sflag:s7] =	ssyncadd.s32 $0xFFFFFF80  }
0x1d: {  	[tilespmem:s8], [sflag:$0x1] =	stream.indirect.gather [hbm4b:s3+s8], $0x50, s2, s8, $0xb8;
	[tilespmem:$0x2880] =	vst v63  }
0x1e: {  	_ =	swait.ge [sflag:s9], $0x2800  }
.Ltmp0:
0x1f: {  	[sflag:s9] =	ssyncset.done $0x0;
	(pc) =	sbr.rel @p0 .LBB2_2-.Ltmp0, $4  }
0x20: {  	[sflag:s9] =	ssyncadd.s32 $0xFFFFD800  }
0x21: {  	[hbm4b:s11+s2] =	stream.linear.scatter [tilespmem:s8], [sflag:$0x2], $0x2800, $0x38;
	[tilespmem:$0x2880] =	vst v63  }
0x22: {  	_ =	swait.ge [sflag:s7], $0x2800  }
0x23: {  	s13 =	smov.u32 s15;
	s11 =	sadd.s32 $0x500, s11;
	[sflag:s7] =	ssyncset.done $0x0  }
0x24: {  	s12 =	sadd.s32 s12, s5;
	[sflag:s7] =	ssyncadd.s32 $0xFFFFD800  }
0x25: {  	[tilespmem:s2], [sflag:$0x2] =	stream.linear.gather [hbm4b:s12+s2], $0x80, $0x38;
	[tilespmem:$0x2880] =	vst v63  }
0x26: {  	_ =	swait.ge [sflag:s7], $0x80  }
0x27: {  	[sflag:s7] =	ssyncset.done $0x0  }
0x28: {  	[sflag:s7] =	ssyncadd.s32 $0xFFFFFF80  }
0x29: {  	[tilespmem:s8], [sflag:$0x1] =	stream.indirect.gather [hbm4b:s3+s8], $0x50, s2, s8, $0xb8;
	[tilespmem:$0x2880] =	vst v63  }
0x2a: {  	s10 =	sadd.s32 $0x1, s10;
	_ =	swait.ge [sflag:s9], $0x2800  }
0x2b: {  	p0 =	sne.s32 s10, s4;
	[sflag:s9] =	ssyncset.done $0x0  }
.Ltmp1:
0x2c: {  	[sflag:s9] =	ssyncadd.s32 $0xFFFFD800;
	(pc) =	sbr.rel @p0 .LBB2_1-.Ltmp1, $4  }
0x2d: {  	[hbm4b:s11+s2] =	stream.linear.scatter [tilespmem:s8], [sflag:$0x2], $0x2800, $0x38;
	[tilespmem:$0x2880] =	vst v63  }
0x2e: {  	_ =	swait.ge [sflag:s7], $0x2800  }
0x2f: {  	[sflag:s7] =	ssyncset.done $0x0  }
0x30: {  	[sflag:s7] =	ssyncadd.s32 $0xFFFFD800  }
0x31: {  	_ =	sfence.sel $0x180000  }
0x32: {  	[bflag:$0x0] =	sbarrier.arrive $0xFFFF  }
0x33: {  	p0 =	sne.s32 s1, $0x0;
	_ =	strace $0x9000005C  }
0x34: {  	s0 =	sadd.s32 @!p0 $0x100000, s0;
	[bflag:$0x2] =	sbarrier.arrive $0xFFFF  }
0x35: {  	[sflag:s0] =	ssyncadd.tile.s32 @!p0 $0x1;
	_ =	shalt  }
.Lfunc_end2:
_tile_overlayer_lowered:
.L_overlay_start_2:
0x36: {  	(tag) =	ssettag $0x2  }
0x37: {  	s0 =	rddreg [dreg:$0x0];
	s2 =	stileid.u32  }
0x38: {  	s1 =	rddreg [dreg:$0x1];
	p0 =	sne.s32 s2, $0x0  }
0x39: {  	s3 =	rddreg [dreg:$0x2];
	[bflag:$0x3] =	sbarrier.arrive $0xFFFF;
	s2 =	simm.s32 @!p0 $0x1C02  }
0x3a: {  	[timem:s3], [sflag:s2] =	dma.local @!p0 [hbm:s0], s1  }
0x3b: {  	s0 =	simm.s32 @!p0 $0x2  }
0x3c: {  	_ =	swait.ge @!p0 [sflag:s0], s1  }
0x3d: {  	s1 =	ssub.s32 @!p0 $0x0, s1;
	[sflag:s0] =	ssyncset.done @!p0 $0x0  }
0x3e: {  	[sflag:s0] =	ssyncadd.s32 @!p0 s1  }
0x3f: {  	[bflag:$0x3] =	sbarrier.arrive $0xFFFF  }
0x40: {  	_ =	shalt  }

// kernel: kernel.39.cloned.1.call-start
scs
__scs_entry_jumppad:
0x0: {  	(pc) =	sbr.rel $0x88, $3  }
0x1: {  	(tag) =	ssettag $0x0;
	lr =	simm.s32 $0x1  }
0x2: {  	[smem:$0x3F52] =	sst lr;
	_ =	strace $0xD0000000  }
0x3: {  	_ = 	snop  }
0x4: {  	_ = 	snop  }
0x5: {  	_ = 	snop  }
0x6: {  	_ = 	snop  }
0x7: {  	_ = 	snop  }
__scs_overlays_trampoline_lowered:
0x8: {  	[smem:$0x3F61] =	sst s0  }
0x9: {  	[smem:$0x3F62] =	sst s1  }
0xa: {  	[smem:$0x3F63] =	sst s2  }
0xb: {  	[smem:$0x3F64] =	sst s3  }
0xc: {  	[smem:$0x3F65] =	sst s4  }
0xd: {  	[smem:$0x3F66] =	sst s5  }
0xe: {  	[smem:$0x3F67] =	sst s6  }
0xf: {  	[smem:$0x3F68] =	sst s7  }
0x10: {  	[smem:$0x3F69] =	sst s8  }
0x11: {  	[smem:$0x3F6A] =	sst s9;
	s0 =	simm.s32 @!p0 $0x0  }
0x12: {  	s1 =	sld [smem:$0x3F50];
	s0 =	simm.s32 @p0 $0x1  }
0x13: {  	[smem:$0x3F6B] =	sst s0;
	s0 =	simm.s32 @!p1 $0x0  }
0x14: {  	s2 =	sld [smem:$0x3F4F];
	s0 =	simm.s32 @p1 $0x1  }
0x15: {  	[smem:$0x3F6C] =	sst s0;
	s0 =	simm.s32 @!p2 $0x0  }
0x16: {  	s3 =	sld [smem:$0x3FDB];
	s0 =	simm.s32 @p2 $0x1  }
0x17: {  	s4 =	simm.s32 $0x1BF5;
	[smem:$0x3F6E] =	sst s0  }
0x18: {  	s0 =	sld [smem:$0x3F51];
	_ =	swait.ge [sflag:s4], $0x0  }
0x19: {  	s7 =	sld [smem:$0x3F52]  }
0x1a: {  	s8 =	sadd.s32 $0xFFFFE003, lr  }
0x1b: {  	s9 =	sadd.s32 $0xFFFFFEF7, lr;
	s5 =	simm.s32 $0xFFFFFFFF;
	p2 =	slt.u32 s8, $0xFFFFF086  }
0x1c: {  	p1 =	slt.u32 s9, $0xF7A;
	s5 =	simm.s32 @!p2 $0x0  }
0x1d: {  	s5 =	simm.s32 @p1 $0x1;
	p0 =	seq.s32 s7, s2  }
0x1e: {  	s7 =	smul.u32 @!p0 $0xF7A, s2;
	p2 =	seq.s32 @!p0 s5, $0x0  }
0x1f: {  	s9 =	smul.u32 $0xF7A, s1;
	s8 =	simm.s32 @!p0 $0x1BF5;
	p2 =	por !p2, p0  }
0x20: {  	[sflag:s8] =	ssyncset.s32 @!p0 $0xFFFFF086;
	s6 =	sadd.s32 @!p0 s3, s7;
	s7 =	simm.s32 @!p0 $0x108  }
0x21: {  	s3 =	sadd.s32 s3, s9;
	s6 =	sadd.s32 @!p0 $0x88, s6;
	s7 =	simm.s32 @p2 $0x1082  }
0x22: {  	[simem:s7], [sflag:s8] =	dma.local @!p0 [hbm:s6], $0xF7A  }
0x23: {  	s9 =	sor.u32 $0xD0000000, s2;
	s6 =	simm.s32 $0x108;
	_ =	swait.ge @!p0 [sflag:s8], $0x0  }
0x24: {  	s3 =	sadd.s32 $0x88, s3;
	s6 =	simm.s32 @!p1 $0x1082;
	[sflag:s4] =	ssyncset.s32 $0xFFFFF086  }
0x25: {  	[simem:s6], [sflag:s4] =	dma.local [hbm:s3], $0xF7A  }
0x26: {  	[smem:$0x3F52] =	sst s1;
	(tag) =	ssettag s2;
	_ =	strace s9  }
0x27: {  	s1 =	sld [smem:$0x3F62]  }
0x28: {  	s2 =	sld [smem:$0x3F63]  }
0x29: {  	s4 =	sld [smem:$0x3F65]  }
0x2a: {  	p0 =	seq.s32 s5, $0x0;
	s5 =	sld [smem:$0x3F66]  }
0x2b: {  	s6 =	sld [smem:$0x3F67]  }
0x2c: {  	s7 =	sld [smem:$0x3F68]  }
0x2d: {  	s3 =	simm.s32 $0x108;
	s8 =	sld [smem:$0x3F69]  }
0x2e: {  	s3 =	simm.s32 @!p0 $0x1082;
	s9 =	sld [smem:$0x3F6A]  }
0x2f: {  	lr =	sadd.s32 s0, s3;
	s0 =	sld [smem:$0x3F61]  }
0x30: {  	s3 =	sld [smem:$0x3F64]  }
0x31: {  	[smem:$0x3F6D] =	sst s10  }
0x32: {  	s10 =	sld [smem:$0x3F6B];
	_ =	sdelay $0x3  }
0x33: {  	p0 =	seq.s32 s10, $0x1;
	s10 =	sld [smem:$0x3F6D];
	_ =	sdelay $0x3  }
0x34: {  	[smem:$0x3F6D] =	sst s10  }
0x35: {  	s10 =	sld [smem:$0x3F6C];
	_ =	sdelay $0x3  }
0x36: {  	p1 =	seq.s32 s10, $0x1;
	s10 =	sld [smem:$0x3F6D];
	_ =	sdelay $0x3  }
0x37: {  	[smem:$0x3F6D] =	sst s10  }
0x38: {  	s10 =	sld [smem:$0x3F6E]  }
0x39: {  	_ = 	snop;
	(pc) =	sbr.ind lr, $3  }
0x3a: {  	_ = 	snop  }
0x3b: {  	_ = 	snop  }
0x3c: {  	p2 =	seq.s32 s10, $0x1;
	s10 =	sld [smem:$0x3F6D]  }
0x3d: {  	_ =	shalt  }
0x3e: {  	_ =	shalt  }
0x3f: {  	_ =	shalt  }
0x40: {  	_ =	shalt  }
0x41: {  	_ =	shalt  }
0x42: {  	_ =	shalt  }
0x43: {  	_ =	shalt  }
0x44: {  	_ =	shalt  }
0x45: {  	_ =	shalt  }
0x46: {  	_ =	shalt  }
0x47: {  	_ =	shalt  }
0x48: {  	_ =	shalt  }
0x49: {  	_ =	shalt  }
0x4a: {  	_ =	shalt  }
0x4b: {  	_ =	shalt  }
0x4c: {  	_ =	shalt  }
0x4d: {  	_ =	shalt  }
0x4e: {  	_ =	shalt  }
0x4f: {  	_ =	shalt  }
0x50: {  	_ =	shalt  }
0x51: {  	_ =	shalt  }
0x52: {  	_ =	shalt  }
0x53: {  	_ =	shalt  }
0x54: {  	_ =	shalt  }
0x55: {  	_ =	shalt  }
0x56: {  	_ =	shalt  }
0x57: {  	_ =	shalt  }
0x58: {  	_ =	shalt  }
0x59: {  	_ =	shalt  }
0x5a: {  	_ =	shalt  }
0x5b: {  	_ =	shalt  }
0x5c: {  	_ =	shalt  }
0x5d: {  	_ =	shalt  }
0x5e: {  	_ =	shalt  }
0x5f: {  	_ =	shalt  }
0x60: {  	_ =	shalt  }
0x61: {  	_ =	shalt  }
0x62: {  	_ =	shalt  }
0x63: {  	_ =	shalt  }
0x64: {  	_ =	shalt  }
0x65: {  	_ =	shalt  }
0x66: {  	_ =	shalt  }
0x67: {  	_ =	shalt  }
0x68: {  	_ =	shalt  }
0x69: {  	_ =	shalt  }
0x6a: {  	_ =	shalt  }
0x6b: {  	_ =	shalt  }
0x6c: {  	_ =	shalt  }
0x6d: {  	_ =	shalt  }
0x6e: {  	_ =	shalt  }
0x6f: {  	_ =	shalt  }
0x70: {  	_ =	shalt  }
0x71: {  	_ =	shalt  }
0x72: {  	_ =	shalt  }
0x73: {  	_ =	shalt  }
0x74: {  	_ =	shalt  }
0x75: {  	_ =	shalt  }
0x76: {  	_ =	shalt  }
0x77: {  	_ =	shalt  }
0x78: {  	_ =	shalt  }
0x79: {  	_ =	shalt  }
0x7a: {  	_ =	shalt  }
0x7b: {  	_ =	shalt  }
0x7c: {  	_ =	shalt  }
0x7d: {  	_ =	shalt  }
0x7e: {  	_ =	shalt  }
0x7f: {  	_ =	shalt  }
0x80: {  	_ =	shalt  }
0x81: {  	_ =	shalt  }
0x82: {  	_ =	shalt  }
0x83: {  	_ =	shalt  }
0x84: {  	_ =	shalt  }
0x85: {  	_ =	shalt  }
0x86: {  	_ =	shalt  }
0x87: {  	_ =	shalt  }
.Lfunc_end0:
.L_simem_size_0:
called_computation.7_lowered:
.L_overlay_start_0:
0x88: {  	s2 =	sld [smem:$0x3FD9]  }
0x89: {  	s3 =	sld [smem:$0x3FFE];
	_ =	sdelay $0x1  }
0x8a: {  	s1 =	srdreg.scid  }
0x8b: {  	s0 =	sand.u32 $0x1, s1  }
0x8c: {  	s17 =	sshll.u32 s0, $0xA;
	s2 =	sadd.s32 s3, s2  }
0x8d: {  	s2 =	sadd.s32 s2, s17  }
0x8e: {  	[smem:$0x3F79] =	sst s2  }
0x8f: {  	_ = 	snop  }
0x90: {  	(tm) =	ssettm $0x1  }
0x91: {  	s18 =	sld [smem:$0x3FFB];
	_ =	sdelay $0x3  }
0x92: {  	_ =	strace s18  }
0x93: {  	s2 =	sld [smem:$0x3FFC];
	_ =	sdelay $0x3  }
0x94: {  	_ =	strace s2  }
0x95: {  	s2 =	sld [smem:$0x3FFD];
	_ =	sdelay $0x3  }
0x96: {  	_ =	strace s2  }
0x97: {  	_ =	strace $0x8FFFFFFF  }
0x98: {  	s19 =	sld [smem:$0x3FDB];
	_ =	sdelay $0x1  }
0x99: {  	s20 =	simm.s32 $_scs_section_size  }
0x9a: {  	s4 =	simm.s32 $_size__tile_overlayer_lowered;
	s5 =	simm.s32 $_tile_overlayer_lowered  }
0x9b: {  	s6 =	simm.s32 $0x1BFF;
	s21 =	sshll.u32 s5, $0x1;
	s3 =	sadd.s32 s20, s19  }
0x9c: {  	s22 =	simm.s32 $0x0;
	s4 =	sshll.u32 s4, $0x1;
	s5 =	sadd.s32 s21, s3  }
0x9d: {  	[timem:s22], [sflag:s6] =	dma.local [hbm:s5], s4  }
0x9e: {  	_ =	swait.ge [sflag:s6], s4  }
0x9f: {  	s4 =	ssub.s32 $0x0, s4;
	[sflag:s6] =	ssyncset.done $0x0  }
0xa0: {  	[sflag:s6] =	ssyncadd.s32 s4;
	_ =	sdelay $0x1  }
0xa1: {  	s23 =	simm.s32 $0x1B8B  }
0xa2: {  	_ =	swait.ge [sflag:s23], $0x1  }
0xa3: {  	[sflag:s23] =	ssyncset.done $0x0  }
0xa4: {  	[sflag:s23] =	ssyncadd.s32 $0xFFFFFFFF  }
0xa5: {  	s4 =	sld [smem:$0x0]  }
0xa6: {  	s5 =	sand.u32 $0xFFFFFFFE, s1  }
0xa7: {  	p0 =	sne.s32 s1, s5  }
0xa8: {  	s5 =	sshll.u32 @p0 s5, $0xE  }
0xa9: {  	s5 =	sadd.s32 @p0 $0x11B8D, s5;
	s6 =	sshll.u32 @p0 s4, $0x11  }
0xaa: {  	s5 =	sor.u32 @p0 s6, s5  }
0xab: {  	[sflag:s5] =	ssyncadd.remote.s32 @p0 $0x1;
	_ =	sdelay $0x1  }
0xac: {  	s5 =	simm.s32 @p0 $0x1B8D  }
0xad: {  	_ =	swait.eq @p0 [sflag:s5], $0x1  }
0xae: {  	[sflag:s5] =	ssyncadd.s32 @p0 $0xFFFFFFFF  }
0xaf: {  	s6 =	sshll.u32 @!p0 s1, $0xE  }
0xb0: {  	s6 =	sor.u32 @!p0 $0x4000, s6;
	s5 =	simm.s32 @!p0 $0x1B8D  }
0xb1: {  	s4 =	sshll.u32 @!p0 s4, $0x11;
	s6 =	sadd.s32 @!p0 $0x11B8D, s6;
	_ =	swait.eq @!p0 [sflag:s5], $0x1  }
0xb2: {  	s4 =	sor.u32 @!p0 s4, s6;
	[sflag:s5] =	ssyncadd.s32 @!p0 $0xFFFFFFFF  }
0xb3: {  	s25 =	simm.s32 $0x1B8E;
	s24 =	sld [smem:$0x3FFE];
	[sflag:s4] =	ssyncadd.remote.s32 @!p0 $0x1  }
0xb4: {  	s26 =	simm.s32 $execute0_lowered;
	[smem:$0x3FD2] =	sst s25  }
0xb5: {  	s5 =	sshll.u32 s26, $0x1;
	_ =	strace $0x80000058;
	[dreg:$0x1] =	wrdreg $0xFFFFFFFF  }
0xb6: {  	s28 =	simm.s32 $_size_execute0_lowered;
	s3 =	sadd.s32 s3, s5;
	[dreg:$0x0] =	wrdreg $0x0  }
0xb7: {  	s5 =	sshll.u32 s28, $0x1;
	[dreg:$0x2] =	wrdreg s3  }
0xb8: {  	[dreg:$0x3] =	wrdreg s5  }
0xb9: {  	[dreg:$0x4] =	wrdreg $0xC0  }
0xba: {  	_ =	task [dreg:s22], $0x5FFFF  }
0xbb: {  	[dreg:$0x1] =	wrdreg $0xFFFFFFFF  }
0xbc: {  	[dreg:$0x0] =	wrdreg $0x60  }
0xbd: {  	[dreg:$0x2] =	wrdreg s24  }
0xbe: {  	[dreg:$0x3] =	wrdreg $0x9  }
0xbf: {  	_ =	task.clear_ibuf [dreg:s22], $0x4FFFF;
	_ =	strace $0x90000058  }
0xc0: {  	s29 =	simm.s32 $0x9;
	_ =	strace $0x8000005A  }
0xc1: {  	_ =	swait.ge [sflag:s29], $0x1  }
0xc2: {  	[sflag:s29] =	ssyncadd.s32 $0xFFFFFFFF  }
0xc3: {  	_ =	strace $0x9000005A  }
0xc4: {  	_ =	sfence  }
0xc5: {  	s30 =	sld [smem:$0x0];
	_ =	sdelay $0x2  }
0xc6: {  	s31 =	sshll.u32 s1, $0xD;
	s1 =	sshrl.u32 s1, $0x2  }
0xc7: {  	s4 =	sand.u32 $0x4000, s31;
	s1 =	sadd.s32 s1, s30  }
0xc8: {  	s0 =	sor.u32 s4, s0;
	s1 =	sshll.u32 s1, $0x11  }
0xc9: {  	s0 =	sor.u32 s1, s0  }
0xca: {  	s0 =	sadd.s32 $0x8F2B, s0  }
0xcb: {  	[sflag:s0] =	ssyncadd.remote.s32 $0x1  }
0xcc: {  	_ =	sfence.sel $0xFFFF  }
0xcd: {  	[dreg:$0x0] =	wrdreg $0xFFFFFFFF;
	(pc) =	sbr.abs _section_cstart, $3  }
0xce: {  	[dreg:$0x1] =	wrdreg $0xFFFFFFFF  }
0xcf: {  	_ =	task.clear_ibuf [dreg:s22], $0x2FFFF;
	_ =	strace $0x9FFFFFFF  }
0xd0: {  	(tm) =	ssettm $0x7FFFFFFF  }
0xd1: {  	_ =	shalt  }
tec
execute0_lowered:
.L_overlay_start_1:
0x0: {  	(tag) =	ssettag $0x1  }
0x1: {  	s4 =	rddreg [dreg:$0x0]  }
0x2: {  	s0 =	rddreg [dreg:$0x1]  }
0x3: {  	s1 =	simm.s32 $0x0;
	s2 =	srdreg.scid;
	s8 =	simm.s32 $0x800  }
0x4: {  	s9 =	simm.s32 $0x0;
	[smem:$0x7FF] =	sst s1;
	s5 =	sand.u32 $0x1, s2  }
0x5: {  	s3 =	sadd.s32 $0xA2400, s4;
	s2 =	stileid.u32;
	s6 =	ssub.s32 $0x2, s5  }
0x6: {  	s4 =	sadd.s32 $0xA6400, s4;
	_ =	strace $0x80000059;
	s7 =	sshrl.u32 s6, $0x1  }
0x7: {  	v0 =	vimm.s32 $0xFFFFFFFF;
	s31 =	sshll.u32 s2, $0x5;
	s5 =	sshll.u32 s5, $0x4;
	s6 =	ssub.s32 s6, s7  }
0x8: {  	vm0 =	vmxor vm0, vm0;
	v1 =	vlaneseq.u32;
	v2 =	vimm.s32 $0x0;
	s5 =	sor.u32 s5, s31;
	s7 =	simm.s32 $0x1;
	s6 =	smax.u32 s6, $0x1  }
.LBB2_1:
0x9: {  	p1 =	por $0x1, $0x1;
	s10 =	simm.s32 $0x0  }
.LBB2_2:
0xa: {  	s10 =	sor.u32 s5, s10  }
0xb: {  	s11 =	sshll.u32 s10, $0x5  }
0xc: {  	s12 =	sadd.s32 s3, s11;
	s11 =	simm.s32 $0x0  }
0xd: {  	[tilespmem:s11], [sflag:$0x1] =	stream.linear.gather [hbm4b:s12+s11], $0x800, $0x38;
	[tilespmem:$0x840] =	vst v63  }
0xe: {  	_ =	swait.ge [sflag:s7], $0x800  }
0xf: {  	p0 =	por p1, p1;
	[sflag:s7] =	ssyncset.done $0x0  }
0x10: {  	s13 =	simm.s32 $0x0;
	s12 =	simm.s32 $0x0;
	[sflag:s7] =	ssyncadd.s32 $0xFFFFF800  }
.LBB2_3:
0x11: {  	[tilespmem:$0x800] =	vst v0  }
0x12: {  	[tilespmem:$0x810] =	vst v0  }
0x13: {  	[tilespmem:$0x820] =	vst v0  }
0x14: {  	[tilespmem:$0x830] =	vst v0  }
0x15: {  	v3 =	vld [tilespmem:s12+$0x0];
	_ =	sdelay $0x4  }
0x16: {  	p1 =	por $0x1, $0x1;
	vm3 =	vmmov vm0;
	vm1 =	vlt.f32 v3, $0.0e+00;
	vm2 =	vgt.f32 v3, $0.0e+00  }
0x17: {  	vm3 =	vmneg @p1 vm3;
	vm1 =	vmor vm2, vm1  }
0x18: {  	vm1 =	vmand vm3, vm1  }
0x19: {  	v3 =	vsel vm1, $0x1, v2  }
0x1a: {  	(xrf0) =	vadd.scan.msk.s32 $0xffff, v3;
	_ =	sdelay $0x3  }
0x1b: {  	v3 =	vmov s11  }
0x1c: {  	v3 =	vadd.s32 $0xFFFFFFFF, v3  }
0x1d: {  	v3 =	vbroadcast v3, $0x0;
	v4, _, _ =	vpop (xrf0)  }
0x1e: {  	v5 =	vxor.u32 $0x80000000, v4  }
0x1f: {  	v3 =	vadd.s32 v4, v3;
	(xrf0) =	vmax.scan.msk.u32 $0xffff, v5  }
0x20: {  	v3 =	vnsel vm1, $0x3F, v3;
	_ =	sdelay $0x3  }
0x21: {  	v4 =	vor.u32 s11, v1  }
0x22: {  	[tilespmem:v3+s8+$0x0] =	vst.idx.msk $0xffff, v4;
	v3, _, _ =	vpop (xrf0)  }
0x23: {  	(v2sf) =	vpush v3, $0xF;
	_ =	sdelay $0xa  }
0x24: {  	s15 =	sadd.s32 $0x10, s12  }
0x25: {  	s14 =	simm.s32 $0x10;
	s16 =	simm.s32 $0x20;
	s17 =	simm.s32 $0x0;
	v3 =	vld [tilespmem:s15+$0x0]  }
.LBB2_4:
0x26: {  	_ = 	snop  }
0x27: {  	p1 =	sne.s32 s16, $0xF0  }
0x28: {  	s18 =	spop (v2sf)  }
0x29: {  	s17 =	sadd.s32 s18, s17  }
0x2a: {  	s17 =	sadd.s32 $0x80000000, s17;
	vm1 =	vlt.f32 v3, $0.0e+00;
	vm2 =	vgt.f32 v3, $0.0e+00  }
0x2b: {  	p2 =	slt.s32 s17, $0x20;
	v3 =	vmov s17;
	vm1 =	vmor vm2, vm1;
	vm2 =	vmmov vm0  }
0x2c: {  	v3 =	vadd.s32 $0xFFFFFFFF, v3;
	vm2 =	vmneg @p2 vm2  }
0x2d: {  	v3 =	vbroadcast v3, $0x0;
	vm1 =	vmand vm2, vm1  }
0x2e: {  	v4 =	vsel vm1, $0x1, v2  }
0x2f: {  	(xrf0) =	vadd.scan.msk.s32 $0xffff, v4;
	_ =	sdelay $0x5  }
0x30: {  	v4, _, _ =	vpop (xrf0)  }
0x31: {  	v3 =	vadd.s32 v4, v3;
	v4 =	vxor.u32 $0x80000000, v4  }
0x32: {  	v3 =	vnsel vm1, $0x3F, v3;
	(xrf0) =	vmax.scan.msk.u32 $0xffff, v4;
	_ =	sdelay $0x3  }
0x33: {  	v4 =	vor.u32 s14, v1;
	s14 =	smov.u32 s16  }
0x34: {  	[tilespmem:v3+s8+$0x0] =	vst.idx.msk $0xffff, v4  }
0x35: {  	v3, _, _ =	vpop (xrf0)  }
0x36: {  	(v2sf) =	vpush v3, $0xF;
	_ =	sdelay $0x8  }
.Ltmp0:
0x37: {  	(pc) =	sbr.rel @p1 .LBB2_4-.Ltmp0, $3  }
0x38: {  	_ =	sdelay $0x1  }
0x39: {  	s15 =	sadd.s32 $0x10, s15  }
0x3a: {  	s16 =	sadd.s32 $0x10, s16;
	v3 =	vld [tilespmem:s15+$0x0]  }
0x3b: {  	_ = 	snop  }
0x3c: {  	s15 =	spop (v2sf)  }
0x3d: {  	s15 =	sadd.s32 s15, s17  }
0x3e: {  	s15 =	sadd.s32 $0x80000000, s15  }
0x3f: {  	vm3 =	vmmov vm0;
	vm1 =	vlt.f32 v3, $0.0e+00;
	vm2 =	vgt.f32 v3, $0.0e+00;
	p1 =	slt.s32 s15, $0x20  }
0x40: {  	vm1 =	vmor vm2, vm1;
	vm3 =	vmneg @p1 vm3  }
0x41: {  	vm1 =	vmand vm3, vm1  }
0x42: {  	v3 =	vsel vm1, $0x1, v2  }
0x43: {  	(xrf0) =	vadd.scan.msk.s32 $0xffff, v3;
	_ =	sdelay $0x5  }
0x44: {  	v3, _, _ =	vpop (xrf0)  }
0x45: {  	v4 =	vxor.u32 $0x80000000, v3  }
0x46: {  	(xrf0) =	vmax.scan.msk.u32 $0xffff, v4;
	_ =	sdelay $0x5  }
0x47: {  	v4, _, _ =	vpop (xrf0)  }
0x48: {  	(v2sf) =	vpush v4, $0xF;
	_ =	sdelay $0x1  }
0x49: {  	v62 =	vmov s15  }
0x4a: {  	v4 =	vadd.s32 $0xFFFFFFFF, v62  }
0x4b: {  	v4 =	vbroadcast v4, $0x0;
	_ =	sdelay $0x1  }
0x4c: {  	v3 =	vadd.s32 v3, v4  }
0x4d: {  	v3 =	vnsel vm1, $0x3F, v3;
	_ =	sdelay $0x2  }
0x4e: {  	s29 =	sadd.s32 s10, s13  }
0x4f: {  	v63 =	vor.u32 s14, v1;
	s13 =	sadd.s32 $0x1, s13;
	s30 =	sshll.u32 s29, $0x3  }
0x50: {  	s14 =	sadd.s32 s4, s30;
	p1 =	sne.s32 s13, $0x8;
	[tilespmem:v3+s8+$0x0] =	vst.idx.msk $0xffff, v63  }
0x51: {  	[hbm4b:s14+s1] =	stream.linear.scatter [tilespmem:s8], [sflag:$0x1], $0x40, $0x38;
	[tilespmem:$0x840] =	vst v63  }
.Ltmp1:
0x52: {  	_ = 	snop;
	(pc) =	sbr.rel @p1 .LBB2_3-.Ltmp1, $4  }
0x53: {  	s31 =	spop (v2sf)  }
0x54: {  	_ =	swait.ge [sflag:s7], $0x40  }
0x55: {  	[sflag:s7] =	ssyncset.done $0x0  }
0x56: {  	s12 =	sadd.s32 $0x100, s12;
	[sflag:s7] =	ssyncadd.s32 $0xFFFFFFC0  }
.Ltmp2:
0x57: {  	(pc) =	sbr.rel @p0 .LBB2_2-.Ltmp2, $2  }
0x58: {  	_ =	sdelay $0x2  }
0x59: {  	s10 =	simm.s32 $0x8;
	p1 =	por $0x0, $0x0  }
0x5a: {  	s9 =	sadd.s32 $0x1, s9  }
0x5b: {  	p0 =	sne.s32 s9, s6  }
.Ltmp3:
0x5c: {  	_ = 	snop;
	(pc) =	sbr.rel @p0 .LBB2_1-.Ltmp3, $1  }
0x5d: {  	_ =	sdelay $0x3  }
0x5e: {  	_ =	sfence.sel $0x180000  }
0x5f: {  	[bflag:$0x0] =	sbarrier.arrive $0xFFFF  }
0x60: {  	p0 =	sne.s32 s2, $0x0;
	_ =	strace $0x90000059  }
0x61: {  	s0 =	sadd.s32 @!p0 $0x100000, s0;
	[bflag:$0x2] =	sbarrier.arrive $0xFFFF  }
0x62: {  	[sflag:s0] =	ssyncadd.tile.s32 @!p0 $0x1;
	_ =	shalt  }
.Lfunc_end2:
_tile_overlayer_lowered:
.L_overlay_start_2:
0x63: {  	(tag) =	ssettag $0x2  }
0x64: {  	s0 =	rddreg [dreg:$0x0];
	s2 =	stileid.u32  }
0x65: {  	s1 =	rddreg [dreg:$0x1];
	p0 =	sne.s32 s2, $0x0  }
0x66: {  	s3 =	rddreg [dreg:$0x2];
	[bflag:$0x3] =	sbarrier.arrive $0xFFFF;
	s2 =	simm.s32 @!p0 $0x1C01  }
0x67: {  	[timem:s3], [sflag:s2] =	dma.local @!p0 [hbm:s0], s1  }
0x68: {  	s0 =	simm.s32 @!p0 $0x1  }
0x69: {  	_ =	swait.ge @!p0 [sflag:s0], s1  }
0x6a: {  	s1 =	ssub.s32 @!p0 $0x0, s1;
	[sflag:s0] =	ssyncset.done @!p0 $0x0  }
0x6b: {  	[sflag:s0] =	ssyncadd.s32 @!p0 s1  }
0x6c: {  	[bflag:$0x3] =	sbarrier.arrive $0xFFFF  }
0x6d: {  	_ =	shalt  }

// kernel: kernel.42.cloned.1.call-start
scs
__scs_entry_jumppad:
0x0: {  	(pc) =	sbr.rel $0x88, $3  }
0x1: {  	(tag) =	ssettag $0x0;
	lr =	simm.s32 $0x1  }
0x2: {  	[smem:$0x3F52] =	sst lr;
	_ =	strace $0xD0000000  }
0x3: {  	_ = 	snop  }
0x4: {  	_ = 	snop  }
0x5: {  	_ = 	snop  }
0x6: {  	_ = 	snop  }
0x7: {  	_ = 	snop  }
__scs_overlays_trampoline_lowered:
0x8: {  	[smem:$0x3F61] =	sst s0  }
0x9: {  	[smem:$0x3F62] =	sst s1  }
0xa: {  	[smem:$0x3F63] =	sst s2  }
0xb: {  	[smem:$0x3F64] =	sst s3  }
0xc: {  	[smem:$0x3F65] =	sst s4  }
0xd: {  	[smem:$0x3F66] =	sst s5  }
0xe: {  	[smem:$0x3F67] =	sst s6  }
0xf: {  	[smem:$0x3F68] =	sst s7  }
0x10: {  	[smem:$0x3F69] =	sst s8  }
0x11: {  	[smem:$0x3F6A] =	sst s9;
	s0 =	simm.s32 @!p0 $0x0  }
0x12: {  	s1 =	sld [smem:$0x3F50];
	s0 =	simm.s32 @p0 $0x1  }
0x13: {  	[smem:$0x3F6B] =	sst s0;
	s0 =	simm.s32 @!p1 $0x0  }
0x14: {  	s2 =	sld [smem:$0x3F4F];
	s0 =	simm.s32 @p1 $0x1  }
0x15: {  	[smem:$0x3F6C] =	sst s0;
	s0 =	simm.s32 @!p2 $0x0  }
0x16: {  	s3 =	sld [smem:$0x3FDB];
	s0 =	simm.s32 @p2 $0x1  }
0x17: {  	s4 =	simm.s32 $0x1BF5;
	[smem:$0x3F6E] =	sst s0  }
0x18: {  	s0 =	sld [smem:$0x3F51];
	_ =	swait.ge [sflag:s4], $0x0  }
0x19: {  	s7 =	sld [smem:$0x3F52]  }
0x1a: {  	s8 =	sadd.s32 $0xFFFFE003, lr  }
0x1b: {  	s9 =	sadd.s32 $0xFFFFFEF7, lr;
	s5 =	simm.s32 $0xFFFFFFFF;
	p2 =	slt.u32 s8, $0xFFFFF086  }
0x1c: {  	p1 =	slt.u32 s9, $0xF7A;
	s5 =	simm.s32 @!p2 $0x0  }
0x1d: {  	s5 =	simm.s32 @p1 $0x1;
	p0 =	seq.s32 s7, s2  }
0x1e: {  	s7 =	smul.u32 @!p0 $0xF7A, s2;
	p2 =	seq.s32 @!p0 s5, $0x0  }
0x1f: {  	s9 =	smul.u32 $0xF7A, s1;
	s8 =	simm.s32 @!p0 $0x1BF5;
	p2 =	por !p2, p0  }
0x20: {  	[sflag:s8] =	ssyncset.s32 @!p0 $0xFFFFF086;
	s6 =	sadd.s32 @!p0 s3, s7;
	s7 =	simm.s32 @!p0 $0x108  }
0x21: {  	s3 =	sadd.s32 s3, s9;
	s6 =	sadd.s32 @!p0 $0x88, s6;
	s7 =	simm.s32 @p2 $0x1082  }
0x22: {  	[simem:s7], [sflag:s8] =	dma.local @!p0 [hbm:s6], $0xF7A  }
0x23: {  	s9 =	sor.u32 $0xD0000000, s2;
	s6 =	simm.s32 $0x108;
	_ =	swait.ge @!p0 [sflag:s8], $0x0  }
0x24: {  	s3 =	sadd.s32 $0x88, s3;
	s6 =	simm.s32 @!p1 $0x1082;
	[sflag:s4] =	ssyncset.s32 $0xFFFFF086  }
0x25: {  	[simem:s6], [sflag:s4] =	dma.local [hbm:s3], $0xF7A  }
0x26: {  	[smem:$0x3F52] =	sst s1;
	(tag) =	ssettag s2;
	_ =	strace s9  }
0x27: {  	s1 =	sld [smem:$0x3F62]  }
0x28: {  	s2 =	sld [smem:$0x3F63]  }
0x29: {  	s4 =	sld [smem:$0x3F65]  }
0x2a: {  	p0 =	seq.s32 s5, $0x0;
	s5 =	sld [smem:$0x3F66]  }
0x2b: {  	s6 =	sld [smem:$0x3F67]  }
0x2c: {  	s7 =	sld [smem:$0x3F68]  }
0x2d: {  	s3 =	simm.s32 $0x108;
	s8 =	sld [smem:$0x3F69]  }
0x2e: {  	s3 =	simm.s32 @!p0 $0x1082;
	s9 =	sld [smem:$0x3F6A]  }
0x2f: {  	lr =	sadd.s32 s0, s3;
	s0 =	sld [smem:$0x3F61]  }
0x30: {  	s3 =	sld [smem:$0x3F64]  }
0x31: {  	[smem:$0x3F6D] =	sst s10  }
0x32: {  	s10 =	sld [smem:$0x3F6B];
	_ =	sdelay $0x3  }
0x33: {  	p0 =	seq.s32 s10, $0x1;
	s10 =	sld [smem:$0x3F6D];
	_ =	sdelay $0x3  }
0x34: {  	[smem:$0x3F6D] =	sst s10  }
0x35: {  	s10 =	sld [smem:$0x3F6C];
	_ =	sdelay $0x3  }
0x36: {  	p1 =	seq.s32 s10, $0x1;
	s10 =	sld [smem:$0x3F6D];
	_ =	sdelay $0x3  }
0x37: {  	[smem:$0x3F6D] =	sst s10  }
0x38: {  	s10 =	sld [smem:$0x3F6E]  }
0x39: {  	_ = 	snop;
	(pc) =	sbr.ind lr, $3  }
0x3a: {  	_ = 	snop  }
0x3b: {  	_ = 	snop  }
0x3c: {  	p2 =	seq.s32 s10, $0x1;
	s10 =	sld [smem:$0x3F6D]  }
0x3d: {  	_ =	shalt  }
0x3e: {  	_ =	shalt  }
0x3f: {  	_ =	shalt  }
0x40: {  	_ =	shalt  }
0x41: {  	_ =	shalt  }
0x42: {  	_ =	shalt  }
0x43: {  	_ =	shalt  }
0x44: {  	_ =	shalt  }
0x45: {  	_ =	shalt  }
0x46: {  	_ =	shalt  }
0x47: {  	_ =	shalt  }
0x48: {  	_ =	shalt  }
0x49: {  	_ =	shalt  }
0x4a: {  	_ =	shalt  }
0x4b: {  	_ =	shalt  }
0x4c: {  	_ =	shalt  }
0x4d: {  	_ =	shalt  }
0x4e: {  	_ =	shalt  }
0x4f: {  	_ =	shalt  }
0x50: {  	_ =	shalt  }
0x51: {  	_ =	shalt  }
0x52: {  	_ =	shalt  }
0x53: {  	_ =	shalt  }
0x54: {  	_ =	shalt  }
0x55: {  	_ =	shalt  }
0x56: {  	_ =	shalt  }
0x57: {  	_ =	shalt  }
0x58: {  	_ =	shalt  }
0x59: {  	_ =	shalt  }
0x5a: {  	_ =	shalt  }
0x5b: {  	_ =	shalt  }
0x5c: {  	_ =	shalt  }
0x5d: {  	_ =	shalt  }
0x5e: {  	_ =	shalt  }
0x5f: {  	_ =	shalt  }
0x60: {  	_ =	shalt  }
0x61: {  	_ =	shalt  }
0x62: {  	_ =	shalt  }
0x63: {  	_ =	shalt  }
0x64: {  	_ =	shalt  }
0x65: {  	_ =	shalt  }
0x66: {  	_ =	shalt  }
0x67: {  	_ =	shalt  }
0x68: {  	_ =	shalt  }
0x69: {  	_ =	shalt  }
0x6a: {  	_ =	shalt  }
0x6b: {  	_ =	shalt  }
0x6c: {  	_ =	shalt  }
0x6d: {  	_ =	shalt  }
0x6e: {  	_ =	shalt  }
0x6f: {  	_ =	shalt  }
0x70: {  	_ =	shalt  }
0x71: {  	_ =	shalt  }
0x72: {  	_ =	shalt  }
0x73: {  	_ =	shalt  }
0x74: {  	_ =	shalt  }
0x75: {  	_ =	shalt  }
0x76: {  	_ =	shalt  }
0x77: {  	_ =	shalt  }
0x78: {  	_ =	shalt  }
0x79: {  	_ =	shalt  }
0x7a: {  	_ =	shalt  }
0x7b: {  	_ =	shalt  }
0x7c: {  	_ =	shalt  }
0x7d: {  	_ =	shalt  }
0x7e: {  	_ =	shalt  }
0x7f: {  	_ =	shalt  }
0x80: {  	_ =	shalt  }
0x81: {  	_ =	shalt  }
0x82: {  	_ =	shalt  }
0x83: {  	_ =	shalt  }
0x84: {  	_ =	shalt  }
0x85: {  	_ =	shalt  }
0x86: {  	_ =	shalt  }
0x87: {  	_ =	shalt  }
.Lfunc_end0:
.L_simem_size_0:
called_computation.8_lowered:
.L_overlay_start_0:
0x88: {  	s2 =	sld [smem:$0x3FD9]  }
0x89: {  	s3 =	sld [smem:$0x3FFE];
	_ =	sdelay $0x1  }
0x8a: {  	s1 =	srdreg.scid  }
0x8b: {  	s0 =	sand.u32 $0x1, s1  }
0x8c: {  	s17 =	sshll.u32 s0, $0xA;
	s2 =	sadd.s32 s3, s2  }
0x8d: {  	s2 =	sadd.s32 s2, s17  }
0x8e: {  	[smem:$0x3F79] =	sst s2  }
0x8f: {  	_ = 	snop  }
0x90: {  	s18 =	sld [smem:$0x3FD0];
	(tm) =	ssettm $0x1  }
0x91: {  	s19 =	sld [smem:$0x3FFB];
	_ =	sdelay $0x3  }
0x92: {  	_ =	strace s19  }
0x93: {  	s2 =	sld [smem:$0x3FFC];
	_ =	sdelay $0x3  }
0x94: {  	_ =	strace s2  }
0x95: {  	s2 =	sld [smem:$0x3FFD];
	_ =	sdelay $0x3  }
0x96: {  	_ =	strace s2  }
0x97: {  	_ =	strace $0x8FFFFFFF  }
0x98: {  	s20 =	sld [smem:$0x3FDB];
	_ =	sdelay $0x1  }
0x99: {  	s4 =	simm.s32 $_scs_section_size  }
0x9a: {  	s5 =	simm.s32 $_size__tile_overlayer_lowered;
	s6 =	simm.s32 $_tile_overlayer_lowered  }
0x9b: {  	s7 =	simm.s32 $0x1BFF;
	s21 =	sshll.u32 s6, $0x1;
	s4 =	sadd.s32 s4, s20  }
0x9c: {  	s22 =	simm.s32 $0x0;
	s5 =	sshll.u32 s5, $0x1;
	s6 =	sadd.s32 s21, s4  }
0x9d: {  	[timem:s22], [sflag:s7] =	dma.local [hbm:s6], s5  }
0x9e: {  	_ =	swait.ge [sflag:s7], s5  }
0x9f: {  	s5 =	ssub.s32 $0x0, s5;
	[sflag:s7] =	ssyncset.done $0x0  }
0xa0: {  	[sflag:s7] =	ssyncadd.s32 s5;
	_ =	sdelay $0x1  }
0xa1: {  	s23 =	simm.s32 $0x1B8B  }
0xa2: {  	_ =	swait.ge [sflag:s23], $0x1  }
0xa3: {  	[sflag:s23] =	ssyncset.done $0x0  }
0xa4: {  	[sflag:s23] =	ssyncadd.s32 $0xFFFFFFFF  }
0xa5: {  	s5 =	sld [smem:$0x0]  }
0xa6: {  	s6 =	sand.u32 $0xFFFFFFFE, s1  }
0xa7: {  	p0 =	sne.s32 s1, s6  }
0xa8: {  	s6 =	sshll.u32 @p0 s6, $0xE  }
0xa9: {  	s6 =	sadd.s32 @p0 $0x11B8D, s6;
	s7 =	sshll.u32 @p0 s5, $0x11  }
0xaa: {  	s6 =	sor.u32 @p0 s7, s6  }
0xab: {  	[sflag:s6] =	ssyncadd.remote.s32 @p0 $0x1;
	_ =	sdelay $0x1  }
0xac: {  	s6 =	simm.s32 @p0 $0x1B8D  }
0xad: {  	_ =	swait.eq @p0 [sflag:s6], $0x1  }
0xae: {  	[sflag:s6] =	ssyncadd.s32 @p0 $0xFFFFFFFF  }
0xaf: {  	s7 =	sshll.u32 @!p0 s1, $0xE  }
0xb0: {  	s7 =	sor.u32 @!p0 $0x4000, s7;
	s6 =	simm.s32 @!p0 $0x1B8D  }
0xb1: {  	s5 =	sshll.u32 @!p0 s5, $0x11;
	s7 =	sadd.s32 @!p0 $0x11B8D, s7;
	_ =	swait.eq @!p0 [sflag:s6], $0x1  }
0xb2: {  	s5 =	sor.u32 @!p0 s5, s7;
	[sflag:s6] =	ssyncadd.s32 @!p0 $0xFFFFFFFF  }
0xb3: {  	s25 =	simm.s32 $0x1B8E;
	s24 =	sld [smem:$0x3FFE];
	[sflag:s5] =	ssyncadd.remote.s32 @!p0 $0x1  }
0xb4: {  	s26 =	simm.s32 $execute0_lowered;
	[smem:$0x3FD2] =	sst s25  }
0xb5: {  	s6 =	sshll.u32 s26, $0x1;
	_ =	strace $0x80000061;
	[dreg:$0x1] =	wrdreg $0xFFFFFFFF  }
0xb6: {  	s28 =	simm.s32 $_size_execute0_lowered;
	s4 =	sadd.s32 s4, s6;
	[dreg:$0x0] =	wrdreg $0x0  }
0xb7: {  	s6 =	sshll.u32 s28, $0x1;
	[dreg:$0x2] =	wrdreg s4  }
0xb8: {  	[dreg:$0x3] =	wrdreg s6  }
0xb9: {  	[dreg:$0x4] =	wrdreg $0xC0  }
0xba: {  	_ =	task [dreg:s22], $0x5FFFF  }
0xbb: {  	[dreg:$0x1] =	wrdreg $0xFFFFFFFF  }
0xbc: {  	[dreg:$0x0] =	wrdreg $0x60  }
0xbd: {  	[dreg:$0x2] =	wrdreg s18  }
0xbe: {  	[dreg:$0x3] =	wrdreg s24  }
0xbf: {  	[dreg:$0x4] =	wrdreg $0x9  }
0xc0: {  	_ =	task.clear_ibuf [dreg:s22], $0x5FFFF;
	_ =	strace $0x90000061  }
0xc1: {  	s29 =	simm.s32 $0x9;
	_ =	strace $0x80000063  }
0xc2: {  	_ =	swait.ge [sflag:s29], $0x1  }
0xc3: {  	[sflag:s29] =	ssyncadd.s32 $0xFFFFFFFF  }
0xc4: {  	_ =	strace $0x90000063  }
0xc5: {  	_ =	sfence  }
0xc6: {  	s30 =	sld [smem:$0x0];
	_ =	sdelay $0x2  }
0xc7: {  	s31 =	sshll.u32 s1, $0xD;
	s1 =	sshrl.u32 s1, $0x2  }
0xc8: {  	s4 =	sand.u32 $0x4000, s31;
	s1 =	sadd.s32 s1, s30  }
0xc9: {  	s0 =	sor.u32 s4, s0;
	s1 =	sshll.u32 s1, $0x11  }
0xca: {  	s0 =	sor.u32 s1, s0  }
0xcb: {  	s0 =	sadd.s32 $0x8F2B, s0  }
0xcc: {  	[sflag:s0] =	ssyncadd.remote.s32 $0x1  }
0xcd: {  	_ =	sfence.sel $0xFFFF  }
0xce: {  	[dreg:$0x0] =	wrdreg $0xFFFFFFFF;
	(pc) =	sbr.abs _section_cstart, $3  }
0xcf: {  	[dreg:$0x1] =	wrdreg $0xFFFFFFFF  }
0xd0: {  	_ =	task.clear_ibuf [dreg:s22], $0x2FFFF;
	_ =	strace $0x9FFFFFFF  }
0xd1: {  	(tm) =	ssettm $0x7FFFFFFF  }
tec
execute0_lowered:
.L_overlay_start_1:
0x0: {  	(tag) =	ssettag $0x1  }
0x1: {  	s1 =	srdreg.scid  }
0x2: {  	s2 =	rddreg [dreg:$0x0];
	s0 =	stileid.u32;
	s14 =	sand.u32 $0x1, s1  }
0x3: {  	s8 =	rddreg [dreg:$0x1];
	s4 =	sshll.u32 s0, $0xA;
	s5 =	sshll.u32 s14, $0x9  }
0x4: {  	s3 =	simm.s32 $0x0;
	s1 =	rddreg [dreg:$0x2];
	s13 =	sor.u32 s5, s4  }
0x5: {  	[smem:$0x7FF] =	sst s3;
	s15 =	sadd.s32 $0xA2400, s8;
	s4 =	sshrl.u32 s13, $0x3  }
0x6: {  	_ =	strace $0x80000062;
	s5 =	sadd.s32 s15, s4;
	s4 =	simm.s32 $0x2  }
0x7: {  	[tilespmem:s3], [sflag:$0x2] =	stream.linear.gather [hbm4b:s5+s3], $0x80, $0x38;
	[tilespmem:$0x4880] =	vst v63  }
0x8: {  	_ =	swait.ge [sflag:s4], $0x80  }
0x9: {  	[sflag:s4] =	ssyncset.done $0x0  }
0xa: {  	s6 =	simm.s32 $0x80;
	s7 =	simm.s32 $0x1;
	[sflag:s4] =	ssyncadd.s32 $0xFFFFFF80  }
0xb: {  	[tilespmem:s6], [sflag:$0x1] =	stream.indirect.gather [hbm4b:s2+s6], $0x90, s3, s6, $0xb8;
	[tilespmem:$0x4880] =	vst v63  }
0xc: {  	s9 =	smul.u32 $0x12, s13;
	_ =	swait.ge [sflag:s7], $0x4800  }
0xd: {  	s16 =	sadd.s32 $0xC2400, s8;
	[sflag:s7] =	ssyncset.done $0x0  }
0xe: {  	s8 =	sadd.s32 s16, s9;
	[sflag:s7] =	ssyncadd.s32 $0xFFFFB800  }
0xf: {  	[hbm4b:s8+s3] =	stream.linear.scatter [tilespmem:s6], [sflag:$0x2], $0x4800, $0x38;
	[tilespmem:$0x4880] =	vst v63  }
0x10: {  	s10 =	sor.u32 $0x80, s13;
	_ =	swait.ge [sflag:s4], $0x4800  }
0x11: {  	s30 =	sshrl.u32 s10, $0x3;
	[sflag:s4] =	ssyncset.done $0x0  }
0x12: {  	s9 =	sadd.s32 s15, s30;
	[sflag:s4] =	ssyncadd.s32 $0xFFFFB800  }
0x13: {  	[tilespmem:s3], [sflag:$0x2] =	stream.linear.gather [hbm4b:s9+s3], $0x80, $0x38;
	[tilespmem:$0x4880] =	vst v63  }
0x14: {  	_ =	swait.ge [sflag:s4], $0x80  }
0x15: {  	[sflag:s4] =	ssyncset.done $0x0  }
0x16: {  	[sflag:s4] =	ssyncadd.s32 $0xFFFFFF80  }
0x17: {  	[tilespmem:s6], [sflag:$0x1] =	stream.indirect.gather [hbm4b:s2+s6], $0x90, s3, s6, $0xb8;
	[tilespmem:$0x4880] =	vst v63  }
0x18: {  	s10 =	smul.u32 $0x12, s10;
	_ =	swait.ge [sflag:s7], $0x4800  }
0x19: {  	[sflag:s7] =	ssyncset.done $0x0  }
0x1a: {  	s10 =	sadd.s32 s16, s10;
	[sflag:s7] =	ssyncadd.s32 $0xFFFFB800  }
0x1b: {  	[hbm4b:s10+s3] =	stream.linear.scatter [tilespmem:s6], [sflag:$0x2], $0x4800, $0x38;
	[tilespmem:$0x4880] =	vst v63  }
0x1c: {  	s12 =	sor.u32 $0x100, s13;
	_ =	swait.ge [sflag:s4], $0x4800  }
0x1d: {  	s11 =	sshrl.u32 s12, $0x3;
	[sflag:s4] =	ssyncset.done $0x0  }
0x1e: {  	s11 =	sadd.s32 s15, s11;
	[sflag:s4] =	ssyncadd.s32 $0xFFFFB800  }
0x1f: {  	[tilespmem:s3], [sflag:$0x2] =	stream.linear.gather [hbm4b:s11+s3], $0x80, $0x38;
	[tilespmem:$0x4880] =	vst v63  }
0x20: {  	_ =	swait.ge [sflag:s4], $0x80  }
0x21: {  	[sflag:s4] =	ssyncset.done $0x0  }
0x22: {  	[sflag:s4] =	ssyncadd.s32 $0xFFFFFF80  }
0x23: {  	[tilespmem:s6], [sflag:$0x1] =	stream.indirect.gather [hbm4b:s2+s6], $0x90, s3, s6, $0xb8;
	[tilespmem:$0x4880] =	vst v63  }
0x24: {  	s12 =	smul.u32 $0x12, s12;
	_ =	swait.ge [sflag:s7], $0x4800  }
0x25: {  	[sflag:s7] =	ssyncset.done $0x0  }
0x26: {  	s12 =	sadd.s32 s16, s12;
	[sflag:s7] =	ssyncadd.s32 $0xFFFFB800  }
0x27: {  	[hbm4b:s12+s3] =	stream.linear.scatter [tilespmem:s6], [sflag:$0x2], $0x4800, $0x38;
	[tilespmem:$0x4880] =	vst v63  }
0x28: {  	s17 =	sor.u32 $0x180, s13;
	_ =	swait.ge [sflag:s4], $0x4800  }
0x29: {  	s13 =	sshrl.u32 s17, $0x3;
	[sflag:s4] =	ssyncset.done $0x0  }
0x2a: {  	s14 =	ssub.s32 $0x2, s14;
	s13 =	sadd.s32 s15, s13;
	[sflag:s4] =	ssyncadd.s32 $0xFFFFB800  }
0x2b: {  	[tilespmem:s3], [sflag:$0x2] =	stream.linear.gather [hbm4b:s13+s3], $0x80, $0x38;
	[tilespmem:$0x4880] =	vst v63  }
0x2c: {  	s31 =	sshrl.u32 s14, $0x1;
	_ =	swait.ge [sflag:s4], $0x80  }
0x2d: {  	s15 =	ssub.s32 s14, s31;
	[sflag:s4] =	ssyncset.done $0x0  }
0x2e: {  	s15 =	smax.u32 s15, $0x1;
	[sflag:s4] =	ssyncadd.s32 $0xFFFFFF80  }
0x2f: {  	[tilespmem:s6], [sflag:$0x1] =	stream.indirect.gather [hbm4b:s2+s6], $0x90, s3, s6, $0xb8;
	[tilespmem:$0x4880] =	vst v63  }
0x30: {  	s17 =	smul.u32 $0x12, s17;
	p0 =	sne.s32 s15, $0x1;
	_ =	swait.ge [sflag:s7], $0x4800  }
.Ltmp0:
0x31: {  	[sflag:s7] =	ssyncset.done $0x0;
	(pc) =	sbr.rel @!p0 .LBB2_2-.Ltmp0, $4  }
0x32: {  	s14 =	sadd.s32 s16, s17;
	[sflag:s7] =	ssyncadd.s32 $0xFFFFB800  }
0x33: {  	[hbm4b:s14+s3] =	stream.linear.scatter [tilespmem:s6], [sflag:$0x2], $0x4800, $0x38;
	[tilespmem:$0x4880] =	vst v63  }
0x34: {  	_ =	swait.ge [sflag:s4], $0x4800  }
0x35: {  	s15 =	sadd.s32 $0xFFFFFFFF, s15;
	[sflag:s4] =	ssyncset.done $0x0  }
.LBB2_1:
0x36: {  	p0 =	sne.s32 s15, $0x1;
	s15 =	sadd.s32 $0xFFFFFFFF, s15;
	[sflag:s4] =	ssyncadd.s32 $0xFFFFB800  }
0x37: {  	[tilespmem:s3], [sflag:$0x2] =	stream.linear.gather [hbm4b:s5+s3], $0x80, $0x38;
	[tilespmem:$0x4880] =	vst v63  }
0x38: {  	_ =	swait.ge [sflag:s4], $0x80  }
0x39: {  	[sflag:s4] =	ssyncset.done $0x0  }
0x3a: {  	[sflag:s4] =	ssyncadd.s32 $0xFFFFFF80  }
0x3b: {  	[tilespmem:s6], [sflag:$0x1] =	stream.indirect.gather [hbm4b:s2+s6], $0x90, s3, s6, $0xb8;
	[tilespmem:$0x4880] =	vst v63  }
0x3c: {  	_ =	swait.ge [sflag:s7], $0x4800  }
0x3d: {  	[sflag:s7] =	ssyncset.done $0x0  }
0x3e: {  	[sflag:s7] =	ssyncadd.s32 $0xFFFFB800  }
0x3f: {  	[hbm4b:s8+s3] =	stream.linear.scatter [tilespmem:s6], [sflag:$0x2], $0x4800, $0x38;
	[tilespmem:$0x4880] =	vst v63  }
0x40: {  	_ =	swait.ge [sflag:s4], $0x4800  }
0x41: {  	[sflag:s4] =	ssyncset.done $0x0  }
0x42: {  	[sflag:s4] =	ssyncadd.s32 $0xFFFFB800  }
0x43: {  	[tilespmem:s3], [sflag:$0x2] =	stream.linear.gather [hbm4b:s9+s3], $0x80, $0x38;
	[tilespmem:$0x4880] =	vst v63  }
0x44: {  	_ =	swait.ge [sflag:s4], $0x80  }
0x45: {  	[sflag:s4] =	ssyncset.done $0x0  }
0x46: {  	[sflag:s4] =	ssyncadd.s32 $0xFFFFFF80  }
0x47: {  	[tilespmem:s6], [sflag:$0x1] =	stream.indirect.gather [hbm4b:s2+s6], $0x90, s3, s6, $0xb8;
	[tilespmem:$0x4880] =	vst v63  }
0x48: {  	_ =	swait.ge [sflag:s7], $0x4800  }
0x49: {  	[sflag:s7] =	ssyncset.done $0x0  }
0x4a: {  	[sflag:s7] =	ssyncadd.s32 $0xFFFFB800  }
0x4b: {  	[hbm4b:s10+s3] =	stream.linear.scatter [tilespmem:s6], [sflag:$0x2], $0x4800, $0x38;
	[tilespmem:$0x4880] =	vst v63  }
0x4c: {  	_ =	swait.ge [sflag:s4], $0x4800  }
0x4d: {  	[sflag:s4] =	ssyncset.done $0x0  }
0x4e: {  	[sflag:s4] =	ssyncadd.s32 $0xFFFFB800  }
0x4f: {  	[tilespmem:s3], [sflag:$0x2] =	stream.linear.gather [hbm4b:s11+s3], $0x80, $0x38;
	[tilespmem:$0x4880] =	vst v63  }
0x50: {  	_ =	swait.ge [sflag:s4], $0x80  }
0x51: {  	[sflag:s4] =	ssyncset.done $0x0  }
0x52: {  	[sflag:s4] =	ssyncadd.s32 $0xFFFFFF80  }
0x53: {  	[tilespmem:s6], [sflag:$0x1] =	stream.indirect.gather [hbm4b:s2+s6], $0x90, s3, s6, $0xb8;
	[tilespmem:$0x4880] =	vst v63  }
0x54: {  	_ =	swait.ge [sflag:s7], $0x4800  }
0x55: {  	[sflag:s7] =	ssyncset.done $0x0  }
0x56: {  	[sflag:s7] =	ssyncadd.s32 $0xFFFFB800  }
0x57: {  	[hbm4b:s12+s3] =	stream.linear.scatter [tilespmem:s6], [sflag:$0x2], $0x4800, $0x38;
	[tilespmem:$0x4880] =	vst v63  }
0x58: {  	_ =	swait.ge [sflag:s4], $0x4800  }
0x59: {  	[sflag:s4] =	ssyncset.done $0x0  }
0x5a: {  	[sflag:s4] =	ssyncadd.s32 $0xFFFFB800  }
0x5b: {  	[tilespmem:s3], [sflag:$0x2] =	stream.linear.gather [hbm4b:s13+s3], $0x80, $0x38;
	[tilespmem:$0x4880] =	vst v63  }
0x5c: {  	_ =	swait.ge [sflag:s4], $0x80  }
0x5d: {  	[sflag:s4] =	ssyncset.done $0x0  }
0x5e: {  	[sflag:s4] =	ssyncadd.s32 $0xFFFFFF80  }
0x5f: {  	[tilespmem:s6], [sflag:$0x1] =	stream.indirect.gather [hbm4b:s2+s6], $0x90, s3, s6, $0xb8;
	[tilespmem:$0x4880] =	vst v63  }
0x60: {  	_ =	swait.ge [sflag:s7], $0x4800  }
.Ltmp1:
0x61: {  	[sflag:s7] =	ssyncset.done $0x0;
	(pc) =	sbr.rel @p0 .LBB2_1-.Ltmp1, $4  }
0x62: {  	[sflag:s7] =	ssyncadd.s32 $0xFFFFB800  }
0x63: {  	[hbm4b:s14+s3] =	stream.linear.scatter [tilespmem:s6], [sflag:$0x2], $0x4800, $0x38;
	[tilespmem:$0x4880] =	vst v63  }
0x64: {  	_ =	swait.ge [sflag:s4], $0x4800  }
0x65: {  	[sflag:s4] =	ssyncset.done $0x0  }
.LBB2_2:
0x66: {  	[sflag:s4] =	ssyncadd.s32 $0xFFFFB800  }
0x67: {  	_ =	sfence.sel $0x180000  }
0x68: {  	[bflag:$0x0] =	sbarrier.arrive $0xFFFF  }
0x69: {  	p0 =	sne.s32 s0, $0x0;
	_ =	strace $0x90000062  }
0x6a: {  	s0 =	sadd.s32 @!p0 $0x100000, s1;
	[bflag:$0x2] =	sbarrier.arrive $0xFFFF  }
0x6b: {  	[sflag:s0] =	ssyncadd.tile.s32 @!p0 $0x1;
	_ =	shalt  }
.Lfunc_end2:
_tile_overlayer_lowered:
.L_overlay_start_2:
0x6c: {  	(tag) =	ssettag $0x2  }
0x6d: {  	s0 =	rddreg [dreg:$0x0];
	s2 =	stileid.u32  }
0x6e: {  	s1 =	rddreg [dreg:$0x1];
	p0 =	sne.s32 s2, $0x0  }
0x6f: {  	s3 =	rddreg [dreg:$0x2];
	[bflag:$0x3] =	sbarrier.arrive $0xFFFF;
	s2 =	simm.s32 @!p0 $0x1C02  }
0x70: {  	[timem:s3], [sflag:s2] =	dma.local @!p0 [hbm:s0], s1  }
0x71: {  	s0 =	simm.s32 @!p0 $0x2  }
0x72: {  	_ =	swait.ge @!p0 [sflag:s0], s1  }
0x73: {  	s1 =	ssub.s32 @!p0 $0x0, s1;
	[sflag:s0] =	ssyncset.done @!p0 $0x0  }
0x74: {  	[sflag:s0] =	ssyncadd.s32 @!p0 s1  }
0x75: {  	[bflag:$0x3] =	sbarrier.arrive $0xFFFF  }
0x76: {  	_ =	shalt  }

// kernel: kernel.45.cloned.1.call-start
scs
__scs_entry_jumppad:
0x0: {  	(pc) =	sbr.rel $0x88, $3  }
0x1: {  	(tag) =	ssettag $0x0;
	lr =	simm.s32 $0x1  }
0x2: {  	[smem:$0x3F52] =	sst lr;
	_ =	strace $0xD0000000  }
0x3: {  	_ = 	snop  }
0x4: {  	_ = 	snop  }
0x5: {  	_ = 	snop  }
0x6: {  	_ = 	snop  }
0x7: {  	_ = 	snop  }
__scs_overlays_trampoline_lowered:
0x8: {  	[smem:$0x3F61] =	sst s0  }
0x9: {  	[smem:$0x3F62] =	sst s1  }
0xa: {  	[smem:$0x3F63] =	sst s2  }
0xb: {  	[smem:$0x3F64] =	sst s3  }
0xc: {  	[smem:$0x3F65] =	sst s4  }
0xd: {  	[smem:$0x3F66] =	sst s5  }
0xe: {  	[smem:$0x3F67] =	sst s6  }
0xf: {  	[smem:$0x3F68] =	sst s7  }
0x10: {  	[smem:$0x3F69] =	sst s8  }
0x11: {  	[smem:$0x3F6A] =	sst s9;
	s0 =	simm.s32 @!p0 $0x0  }
0x12: {  	s1 =	sld [smem:$0x3F50];
	s0 =	simm.s32 @p0 $0x1  }
0x13: {  	[smem:$0x3F6B] =	sst s0;
	s0 =	simm.s32 @!p1 $0x0  }
0x14: {  	s2 =	sld [smem:$0x3F4F];
	s0 =	simm.s32 @p1 $0x1  }
0x15: {  	[smem:$0x3F6C] =	sst s0;
	s0 =	simm.s32 @!p2 $0x0  }
0x16: {  	s3 =	sld [smem:$0x3FDB];
	s0 =	simm.s32 @p2 $0x1  }
0x17: {  	s4 =	simm.s32 $0x1BF5;
	[smem:$0x3F6E] =	sst s0  }
0x18: {  	s0 =	sld [smem:$0x3F51];
	_ =	swait.ge [sflag:s4], $0x0  }
0x19: {  	s7 =	sld [smem:$0x3F52]  }
0x1a: {  	s8 =	sadd.s32 $0xFFFFE003, lr  }
0x1b: {  	s9 =	sadd.s32 $0xFFFFFEF7, lr;
	s5 =	simm.s32 $0xFFFFFFFF;
	p2 =	slt.u32 s8, $0xFFFFF086  }
0x1c: {  	p1 =	slt.u32 s9, $0xF7A;
	s5 =	simm.s32 @!p2 $0x0  }
0x1d: {  	s5 =	simm.s32 @p1 $0x1;
	p0 =	seq.s32 s7, s2  }
0x1e: {  	s7 =	smul.u32 @!p0 $0xF7A, s2;
	p2 =	seq.s32 @!p0 s5, $0x0  }
0x1f: {  	s9 =	smul.u32 $0xF7A, s1;
	s8 =	simm.s32 @!p0 $0x1BF5;
	p2 =	por !p2, p0  }
0x20: {  	[sflag:s8] =	ssyncset.s32 @!p0 $0xFFFFF086;
	s6 =	sadd.s32 @!p0 s3, s7;
	s7 =	simm.s32 @!p0 $0x108  }
0x21: {  	s3 =	sadd.s32 s3, s9;
	s6 =	sadd.s32 @!p0 $0x88, s6;
	s7 =	simm.s32 @p2 $0x1082  }
0x22: {  	[simem:s7], [sflag:s8] =	dma.local @!p0 [hbm:s6], $0xF7A  }
0x23: {  	s9 =	sor.u32 $0xD0000000, s2;
	s6 =	simm.s32 $0x108;
	_ =	swait.ge @!p0 [sflag:s8], $0x0  }
0x24: {  	s3 =	sadd.s32 $0x88, s3;
	s6 =	simm.s32 @!p1 $0x1082;
	[sflag:s4] =	ssyncset.s32 $0xFFFFF086  }
0x25: {  	[simem:s6], [sflag:s4] =	dma.local [hbm:s3], $0xF7A  }
0x26: {  	[smem:$0x3F52] =	sst s1;
	(tag) =	ssettag s2;
	_ =	strace s9  }
0x27: {  	s1 =	sld [smem:$0x3F62]  }
0x28: {  	s2 =	sld [smem:$0x3F63]  }
0x29: {  	s4 =	sld [smem:$0x3F65]  }
0x2a: {  	p0 =	seq.s32 s5, $0x0;
	s5 =	sld [smem:$0x3F66]  }
0x2b: {  	s6 =	sld [smem:$0x3F67]  }
0x2c: {  	s7 =	sld [smem:$0x3F68]  }
0x2d: {  	s3 =	simm.s32 $0x108;
	s8 =	sld [smem:$0x3F69]  }
0x2e: {  	s3 =	simm.s32 @!p0 $0x1082;
	s9 =	sld [smem:$0x3F6A]  }
0x2f: {  	lr =	sadd.s32 s0, s3;
	s0 =	sld [smem:$0x3F61]  }
0x30: {  	s3 =	sld [smem:$0x3F64]  }
0x31: {  	[smem:$0x3F6D] =	sst s10  }
0x32: {  	s10 =	sld [smem:$0x3F6B];
	_ =	sdelay $0x3  }
0x33: {  	p0 =	seq.s32 s10, $0x1;
	s10 =	sld [smem:$0x3F6D];
	_ =	sdelay $0x3  }
0x34: {  	[smem:$0x3F6D] =	sst s10  }
0x35: {  	s10 =	sld [smem:$0x3F6C];
	_ =	sdelay $0x3  }
0x36: {  	p1 =	seq.s32 s10, $0x1;
	s10 =	sld [smem:$0x3F6D];
	_ =	sdelay $0x3  }
0x37: {  	[smem:$0x3F6D] =	sst s10  }
0x38: {  	s10 =	sld [smem:$0x3F6E]  }
0x39: {  	_ = 	snop;
	(pc) =	sbr.ind lr, $3  }
0x3a: {  	_ = 	snop  }
0x3b: {  	_ = 	snop  }
0x3c: {  	p2 =	seq.s32 s10, $0x1;
	s10 =	sld [smem:$0x3F6D]  }
0x3d: {  	_ =	shalt  }
0x3e: {  	_ =	shalt  }
0x3f: {  	_ =	shalt  }
0x40: {  	_ =	shalt  }
0x41: {  	_ =	shalt  }
0x42: {  	_ =	shalt  }
0x43: {  	_ =	shalt  }
0x44: {  	_ =	shalt  }
0x45: {  	_ =	shalt  }
0x46: {  	_ =	shalt  }
0x47: {  	_ =	shalt  }
0x48: {  	_ =	shalt  }
0x49: {  	_ =	shalt  }
0x4a: {  	_ =	shalt  }
0x4b: {  	_ =	shalt  }
0x4c: {  	_ =	shalt  }
0x4d: {  	_ =	shalt  }
0x4e: {  	_ =	shalt  }
0x4f: {  	_ =	shalt  }
0x50: {  	_ =	shalt  }
0x51: {  	_ =	shalt  }
0x52: {  	_ =	shalt  }
0x53: {  	_ =	shalt  }
0x54: {  	_ =	shalt  }
0x55: {  	_ =	shalt  }
0x56: {  	_ =	shalt  }
0x57: {  	_ =	shalt  }
0x58: {  	_ =	shalt  }
0x59: {  	_ =	shalt  }
0x5a: {  	_ =	shalt  }
0x5b: {  	_ =	shalt  }
0x5c: {  	_ =	shalt  }
0x5d: {  	_ =	shalt  }
0x5e: {  	_ =	shalt  }
0x5f: {  	_ =	shalt  }
0x60: {  	_ =	shalt  }
0x61: {  	_ =	shalt  }
0x62: {  	_ =	shalt  }
0x63: {  	_ =	shalt  }
0x64: {  	_ =	shalt  }
0x65: {  	_ =	shalt  }
0x66: {  	_ =	shalt  }
0x67: {  	_ =	shalt  }
0x68: {  	_ =	shalt  }
0x69: {  	_ =	shalt  }
0x6a: {  	_ =	shalt  }
0x6b: {  	_ =	shalt  }
0x6c: {  	_ =	shalt  }
0x6d: {  	_ =	shalt  }
0x6e: {  	_ =	shalt  }
0x6f: {  	_ =	shalt  }
0x70: {  	_ =	shalt  }
0x71: {  	_ =	shalt  }
0x72: {  	_ =	shalt  }
0x73: {  	_ =	shalt  }
0x74: {  	_ =	shalt  }
0x75: {  	_ =	shalt  }
0x76: {  	_ =	shalt  }
0x77: {  	_ =	shalt  }
0x78: {  	_ =	shalt  }
0x79: {  	_ =	shalt  }
0x7a: {  	_ =	shalt  }
0x7b: {  	_ =	shalt  }
0x7c: {  	_ =	shalt  }
0x7d: {  	_ =	shalt  }
0x7e: {  	_ =	shalt  }
0x7f: {  	_ =	shalt  }
0x80: {  	_ =	shalt  }
0x81: {  	_ =	shalt  }
0x82: {  	_ =	shalt  }
0x83: {  	_ =	shalt  }
0x84: {  	_ =	shalt  }
0x85: {  	_ =	shalt  }
0x86: {  	_ =	shalt  }
0x87: {  	_ =	shalt  }
.Lfunc_end0:
.L_simem_size_0:
called_computation.9_lowered:
.L_overlay_start_0:
0x88: {  	s2 =	sld [smem:$0x3FD9]  }
0x89: {  	s3 =	sld [smem:$0x3FFE];
	_ =	sdelay $0x1  }
0x8a: {  	s1 =	srdreg.scid  }
0x8b: {  	s0 =	sand.u32 $0x1, s1  }
0x8c: {  	s17 =	sshll.u32 s0, $0xA;
	s2 =	sadd.s32 s3, s2  }
0x8d: {  	s2 =	sadd.s32 s2, s17  }
0x8e: {  	[smem:$0x3F79] =	sst s2  }
0x8f: {  	_ = 	snop  }
0x90: {  	(tm) =	ssettm $0x1  }
0x91: {  	s18 =	sld [smem:$0x3FFB];
	_ =	sdelay $0x3  }
0x92: {  	_ =	strace s18  }
0x93: {  	s2 =	sld [smem:$0x3FFC];
	_ =	sdelay $0x3  }
0x94: {  	_ =	strace s2  }
0x95: {  	s2 =	sld [smem:$0x3FFD];
	_ =	sdelay $0x3  }
0x96: {  	_ =	strace s2  }
0x97: {  	_ =	strace $0x8FFFFFFF  }
0x98: {  	s19 =	sld [smem:$0x3FDB];
	_ =	sdelay $0x1  }
0x99: {  	s20 =	simm.s32 $_scs_section_size  }
0x9a: {  	s4 =	simm.s32 $_size__tile_overlayer_lowered;
	s5 =	simm.s32 $_tile_overlayer_lowered  }
0x9b: {  	s6 =	simm.s32 $0x1BFF;
	s21 =	sshll.u32 s5, $0x1;
	s3 =	sadd.s32 s20, s19  }
0x9c: {  	s22 =	simm.s32 $0x0;
	s4 =	sshll.u32 s4, $0x1;
	s5 =	sadd.s32 s21, s3  }
0x9d: {  	[timem:s22], [sflag:s6] =	dma.local [hbm:s5], s4  }
0x9e: {  	_ =	swait.ge [sflag:s6], s4  }
0x9f: {  	s4 =	ssub.s32 $0x0, s4;
	[sflag:s6] =	ssyncset.done $0x0  }
0xa0: {  	[sflag:s6] =	ssyncadd.s32 s4;
	_ =	sdelay $0x1  }
0xa1: {  	s23 =	simm.s32 $0x1B8B  }
0xa2: {  	_ =	swait.ge [sflag:s23], $0x1  }
0xa3: {  	[sflag:s23] =	ssyncset.done $0x0  }
0xa4: {  	[sflag:s23] =	ssyncadd.s32 $0xFFFFFFFF  }
0xa5: {  	s4 =	sld [smem:$0x0]  }
0xa6: {  	s5 =	sand.u32 $0xFFFFFFFE, s1  }
0xa7: {  	p0 =	sne.s32 s1, s5  }
0xa8: {  	s5 =	sshll.u32 @p0 s5, $0xE  }
0xa9: {  	s5 =	sadd.s32 @p0 $0x11B8D, s5;
	s6 =	sshll.u32 @p0 s4, $0x11  }
0xaa: {  	s5 =	sor.u32 @p0 s6, s5  }
0xab: {  	[sflag:s5] =	ssyncadd.remote.s32 @p0 $0x1;
	_ =	sdelay $0x1  }
0xac: {  	s5 =	simm.s32 @p0 $0x1B8D  }
0xad: {  	_ =	swait.eq @p0 [sflag:s5], $0x1  }
0xae: {  	[sflag:s5] =	ssyncadd.s32 @p0 $0xFFFFFFFF  }
0xaf: {  	s6 =	sshll.u32 @!p0 s1, $0xE  }
0xb0: {  	s6 =	sor.u32 @!p0 $0x4000, s6;
	s5 =	simm.s32 @!p0 $0x1B8D  }
0xb1: {  	s4 =	sshll.u32 @!p0 s4, $0x11;
	s6 =	sadd.s32 @!p0 $0x11B8D, s6;
	_ =	swait.eq @!p0 [sflag:s5], $0x1  }
0xb2: {  	s4 =	sor.u32 @!p0 s4, s6;
	[sflag:s5] =	ssyncadd.s32 @!p0 $0xFFFFFFFF  }
0xb3: {  	s25 =	simm.s32 $0x1B8E;
	s24 =	sld [smem:$0x3FFE];
	[sflag:s4] =	ssyncadd.remote.s32 @!p0 $0x1  }
0xb4: {  	s26 =	simm.s32 $execute0_lowered;
	[smem:$0x3FD2] =	sst s25  }
0xb5: {  	s5 =	sshll.u32 s26, $0x1;
	_ =	strace $0x8000005E;
	[dreg:$0x1] =	wrdreg $0xFFFFFFFF  }
0xb6: {  	s28 =	simm.s32 $_size_execute0_lowered;
	s3 =	sadd.s32 s3, s5;
	[dreg:$0x0] =	wrdreg $0x0  }
0xb7: {  	s5 =	sshll.u32 s28, $0x1;
	[dreg:$0x2] =	wrdreg s3  }
0xb8: {  	[dreg:$0x3] =	wrdreg s5  }
0xb9: {  	[dreg:$0x4] =	wrdreg $0xC0  }
0xba: {  	_ =	task [dreg:s22], $0x5FFFF  }
0xbb: {  	[dreg:$0x1] =	wrdreg $0xFFFFFFFF  }
0xbc: {  	[dreg:$0x0] =	wrdreg $0x60  }
0xbd: {  	[dreg:$0x2] =	wrdreg s24  }
0xbe: {  	[dreg:$0x3] =	wrdreg $0xA  }
0xbf: {  	_ =	task.clear_ibuf [dreg:s22], $0x4FFFF;
	_ =	strace $0x9000005E  }
0xc0: {  	s29 =	simm.s32 $0xA;
	_ =	strace $0x80000060  }
0xc1: {  	_ =	swait.ge [sflag:s29], $0x1  }
0xc2: {  	[sflag:s29] =	ssyncadd.s32 $0xFFFFFFFF  }
0xc3: {  	_ =	strace $0x90000060  }
0xc4: {  	_ =	sfence  }
0xc5: {  	s30 =	sld [smem:$0x0];
	_ =	sdelay $0x2  }
0xc6: {  	s31 =	sshll.u32 s1, $0xD;
	s1 =	sshrl.u32 s1, $0x2  }
0xc7: {  	s4 =	sand.u32 $0x4000, s31;
	s1 =	sadd.s32 s1, s30  }
0xc8: {  	s0 =	sor.u32 s4, s0;
	s1 =	sshll.u32 s1, $0x11  }
0xc9: {  	s0 =	sor.u32 s1, s0  }
0xca: {  	s0 =	sadd.s32 $0x8F2B, s0  }
0xcb: {  	[sflag:s0] =	ssyncadd.remote.s32 $0x1  }
0xcc: {  	_ =	sfence.sel $0xFFFF  }
0xcd: {  	[dreg:$0x0] =	wrdreg $0xFFFFFFFF;
	(pc) =	sbr.abs _section_cstart, $3  }
0xce: {  	[dreg:$0x1] =	wrdreg $0xFFFFFFFF  }
0xcf: {  	_ =	task.clear_ibuf [dreg:s22], $0x2FFFF;
	_ =	strace $0x9FFFFFFF  }
0xd0: {  	(tm) =	ssettm $0x7FFFFFFF  }
0xd1: {  	_ =	shalt  }
tec
execute0_lowered:
.L_overlay_start_1:
0x0: {  	(tag) =	ssettag $0x1  }
0x1: {  	s0 =	srdreg.scid  }
0x2: {  	s4 =	rddreg [dreg:$0x0];
	s1 =	stileid.u32;
	s2 =	simm.s32 $0x0  }
0x3: {  	s8 =	simm.s32 $0x100;
	s9 =	simm.s32 $0x0;
	s5 =	sand.u32 $0x1, s0  }
0x4: {  	s0 =	rddreg [dreg:$0x1];
	s3 =	sshll.u32 s1, $0x3;
	s6 =	sshll.u32 s5, $0x2  }
0x5: {  	[smem:$0x7FF] =	sst s2;
	s5 =	ssub.s32 $0x2, s5;
	s3 =	sor.u32 s6, s3  }
0x6: {  	_ =	strace $0x8000005F;
	s7 =	sshrl.u32 s5, $0x1;
	s6 =	sshll.u32 s3, $0x3  }
0x7: {  	v0 =	vimm.s32 $0xFFFFFFFF;
	s7 =	ssub.s32 s5, s7;
	s6 =	sadd.s32 s6, s4;
	s4 =	sadd.s32 $0xA8000, s4  }
0x8: {  	vm0 =	vmxor vm0, vm0;
	v1 =	vlaneseq.u32;
	v2 =	vimm.s32 $0x0;
	s5 =	sadd.s32 $0xA7C00, s6;
	s6 =	smax.u32 s7, $0x1;
	s7 =	simm.s32 $0x1  }
.LBB2_1:
0x9: {  	[tilespmem:s2], [sflag:$0x1] =	stream.linear.gather [hbm4b:s5+s2], $0x100, $0x38;
	[tilespmem:$0x140] =	vst v63  }
0xa: {  	_ =	swait.ge [sflag:s7], $0x100  }
0xb: {  	[sflag:s7] =	ssyncset.done $0x0  }
0xc: {  	s10 =	simm.s32 $0x0;
	s11 =	simm.s32 $0x0;
	[sflag:s7] =	ssyncadd.s32 $0xFFFFFF00  }
.LBB2_2:
0xd: {  	[tilespmem:$0x100] =	vst v0  }
0xe: {  	[tilespmem:$0x110] =	vst v0  }
0xf: {  	[tilespmem:$0x120] =	vst v0  }
0x10: {  	[tilespmem:$0x130] =	vst v0  }
0x11: {  	v3 =	vld [tilespmem:s10+$0x0];
	_ =	sdelay $0x4  }
0x12: {  	p0 =	por $0x1, $0x1;
	vm3 =	vmmov vm0;
	vm1 =	vlt.f32 v3, $0.0e+00;
	vm2 =	vgt.f32 v3, $0.0e+00  }
0x13: {  	vm3 =	vmneg @p0 vm3;
	vm1 =	vmor vm2, vm1  }
0x14: {  	vm1 =	vmand vm3, vm1  }
0x15: {  	v3 =	vsel vm1, $0x1, v2  }
0x16: {  	(xrf0) =	vadd.scan.msk.s32 $0xffff, v3;
	_ =	sdelay $0x2  }
0x17: {  	s13 =	simm.s32 $0x0  }
0x18: {  	v3 =	vmov s13  }
0x19: {  	v3 =	vadd.s32 $0xFFFFFFFF, v3  }
0x1a: {  	v3 =	vbroadcast v3, $0x0;
	v4, _, _ =	vpop (xrf0)  }
0x1b: {  	v5 =	vxor.u32 $0x80000000, v4  }
0x1c: {  	v3 =	vadd.s32 v4, v3;
	(xrf0) =	vmax.scan.msk.u32 $0xffff, v5  }
0x1d: {  	v3 =	vnsel vm1, $0x3F, v3;
	_ =	sdelay $0x3  }
0x1e: {  	v4 =	vor.u32 s13, v1  }
0x1f: {  	[tilespmem:v3+s8+$0x0] =	vst.idx.msk $0xffff, v4;
	v3, _, _ =	vpop (xrf0)  }
0x20: {  	(v2sf) =	vpush v3, $0xF;
	_ =	sdelay $0xa  }
0x21: {  	s14 =	sadd.s32 $0x10, s10  }
0x22: {  	s12 =	simm.s32 $0x10;
	s15 =	simm.s32 $0x20;
	v3 =	vld [tilespmem:s14+$0x0]  }
.LBB2_3:
0x23: {  	_ = 	snop  }
0x24: {  	p0 =	sne.s32 s15, $0x30  }
0x25: {  	s16 =	spop (v2sf)  }
0x26: {  	s13 =	sadd.s32 s16, s13  }
0x27: {  	s13 =	sadd.s32 $0x80000000, s13;
	vm1 =	vlt.f32 v3, $0.0e+00;
	vm2 =	vgt.f32 v3, $0.0e+00  }
0x28: {  	p1 =	slt.s32 s13, $0x20;
	v3 =	vmov s13;
	vm1 =	vmor vm2, vm1;
	vm2 =	vmmov vm0  }
0x29: {  	v3 =	vadd.s32 $0xFFFFFFFF, v3;
	vm2 =	vmneg @p1 vm2  }
0x2a: {  	v3 =	vbroadcast v3, $0x0;
	vm1 =	vmand vm2, vm1  }
0x2b: {  	v4 =	vsel vm1, $0x1, v2  }
0x2c: {  	(xrf0) =	vadd.scan.msk.s32 $0xffff, v4;
	_ =	sdelay $0x5  }
0x2d: {  	v4, _, _ =	vpop (xrf0)  }
0x2e: {  	v3 =	vadd.s32 v4, v3;
	v4 =	vxor.u32 $0x80000000, v4  }
0x2f: {  	v3 =	vnsel vm1, $0x3F, v3;
	(xrf0) =	vmax.scan.msk.u32 $0xffff, v4;
	_ =	sdelay $0x3  }
0x30: {  	v4 =	vor.u32 s12, v1;
	s12 =	smov.u32 s15  }
0x31: {  	[tilespmem:v3+s8+$0x0] =	vst.idx.msk $0xffff, v4  }
0x32: {  	v3, _, _ =	vpop (xrf0)  }
0x33: {  	(v2sf) =	vpush v3, $0xF;
	_ =	sdelay $0x8  }
.Ltmp0:
0x34: {  	(pc) =	sbr.rel @p0 .LBB2_3-.Ltmp0, $3  }
0x35: {  	_ =	sdelay $0x1  }
0x36: {  	s14 =	sadd.s32 $0x10, s14  }
0x37: {  	s15 =	sadd.s32 $0x10, s15;
	v3 =	vld [tilespmem:s14+$0x0]  }
0x38: {  	_ = 	snop  }
0x39: {  	s14 =	spop (v2sf)  }
0x3a: {  	s13 =	sadd.s32 s14, s13  }
0x3b: {  	s13 =	sadd.s32 $0x80000000, s13  }
0x3c: {  	vm3 =	vmmov vm0;
	vm1 =	vlt.f32 v3, $0.0e+00;
	vm2 =	vgt.f32 v3, $0.0e+00;
	p0 =	slt.s32 s13, $0x20  }
0x3d: {  	vm1 =	vmor vm2, vm1;
	vm3 =	vmneg @p0 vm3  }
0x3e: {  	vm1 =	vmand vm3, vm1  }
0x3f: {  	v3 =	vsel vm1, $0x1, v2  }
0x40: {  	(xrf0) =	vadd.scan.msk.s32 $0xffff, v3;
	_ =	sdelay $0x5  }
0x41: {  	v3, _, _ =	vpop (xrf0)  }
0x42: {  	v4 =	vxor.u32 $0x80000000, v3  }
0x43: {  	(xrf0) =	vmax.scan.msk.u32 $0xffff, v4;
	_ =	sdelay $0x5  }
0x44: {  	v4, _, _ =	vpop (xrf0)  }
0x45: {  	(v2sf) =	vpush v4, $0xF;
	_ =	sdelay $0x1  }
0x46: {  	v62 =	vmov s13  }
0x47: {  	v4 =	vadd.s32 $0xFFFFFFFF, v62  }
0x48: {  	v4 =	vbroadcast v4, $0x0;
	_ =	sdelay $0x1  }
0x49: {  	v3 =	vadd.s32 v3, v4  }
0x4a: {  	v3 =	vnsel vm1, $0x3F, v3;
	_ =	sdelay $0x2  }
0x4b: {  	s29 =	sadd.s32 s3, s11  }
0x4c: {  	v63 =	vor.u32 s12, v1;
	s11 =	sadd.s32 $0x1, s11;
	s30 =	sshll.u32 s29, $0x3  }
0x4d: {  	s12 =	sadd.s32 s4, s30;
	p0 =	sne.s32 s11, $0x4;
	[tilespmem:v3+s8+$0x0] =	vst.idx.msk $0xffff, v63  }
0x4e: {  	[hbm4b:s12+s2] =	stream.linear.scatter [tilespmem:s8], [sflag:$0x1], $0x40, $0x38;
	[tilespmem:$0x140] =	vst v63  }
.Ltmp1:
0x4f: {  	_ = 	snop;
	(pc) =	sbr.rel @p0 .LBB2_2-.Ltmp1, $4  }
0x50: {  	s31 =	spop (v2sf)  }
0x51: {  	_ =	swait.ge [sflag:s7], $0x40  }
0x52: {  	[sflag:s7] =	ssyncset.done $0x0  }
0x53: {  	s10 =	sadd.s32 $0x40, s10;
	[sflag:s7] =	ssyncadd.s32 $0xFFFFFFC0  }
0x54: {  	s9 =	sadd.s32 $0x1, s9  }
0x55: {  	p0 =	sne.s32 s9, s6  }
.Ltmp2:
0x56: {  	_ = 	snop;
	(pc) =	sbr.rel @p0 .LBB2_1-.Ltmp2, $1  }
0x57: {  	_ =	sdelay $0x3  }
0x58: {  	_ =	sfence.sel $0x180000  }
0x59: {  	[bflag:$0x0] =	sbarrier.arrive $0xFFFF  }
0x5a: {  	p0 =	sne.s32 s1, $0x0;
	_ =	strace $0x9000005F  }
0x5b: {  	s0 =	sadd.s32 @!p0 $0x100000, s0;
	[bflag:$0x2] =	sbarrier.arrive $0xFFFF  }
0x5c: {  	[sflag:s0] =	ssyncadd.tile.s32 @!p0 $0x1;
	_ =	shalt  }
.Lfunc_end2:
_tile_overlayer_lowered:
.L_overlay_start_2:
0x5d: {  	(tag) =	ssettag $0x2  }
0x5e: {  	s0 =	rddreg [dreg:$0x0];
	s2 =	stileid.u32  }
0x5f: {  	s1 =	rddreg [dreg:$0x1];
	p0 =	sne.s32 s2, $0x0  }
0x60: {  	s3 =	rddreg [dreg:$0x2];
	[bflag:$0x3] =	sbarrier.arrive $0xFFFF;
	s2 =	simm.s32 @!p0 $0x1C01  }
0x61: {  	[timem:s3], [sflag:s2] =	dma.local @!p0 [hbm:s0], s1  }
0x62: {  	s0 =	simm.s32 @!p0 $0x1  }
0x63: {  	_ =	swait.ge @!p0 [sflag:s0], s1  }
0x64: {  	s1 =	ssub.s32 @!p0 $0x0, s1;
	[sflag:s0] =	ssyncset.done @!p0 $0x0  }
0x65: {  	[sflag:s0] =	ssyncadd.s32 @!p0 s1  }
0x66: {  	[bflag:$0x3] =	sbarrier.arrive $0xFFFF  }
0x67: {  	_ =	shalt  }

// kernel: kernel.48.cloned.1.call-start
scs
__scs_entry_jumppad:
0x0: {  	(pc) =	sbr.rel $0x88, $3  }
0x1: {  	(tag) =	ssettag $0x0;
	lr =	simm.s32 $0x1  }
0x2: {  	[smem:$0x3F52] =	sst lr;
	_ =	strace $0xD0000000  }
0x3: {  	_ = 	snop  }
0x4: {  	_ = 	snop  }
0x5: {  	_ = 	snop  }
0x6: {  	_ = 	snop  }
0x7: {  	_ = 	snop  }
__scs_overlays_trampoline_lowered:
0x8: {  	[smem:$0x3F61] =	sst s0  }
0x9: {  	[smem:$0x3F62] =	sst s1  }
0xa: {  	[smem:$0x3F63] =	sst s2  }
0xb: {  	[smem:$0x3F64] =	sst s3  }
0xc: {  	[smem:$0x3F65] =	sst s4  }
0xd: {  	[smem:$0x3F66] =	sst s5  }
0xe: {  	[smem:$0x3F67] =	sst s6  }
0xf: {  	[smem:$0x3F68] =	sst s7  }
0x10: {  	[smem:$0x3F69] =	sst s8  }
0x11: {  	[smem:$0x3F6A] =	sst s9;
	s0 =	simm.s32 @!p0 $0x0  }
0x12: {  	s1 =	sld [smem:$0x3F50];
	s0 =	simm.s32 @p0 $0x1  }
0x13: {  	[smem:$0x3F6B] =	sst s0;
	s0 =	simm.s32 @!p1 $0x0  }
0x14: {  	s2 =	sld [smem:$0x3F4F];
	s0 =	simm.s32 @p1 $0x1  }
0x15: {  	[smem:$0x3F6C] =	sst s0;
	s0 =	simm.s32 @!p2 $0x0  }
0x16: {  	s3 =	sld [smem:$0x3FDB];
	s0 =	simm.s32 @p2 $0x1  }
0x17: {  	s4 =	simm.s32 $0x1BF5;
	[smem:$0x3F6E] =	sst s0  }
0x18: {  	s0 =	sld [smem:$0x3F51];
	_ =	swait.ge [sflag:s4], $0x0  }
0x19: {  	s7 =	sld [smem:$0x3F52]  }
0x1a: {  	s8 =	sadd.s32 $0xFFFFE003, lr  }
0x1b: {  	s9 =	sadd.s32 $0xFFFFFEF7, lr;
	s5 =	simm.s32 $0xFFFFFFFF;
	p2 =	slt.u32 s8, $0xFFFFF086  }
0x1c: {  	p1 =	slt.u32 s9, $0xF7A;
	s5 =	simm.s32 @!p2 $0x0  }
0x1d: {  	s5 =	simm.s32 @p1 $0x1;
	p0 =	seq.s32 s7, s2  }
0x1e: {  	s7 =	smul.u32 @!p0 $0xF7A, s2;
	p2 =	seq.s32 @!p0 s5, $0x0  }
0x1f: {  	s9 =	smul.u32 $0xF7A, s1;
	s8 =	simm.s32 @!p0 $0x1BF5;
	p2 =	por !p2, p0  }
0x20: {  	[sflag:s8] =	ssyncset.s32 @!p0 $0xFFFFF086;
	s6 =	sadd.s32 @!p0 s3, s7;
	s7 =	simm.s32 @!p0 $0x108  }
0x21: {  	s3 =	sadd.s32 s3, s9;
	s6 =	sadd.s32 @!p0 $0x88, s6;
	s7 =	simm.s32 @p2 $0x1082  }
0x22: {  	[simem:s7], [sflag:s8] =	dma.local @!p0 [hbm:s6], $0xF7A  }
0x23: {  	s9 =	sor.u32 $0xD0000000, s2;
	s6 =	simm.s32 $0x108;
	_ =	swait.ge @!p0 [sflag:s8], $0x0  }
0x24: {  	s3 =	sadd.s32 $0x88, s3;
	s6 =	simm.s32 @!p1 $0x1082;
	[sflag:s4] =	ssyncset.s32 $0xFFFFF086  }
0x25: {  	[simem:s6], [sflag:s4] =	dma.local [hbm:s3], $0xF7A  }
0x26: {  	[smem:$0x3F52] =	sst s1;
	(tag) =	ssettag s2;
	_ =	strace s9  }
0x27: {  	s1 =	sld [smem:$0x3F62]  }
0x28: {  	s2 =	sld [smem:$0x3F63]  }
0x29: {  	s4 =	sld [smem:$0x3F65]  }
0x2a: {  	p0 =	seq.s32 s5, $0x0;
	s5 =	sld [smem:$0x3F66]  }
0x2b: {  	s6 =	sld [smem:$0x3F67]  }
0x2c: {  	s7 =	sld [smem:$0x3F68]  }
0x2d: {  	s3 =	simm.s32 $0x108;
	s8 =	sld [smem:$0x3F69]  }
0x2e: {  	s3 =	simm.s32 @!p0 $0x1082;
	s9 =	sld [smem:$0x3F6A]  }
0x2f: {  	lr =	sadd.s32 s0, s3;
	s0 =	sld [smem:$0x3F61]  }
0x30: {  	s3 =	sld [smem:$0x3F64]  }
0x31: {  	[smem:$0x3F6D] =	sst s10  }
0x32: {  	s10 =	sld [smem:$0x3F6B];
	_ =	sdelay $0x3  }
0x33: {  	p0 =	seq.s32 s10, $0x1;
	s10 =	sld [smem:$0x3F6D];
	_ =	sdelay $0x3  }
0x34: {  	[smem:$0x3F6D] =	sst s10  }
0x35: {  	s10 =	sld [smem:$0x3F6C];
	_ =	sdelay $0x3  }
0x36: {  	p1 =	seq.s32 s10, $0x1;
	s10 =	sld [smem:$0x3F6D];
	_ =	sdelay $0x3  }
0x37: {  	[smem:$0x3F6D] =	sst s10  }
0x38: {  	s10 =	sld [smem:$0x3F6E]  }
0x39: {  	_ = 	snop;
	(pc) =	sbr.ind lr, $3  }
0x3a: {  	_ = 	snop  }
0x3b: {  	_ = 	snop  }
0x3c: {  	p2 =	seq.s32 s10, $0x1;
	s10 =	sld [smem:$0x3F6D]  }
0x3d: {  	_ =	shalt  }
0x3e: {  	_ =	shalt  }
0x3f: {  	_ =	shalt  }
0x40: {  	_ =	shalt  }
0x41: {  	_ =	shalt  }
0x42: {  	_ =	shalt  }
0x43: {  	_ =	shalt  }
0x44: {  	_ =	shalt  }
0x45: {  	_ =	shalt  }
0x46: {  	_ =	shalt  }
0x47: {  	_ =	shalt  }
0x48: {  	_ =	shalt  }
0x49: {  	_ =	shalt  }
0x4a: {  	_ =	shalt  }
0x4b: {  	_ =	shalt  }
0x4c: {  	_ =	shalt  }
0x4d: {  	_ =	shalt  }
0x4e: {  	_ =	shalt  }
0x4f: {  	_ =	shalt  }
0x50: {  	_ =	shalt  }
0x51: {  	_ =	shalt  }
0x52: {  	_ =	shalt  }
0x53: {  	_ =	shalt  }
0x54: {  	_ =	shalt  }
0x55: {  	_ =	shalt  }
0x56: {  	_ =	shalt  }
0x57: {  	_ =	shalt  }
0x58: {  	_ =	shalt  }
0x59: {  	_ =	shalt  }
0x5a: {  	_ =	shalt  }
0x5b: {  	_ =	shalt  }
0x5c: {  	_ =	shalt  }
0x5d: {  	_ =	shalt  }
0x5e: {  	_ =	shalt  }
0x5f: {  	_ =	shalt  }
0x60: {  	_ =	shalt  }
0x61: {  	_ =	shalt  }
0x62: {  	_ =	shalt  }
0x63: {  	_ =	shalt  }
0x64: {  	_ =	shalt  }
0x65: {  	_ =	shalt  }
0x66: {  	_ =	shalt  }
0x67: {  	_ =	shalt  }
0x68: {  	_ =	shalt  }
0x69: {  	_ =	shalt  }
0x6a: {  	_ =	shalt  }
0x6b: {  	_ =	shalt  }
0x6c: {  	_ =	shalt  }
0x6d: {  	_ =	shalt  }
0x6e: {  	_ =	shalt  }
0x6f: {  	_ =	shalt  }
0x70: {  	_ =	shalt  }
0x71: {  	_ =	shalt  }
0x72: {  	_ =	shalt  }
0x73: {  	_ =	shalt  }
0x74: {  	_ =	shalt  }
0x75: {  	_ =	shalt  }
0x76: {  	_ =	shalt  }
0x77: {  	_ =	shalt  }
0x78: {  	_ =	shalt  }
0x79: {  	_ =	shalt  }
0x7a: {  	_ =	shalt  }
0x7b: {  	_ =	shalt  }
0x7c: {  	_ =	shalt  }
0x7d: {  	_ =	shalt  }
0x7e: {  	_ =	shalt  }
0x7f: {  	_ =	shalt  }
0x80: {  	_ =	shalt  }
0x81: {  	_ =	shalt  }
0x82: {  	_ =	shalt  }
0x83: {  	_ =	shalt  }
0x84: {  	_ =	shalt  }
0x85: {  	_ =	shalt  }
0x86: {  	_ =	shalt  }
0x87: {  	_ =	shalt  }
.Lfunc_end0:
.L_simem_size_0:
called_computation.10_lowered:
.L_overlay_start_0:
0x88: {  	s2 =	sld [smem:$0x3FD9]  }
0x89: {  	s3 =	sld [smem:$0x3FFE];
	_ =	sdelay $0x1  }
0x8a: {  	s1 =	srdreg.scid  }
0x8b: {  	s0 =	sand.u32 $0x1, s1  }
0x8c: {  	s17 =	sshll.u32 s0, $0xA;
	s2 =	sadd.s32 s3, s2  }
0x8d: {  	s2 =	sadd.s32 s2, s17  }
0x8e: {  	[smem:$0x3F79] =	sst s2  }
0x8f: {  	_ = 	snop  }
0x90: {  	s2 =	sld [smem:$0x3FD0];
	(tm) =	ssettm $0x1  }
0x91: {  	s18 =	sld [smem:$0x3FFB];
	_ =	sdelay $0x3  }
0x92: {  	_ =	strace s18  }
0x93: {  	s3 =	sld [smem:$0x3FFC];
	_ =	sdelay $0x3  }
0x94: {  	_ =	strace s3  }
0x95: {  	s3 =	sld [smem:$0x3FFD];
	_ =	sdelay $0x3  }
0x96: {  	_ =	strace s3  }
0x97: {  	_ =	strace $0x8FFFFFFF  }
0x98: {  	s19 =	sld [smem:$0x3FDB];
	_ =	sdelay $0x1  }
0x99: {  	s4 =	simm.s32 $_scs_section_size  }
0x9a: {  	s5 =	simm.s32 $_size__tile_overlayer_lowered;
	s6 =	simm.s32 $_tile_overlayer_lowered  }
0x9b: {  	s22 =	simm.s32 $0x1BFF;
	s21 =	sshll.u32 s6, $0x1;
	s3 =	sadd.s32 s4, s19  }
0x9c: {  	s7 =	simm.s32 $0x0;
	s20 =	sshll.u32 s5, $0x1;
	s5 =	sadd.s32 s21, s3  }
0x9d: {  	[timem:s7], [sflag:s22] =	dma.local [hbm:s5], s20  }
0x9e: {  	_ =	swait.ge [sflag:s22], s20  }
0x9f: {  	s4 =	ssub.s32 $0x0, s20;
	[sflag:s22] =	ssyncset.done $0x0  }
0xa0: {  	[sflag:s22] =	ssyncadd.s32 s4;
	_ =	sdelay $0x1  }
0xa1: {  	s23 =	simm.s32 $0x1B8B  }
0xa2: {  	_ =	swait.ge [sflag:s23], $0x1  }
0xa3: {  	[sflag:s23] =	ssyncset.done $0x0  }
0xa4: {  	s25 =	simm.s32 $0x1B8E;
	s24 =	sld [smem:$0x3FFE];
	[sflag:s23] =	ssyncadd.s32 $0xFFFFFFFF  }
0xa5: {  	s26 =	simm.s32 $execute0_lowered;
	[smem:$0x3FD2] =	sst s25  }
0xa6: {  	s5 =	sshll.u32 s26, $0x1;
	_ =	strace $0x80000064;
	[dreg:$0x1] =	wrdreg $0xFFFFFFFF  }
0xa7: {  	s28 =	simm.s32 $_size_execute0_lowered;
	s3 =	sadd.s32 s3, s5;
	[dreg:$0x0] =	wrdreg $0x0  }
0xa8: {  	s5 =	sshll.u32 s28, $0x1;
	[dreg:$0x2] =	wrdreg s3  }
0xa9: {  	[dreg:$0x3] =	wrdreg s5  }
0xaa: {  	[dreg:$0x4] =	wrdreg $0xC0  }
0xab: {  	_ =	task [dreg:s7], $0x5FFFF  }
0xac: {  	[dreg:$0x1] =	wrdreg $0xFFFFFFFF  }
0xad: {  	[dreg:$0x0] =	wrdreg $0x60  }
0xae: {  	[dreg:$0x2] =	wrdreg s2  }
0xaf: {  	[dreg:$0x3] =	wrdreg s24  }
0xb0: {  	[dreg:$0x4] =	wrdreg $0x9  }
0xb1: {  	_ =	task.clear_ibuf [dreg:s7], $0x5FFFF;
	_ =	strace $0x90000064  }
0xb2: {  	s29 =	simm.s32 $0x9;
	_ =	strace $0x80000066  }
0xb3: {  	_ =	swait.ge [sflag:s29], $0x1  }
0xb4: {  	[sflag:s29] =	ssyncadd.s32 $0xFFFFFFFF  }
0xb5: {  	_ =	strace $0x90000066  }
0xb6: {  	_ =	sfence  }
0xb7: {  	s30 =	sld [smem:$0x0];
	_ =	sdelay $0x2  }
0xb8: {  	s31 =	sshll.u32 s1, $0xD;
	s1 =	sshrl.u32 s1, $0x2  }
0xb9: {  	s3 =	sand.u32 $0x4000, s31;
	s1 =	sadd.s32 s1, s30  }
0xba: {  	s0 =	sor.u32 s3, s0;
	s1 =	sshll.u32 s1, $0x11  }
0xbb: {  	s0 =	sor.u32 s1, s0  }
0xbc: {  	s0 =	sadd.s32 $0x8F2B, s0  }
0xbd: {  	[sflag:s0] =	ssyncadd.remote.s32 $0x1  }
0xbe: {  	_ =	sfence.sel $0xFFFF  }
0xbf: {  	[dreg:$0x0] =	wrdreg $0xFFFFFFFF;
	(pc) =	sbr.abs _section_cstart, $3  }
0xc0: {  	[dreg:$0x1] =	wrdreg $0xFFFFFFFF  }
0xc1: {  	_ =	task.clear_ibuf [dreg:s7], $0x2FFFF;
	_ =	strace $0x9FFFFFFF  }
0xc2: {  	(tm) =	ssettm $0x7FFFFFFF  }
0xc3: {  	_ =	shalt  }
tec
execute0_lowered:
.L_overlay_start_1:
0x0: {  	(tag) =	ssettag $0x1  }
0x1: {  	s1 =	srdreg.scid  }
0x2: {  	s0 =	stileid.u32;
	s2 =	rddreg [dreg:$0x0];
	s6 =	sand.u32 $0x1, s1  }
0x3: {  	s8 =	rddreg [dreg:$0x1];
	s30 =	sshll.u32 s0, $0x8;
	s3 =	sshll.u32 s6, $0x7  }
0x4: {  	s1 =	rddreg [dreg:$0x2];
	s7 =	sor.u32 s3, s30  }
0x5: {  	s10 =	ssub.s32 $0x2, s6;
	s3 =	simm.s32 $0x0;
	s4 =	sshrl.u32 s7, $0x3  }
0x6: {  	s6 =	simm.s32 $0x80;
	[smem:$0x7FF] =	sst s3;
	s4 =	sadd.s32 s4, s8  }
0x7: {  	_ =	strace $0x80000065;
	s5 =	sadd.s32 $0xA7C00, s4;
	s4 =	simm.s32 $0x2  }
0x8: {  	[tilespmem:s3], [sflag:$0x2] =	stream.linear.gather [hbm4b:s5+s3], $0x80, $0x38;
	[tilespmem:$0x8880] =	vst v63  }
0x9: {  	s11 =	sshrl.u32 s10, $0x1;
	s9 =	smul.u32 $0x22, s7;
	_ =	swait.ge [sflag:s4], $0x80  }
0xa: {  	s7 =	simm.s32 $0x1;
	s31 =	ssub.s32 s10, s11;
	[sflag:s4] =	ssyncset.done $0x0  }
0xb: {  	s8 =	sadd.s32 s9, s8;
	s9 =	smax.u32 s31, $0x1;
	[sflag:s4] =	ssyncadd.s32 $0xFFFFFF80  }
0xc: {  	[tilespmem:s6], [sflag:$0x1] =	stream.indirect.gather [hbm4b:s2+s6], $0x110, s3, s6, $0xb8;
	[tilespmem:$0x8880] =	vst v63  }
0xd: {  	p0 =	sne.s32 s9, $0x1;
	_ =	swait.ge [sflag:s7], $0x8800  }
.Ltmp0:
0xe: {  	[sflag:s7] =	ssyncset.done $0x0;
	(pc) =	sbr.rel @!p0 .LBB2_2-.Ltmp0, $4  }
0xf: {  	s8 =	sadd.s32 $0xC2400, s8;
	[sflag:s7] =	ssyncadd.s32 $0xFFFF7800  }
0x10: {  	[hbm4b:s8+s3] =	stream.linear.scatter [tilespmem:s6], [sflag:$0x2], $0x8800, $0x38;
	[tilespmem:$0x8880] =	vst v63  }
0x11: {  	_ =	swait.ge [sflag:s4], $0x8800  }
0x12: {  	s9 =	sadd.s32 $0xFFFFFFFF, s9;
	[sflag:s4] =	ssyncset.done $0x0  }
.LBB2_1:
0x13: {  	p0 =	sne.s32 s9, $0x1;
	s9 =	sadd.s32 $0xFFFFFFFF, s9;
	[sflag:s4] =	ssyncadd.s32 $0xFFFF7800  }
0x14: {  	[tilespmem:s3], [sflag:$0x2] =	stream.linear.gather [hbm4b:s5+s3], $0x80, $0x38;
	[tilespmem:$0x8880] =	vst v63  }
0x15: {  	_ =	swait.ge [sflag:s4], $0x80  }
0x16: {  	[sflag:s4] =	ssyncset.done $0x0  }
0x17: {  	[sflag:s4] =	ssyncadd.s32 $0xFFFFFF80  }
0x18: {  	[tilespmem:s6], [sflag:$0x1] =	stream.indirect.gather [hbm4b:s2+s6], $0x110, s3, s6, $0xb8;
	[tilespmem:$0x8880] =	vst v63  }
0x19: {  	_ =	swait.ge [sflag:s7], $0x8800  }
.Ltmp1:
0x1a: {  	[sflag:s7] =	ssyncset.done $0x0;
	(pc) =	sbr.rel @p0 .LBB2_1-.Ltmp1, $4  }
0x1b: {  	[sflag:s7] =	ssyncadd.s32 $0xFFFF7800  }
0x1c: {  	[hbm4b:s8+s3] =	stream.linear.scatter [tilespmem:s6], [sflag:$0x2], $0x8800, $0x38;
	[tilespmem:$0x8880] =	vst v63  }
0x1d: {  	_ =	swait.ge [sflag:s4], $0x8800  }
0x1e: {  	[sflag:s4] =	ssyncset.done $0x0  }
.LBB2_2:
0x1f: {  	[sflag:s4] =	ssyncadd.s32 $0xFFFF7800  }
0x20: {  	_ =	sfence.sel $0x180000  }
0x21: {  	[bflag:$0x0] =	sbarrier.arrive $0xFFFF  }
0x22: {  	p0 =	sne.s32 s0, $0x0;
	_ =	strace $0x90000065  }
0x23: {  	s0 =	sadd.s32 @!p0 $0x100000, s1;
	[bflag:$0x2] =	sbarrier.arrive $0xFFFF  }
0x24: {  	[sflag:s0] =	ssyncadd.tile.s32 @!p0 $0x1;
	_ =	shalt  }
.Lfunc_end2:
_tile_overlayer_lowered:
.L_overlay_start_2:
0x25: {  	(tag) =	ssettag $0x2  }
0x26: {  	s0 =	rddreg [dreg:$0x0];
	s2 =	stileid.u32  }
0x27: {  	s1 =	rddreg [dreg:$0x1];
	p0 =	sne.s32 s2, $0x0  }
0x28: {  	s3 =	rddreg [dreg:$0x2];
	[bflag:$0x3] =	sbarrier.arrive $0xFFFF;
	s2 =	simm.s32 @!p0 $0x1C02  }
0x29: {  	[timem:s3], [sflag:s2] =	dma.local @!p0 [hbm:s0], s1  }
0x2a: {  	s0 =	simm.s32 @!p0 $0x2  }
0x2b: {  	_ =	swait.ge @!p0 [sflag:s0], s1  }
0x2c: {  	s1 =	ssub.s32 @!p0 $0x0, s1;
	[sflag:s0] =	ssyncset.done @!p0 $0x0  }
0x2d: {  	[sflag:s0] =	ssyncadd.s32 @!p0 s1  }
0x2e: {  	[bflag:$0x3] =	sbarrier.arrive $0xFFFF  }
0x2f: {  	_ =	shalt  }

// kernel: kernel.51.cloned.1.call-start
scs
__scs_entry_jumppad:
0x0: {  	(pc) =	sbr.rel $0x88, $3  }
0x1: {  	(tag) =	ssettag $0x0;
	lr =	simm.s32 $0x1  }
0x2: {  	[smem:$0x3F52] =	sst lr;
	_ =	strace $0xD0000000  }
0x3: {  	_ = 	snop  }
0x4: {  	_ = 	snop  }
0x5: {  	_ = 	snop  }
0x6: {  	_ = 	snop  }
0x7: {  	_ = 	snop  }
__scs_overlays_trampoline_lowered:
0x8: {  	[smem:$0x3F61] =	sst s0  }
0x9: {  	[smem:$0x3F62] =	sst s1  }
0xa: {  	[smem:$0x3F63] =	sst s2  }
0xb: {  	[smem:$0x3F64] =	sst s3  }
0xc: {  	[smem:$0x3F65] =	sst s4  }
0xd: {  	[smem:$0x3F66] =	sst s5  }
0xe: {  	[smem:$0x3F67] =	sst s6  }
0xf: {  	[smem:$0x3F68] =	sst s7  }
0x10: {  	[smem:$0x3F69] =	sst s8  }
0x11: {  	[smem:$0x3F6A] =	sst s9;
	s0 =	simm.s32 @!p0 $0x0  }
0x12: {  	s1 =	sld [smem:$0x3F50];
	s0 =	simm.s32 @p0 $0x1  }
0x13: {  	[smem:$0x3F6B] =	sst s0;
	s0 =	simm.s32 @!p1 $0x0  }
0x14: {  	s2 =	sld [smem:$0x3F4F];
	s0 =	simm.s32 @p1 $0x1  }
0x15: {  	[smem:$0x3F6C] =	sst s0;
	s0 =	simm.s32 @!p2 $0x0  }
0x16: {  	s3 =	sld [smem:$0x3FDB];
	s0 =	simm.s32 @p2 $0x1  }
0x17: {  	s4 =	simm.s32 $0x1BF5;
	[smem:$0x3F6E] =	sst s0  }
0x18: {  	s0 =	sld [smem:$0x3F51];
	_ =	swait.ge [sflag:s4], $0x0  }
0x19: {  	s7 =	sld [smem:$0x3F52]  }
0x1a: {  	s8 =	sadd.s32 $0xFFFFE003, lr  }
0x1b: {  	s9 =	sadd.s32 $0xFFFFFEF7, lr;
	s5 =	simm.s32 $0xFFFFFFFF;
	p2 =	slt.u32 s8, $0xFFFFF086  }
0x1c: {  	p1 =	slt.u32 s9, $0xF7A;
	s5 =	simm.s32 @!p2 $0x0  }
0x1d: {  	s5 =	simm.s32 @p1 $0x1;
	p0 =	seq.s32 s7, s2  }
0x1e: {  	s7 =	smul.u32 @!p0 $0xF7A, s2;
	p2 =	seq.s32 @!p0 s5, $0x0  }
0x1f: {  	s9 =	smul.u32 $0xF7A, s1;
	s8 =	simm.s32 @!p0 $0x1BF5;
	p2 =	por !p2, p0  }
0x20: {  	[sflag:s8] =	ssyncset.s32 @!p0 $0xFFFFF086;
	s6 =	sadd.s32 @!p0 s3, s7;
	s7 =	simm.s32 @!p0 $0x108  }
0x21: {  	s3 =	sadd.s32 s3, s9;
	s6 =	sadd.s32 @!p0 $0x88, s6;
	s7 =	simm.s32 @p2 $0x1082  }
0x22: {  	[simem:s7], [sflag:s8] =	dma.local @!p0 [hbm:s6], $0xF7A  }
0x23: {  	s9 =	sor.u32 $0xD0000000, s2;
	s6 =	simm.s32 $0x108;
	_ =	swait.ge @!p0 [sflag:s8], $0x0  }
0x24: {  	s3 =	sadd.s32 $0x88, s3;
	s6 =	simm.s32 @!p1 $0x1082;
	[sflag:s4] =	ssyncset.s32 $0xFFFFF086  }
0x25: {  	[simem:s6], [sflag:s4] =	dma.local [hbm:s3], $0xF7A  }
0x26: {  	[smem:$0x3F52] =	sst s1;
	(tag) =	ssettag s2;
	_ =	strace s9  }
0x27: {  	s1 =	sld [smem:$0x3F62]  }
0x28: {  	s2 =	sld [smem:$0x3F63]  }
0x29: {  	s4 =	sld [smem:$0x3F65]  }
0x2a: {  	p0 =	seq.s32 s5, $0x0;
	s5 =	sld [smem:$0x3F66]  }
0x2b: {  	s6 =	sld [smem:$0x3F67]  }
0x2c: {  	s7 =	sld [smem:$0x3F68]  }
0x2d: {  	s3 =	simm.s32 $0x108;
	s8 =	sld [smem:$0x3F69]  }
0x2e: {  	s3 =	simm.s32 @!p0 $0x1082;
	s9 =	sld [smem:$0x3F6A]  }
0x2f: {  	lr =	sadd.s32 s0, s3;
	s0 =	sld [smem:$0x3F61]  }
0x30: {  	s3 =	sld [smem:$0x3F64]  }
0x31: {  	[smem:$0x3F6D] =	sst s10  }
0x32: {  	s10 =	sld [smem:$0x3F6B];
	_ =	sdelay $0x3  }
0x33: {  	p0 =	seq.s32 s10, $0x1;
	s10 =	sld [smem:$0x3F6D];
	_ =	sdelay $0x3  }
0x34: {  	[smem:$0x3F6D] =	sst s10  }
0x35: {  	s10 =	sld [smem:$0x3F6C];
	_ =	sdelay $0x3  }
0x36: {  	p1 =	seq.s32 s10, $0x1;
	s10 =	sld [smem:$0x3F6D];
	_ =	sdelay $0x3  }
0x37: {  	[smem:$0x3F6D] =	sst s10  }
0x38: {  	s10 =	sld [smem:$0x3F6E]  }
0x39: {  	_ = 	snop;
	(pc) =	sbr.ind lr, $3  }
0x3a: {  	_ = 	snop  }
0x3b: {  	_ = 	snop  }
0x3c: {  	p2 =	seq.s32 s10, $0x1;
	s10 =	sld [smem:$0x3F6D]  }
0x3d: {  	_ =	shalt  }
0x3e: {  	_ =	shalt  }
0x3f: {  	_ =	shalt  }
0x40: {  	_ =	shalt  }
0x41: {  	_ =	shalt  }
0x42: {  	_ =	shalt  }
0x43: {  	_ =	shalt  }
0x44: {  	_ =	shalt  }
0x45: {  	_ =	shalt  }
0x46: {  	_ =	shalt  }
0x47: {  	_ =	shalt  }
0x48: {  	_ =	shalt  }
0x49: {  	_ =	shalt  }
0x4a: {  	_ =	shalt  }
0x4b: {  	_ =	shalt  }
0x4c: {  	_ =	shalt  }
0x4d: {  	_ =	shalt  }
0x4e: {  	_ =	shalt  }
0x4f: {  	_ =	shalt  }
0x50: {  	_ =	shalt  }
0x51: {  	_ =	shalt  }
0x52: {  	_ =	shalt  }
0x53: {  	_ =	shalt  }
0x54: {  	_ =	shalt  }
0x55: {  	_ =	shalt  }
0x56: {  	_ =	shalt  }
0x57: {  	_ =	shalt  }
0x58: {  	_ =	shalt  }
0x59: {  	_ =	shalt  }
0x5a: {  	_ =	shalt  }
0x5b: {  	_ =	shalt  }
0x5c: {  	_ =	shalt  }
0x5d: {  	_ =	shalt  }
0x5e: {  	_ =	shalt  }
0x5f: {  	_ =	shalt  }
0x60: {  	_ =	shalt  }
0x61: {  	_ =	shalt  }
0x62: {  	_ =	shalt  }
0x63: {  	_ =	shalt  }
0x64: {  	_ =	shalt  }
0x65: {  	_ =	shalt  }
0x66: {  	_ =	shalt  }
0x67: {  	_ =	shalt  }
0x68: {  	_ =	shalt  }
0x69: {  	_ =	shalt  }
0x6a: {  	_ =	shalt  }
0x6b: {  	_ =	shalt  }
0x6c: {  	_ =	shalt  }
0x6d: {  	_ =	shalt  }
0x6e: {  	_ =	shalt  }
0x6f: {  	_ =	shalt  }
0x70: {  	_ =	shalt  }
0x71: {  	_ =	shalt  }
0x72: {  	_ =	shalt  }
0x73: {  	_ =	shalt  }
0x74: {  	_ =	shalt  }
0x75: {  	_ =	shalt  }
0x76: {  	_ =	shalt  }
0x77: {  	_ =	shalt  }
0x78: {  	_ =	shalt  }
0x79: {  	_ =	shalt  }
0x7a: {  	_ =	shalt  }
0x7b: {  	_ =	shalt  }
0x7c: {  	_ =	shalt  }
0x7d: {  	_ =	shalt  }
0x7e: {  	_ =	shalt  }
0x7f: {  	_ =	shalt  }
0x80: {  	_ =	shalt  }
0x81: {  	_ =	shalt  }
0x82: {  	_ =	shalt  }
0x83: {  	_ =	shalt  }
0x84: {  	_ =	shalt  }
0x85: {  	_ =	shalt  }
0x86: {  	_ =	shalt  }
0x87: {  	_ =	shalt  }
.Lfunc_end0:
.L_simem_size_0:
called_computation.11_lowered:
.L_overlay_start_0:
0x88: {  	s2 =	sld [smem:$0x3FD9]  }
0x89: {  	s3 =	sld [smem:$0x3FFE];
	_ =	sdelay $0x1  }
0x8a: {  	s1 =	srdreg.scid  }
0x8b: {  	s0 =	sand.u32 $0x1, s1  }
0x8c: {  	s17 =	sshll.u32 s0, $0xA;
	s2 =	sadd.s32 s3, s2  }
0x8d: {  	s2 =	sadd.s32 s2, s17  }
0x8e: {  	[smem:$0x3F79] =	sst s2  }
0x8f: {  	_ = 	snop  }
0x90: {  	s2 =	sld [smem:$0x3FD0];
	(tm) =	ssettm $0x1  }
0x91: {  	s18 =	sld [smem:$0x3FFB];
	_ =	sdelay $0x3  }
0x92: {  	_ =	strace s18  }
0x93: {  	s3 =	sld [smem:$0x3FFC];
	_ =	sdelay $0x3  }
0x94: {  	_ =	strace s3  }
0x95: {  	s3 =	sld [smem:$0x3FFD];
	_ =	sdelay $0x3  }
0x96: {  	_ =	strace s3  }
0x97: {  	_ =	strace $0x8FFFFFFF  }
0x98: {  	s19 =	sld [smem:$0x3FDB];
	_ =	sdelay $0x1  }
0x99: {  	s4 =	simm.s32 $_scs_section_size  }
0x9a: {  	s5 =	simm.s32 $_size__tile_overlayer_lowered;
	s6 =	simm.s32 $_tile_overlayer_lowered  }
0x9b: {  	s22 =	simm.s32 $0x1BFF;
	s21 =	sshll.u32 s6, $0x1;
	s3 =	sadd.s32 s4, s19  }
0x9c: {  	s7 =	simm.s32 $0x0;
	s20 =	sshll.u32 s5, $0x1;
	s5 =	sadd.s32 s21, s3  }
0x9d: {  	[timem:s7], [sflag:s22] =	dma.local [hbm:s5], s20  }
0x9e: {  	_ =	swait.ge [sflag:s22], s20  }
0x9f: {  	s4 =	ssub.s32 $0x0, s20;
	[sflag:s22] =	ssyncset.done $0x0  }
0xa0: {  	[sflag:s22] =	ssyncadd.s32 s4;
	_ =	sdelay $0x1  }
0xa1: {  	s23 =	simm.s32 $0x1B8B  }
0xa2: {  	_ =	swait.ge [sflag:s23], $0x1  }
0xa3: {  	[sflag:s23] =	ssyncset.done $0x0  }
0xa4: {  	s25 =	simm.s32 $0x1B8E;
	s24 =	sld [smem:$0x3FFE];
	[sflag:s23] =	ssyncadd.s32 $0xFFFFFFFF  }
0xa5: {  	s26 =	simm.s32 $execute0_lowered;
	[smem:$0x3FD2] =	sst s25  }
0xa6: {  	s5 =	sshll.u32 s26, $0x1;
	_ =	strace $0x80000067;
	[dreg:$0x1] =	wrdreg $0xFFFFFFFF  }
0xa7: {  	s28 =	simm.s32 $_size_execute0_lowered;
	s3 =	sadd.s32 s3, s5;
	[dreg:$0x0] =	wrdreg $0x0  }
0xa8: {  	s5 =	sshll.u32 s28, $0x1;
	[dreg:$0x2] =	wrdreg s3  }
0xa9: {  	[dreg:$0x3] =	wrdreg s5  }
0xaa: {  	[dreg:$0x4] =	wrdreg $0xC0  }
0xab: {  	_ =	task [dreg:s7], $0x5FFFF  }
0xac: {  	[dreg:$0x1] =	wrdreg $0xFFFFFFFF  }
0xad: {  	[dreg:$0x0] =	wrdreg $0x60  }
0xae: {  	[dreg:$0x2] =	wrdreg s2  }
0xaf: {  	[dreg:$0x3] =	wrdreg s24  }
0xb0: {  	[dreg:$0x4] =	wrdreg $0x9  }
0xb1: {  	_ =	task.clear_ibuf [dreg:s7], $0x5FFFF;
	_ =	strace $0x90000067  }
0xb2: {  	s29 =	simm.s32 $0x9;
	_ =	strace $0x80000069  }
0xb3: {  	_ =	swait.ge [sflag:s29], $0x1  }
0xb4: {  	[sflag:s29] =	ssyncadd.s32 $0xFFFFFFFF  }
0xb5: {  	_ =	strace $0x90000069  }
0xb6: {  	_ =	sfence  }
0xb7: {  	s30 =	sld [smem:$0x0];
	_ =	sdelay $0x2  }
0xb8: {  	s31 =	sshll.u32 s1, $0xD;
	s1 =	sshrl.u32 s1, $0x2  }
0xb9: {  	s3 =	sand.u32 $0x4000, s31;
	s1 =	sadd.s32 s1, s30  }
0xba: {  	s0 =	sor.u32 s3, s0;
	s1 =	sshll.u32 s1, $0x11  }
0xbb: {  	s0 =	sor.u32 s1, s0  }
0xbc: {  	s0 =	sadd.s32 $0x8F2B, s0  }
0xbd: {  	[sflag:s0] =	ssyncadd.remote.s32 $0x1  }
0xbe: {  	_ =	sfence.sel $0xFFFF  }
0xbf: {  	[dreg:$0x0] =	wrdreg $0xFFFFFFFF;
	(pc) =	sbr.abs _section_cstart, $3  }
0xc0: {  	[dreg:$0x1] =	wrdreg $0xFFFFFFFF  }
0xc1: {  	_ =	task.clear_ibuf [dreg:s7], $0x2FFFF;
	_ =	strace $0x9FFFFFFF  }
0xc2: {  	(tm) =	ssettm $0x7FFFFFFF  }
0xc3: {  	_ =	shalt  }
tec
execute0_lowered:
.L_overlay_start_1:
0x0: {  	(tag) =	ssettag $0x1  }
0x1: {  	s1 =	srdreg.scid;
	s0 =	stileid.u32  }
0x2: {  	s2 =	rddreg [dreg:$0x0];
	s6 =	sand.u32 $0x1, s1;
	s30 =	sshll.u32 s0, $0x1  }
0x3: {  	s8 =	rddreg [dreg:$0x1];
	s7 =	sor.u32 s6, s30  }
0x4: {  	s3 =	simm.s32 $0x0;
	s1 =	rddreg [dreg:$0x2];
	s4 =	smul.u32 $0x6, s7  }
0x5: {  	[smem:$0x7FF] =	sst s3  }
0x6: {  	_ =	strace $0x80000068;
	s10 =	ssub.s32 $0x2, s6;
	s4 =	sadd.s32 s4, s8  }
0x7: {  	s6 =	simm.s32 $0x30;
	s5 =	sadd.s32 $0xA8000, s4;
	s4 =	simm.s32 $0x2  }
0x8: {  	[tilespmem:s3], [sflag:$0x2] =	stream.linear.gather [hbm4b:s5+s3], $0x30, $0x38;
	[tilespmem:$0x6030] =	vst v63  }
0x9: {  	s9 =	smul.u32 $0xC00, s7;
	s11 =	sshrl.u32 s10, $0x1;
	_ =	swait.ge [sflag:s4], $0x30  }
0xa: {  	s7 =	simm.s32 $0x1;
	s31 =	ssub.s32 s10, s11;
	[sflag:s4] =	ssyncset.done $0x0  }
0xb: {  	s8 =	sadd.s32 s9, s8;
	s9 =	smax.u32 s31, $0x1;
	[sflag:s4] =	ssyncadd.s32 $0xFFFFFFD0  }
0xc: {  	[tilespmem:s6], [sflag:$0x1] =	stream.indirect.gather [hbm4b:s2+s6], $0x200, s3, s6, $0xb8;
	[tilespmem:$0x6030] =	vst v63  }
0xd: {  	p0 =	sne.s32 s9, $0x1;
	_ =	swait.ge [sflag:s7], $0x6000  }
.Ltmp0:
0xe: {  	[sflag:s7] =	ssyncset.done $0x0;
	(pc) =	sbr.rel @!p0 .LBB2_2-.Ltmp0, $4  }
0xf: {  	s8 =	sadd.s32 $0xC2400, s8;
	[sflag:s7] =	ssyncadd.s32 $0xFFFFA000  }
0x10: {  	[hbm4b:s8+s3] =	stream.linear.scatter [tilespmem:s6], [sflag:$0x2], $0x6000, $0x38;
	[tilespmem:$0x6030] =	vst v63  }
0x11: {  	_ =	swait.ge [sflag:s4], $0x6000  }
0x12: {  	s9 =	sadd.s32 $0xFFFFFFFF, s9;
	[sflag:s4] =	ssyncset.done $0x0  }
.LBB2_1:
0x13: {  	p0 =	sne.s32 s9, $0x1;
	s9 =	sadd.s32 $0xFFFFFFFF, s9;
	[sflag:s4] =	ssyncadd.s32 $0xFFFFA000  }
0x14: {  	[tilespmem:s3], [sflag:$0x2] =	stream.linear.gather [hbm4b:s5+s3], $0x30, $0x38;
	[tilespmem:$0x6030] =	vst v63  }
0x15: {  	_ =	swait.ge [sflag:s4], $0x30  }
0x16: {  	[sflag:s4] =	ssyncset.done $0x0  }
0x17: {  	[sflag:s4] =	ssyncadd.s32 $0xFFFFFFD0  }
0x18: {  	[tilespmem:s6], [sflag:$0x1] =	stream.indirect.gather [hbm4b:s2+s6], $0x200, s3, s6, $0xb8;
	[tilespmem:$0x6030] =	vst v63  }
0x19: {  	_ =	swait.ge [sflag:s7], $0x6000  }
.Ltmp1:
0x1a: {  	[sflag:s7] =	ssyncset.done $0x0;
	(pc) =	sbr.rel @p0 .LBB2_1-.Ltmp1, $4  }
0x1b: {  	[sflag:s7] =	ssyncadd.s32 $0xFFFFA000  }
0x1c: {  	[hbm4b:s8+s3] =	stream.linear.scatter [tilespmem:s6], [sflag:$0x2], $0x6000, $0x38;
	[tilespmem:$0x6030] =	vst v63  }
0x1d: {  	_ =	swait.ge [sflag:s4], $0x6000  }
0x1e: {  	[sflag:s4] =	ssyncset.done $0x0  }
.LBB2_2:
0x1f: {  	[sflag:s4] =	ssyncadd.s32 $0xFFFFA000  }
0x20: {  	_ =	sfence.sel $0x180000  }
0x21: {  	[bflag:$0x0] =	sbarrier.arrive $0xFFFF  }
0x22: {  	p0 =	sne.s32 s0, $0x0;
	_ =	strace $0x90000068  }
0x23: {  	s0 =	sadd.s32 @!p0 $0x100000, s1;
	[bflag:$0x2] =	sbarrier.arrive $0xFFFF  }
0x24: {  	[sflag:s0] =	ssyncadd.tile.s32 @!p0 $0x1;
	_ =	shalt  }
.Lfunc_end2:
_tile_overlayer_lowered:
.L_overlay_start_2:
0x25: {  	(tag) =	ssettag $0x2  }
0x26: {  	s0 =	rddreg [dreg:$0x0];
	s2 =	stileid.u32  }
0x27: {  	s1 =	rddreg [dreg:$0x1];
	p0 =	sne.s32 s2, $0x0  }
0x28: {  	s3 =	rddreg [dreg:$0x2];
	[bflag:$0x3] =	sbarrier.arrive $0xFFFF;
	s2 =	simm.s32 @!p0 $0x1C02  }
0x29: {  	[timem:s3], [sflag:s2] =	dma.local @!p0 [hbm:s0], s1  }
0x2a: {  	s0 =	simm.s32 @!p0 $0x2  }
0x2b: {  	_ =	swait.ge @!p0 [sflag:s0], s1  }
0x2c: {  	s1 =	ssub.s32 @!p0 $0x0, s1;
	[sflag:s0] =	ssyncset.done @!p0 $0x0  }
0x2d: {  	[sflag:s0] =	ssyncadd.s32 @!p0 s1  }
0x2e: {  	[bflag:$0x3] =	sbarrier.arrive $0xFFFF  }
0x2f: {  	_ =	shalt  }

// kernel: kernel.54.cloned.1.call-start
scs
__scs_entry_jumppad:
0x0: {  	(pc) =	sbr.rel $0x88, $3  }
0x1: {  	(tag) =	ssettag $0x0;
	lr =	simm.s32 $0x1  }
0x2: {  	[smem:$0x3F52] =	sst lr;
	_ =	strace $0xD0000000  }
0x3: {  	_ = 	snop  }
0x4: {  	_ = 	snop  }
0x5: {  	_ = 	snop  }
0x6: {  	_ = 	snop  }
0x7: {  	_ = 	snop  }
__scs_overlays_trampoline_lowered:
0x8: {  	[smem:$0x3F61] =	sst s0  }
0x9: {  	[smem:$0x3F62] =	sst s1  }
0xa: {  	[smem:$0x3F63] =	sst s2  }
0xb: {  	[smem:$0x3F64] =	sst s3  }
0xc: {  	[smem:$0x3F65] =	sst s4  }
0xd: {  	[smem:$0x3F66] =	sst s5  }
0xe: {  	[smem:$0x3F67] =	sst s6  }
0xf: {  	[smem:$0x3F68] =	sst s7  }
0x10: {  	[smem:$0x3F69] =	sst s8  }
0x11: {  	[smem:$0x3F6A] =	sst s9;
	s0 =	simm.s32 @!p0 $0x0  }
0x12: {  	s1 =	sld [smem:$0x3F50];
	s0 =	simm.s32 @p0 $0x1  }
0x13: {  	[smem:$0x3F6B] =	sst s0;
	s0 =	simm.s32 @!p1 $0x0  }
0x14: {  	s2 =	sld [smem:$0x3F4F];
	s0 =	simm.s32 @p1 $0x1  }
0x15: {  	[smem:$0x3F6C] =	sst s0;
	s0 =	simm.s32 @!p2 $0x0  }
0x16: {  	s3 =	sld [smem:$0x3FDB];
	s0 =	simm.s32 @p2 $0x1  }
0x17: {  	s4 =	simm.s32 $0x1BF5;
	[smem:$0x3F6E] =	sst s0  }
0x18: {  	s0 =	sld [smem:$0x3F51];
	_ =	swait.ge [sflag:s4], $0x0  }
0x19: {  	s7 =	sld [smem:$0x3F52]  }
0x1a: {  	s8 =	sadd.s32 $0xFFFFE003, lr  }
0x1b: {  	s9 =	sadd.s32 $0xFFFFFEF7, lr;
	s5 =	simm.s32 $0xFFFFFFFF;
	p2 =	slt.u32 s8, $0xFFFFF086  }
0x1c: {  	p1 =	slt.u32 s9, $0xF7A;
	s5 =	simm.s32 @!p2 $0x0  }
0x1d: {  	s5 =	simm.s32 @p1 $0x1;
	p0 =	seq.s32 s7, s2  }
0x1e: {  	s7 =	smul.u32 @!p0 $0xF7A, s2;
	p2 =	seq.s32 @!p0 s5, $0x0  }
0x1f: {  	s9 =	smul.u32 $0xF7A, s1;
	s8 =	simm.s32 @!p0 $0x1BF5;
	p2 =	por !p2, p0  }
0x20: {  	[sflag:s8] =	ssyncset.s32 @!p0 $0xFFFFF086;
	s6 =	sadd.s32 @!p0 s3, s7;
	s7 =	simm.s32 @!p0 $0x108  }
0x21: {  	s3 =	sadd.s32 s3, s9;
	s6 =	sadd.s32 @!p0 $0x88, s6;
	s7 =	simm.s32 @p2 $0x1082  }
0x22: {  	[simem:s7], [sflag:s8] =	dma.local @!p0 [hbm:s6], $0xF7A  }
0x23: {  	s9 =	sor.u32 $0xD0000000, s2;
	s6 =	simm.s32 $0x108;
	_ =	swait.ge @!p0 [sflag:s8], $0x0  }
0x24: {  	s3 =	sadd.s32 $0x88, s3;
	s6 =	simm.s32 @!p1 $0x1082;
	[sflag:s4] =	ssyncset.s32 $0xFFFFF086  }
0x25: {  	[simem:s6], [sflag:s4] =	dma.local [hbm:s3], $0xF7A  }
0x26: {  	[smem:$0x3F52] =	sst s1;
	(tag) =	ssettag s2;
	_ =	strace s9  }
0x27: {  	s1 =	sld [smem:$0x3F62]  }
0x28: {  	s2 =	sld [smem:$0x3F63]  }
0x29: {  	s4 =	sld [smem:$0x3F65]  }
0x2a: {  	p0 =	seq.s32 s5, $0x0;
	s5 =	sld [smem:$0x3F66]  }
0x2b: {  	s6 =	sld [smem:$0x3F67]  }
0x2c: {  	s7 =	sld [smem:$0x3F68]  }
0x2d: {  	s3 =	simm.s32 $0x108;
	s8 =	sld [smem:$0x3F69]  }
0x2e: {  	s3 =	simm.s32 @!p0 $0x1082;
	s9 =	sld [smem:$0x3F6A]  }
0x2f: {  	lr =	sadd.s32 s0, s3;
	s0 =	sld [smem:$0x3F61]  }
0x30: {  	s3 =	sld [smem:$0x3F64]  }
0x31: {  	[smem:$0x3F6D] =	sst s10  }
0x32: {  	s10 =	sld [smem:$0x3F6B];
	_ =	sdelay $0x3  }
0x33: {  	p0 =	seq.s32 s10, $0x1;
	s10 =	sld [smem:$0x3F6D];
	_ =	sdelay $0x3  }
0x34: {  	[smem:$0x3F6D] =	sst s10  }
0x35: {  	s10 =	sld [smem:$0x3F6C];
	_ =	sdelay $0x3  }
0x36: {  	p1 =	seq.s32 s10, $0x1;
	s10 =	sld [smem:$0x3F6D];
	_ =	sdelay $0x3  }
0x37: {  	[smem:$0x3F6D] =	sst s10  }
0x38: {  	s10 =	sld [smem:$0x3F6E]  }
0x39: {  	_ = 	snop;
	(pc) =	sbr.ind lr, $3  }
0x3a: {  	_ = 	snop  }
0x3b: {  	_ = 	snop  }
0x3c: {  	p2 =	seq.s32 s10, $0x1;
	s10 =	sld [smem:$0x3F6D]  }
0x3d: {  	_ =	shalt  }
0x3e: {  	_ =	shalt  }
0x3f: {  	_ =	shalt  }
0x40: {  	_ =	shalt  }
0x41: {  	_ =	shalt  }
0x42: {  	_ =	shalt  }
0x43: {  	_ =	shalt  }
0x44: {  	_ =	shalt  }
0x45: {  	_ =	shalt  }
0x46: {  	_ =	shalt  }
0x47: {  	_ =	shalt  }
0x48: {  	_ =	shalt  }
0x49: {  	_ =	shalt  }
0x4a: {  	_ =	shalt  }
0x4b: {  	_ =	shalt  }
0x4c: {  	_ =	shalt  }
0x4d: {  	_ =	shalt  }
0x4e: {  	_ =	shalt  }
0x4f: {  	_ =	shalt  }
0x50: {  	_ =	shalt  }
0x51: {  	_ =	shalt  }
0x52: {  	_ =	shalt  }
0x53: {  	_ =	shalt  }
0x54: {  	_ =	shalt  }
0x55: {  	_ =	shalt  }
0x56: {  	_ =	shalt  }
0x57: {  	_ =	shalt  }
0x58: {  	_ =	shalt  }
0x59: {  	_ =	shalt  }
0x5a: {  	_ =	shalt  }
0x5b: {  	_ =	shalt  }
0x5c: {  	_ =	shalt  }
0x5d: {  	_ =	shalt  }
0x5e: {  	_ =	shalt  }
0x5f: {  	_ =	shalt  }
0x60: {  	_ =	shalt  }
0x61: {  	_ =	shalt  }
0x62: {  	_ =	shalt  }
0x63: {  	_ =	shalt  }
0x64: {  	_ =	shalt  }
0x65: {  	_ =	shalt  }
0x66: {  	_ =	shalt  }
0x67: {  	_ =	shalt  }
0x68: {  	_ =	shalt  }
0x69: {  	_ =	shalt  }
0x6a: {  	_ =	shalt  }
0x6b: {  	_ =	shalt  }
0x6c: {  	_ =	shalt  }
0x6d: {  	_ =	shalt  }
0x6e: {  	_ =	shalt  }
0x6f: {  	_ =	shalt  }
0x70: {  	_ =	shalt  }
0x71: {  	_ =	shalt  }
0x72: {  	_ =	shalt  }
0x73: {  	_ =	shalt  }
0x74: {  	_ =	shalt  }
0x75: {  	_ =	shalt  }
0x76: {  	_ =	shalt  }
0x77: {  	_ =	shalt  }
0x78: {  	_ =	shalt  }
0x79: {  	_ =	shalt  }
0x7a: {  	_ =	shalt  }
0x7b: {  	_ =	shalt  }
0x7c: {  	_ =	shalt  }
0x7d: {  	_ =	shalt  }
0x7e: {  	_ =	shalt  }
0x7f: {  	_ =	shalt  }
0x80: {  	_ =	shalt  }
0x81: {  	_ =	shalt  }
0x82: {  	_ =	shalt  }
0x83: {  	_ =	shalt  }
0x84: {  	_ =	shalt  }
0x85: {  	_ =	shalt  }
0x86: {  	_ =	shalt  }
0x87: {  	_ =	shalt  }
.Lfunc_end0:
.L_simem_size_0:
called_computation.12_lowered:
.L_overlay_start_0:
0x88: {  	s2 =	sld [smem:$0x3FD9]  }
0x89: {  	s3 =	sld [smem:$0x3FFE];
	_ =	sdelay $0x1  }
0x8a: {  	s1 =	srdreg.scid  }
0x8b: {  	s0 =	sand.u32 $0x1, s1  }
0x8c: {  	s17 =	sshll.u32 s0, $0xA;
	s2 =	sadd.s32 s3, s2  }
0x8d: {  	s2 =	sadd.s32 s2, s17  }
0x8e: {  	[smem:$0x3F79] =	sst s2  }
0x8f: {  	_ = 	snop  }
0x90: {  	s2 =	sld [smem:$0x3FD0];
	(tm) =	ssettm $0x1  }
0x91: {  	s18 =	sld [smem:$0x3FFB];
	_ =	sdelay $0x3  }
0x92: {  	_ =	strace s18  }
0x93: {  	s3 =	sld [smem:$0x3FFC];
	_ =	sdelay $0x3  }
0x94: {  	_ =	strace s3  }
0x95: {  	s3 =	sld [smem:$0x3FFD];
	_ =	sdelay $0x3  }
0x96: {  	_ =	strace s3  }
0x97: {  	_ =	strace $0x8FFFFFFF  }
0x98: {  	s19 =	sld [smem:$0x3FDB];
	_ =	sdelay $0x1  }
0x99: {  	s4 =	simm.s32 $_scs_section_size  }
0x9a: {  	s5 =	simm.s32 $_size__tile_overlayer_lowered;
	s6 =	simm.s32 $_tile_overlayer_lowered  }
0x9b: {  	s22 =	simm.s32 $0x1BFF;
	s21 =	sshll.u32 s6, $0x1;
	s3 =	sadd.s32 s4, s19  }
0x9c: {  	s7 =	simm.s32 $0x0;
	s20 =	sshll.u32 s5, $0x1;
	s5 =	sadd.s32 s21, s3  }
0x9d: {  	[timem:s7], [sflag:s22] =	dma.local [hbm:s5], s20  }
0x9e: {  	_ =	swait.ge [sflag:s22], s20  }
0x9f: {  	s4 =	ssub.s32 $0x0, s20;
	[sflag:s22] =	ssyncset.done $0x0  }
0xa0: {  	[sflag:s22] =	ssyncadd.s32 s4;
	_ =	sdelay $0x1  }
0xa1: {  	s23 =	simm.s32 $0x1B8B  }
0xa2: {  	_ =	swait.ge [sflag:s23], $0x1  }
0xa3: {  	[sflag:s23] =	ssyncset.done $0x0  }
0xa4: {  	s25 =	simm.s32 $0x1B8E;
	s24 =	sld [smem:$0x3FFE];
	[sflag:s23] =	ssyncadd.s32 $0xFFFFFFFF  }
0xa5: {  	s26 =	simm.s32 $execute0_lowered;
	[smem:$0x3FD2] =	sst s25  }
0xa6: {  	s5 =	sshll.u32 s26, $0x1;
	_ =	strace $0x8000006A;
	[dreg:$0x1] =	wrdreg $0xFFFFFFFF  }
0xa7: {  	s28 =	simm.s32 $_size_execute0_lowered;
	s3 =	sadd.s32 s3, s5;
	[dreg:$0x0] =	wrdreg $0x0  }
0xa8: {  	s5 =	sshll.u32 s28, $0x1;
	[dreg:$0x2] =	wrdreg s3  }
0xa9: {  	[dreg:$0x3] =	wrdreg s5  }
0xaa: {  	[dreg:$0x4] =	wrdreg $0xC0  }
0xab: {  	_ =	task [dreg:s7], $0x5FFFF  }
0xac: {  	[dreg:$0x1] =	wrdreg $0xFFFFFFFF  }
0xad: {  	[dreg:$0x0] =	wrdreg $0x60  }
0xae: {  	[dreg:$0x2] =	wrdreg s2  }
0xaf: {  	[dreg:$0x3] =	wrdreg s24  }
0xb0: {  	[dreg:$0x4] =	wrdreg $0x9  }
0xb1: {  	_ =	task.clear_ibuf [dreg:s7], $0x5FFFF;
	_ =	strace $0x9000006A  }
0xb2: {  	s29 =	simm.s32 $0x9;
	_ =	strace $0x8000006C  }
0xb3: {  	_ =	swait.ge [sflag:s29], $0x1  }
0xb4: {  	[sflag:s29] =	ssyncadd.s32 $0xFFFFFFFF  }
0xb5: {  	_ =	strace $0x9000006C  }
0xb6: {  	_ =	sfence  }
0xb7: {  	s30 =	sld [smem:$0x0];
	_ =	sdelay $0x2  }
0xb8: {  	s31 =	sshll.u32 s1, $0xD;
	s1 =	sshrl.u32 s1, $0x2  }
0xb9: {  	s3 =	sand.u32 $0x4000, s31;
	s1 =	sadd.s32 s1, s30  }
0xba: {  	s0 =	sor.u32 s3, s0;
	s1 =	sshll.u32 s1, $0x11  }
0xbb: {  	s0 =	sor.u32 s1, s0  }
0xbc: {  	s0 =	sadd.s32 $0x8F2B, s0  }
0xbd: {  	[sflag:s0] =	ssyncadd.remote.s32 $0x1  }
0xbe: {  	_ =	sfence.sel $0xFFFF  }
0xbf: {  	[dreg:$0x0] =	wrdreg $0xFFFFFFFF;
	(pc) =	sbr.abs _section_cstart, $3  }
0xc0: {  	[dreg:$0x1] =	wrdreg $0xFFFFFFFF  }
0xc1: {  	_ =	task.clear_ibuf [dreg:s7], $0x2FFFF;
	_ =	strace $0x9FFFFFFF  }
0xc2: {  	(tm) =	ssettm $0x7FFFFFFF  }
0xc3: {  	_ =	shalt  }
tec
execute0_lowered:
.L_overlay_start_1:
0x0: {  	(tag) =	ssettag $0x1  }
0x1: {  	s1 =	srdreg.scid;
	s0 =	stileid.u32  }
0x2: {  	s10 =	sand.u32 $0x1, s1;
	s26 =	sshll.u32 s0, $0x1  }
0x3: {  	s2 =	rddreg [dreg:$0x0];
	s8 =	sor.u32 s10, s26  }
0x4: {  	s9 =	rddreg [dreg:$0x1];
	s11 =	smul.u32 $0xC0, s8  }
0x5: {  	s3 =	simm.s32 $0x0;
	s1 =	rddreg [dreg:$0x2]  }
0x6: {  	[smem:$0x7FF] =	sst s3;
	s12 =	sadd.s32 $0xA8200, s9;
	s4 =	sshrl.u32 s11, $0x3  }
0x7: {  	_ =	strace $0x8000006B;
	s5 =	sadd.s32 s12, s4;
	s4 =	simm.s32 $0x2  }
0x8: {  	[tilespmem:s3], [sflag:$0x2] =	stream.linear.gather [hbm4b:s5+s3], $0x60, $0x38;
	[tilespmem:$0x6060] =	vst v63  }
0x9: {  	_ =	swait.ge [sflag:s4], $0x60  }
0xa: {  	[sflag:s4] =	ssyncset.done $0x0  }
0xb: {  	s6 =	simm.s32 $0x60;
	s7 =	simm.s32 $0x1;
	[sflag:s4] =	ssyncadd.s32 $0xFFFFFFA0  }
0xc: {  	[tilespmem:s6], [sflag:$0x1] =	stream.indirect.gather [hbm4b:s2+s6], $0x100, s3, s6, $0xb8;
	[tilespmem:$0x6060] =	vst v63  }
0xd: {  	s8 =	smul.u32 $0x1800, s8;
	_ =	swait.ge [sflag:s7], $0x6000  }
0xe: {  	s13 =	sadd.s32 $0xC2400, s9;
	[sflag:s7] =	ssyncset.done $0x0  }
0xf: {  	s8 =	sadd.s32 s13, s8;
	[sflag:s7] =	ssyncadd.s32 $0xFFFFA000  }
0x10: {  	[hbm4b:s8+s3] =	stream.linear.scatter [tilespmem:s6], [sflag:$0x2], $0x6000, $0x38;
	[tilespmem:$0x6060] =	vst v63  }
0x11: {  	s11 =	sadd.s32 $0x60, s11;
	_ =	swait.ge [sflag:s4], $0x6000  }
0x12: {  	s28 =	sshrl.u32 s11, $0x3;
	[sflag:s4] =	ssyncset.done $0x0  }
0x13: {  	s10 =	ssub.s32 $0x2, s10;
	s9 =	sadd.s32 s12, s28;
	[sflag:s4] =	ssyncadd.s32 $0xFFFFA000  }
0x14: {  	[tilespmem:s3], [sflag:$0x2] =	stream.linear.gather [hbm4b:s9+s3], $0x60, $0x38;
	[tilespmem:$0x6060] =	vst v63  }
0x15: {  	s29 =	sshrl.u32 s10, $0x1;
	_ =	swait.ge [sflag:s4], $0x60  }
0x16: {  	s12 =	ssub.s32 s10, s29;
	[sflag:s4] =	ssyncset.done $0x0  }
0x17: {  	s31 =	smax.u32 s12, $0x1;
	[sflag:s4] =	ssyncadd.s32 $0xFFFFFFA0  }
0x18: {  	[tilespmem:s6], [sflag:$0x1] =	stream.indirect.gather [hbm4b:s2+s6], $0x100, s3, s6, $0xb8;
	[tilespmem:$0x6060] =	vst v63  }
0x19: {  	p0 =	sne.s32 s31, $0x1;
	_ =	swait.ge [sflag:s7], $0x6000  }
.Ltmp0:
0x1a: {  	s30 =	sshll.u32 s11, $0x5;
	[sflag:s7] =	ssyncset.done $0x0;
	(pc) =	sbr.rel @!p0 .LBB2_2-.Ltmp0, $4  }
0x1b: {  	s10 =	sadd.s32 s13, s30;
	[sflag:s7] =	ssyncadd.s32 $0xFFFFA000  }
0x1c: {  	[hbm4b:s10+s3] =	stream.linear.scatter [tilespmem:s6], [sflag:$0x2], $0x6000, $0x38;
	[tilespmem:$0x6060] =	vst v63  }
0x1d: {  	_ =	swait.ge [sflag:s4], $0x6000  }
0x1e: {  	s11 =	sadd.s32 $0xFFFFFFFF, s31;
	[sflag:s4] =	ssyncset.done $0x0  }
.LBB2_1:
0x1f: {  	p0 =	sne.s32 s11, $0x1;
	s11 =	sadd.s32 $0xFFFFFFFF, s11;
	[sflag:s4] =	ssyncadd.s32 $0xFFFFA000  }
0x20: {  	[tilespmem:s3], [sflag:$0x2] =	stream.linear.gather [hbm4b:s5+s3], $0x60, $0x38;
	[tilespmem:$0x6060] =	vst v63  }
0x21: {  	_ =	swait.ge [sflag:s4], $0x60  }
0x22: {  	[sflag:s4] =	ssyncset.done $0x0  }
0x23: {  	[sflag:s4] =	ssyncadd.s32 $0xFFFFFFA0  }
0x24: {  	[tilespmem:s6], [sflag:$0x1] =	stream.indirect.gather [hbm4b:s2+s6], $0x100, s3, s6, $0xb8;
	[tilespmem:$0x6060] =	vst v63  }
0x25: {  	_ =	swait.ge [sflag:s7], $0x6000  }
0x26: {  	[sflag:s7] =	ssyncset.done $0x0  }
0x27: {  	[sflag:s7] =	ssyncadd.s32 $0xFFFFA000  }
0x28: {  	[hbm4b:s8+s3] =	stream.linear.scatter [tilespmem:s6], [sflag:$0x2], $0x6000, $0x38;
	[tilespmem:$0x6060] =	vst v63  }
0x29: {  	_ =	swait.ge [sflag:s4], $0x6000  }
0x2a: {  	[sflag:s4] =	ssyncset.done $0x0  }
0x2b: {  	[sflag:s4] =	ssyncadd.s32 $0xFFFFA000  }
0x2c: {  	[tilespmem:s3], [sflag:$0x2] =	stream.linear.gather [hbm4b:s9+s3], $0x60, $0x38;
	[tilespmem:$0x6060] =	vst v63  }
0x2d: {  	_ =	swait.ge [sflag:s4], $0x60  }
0x2e: {  	[sflag:s4] =	ssyncset.done $0x0  }
0x2f: {  	[sflag:s4] =	ssyncadd.s32 $0xFFFFFFA0  }
0x30: {  	[tilespmem:s6], [sflag:$0x1] =	stream.indirect.gather [hbm4b:s2+s6], $0x100, s3, s6, $0xb8;
	[tilespmem:$0x6060] =	vst v63  }
0x31: {  	_ =	swait.ge [sflag:s7], $0x6000  }
.Ltmp1:
0x32: {  	[sflag:s7] =	ssyncset.done $0x0;
	(pc) =	sbr.rel @p0 .LBB2_1-.Ltmp1, $4  }
0x33: {  	[sflag:s7] =	ssyncadd.s32 $0xFFFFA000  }
0x34: {  	[hbm4b:s10+s3] =	stream.linear.scatter [tilespmem:s6], [sflag:$0x2], $0x6000, $0x38;
	[tilespmem:$0x6060] =	vst v63  }
0x35: {  	_ =	swait.ge [sflag:s4], $0x6000  }
0x36: {  	[sflag:s4] =	ssyncset.done $0x0  }
.LBB2_2:
0x37: {  	[sflag:s4] =	ssyncadd.s32 $0xFFFFA000  }
0x38: {  	_ =	sfence.sel $0x180000  }
0x39: {  	[bflag:$0x0] =	sbarrier.arrive $0xFFFF  }
0x3a: {  	p0 =	sne.s32 s0, $0x0;
	_ =	strace $0x9000006B  }
0x3b: {  	s0 =	sadd.s32 @!p0 $0x100000, s1;
	[bflag:$0x2] =	sbarrier.arrive $0xFFFF  }
0x3c: {  	[sflag:s0] =	ssyncadd.tile.s32 @!p0 $0x1;
	_ =	shalt  }
.Lfunc_end2:
_tile_overlayer_lowered:
.L_overlay_start_2:
0x3d: {  	(tag) =	ssettag $0x2  }
0x3e: {  	s0 =	rddreg [dreg:$0x0];
	s2 =	stileid.u32  }
0x3f: {  	s1 =	rddreg [dreg:$0x1];
	p0 =	sne.s32 s2, $0x0  }
0x40: {  	s3 =	rddreg [dreg:$0x2];
	[bflag:$0x3] =	sbarrier.arrive $0xFFFF;
	s2 =	simm.s32 @!p0 $0x1C02  }
0x41: {  	[timem:s3], [sflag:s2] =	dma.local @!p0 [hbm:s0], s1  }
0x42: {  	s0 =	simm.s32 @!p0 $0x2  }
0x43: {  	_ =	swait.ge @!p0 [sflag:s0], s1  }
0x44: {  	s1 =	ssub.s32 @!p0 $0x0, s1;
	[sflag:s0] =	ssyncset.done @!p0 $0x0  }
0x45: {  	[sflag:s0] =	ssyncadd.s32 @!p0 s1  }
0x46: {  	[bflag:$0x3] =	sbarrier.arrive $0xFFFF  }
0x47: {  	_ =	shalt  }

// kernel: kernel.57.cloned.1.call-start
scs
__scs_entry_jumppad:
0x0: {  	(pc) =	sbr.rel $0x88, $3  }
0x1: {  	(tag) =	ssettag $0x0;
	lr =	simm.s32 $0x1  }
0x2: {  	[smem:$0x3F52] =	sst lr;
	_ =	strace $0xD0000000  }
0x3: {  	_ = 	snop  }
0x4: {  	_ = 	snop  }
0x5: {  	_ = 	snop  }
0x6: {  	_ = 	snop  }
0x7: {  	_ = 	snop  }
__scs_overlays_trampoline_lowered:
0x8: {  	[smem:$0x3F61] =	sst s0  }
0x9: {  	[smem:$0x3F62] =	sst s1  }
0xa: {  	[smem:$0x3F63] =	sst s2  }
0xb: {  	[smem:$0x3F64] =	sst s3  }
0xc: {  	[smem:$0x3F65] =	sst s4  }
0xd: {  	[smem:$0x3F66] =	sst s5  }
0xe: {  	[smem:$0x3F67] =	sst s6  }
0xf: {  	[smem:$0x3F68] =	sst s7  }
0x10: {  	[smem:$0x3F69] =	sst s8  }
0x11: {  	[smem:$0x3F6A] =	sst s9;
	s0 =	simm.s32 @!p0 $0x0  }
0x12: {  	s1 =	sld [smem:$0x3F50];
	s0 =	simm.s32 @p0 $0x1  }
0x13: {  	[smem:$0x3F6B] =	sst s0;
	s0 =	simm.s32 @!p1 $0x0  }
0x14: {  	s2 =	sld [smem:$0x3F4F];
	s0 =	simm.s32 @p1 $0x1  }
0x15: {  	[smem:$0x3F6C] =	sst s0;
	s0 =	simm.s32 @!p2 $0x0  }
0x16: {  	s3 =	sld [smem:$0x3FDB];
	s0 =	simm.s32 @p2 $0x1  }
0x17: {  	s4 =	simm.s32 $0x1BF5;
	[smem:$0x3F6E] =	sst s0  }
0x18: {  	s0 =	sld [smem:$0x3F51];
	_ =	swait.ge [sflag:s4], $0x0  }
0x19: {  	s7 =	sld [smem:$0x3F52]  }
0x1a: {  	s8 =	sadd.s32 $0xFFFFE003, lr  }
0x1b: {  	s9 =	sadd.s32 $0xFFFFFEF7, lr;
	s5 =	simm.s32 $0xFFFFFFFF;
	p2 =	slt.u32 s8, $0xFFFFF086  }
0x1c: {  	p1 =	slt.u32 s9, $0xF7A;
	s5 =	simm.s32 @!p2 $0x0  }
0x1d: {  	s5 =	simm.s32 @p1 $0x1;
	p0 =	seq.s32 s7, s2  }
0x1e: {  	s7 =	smul.u32 @!p0 $0xF7A, s2;
	p2 =	seq.s32 @!p0 s5, $0x0  }
0x1f: {  	s9 =	smul.u32 $0xF7A, s1;
	s8 =	simm.s32 @!p0 $0x1BF5;
	p2 =	por !p2, p0  }
0x20: {  	[sflag:s8] =	ssyncset.s32 @!p0 $0xFFFFF086;
	s6 =	sadd.s32 @!p0 s3, s7;
	s7 =	simm.s32 @!p0 $0x108  }
0x21: {  	s3 =	sadd.s32 s3, s9;
	s6 =	sadd.s32 @!p0 $0x88, s6;
	s7 =	simm.s32 @p2 $0x1082  }
0x22: {  	[simem:s7], [sflag:s8] =	dma.local @!p0 [hbm:s6], $0xF7A  }
0x23: {  	s9 =	sor.u32 $0xD0000000, s2;
	s6 =	simm.s32 $0x108;
	_ =	swait.ge @!p0 [sflag:s8], $0x0  }
0x24: {  	s3 =	sadd.s32 $0x88, s3;
	s6 =	simm.s32 @!p1 $0x1082;
	[sflag:s4] =	ssyncset.s32 $0xFFFFF086  }
0x25: {  	[simem:s6], [sflag:s4] =	dma.local [hbm:s3], $0xF7A  }
0x26: {  	[smem:$0x3F52] =	sst s1;
	(tag) =	ssettag s2;
	_ =	strace s9  }
0x27: {  	s1 =	sld [smem:$0x3F62]  }
0x28: {  	s2 =	sld [smem:$0x3F63]  }
0x29: {  	s4 =	sld [smem:$0x3F65]  }
0x2a: {  	p0 =	seq.s32 s5, $0x0;
	s5 =	sld [smem:$0x3F66]  }
0x2b: {  	s6 =	sld [smem:$0x3F67]  }
0x2c: {  	s7 =	sld [smem:$0x3F68]  }
0x2d: {  	s3 =	simm.s32 $0x108;
	s8 =	sld [smem:$0x3F69]  }
0x2e: {  	s3 =	simm.s32 @!p0 $0x1082;
	s9 =	sld [smem:$0x3F6A]  }
0x2f: {  	lr =	sadd.s32 s0, s3;
	s0 =	sld [smem:$0x3F61]  }
0x30: {  	s3 =	sld [smem:$0x3F64]  }
0x31: {  	[smem:$0x3F6D] =	sst s10  }
0x32: {  	s10 =	sld [smem:$0x3F6B];
	_ =	sdelay $0x3  }
0x33: {  	p0 =	seq.s32 s10, $0x1;
	s10 =	sld [smem:$0x3F6D];
	_ =	sdelay $0x3  }
0x34: {  	[smem:$0x3F6D] =	sst s10  }
0x35: {  	s10 =	sld [smem:$0x3F6C];
	_ =	sdelay $0x3  }
0x36: {  	p1 =	seq.s32 s10, $0x1;
	s10 =	sld [smem:$0x3F6D];
	_ =	sdelay $0x3  }
0x37: {  	[smem:$0x3F6D] =	sst s10  }
0x38: {  	s10 =	sld [smem:$0x3F6E]  }
0x39: {  	_ = 	snop;
	(pc) =	sbr.ind lr, $3  }
0x3a: {  	_ = 	snop  }
0x3b: {  	_ = 	snop  }
0x3c: {  	p2 =	seq.s32 s10, $0x1;
	s10 =	sld [smem:$0x3F6D]  }
0x3d: {  	_ =	shalt  }
0x3e: {  	_ =	shalt  }
0x3f: {  	_ =	shalt  }
0x40: {  	_ =	shalt  }
0x41: {  	_ =	shalt  }
0x42: {  	_ =	shalt  }
0x43: {  	_ =	shalt  }
0x44: {  	_ =	shalt  }
0x45: {  	_ =	shalt  }
0x46: {  	_ =	shalt  }
0x47: {  	_ =	shalt  }
0x48: {  	_ =	shalt  }
0x49: {  	_ =	shalt  }
0x4a: {  	_ =	shalt  }
0x4b: {  	_ =	shalt  }
0x4c: {  	_ =	shalt  }
0x4d: {  	_ =	shalt  }
0x4e: {  	_ =	shalt  }
0x4f: {  	_ =	shalt  }
0x50: {  	_ =	shalt  }
0x51: {  	_ =	shalt  }
0x52: {  	_ =	shalt  }
0x53: {  	_ =	shalt  }
0x54: {  	_ =	shalt  }
0x55: {  	_ =	shalt  }
0x56: {  	_ =	shalt  }
0x57: {  	_ =	shalt  }
0x58: {  	_ =	shalt  }
0x59: {  	_ =	shalt  }
0x5a: {  	_ =	shalt  }
0x5b: {  	_ =	shalt  }
0x5c: {  	_ =	shalt  }
0x5d: {  	_ =	shalt  }
0x5e: {  	_ =	shalt  }
0x5f: {  	_ =	shalt  }
0x60: {  	_ =	shalt  }
0x61: {  	_ =	shalt  }
0x62: {  	_ =	shalt  }
0x63: {  	_ =	shalt  }
0x64: {  	_ =	shalt  }
0x65: {  	_ =	shalt  }
0x66: {  	_ =	shalt  }
0x67: {  	_ =	shalt  }
0x68: {  	_ =	shalt  }
0x69: {  	_ =	shalt  }
0x6a: {  	_ =	shalt  }
0x6b: {  	_ =	shalt  }
0x6c: {  	_ =	shalt  }
0x6d: {  	_ =	shalt  }
0x6e: {  	_ =	shalt  }
0x6f: {  	_ =	shalt  }
0x70: {  	_ =	shalt  }
0x71: {  	_ =	shalt  }
0x72: {  	_ =	shalt  }
0x73: {  	_ =	shalt  }
0x74: {  	_ =	shalt  }
0x75: {  	_ =	shalt  }
0x76: {  	_ =	shalt  }
0x77: {  	_ =	shalt  }
0x78: {  	_ =	shalt  }
0x79: {  	_ =	shalt  }
0x7a: {  	_ =	shalt  }
0x7b: {  	_ =	shalt  }
0x7c: {  	_ =	shalt  }
0x7d: {  	_ =	shalt  }
0x7e: {  	_ =	shalt  }
0x7f: {  	_ =	shalt  }
0x80: {  	_ =	shalt  }
0x81: {  	_ =	shalt  }
0x82: {  	_ =	shalt  }
0x83: {  	_ =	shalt  }
0x84: {  	_ =	shalt  }
0x85: {  	_ =	shalt  }
0x86: {  	_ =	shalt  }
0x87: {  	_ =	shalt  }
.Lfunc_end0:
.L_simem_size_0:
called_computation.13_lowered:
.L_overlay_start_0:
0x88: {  	s2 =	sld [smem:$0x3FD9]  }
0x89: {  	s3 =	sld [smem:$0x3FFE];
	_ =	sdelay $0x1  }
0x8a: {  	s1 =	srdreg.scid  }
0x8b: {  	s0 =	sand.u32 $0x1, s1  }
0x8c: {  	s16 =	sshll.u32 s0, $0xA;
	s2 =	sadd.s32 s3, s2  }
0x8d: {  	s2 =	sadd.s32 s2, s16  }
0x8e: {  	[smem:$0x3F79] =	sst s2  }
0x8f: {  	_ = 	snop  }
0x90: {  	(tm) =	ssettm $0x1  }
0x91: {  	s17 =	sld [smem:$0x3FFB];
	_ =	sdelay $0x3  }
0x92: {  	_ =	strace s17  }
0x93: {  	s2 =	sld [smem:$0x3FFC];
	_ =	sdelay $0x3  }
0x94: {  	_ =	strace s2  }
0x95: {  	s2 =	sld [smem:$0x3FFD];
	_ =	sdelay $0x3  }
0x96: {  	_ =	strace s2  }
0x97: {  	_ =	strace $0x8FFFFFFF  }
0x98: {  	s18 =	sld [smem:$0x3FDB];
	_ =	sdelay $0x1  }
0x99: {  	s19 =	simm.s32 $_scs_section_size  }
0x9a: {  	s4 =	simm.s32 $_size__tile_overlayer_lowered;
	s5 =	simm.s32 $_tile_overlayer_lowered  }
0x9b: {  	s22 =	simm.s32 $0x1BFF;
	s21 =	sshll.u32 s5, $0x1;
	s2 =	sadd.s32 s19, s18  }
0x9c: {  	s6 =	simm.s32 $0x0;
	s20 =	sshll.u32 s4, $0x1;
	s4 =	sadd.s32 s21, s2  }
0x9d: {  	[timem:s6], [sflag:s22] =	dma.local [hbm:s4], s20  }
0x9e: {  	_ =	swait.ge [sflag:s22], s20  }
0x9f: {  	s3 =	ssub.s32 $0x0, s20;
	[sflag:s22] =	ssyncset.done $0x0  }
0xa0: {  	[sflag:s22] =	ssyncadd.s32 s3;
	_ =	sdelay $0x1  }
0xa1: {  	s23 =	simm.s32 $0x1B8B  }
0xa2: {  	_ =	swait.ge [sflag:s23], $0x1  }
0xa3: {  	[sflag:s23] =	ssyncset.done $0x0  }
0xa4: {  	s25 =	simm.s32 $0x1B8E;
	s24 =	sld [smem:$0x3FFE];
	[sflag:s23] =	ssyncadd.s32 $0xFFFFFFFF  }
0xa5: {  	s26 =	simm.s32 $execute0_lowered;
	[smem:$0x3FD2] =	sst s25  }
0xa6: {  	s4 =	sshll.u32 s26, $0x1;
	_ =	strace $0x8000006D;
	[dreg:$0x1] =	wrdreg $0xFFFFFFFF  }
0xa7: {  	s28 =	simm.s32 $_size_execute0_lowered;
	s2 =	sadd.s32 s2, s4;
	[dreg:$0x0] =	wrdreg $0x0  }
0xa8: {  	s4 =	sshll.u32 s28, $0x1;
	[dreg:$0x2] =	wrdreg s2  }
0xa9: {  	[dreg:$0x3] =	wrdreg s4  }
0xaa: {  	[dreg:$0x4] =	wrdreg $0xC0  }
0xab: {  	_ =	task [dreg:s6], $0x5FFFF  }
0xac: {  	[dreg:$0x1] =	wrdreg $0xFFFFFFFF  }
0xad: {  	[dreg:$0x0] =	wrdreg $0x60  }
0xae: {  	[dreg:$0x2] =	wrdreg s24  }
0xaf: {  	[dreg:$0x3] =	wrdreg $0x9  }
0xb0: {  	_ =	task.clear_ibuf [dreg:s6], $0x4FFFF;
	_ =	strace $0x9000006D  }
0xb1: {  	s29 =	simm.s32 $0x9;
	_ =	strace $0x8000006F  }
0xb2: {  	_ =	swait.ge [sflag:s29], $0x1  }
0xb3: {  	[sflag:s29] =	ssyncadd.s32 $0xFFFFFFFF  }
0xb4: {  	_ =	strace $0x9000006F  }
0xb5: {  	_ =	sfence  }
0xb6: {  	s30 =	sld [smem:$0x0];
	_ =	sdelay $0x2  }
0xb7: {  	s31 =	sshll.u32 s1, $0xD;
	s1 =	sshrl.u32 s1, $0x2  }
0xb8: {  	s3 =	sand.u32 $0x4000, s31;
	s1 =	sadd.s32 s1, s30  }
0xb9: {  	s0 =	sor.u32 s3, s0;
	s1 =	sshll.u32 s1, $0x11  }
0xba: {  	s0 =	sor.u32 s1, s0  }
0xbb: {  	s0 =	sadd.s32 $0x8F2B, s0  }
0xbc: {  	[sflag:s0] =	ssyncadd.remote.s32 $0x1  }
0xbd: {  	_ =	sfence.sel $0xFFFF  }
0xbe: {  	[dreg:$0x0] =	wrdreg $0xFFFFFFFF;
	(pc) =	sbr.abs _section_cstart, $3  }
0xbf: {  	[dreg:$0x1] =	wrdreg $0xFFFFFFFF  }
0xc0: {  	_ =	task.clear_ibuf [dreg:s6], $0x2FFFF;
	_ =	strace $0x9FFFFFFF  }
0xc1: {  	(tm) =	ssettm $0x7FFFFFFF  }
tec
execute0_lowered:
.L_overlay_start_1:
0x0: {  	(tag) =	ssettag $0x1  }
0x1: {  	s1 =	srdreg.scid;
	s0 =	stileid.u32  }
0x2: {  	s18 =	sand.u32 $0x1, s1;
	s26 =	sshll.u32 s0, $0x1  }
0x3: {  	s8 =	sor.u32 s18, s26  }
0x4: {  	s9 =	rddreg [dreg:$0x0];
	s19 =	smul.u32 $0x300, s8  }
0x5: {  	s2 =	simm.s32 $0x0;
	s1 =	rddreg [dreg:$0x1]  }
0x6: {  	[smem:$0x7FF] =	sst s2;
	s17 =	sadd.s32 $0xA8600, s9;
	s3 =	sshrl.u32 s19, $0x3  }
0x7: {  	_ =	strace $0x8000006E;
	s4 =	sadd.s32 s17, s3;
	s3 =	simm.s32 $0x2  }
0x8: {  	[tilespmem:s2], [sflag:$0x2] =	stream.linear.gather [hbm4b:s4+s2], $0x80, $0x38;
	[tilespmem:$0x8080] =	vst v63  }
0x9: {  	_ =	swait.ge [sflag:s3], $0x80  }
0xa: {  	s6 =	simm.s32 $0x80;
	[sflag:s3] =	ssyncset.done $0x0  }
0xb: {  	s7 =	simm.s32 $0x1;
	s5 =	sadd.s32 $0x80400, s9;
	[sflag:s3] =	ssyncadd.s32 $0xFFFFFF80  }
0xc: {  	[tilespmem:s6], [sflag:$0x1] =	stream.indirect.gather [hbm4b:s5+s6], $0x100, s2, s6, $0xb8;
	[tilespmem:$0x8080] =	vst v63  }
0xd: {  	s8 =	smul.u32 $0x6000, s8;
	_ =	swait.ge [sflag:s7], $0x8000  }
0xe: {  	s20 =	sadd.s32 $0xBA400, s9;
	[sflag:s7] =	ssyncset.done $0x0  }
0xf: {  	s8 =	sadd.s32 s20, s8;
	[sflag:s7] =	ssyncadd.s32 $0xFFFF8000  }
0x10: {  	[hbm4b:s8+s2] =	stream.linear.scatter [tilespmem:s6], [sflag:$0x2], $0x8000, $0x38;
	[tilespmem:$0x8080] =	vst v63  }
0x11: {  	s10 =	sor.u32 $0x80, s19;
	_ =	swait.ge [sflag:s3], $0x8000  }
0x12: {  	s28 =	sshrl.u32 s10, $0x3;
	[sflag:s3] =	ssyncset.done $0x0  }
0x13: {  	s9 =	sadd.s32 s17, s28;
	[sflag:s3] =	ssyncadd.s32 $0xFFFF8000  }
0x14: {  	[tilespmem:s2], [sflag:$0x2] =	stream.linear.gather [hbm4b:s9+s2], $0x80, $0x38;
	[tilespmem:$0x8080] =	vst v63  }
0x15: {  	_ =	swait.ge [sflag:s3], $0x80  }
0x16: {  	[sflag:s3] =	ssyncset.done $0x0  }
0x17: {  	[sflag:s3] =	ssyncadd.s32 $0xFFFFFF80  }
0x18: {  	[tilespmem:s6], [sflag:$0x1] =	stream.indirect.gather [hbm4b:s5+s6], $0x100, s2, s6, $0xb8;
	[tilespmem:$0x8080] =	vst v63  }
0x19: {  	_ =	swait.ge [sflag:s7], $0x8000  }
0x1a: {  	s10 =	sshll.u32 s10, $0x5;
	[sflag:s7] =	ssyncset.done $0x0  }
0x1b: {  	s10 =	sadd.s32 s20, s10;
	[sflag:s7] =	ssyncadd.s32 $0xFFFF8000  }
0x1c: {  	[hbm4b:s10+s2] =	stream.linear.scatter [tilespmem:s6], [sflag:$0x2], $0x8000, $0x38;
	[tilespmem:$0x8080] =	vst v63  }
0x1d: {  	s12 =	sadd.s32 $0x100, s19;
	_ =	swait.ge [sflag:s3], $0x8000  }
0x1e: {  	s11 =	sshrl.u32 s12, $0x3;
	[sflag:s3] =	ssyncset.done $0x0  }
0x1f: {  	s11 =	sadd.s32 s17, s11;
	[sflag:s3] =	ssyncadd.s32 $0xFFFF8000  }
0x20: {  	[tilespmem:s2], [sflag:$0x2] =	stream.linear.gather [hbm4b:s11+s2], $0x80, $0x38;
	[tilespmem:$0x8080] =	vst v63  }
0x21: {  	_ =	swait.ge [sflag:s3], $0x80  }
0x22: {  	[sflag:s3] =	ssyncset.done $0x0  }
0x23: {  	[sflag:s3] =	ssyncadd.s32 $0xFFFFFF80  }
0x24: {  	[tilespmem:s6], [sflag:$0x1] =	stream.indirect.gather [hbm4b:s5+s6], $0x100, s2, s6, $0xb8;
	[tilespmem:$0x8080] =	vst v63  }
0x25: {  	_ =	swait.ge [sflag:s7], $0x8000  }
0x26: {  	s12 =	sshll.u32 s12, $0x5;
	[sflag:s7] =	ssyncset.done $0x0  }
0x27: {  	s12 =	sadd.s32 s20, s12;
	[sflag:s7] =	ssyncadd.s32 $0xFFFF8000  }
0x28: {  	[hbm4b:s12+s2] =	stream.linear.scatter [tilespmem:s6], [sflag:$0x2], $0x8000, $0x38;
	[tilespmem:$0x8080] =	vst v63  }
0x29: {  	s14 =	sadd.s32 $0x180, s19;
	_ =	swait.ge [sflag:s3], $0x8000  }
0x2a: {  	s13 =	sshrl.u32 s14, $0x3;
	[sflag:s3] =	ssyncset.done $0x0  }
0x2b: {  	s13 =	sadd.s32 s17, s13;
	[sflag:s3] =	ssyncadd.s32 $0xFFFF8000  }
0x2c: {  	[tilespmem:s2], [sflag:$0x2] =	stream.linear.gather [hbm4b:s13+s2], $0x80, $0x38;
	[tilespmem:$0x8080] =	vst v63  }
0x2d: {  	_ =	swait.ge [sflag:s3], $0x80  }
0x2e: {  	[sflag:s3] =	ssyncset.done $0x0  }
0x2f: {  	[sflag:s3] =	ssyncadd.s32 $0xFFFFFF80  }
0x30: {  	[tilespmem:s6], [sflag:$0x1] =	stream.indirect.gather [hbm4b:s5+s6], $0x100, s2, s6, $0xb8;
	[tilespmem:$0x8080] =	vst v63  }
0x31: {  	_ =	swait.ge [sflag:s7], $0x8000  }
0x32: {  	s14 =	sshll.u32 s14, $0x5;
	[sflag:s7] =	ssyncset.done $0x0  }
0x33: {  	s14 =	sadd.s32 s20, s14;
	[sflag:s7] =	ssyncadd.s32 $0xFFFF8000  }
0x34: {  	[hbm4b:s14+s2] =	stream.linear.scatter [tilespmem:s6], [sflag:$0x2], $0x8000, $0x38;
	[tilespmem:$0x8080] =	vst v63  }
0x35: {  	s16 =	sadd.s32 $0x200, s19;
	_ =	swait.ge [sflag:s3], $0x8000  }
0x36: {  	s15 =	sshrl.u32 s16, $0x3;
	[sflag:s3] =	ssyncset.done $0x0  }
0x37: {  	s15 =	sadd.s32 s17, s15;
	[sflag:s3] =	ssyncadd.s32 $0xFFFF8000  }
0x38: {  	[tilespmem:s2], [sflag:$0x2] =	stream.linear.gather [hbm4b:s15+s2], $0x80, $0x38;
	[tilespmem:$0x8080] =	vst v63  }
0x39: {  	_ =	swait.ge [sflag:s3], $0x80  }
0x3a: {  	[sflag:s3] =	ssyncset.done $0x0  }
0x3b: {  	[sflag:s3] =	ssyncadd.s32 $0xFFFFFF80  }
0x3c: {  	[tilespmem:s6], [sflag:$0x1] =	stream.indirect.gather [hbm4b:s5+s6], $0x100, s2, s6, $0xb8;
	[tilespmem:$0x8080] =	vst v63  }
0x3d: {  	_ =	swait.ge [sflag:s7], $0x8000  }
0x3e: {  	s16 =	sshll.u32 s16, $0x5;
	[sflag:s7] =	ssyncset.done $0x0  }
0x3f: {  	s16 =	sadd.s32 s20, s16;
	[sflag:s7] =	ssyncadd.s32 $0xFFFF8000  }
0x40: {  	[hbm4b:s16+s2] =	stream.linear.scatter [tilespmem:s6], [sflag:$0x2], $0x8000, $0x38;
	[tilespmem:$0x8080] =	vst v63  }
0x41: {  	s19 =	sadd.s32 $0x280, s19;
	_ =	swait.ge [sflag:s3], $0x8000  }
0x42: {  	s21 =	sshrl.u32 s19, $0x3;
	[sflag:s3] =	ssyncset.done $0x0  }
0x43: {  	s18 =	ssub.s32 $0x2, s18;
	s17 =	sadd.s32 s17, s21;
	[sflag:s3] =	ssyncadd.s32 $0xFFFF8000  }
0x44: {  	[tilespmem:s2], [sflag:$0x2] =	stream.linear.gather [hbm4b:s17+s2], $0x80, $0x38;
	[tilespmem:$0x8080] =	vst v63  }
0x45: {  	s29 =	sshrl.u32 s18, $0x1;
	_ =	swait.ge [sflag:s3], $0x80  }
0x46: {  	s21 =	ssub.s32 s18, s29;
	[sflag:s3] =	ssyncset.done $0x0  }
0x47: {  	s31 =	smax.u32 s21, $0x1;
	[sflag:s3] =	ssyncadd.s32 $0xFFFFFF80  }
0x48: {  	[tilespmem:s6], [sflag:$0x1] =	stream.indirect.gather [hbm4b:s5+s6], $0x100, s2, s6, $0xb8;
	[tilespmem:$0x8080] =	vst v63  }
0x49: {  	p0 =	sne.s32 s31, $0x1;
	_ =	swait.ge [sflag:s7], $0x8000  }
.Ltmp0:
0x4a: {  	s30 =	sshll.u32 s19, $0x5;
	[sflag:s7] =	ssyncset.done $0x0;
	(pc) =	sbr.rel @!p0 .LBB2_2-.Ltmp0, $4  }
0x4b: {  	s18 =	sadd.s32 s20, s30;
	[sflag:s7] =	ssyncadd.s32 $0xFFFF8000  }
0x4c: {  	[hbm4b:s18+s2] =	stream.linear.scatter [tilespmem:s6], [sflag:$0x2], $0x8000, $0x38;
	[tilespmem:$0x8080] =	vst v63  }
0x4d: {  	_ =	swait.ge [sflag:s3], $0x8000  }
0x4e: {  	s19 =	sadd.s32 $0xFFFFFFFF, s31;
	[sflag:s3] =	ssyncset.done $0x0  }
.LBB2_1:
0x4f: {  	p0 =	sne.s32 s19, $0x1;
	s19 =	sadd.s32 $0xFFFFFFFF, s19;
	[sflag:s3] =	ssyncadd.s32 $0xFFFF8000  }
0x50: {  	[tilespmem:s2], [sflag:$0x2] =	stream.linear.gather [hbm4b:s4+s2], $0x80, $0x38;
	[tilespmem:$0x8080] =	vst v63  }
0x51: {  	_ =	swait.ge [sflag:s3], $0x80  }
0x52: {  	[sflag:s3] =	ssyncset.done $0x0  }
0x53: {  	[sflag:s3] =	ssyncadd.s32 $0xFFFFFF80  }
0x54: {  	[tilespmem:s6], [sflag:$0x1] =	stream.indirect.gather [hbm4b:s5+s6], $0x100, s2, s6, $0xb8;
	[tilespmem:$0x8080] =	vst v63  }
0x55: {  	_ =	swait.ge [sflag:s7], $0x8000  }
0x56: {  	[sflag:s7] =	ssyncset.done $0x0  }
0x57: {  	[sflag:s7] =	ssyncadd.s32 $0xFFFF8000  }
0x58: {  	[hbm4b:s8+s2] =	stream.linear.scatter [tilespmem:s6], [sflag:$0x2], $0x8000, $0x38;
	[tilespmem:$0x8080] =	vst v63  }
0x59: {  	_ =	swait.ge [sflag:s3], $0x8000  }
0x5a: {  	[sflag:s3] =	ssyncset.done $0x0  }
0x5b: {  	[sflag:s3] =	ssyncadd.s32 $0xFFFF8000  }
0x5c: {  	[tilespmem:s2], [sflag:$0x2] =	stream.linear.gather [hbm4b:s9+s2], $0x80, $0x38;
	[tilespmem:$0x8080] =	vst v63  }
0x5d: {  	_ =	swait.ge [sflag:s3], $0x80  }
0x5e: {  	[sflag:s3] =	ssyncset.done $0x0  }
0x5f: {  	[sflag:s3] =	ssyncadd.s32 $0xFFFFFF80  }
0x60: {  	[tilespmem:s6], [sflag:$0x1] =	stream.indirect.gather [hbm4b:s5+s6], $0x100, s2, s6, $0xb8;
	[tilespmem:$0x8080] =	vst v63  }
0x61: {  	_ =	swait.ge [sflag:s7], $0x8000  }
0x62: {  	[sflag:s7] =	ssyncset.done $0x0  }
0x63: {  	[sflag:s7] =	ssyncadd.s32 $0xFFFF8000  }
0x64: {  	[hbm4b:s10+s2] =	stream.linear.scatter [tilespmem:s6], [sflag:$0x2], $0x8000, $0x38;
	[tilespmem:$0x8080] =	vst v63  }
0x65: {  	_ =	swait.ge [sflag:s3], $0x8000  }
0x66: {  	[sflag:s3] =	ssyncset.done $0x0  }
0x67: {  	[sflag:s3] =	ssyncadd.s32 $0xFFFF8000  }
0x68: {  	[tilespmem:s2], [sflag:$0x2] =	stream.linear.gather [hbm4b:s11+s2], $0x80, $0x38;
	[tilespmem:$0x8080] =	vst v63  }
0x69: {  	_ =	swait.ge [sflag:s3], $0x80  }
0x6a: {  	[sflag:s3] =	ssyncset.done $0x0  }
0x6b: {  	[sflag:s3] =	ssyncadd.s32 $0xFFFFFF80  }
0x6c: {  	[tilespmem:s6], [sflag:$0x1] =	stream.indirect.gather [hbm4b:s5+s6], $0x100, s2, s6, $0xb8;
	[tilespmem:$0x8080] =	vst v63  }
0x6d: {  	_ =	swait.ge [sflag:s7], $0x8000  }
0x6e: {  	[sflag:s7] =	ssyncset.done $0x0  }
0x6f: {  	[sflag:s7] =	ssyncadd.s32 $0xFFFF8000  }
0x70: {  	[hbm4b:s12+s2] =	stream.linear.scatter [tilespmem:s6], [sflag:$0x2], $0x8000, $0x38;
	[tilespmem:$0x8080] =	vst v63  }
0x71: {  	_ =	swait.ge [sflag:s3], $0x8000  }
0x72: {  	[sflag:s3] =	ssyncset.done $0x0  }
0x73: {  	[sflag:s3] =	ssyncadd.s32 $0xFFFF8000  }
0x74: {  	[tilespmem:s2], [sflag:$0x2] =	stream.linear.gather [hbm4b:s13+s2], $0x80, $0x38;
	[tilespmem:$0x8080] =	vst v63  }
0x75: {  	_ =	swait.ge [sflag:s3], $0x80  }
0x76: {  	[sflag:s3] =	ssyncset.done $0x0  }
0x77: {  	[sflag:s3] =	ssyncadd.s32 $0xFFFFFF80  }
0x78: {  	[tilespmem:s6], [sflag:$0x1] =	stream.indirect.gather [hbm4b:s5+s6], $0x100, s2, s6, $0xb8;
	[tilespmem:$0x8080] =	vst v63  }
0x79: {  	_ =	swait.ge [sflag:s7], $0x8000  }
0x7a: {  	[sflag:s7] =	ssyncset.done $0x0  }
0x7b: {  	[sflag:s7] =	ssyncadd.s32 $0xFFFF8000  }
0x7c: {  	[hbm4b:s14+s2] =	stream.linear.scatter [tilespmem:s6], [sflag:$0x2], $0x8000, $0x38;
	[tilespmem:$0x8080] =	vst v63  }
0x7d: {  	_ =	swait.ge [sflag:s3], $0x8000  }
0x7e: {  	[sflag:s3] =	ssyncset.done $0x0  }
0x7f: {  	[sflag:s3] =	ssyncadd.s32 $0xFFFF8000  }
0x80: {  	[tilespmem:s2], [sflag:$0x2] =	stream.linear.gather [hbm4b:s15+s2], $0x80, $0x38;
	[tilespmem:$0x8080] =	vst v63  }
0x81: {  	_ =	swait.ge [sflag:s3], $0x80  }
0x82: {  	[sflag:s3] =	ssyncset.done $0x0  }
0x83: {  	[sflag:s3] =	ssyncadd.s32 $0xFFFFFF80  }
0x84: {  	[tilespmem:s6], [sflag:$0x1] =	stream.indirect.gather [hbm4b:s5+s6], $0x100, s2, s6, $0xb8;
	[tilespmem:$0x8080] =	vst v63  }
0x85: {  	_ =	swait.ge [sflag:s7], $0x8000  }
0x86: {  	[sflag:s7] =	ssyncset.done $0x0  }
0x87: {  	[sflag:s7] =	ssyncadd.s32 $0xFFFF8000  }
0x88: {  	[hbm4b:s16+s2] =	stream.linear.scatter [tilespmem:s6], [sflag:$0x2], $0x8000, $0x38;
	[tilespmem:$0x8080] =	vst v63  }
0x89: {  	_ =	swait.ge [sflag:s3], $0x8000  }
0x8a: {  	[sflag:s3] =	ssyncset.done $0x0  }
0x8b: {  	[sflag:s3] =	ssyncadd.s32 $0xFFFF8000  }
0x8c: {  	[tilespmem:s2], [sflag:$0x2] =	stream.linear.gather [hbm4b:s17+s2], $0x80, $0x38;
	[tilespmem:$0x8080] =	vst v63  }
0x8d: {  	_ =	swait.ge [sflag:s3], $0x80  }
0x8e: {  	[sflag:s3] =	ssyncset.done $0x0  }
0x8f: {  	[sflag:s3] =	ssyncadd.s32 $0xFFFFFF80  }
0x90: {  	[tilespmem:s6], [sflag:$0x1] =	stream.indirect.gather [hbm4b:s5+s6], $0x100, s2, s6, $0xb8;
	[tilespmem:$0x8080] =	vst v63  }
0x91: {  	_ =	swait.ge [sflag:s7], $0x8000  }
.Ltmp1:
0x92: {  	[sflag:s7] =	ssyncset.done $0x0;
	(pc) =	sbr.rel @p0 .LBB2_1-.Ltmp1, $4  }
0x93: {  	[sflag:s7] =	ssyncadd.s32 $0xFFFF8000  }
0x94: {  	[hbm4b:s18+s2] =	stream.linear.scatter [tilespmem:s6], [sflag:$0x2], $0x8000, $0x38;
	[tilespmem:$0x8080] =	vst v63  }
0x95: {  	_ =	swait.ge [sflag:s3], $0x8000  }
0x96: {  	[sflag:s3] =	ssyncset.done $0x0  }
.LBB2_2:
0x97: {  	[sflag:s3] =	ssyncadd.s32 $0xFFFF8000  }
0x98: {  	_ =	sfence.sel $0x180000  }
0x99: {  	[bflag:$0x0] =	sbarrier.arrive $0xFFFF  }
0x9a: {  	p0 =	sne.s32 s0, $0x0;
	_ =	strace $0x9000006E  }
0x9b: {  	s0 =	sadd.s32 @!p0 $0x100000, s1;
	[bflag:$0x2] =	sbarrier.arrive $0xFFFF  }
0x9c: {  	[sflag:s0] =	ssyncadd.tile.s32 @!p0 $0x1;
	_ =	shalt  }
.Lfunc_end2:
_tile_overlayer_lowered:
.L_overlay_start_2:
0x9d: {  	(tag) =	ssettag $0x2  }
0x9e: {  	s0 =	rddreg [dreg:$0x0];
	s2 =	stileid.u32  }
0x9f: {  	s1 =	rddreg [dreg:$0x1];
	p0 =	sne.s32 s2, $0x0  }
0xa0: {  	s3 =	rddreg [dreg:$0x2];
	[bflag:$0x3] =	sbarrier.arrive $0xFFFF;
	s2 =	simm.s32 @!p0 $0x1C02  }
0xa1: {  	[timem:s3], [sflag:s2] =	dma.local @!p0 [hbm:s0], s1  }
0xa2: {  	s0 =	simm.s32 @!p0 $0x2  }
0xa3: {  	_ =	swait.ge @!p0 [sflag:s0], s1  }
0xa4: {  	s1 =	ssub.s32 @!p0 $0x0, s1;
	[sflag:s0] =	ssyncset.done @!p0 $0x0  }
0xa5: {  	[sflag:s0] =	ssyncadd.s32 @!p0 s1  }
0xa6: {  	[bflag:$0x3] =	sbarrier.arrive $0xFFFF  }
0xa7: {  	_ =	shalt  }

// kernel: kernel.60.cloned.1.call-start
scs
__scs_entry_jumppad:
0x0: {  	(pc) =	sbr.rel $0x88, $3  }
0x1: {  	(tag) =	ssettag $0x0;
	lr =	simm.s32 $0x1  }
0x2: {  	[smem:$0x3F52] =	sst lr;
	_ =	strace $0xD0000000  }
0x3: {  	_ = 	snop  }
0x4: {  	_ = 	snop  }
0x5: {  	_ = 	snop  }
0x6: {  	_ = 	snop  }
0x7: {  	_ = 	snop  }
__scs_overlays_trampoline_lowered:
0x8: {  	[smem:$0x3F61] =	sst s0  }
0x9: {  	[smem:$0x3F62] =	sst s1  }
0xa: {  	[smem:$0x3F63] =	sst s2  }
0xb: {  	[smem:$0x3F64] =	sst s3  }
0xc: {  	[smem:$0x3F65] =	sst s4  }
0xd: {  	[smem:$0x3F66] =	sst s5  }
0xe: {  	[smem:$0x3F67] =	sst s6  }
0xf: {  	[smem:$0x3F68] =	sst s7  }
0x10: {  	[smem:$0x3F69] =	sst s8  }
0x11: {  	[smem:$0x3F6A] =	sst s9;
	s0 =	simm.s32 @!p0 $0x0  }
0x12: {  	s1 =	sld [smem:$0x3F50];
	s0 =	simm.s32 @p0 $0x1  }
0x13: {  	[smem:$0x3F6B] =	sst s0;
	s0 =	simm.s32 @!p1 $0x0  }
0x14: {  	s2 =	sld [smem:$0x3F4F];
	s0 =	simm.s32 @p1 $0x1  }
0x15: {  	[smem:$0x3F6C] =	sst s0;
	s0 =	simm.s32 @!p2 $0x0  }
0x16: {  	s3 =	sld [smem:$0x3FDB];
	s0 =	simm.s32 @p2 $0x1  }
0x17: {  	s4 =	simm.s32 $0x1BF5;
	[smem:$0x3F6E] =	sst s0  }
0x18: {  	s0 =	sld [smem:$0x3F51];
	_ =	swait.ge [sflag:s4], $0x0  }
0x19: {  	s7 =	sld [smem:$0x3F52]  }
0x1a: {  	s8 =	sadd.s32 $0xFFFFE003, lr  }
0x1b: {  	s9 =	sadd.s32 $0xFFFFFEF7, lr;
	s5 =	simm.s32 $0xFFFFFFFF;
	p2 =	slt.u32 s8, $0xFFFFF086  }
0x1c: {  	p1 =	slt.u32 s9, $0xF7A;
	s5 =	simm.s32 @!p2 $0x0  }
0x1d: {  	s5 =	simm.s32 @p1 $0x1;
	p0 =	seq.s32 s7, s2  }
0x1e: {  	s7 =	smul.u32 @!p0 $0xF7A, s2;
	p2 =	seq.s32 @!p0 s5, $0x0  }
0x1f: {  	s9 =	smul.u32 $0xF7A, s1;
	s8 =	simm.s32 @!p0 $0x1BF5;
	p2 =	por !p2, p0  }
0x20: {  	[sflag:s8] =	ssyncset.s32 @!p0 $0xFFFFF086;
	s6 =	sadd.s32 @!p0 s3, s7;
	s7 =	simm.s32 @!p0 $0x108  }
0x21: {  	s3 =	sadd.s32 s3, s9;
	s6 =	sadd.s32 @!p0 $0x88, s6;
	s7 =	simm.s32 @p2 $0x1082  }
0x22: {  	[simem:s7], [sflag:s8] =	dma.local @!p0 [hbm:s6], $0xF7A  }
0x23: {  	s9 =	sor.u32 $0xD0000000, s2;
	s6 =	simm.s32 $0x108;
	_ =	swait.ge @!p0 [sflag:s8], $0x0  }
0x24: {  	s3 =	sadd.s32 $0x88, s3;
	s6 =	simm.s32 @!p1 $0x1082;
	[sflag:s4] =	ssyncset.s32 $0xFFFFF086  }
0x25: {  	[simem:s6], [sflag:s4] =	dma.local [hbm:s3], $0xF7A  }
0x26: {  	[smem:$0x3F52] =	sst s1;
	(tag) =	ssettag s2;
	_ =	strace s9  }
0x27: {  	s1 =	sld [smem:$0x3F62]  }
0x28: {  	s2 =	sld [smem:$0x3F63]  }
0x29: {  	s4 =	sld [smem:$0x3F65]  }
0x2a: {  	p0 =	seq.s32 s5, $0x0;
	s5 =	sld [smem:$0x3F66]  }
0x2b: {  	s6 =	sld [smem:$0x3F67]  }
0x2c: {  	s7 =	sld [smem:$0x3F68]  }
0x2d: {  	s3 =	simm.s32 $0x108;
	s8 =	sld [smem:$0x3F69]  }
0x2e: {  	s3 =	simm.s32 @!p0 $0x1082;
	s9 =	sld [smem:$0x3F6A]  }
0x2f: {  	lr =	sadd.s32 s0, s3;
	s0 =	sld [smem:$0x3F61]  }
0x30: {  	s3 =	sld [smem:$0x3F64]  }
0x31: {  	[smem:$0x3F6D] =	sst s10  }
0x32: {  	s10 =	sld [smem:$0x3F6B];
	_ =	sdelay $0x3  }
0x33: {  	p0 =	seq.s32 s10, $0x1;
	s10 =	sld [smem:$0x3F6D];
	_ =	sdelay $0x3  }
0x34: {  	[smem:$0x3F6D] =	sst s10  }
0x35: {  	s10 =	sld [smem:$0x3F6C];
	_ =	sdelay $0x3  }
0x36: {  	p1 =	seq.s32 s10, $0x1;
	s10 =	sld [smem:$0x3F6D];
	_ =	sdelay $0x3  }
0x37: {  	[smem:$0x3F6D] =	sst s10  }
0x38: {  	s10 =	sld [smem:$0x3F6E]  }
0x39: {  	_ = 	snop;
	(pc) =	sbr.ind lr, $3  }
0x3a: {  	_ = 	snop  }
0x3b: {  	_ = 	snop  }
0x3c: {  	p2 =	seq.s32 s10, $0x1;
	s10 =	sld [smem:$0x3F6D]  }
0x3d: {  	_ =	shalt  }
0x3e: {  	_ =	shalt  }
0x3f: {  	_ =	shalt  }
0x40: {  	_ =	shalt  }
0x41: {  	_ =	shalt  }
0x42: {  	_ =	shalt  }
0x43: {  	_ =	shalt  }
0x44: {  	_ =	shalt  }
0x45: {  	_ =	shalt  }
0x46: {  	_ =	shalt  }
0x47: {  	_ =	shalt  }
0x48: {  	_ =	shalt  }
0x49: {  	_ =	shalt  }
0x4a: {  	_ =	shalt  }
0x4b: {  	_ =	shalt  }
0x4c: {  	_ =	shalt  }
0x4d: {  	_ =	shalt  }
0x4e: {  	_ =	shalt  }
0x4f: {  	_ =	shalt  }
0x50: {  	_ =	shalt  }
0x51: {  	_ =	shalt  }
0x52: {  	_ =	shalt  }
0x53: {  	_ =	shalt  }
0x54: {  	_ =	shalt  }
0x55: {  	_ =	shalt  }
0x56: {  	_ =	shalt  }
0x57: {  	_ =	shalt  }
0x58: {  	_ =	shalt  }
0x59: {  	_ =	shalt  }
0x5a: {  	_ =	shalt  }
0x5b: {  	_ =	shalt  }
0x5c: {  	_ =	shalt  }
0x5d: {  	_ =	shalt  }
0x5e: {  	_ =	shalt  }
0x5f: {  	_ =	shalt  }
0x60: {  	_ =	shalt  }
0x61: {  	_ =	shalt  }
0x62: {  	_ =	shalt  }
0x63: {  	_ =	shalt  }
0x64: {  	_ =	shalt  }
0x65: {  	_ =	shalt  }
0x66: {  	_ =	shalt  }
0x67: {  	_ =	shalt  }
0x68: {  	_ =	shalt  }
0x69: {  	_ =	shalt  }
0x6a: {  	_ =	shalt  }
0x6b: {  	_ =	shalt  }
0x6c: {  	_ =	shalt  }
0x6d: {  	_ =	shalt  }
0x6e: {  	_ =	shalt  }
0x6f: {  	_ =	shalt  }
0x70: {  	_ =	shalt  }
0x71: {  	_ =	shalt  }
0x72: {  	_ =	shalt  }
0x73: {  	_ =	shalt  }
0x74: {  	_ =	shalt  }
0x75: {  	_ =	shalt  }
0x76: {  	_ =	shalt  }
0x77: {  	_ =	shalt  }
0x78: {  	_ =	shalt  }
0x79: {  	_ =	shalt  }
0x7a: {  	_ =	shalt  }
0x7b: {  	_ =	shalt  }
0x7c: {  	_ =	shalt  }
0x7d: {  	_ =	shalt  }
0x7e: {  	_ =	shalt  }
0x7f: {  	_ =	shalt  }
0x80: {  	_ =	shalt  }
0x81: {  	_ =	shalt  }
0x82: {  	_ =	shalt  }
0x83: {  	_ =	shalt  }
0x84: {  	_ =	shalt  }
0x85: {  	_ =	shalt  }
0x86: {  	_ =	shalt  }
0x87: {  	_ =	shalt  }
.Lfunc_end0:
.L_simem_size_0:
called_computation.14_lowered:
.L_overlay_start_0:
0x88: {  	s2 =	sld [smem:$0x3FD9]  }
0x89: {  	s3 =	sld [smem:$0x3FFE];
	_ =	sdelay $0x1  }
0x8a: {  	s1 =	srdreg.scid  }
0x8b: {  	s0 =	sand.u32 $0x1, s1  }
0x8c: {  	s17 =	sshll.u32 s0, $0xA;
	s2 =	sadd.s32 s3, s2  }
0x8d: {  	s2 =	sadd.s32 s2, s17  }
0x8e: {  	[smem:$0x3F79] =	sst s2  }
0x8f: {  	_ = 	snop  }
0x90: {  	s2 =	sld [smem:$0x3FD0];
	(tm) =	ssettm $0x1  }
0x91: {  	s18 =	sld [smem:$0x3FFB];
	_ =	sdelay $0x3  }
0x92: {  	_ =	strace s18  }
0x93: {  	s3 =	sld [smem:$0x3FFC];
	_ =	sdelay $0x3  }
0x94: {  	_ =	strace s3  }
0x95: {  	s3 =	sld [smem:$0x3FFD];
	_ =	sdelay $0x3  }
0x96: {  	_ =	strace s3  }
0x97: {  	_ =	strace $0x8FFFFFFF  }
0x98: {  	s19 =	sld [smem:$0x3FDB];
	_ =	sdelay $0x1  }
0x99: {  	s4 =	simm.s32 $_scs_section_size  }
0x9a: {  	s5 =	simm.s32 $_size__tile_overlayer_lowered;
	s6 =	simm.s32 $_tile_overlayer_lowered  }
0x9b: {  	s22 =	simm.s32 $0x1BFF;
	s21 =	sshll.u32 s6, $0x1;
	s3 =	sadd.s32 s4, s19  }
0x9c: {  	s7 =	simm.s32 $0x0;
	s20 =	sshll.u32 s5, $0x1;
	s5 =	sadd.s32 s21, s3  }
0x9d: {  	[timem:s7], [sflag:s22] =	dma.local [hbm:s5], s20  }
0x9e: {  	_ =	swait.ge [sflag:s22], s20  }
0x9f: {  	s4 =	ssub.s32 $0x0, s20;
	[sflag:s22] =	ssyncset.done $0x0  }
0xa0: {  	[sflag:s22] =	ssyncadd.s32 s4;
	_ =	sdelay $0x1  }
0xa1: {  	s23 =	simm.s32 $0x1B8B  }
0xa2: {  	_ =	swait.ge [sflag:s23], $0x1  }
0xa3: {  	[sflag:s23] =	ssyncset.done $0x0  }
0xa4: {  	s25 =	simm.s32 $0x1B8E;
	s24 =	sld [smem:$0x3FFE];
	[sflag:s23] =	ssyncadd.s32 $0xFFFFFFFF  }
0xa5: {  	s26 =	simm.s32 $execute0_lowered;
	[smem:$0x3FD2] =	sst s25  }
0xa6: {  	s5 =	sshll.u32 s26, $0x1;
	_ =	strace $0x80000070;
	[dreg:$0x1] =	wrdreg $0xFFFFFFFF  }
0xa7: {  	s28 =	simm.s32 $_size_execute0_lowered;
	s3 =	sadd.s32 s3, s5;
	[dreg:$0x0] =	wrdreg $0x0  }
0xa8: {  	s5 =	sshll.u32 s28, $0x1;
	[dreg:$0x2] =	wrdreg s3  }
0xa9: {  	[dreg:$0x3] =	wrdreg s5  }
0xaa: {  	[dreg:$0x4] =	wrdreg $0xC0  }
0xab: {  	_ =	task [dreg:s7], $0x5FFFF  }
0xac: {  	[dreg:$0x1] =	wrdreg $0xFFFFFFFF  }
0xad: {  	[dreg:$0x0] =	wrdreg $0x60  }
0xae: {  	[dreg:$0x2] =	wrdreg s24  }
0xaf: {  	[dreg:$0x3] =	wrdreg s2  }
0xb0: {  	[dreg:$0x4] =	wrdreg $0x9  }
0xb1: {  	_ =	task.clear_ibuf [dreg:s7], $0x5FFFF;
	_ =	strace $0x90000070  }
0xb2: {  	s29 =	simm.s32 $0x9;
	_ =	strace $0x80000072  }
0xb3: {  	_ =	swait.ge [sflag:s29], $0x1  }
0xb4: {  	[sflag:s29] =	ssyncadd.s32 $0xFFFFFFFF  }
0xb5: {  	_ =	strace $0x90000072  }
0xb6: {  	_ =	sfence  }
0xb7: {  	s30 =	sld [smem:$0x0];
	_ =	sdelay $0x2  }
0xb8: {  	s31 =	sshll.u32 s1, $0xD;
	s1 =	sshrl.u32 s1, $0x2  }
0xb9: {  	s3 =	sand.u32 $0x4000, s31;
	s1 =	sadd.s32 s1, s30  }
0xba: {  	s0 =	sor.u32 s3, s0;
	s1 =	sshll.u32 s1, $0x11  }
0xbb: {  	s0 =	sor.u32 s1, s0  }
0xbc: {  	s0 =	sadd.s32 $0x8F2B, s0  }
0xbd: {  	[sflag:s0] =	ssyncadd.remote.s32 $0x1  }
0xbe: {  	_ =	sfence.sel $0xFFFF  }
0xbf: {  	[dreg:$0x0] =	wrdreg $0xFFFFFFFF;
	(pc) =	sbr.abs _section_cstart, $3  }
0xc0: {  	[dreg:$0x1] =	wrdreg $0xFFFFFFFF  }
0xc1: {  	_ =	task.clear_ibuf [dreg:s7], $0x2FFFF;
	_ =	strace $0x9FFFFFFF  }
0xc2: {  	(tm) =	ssettm $0x7FFFFFFF  }
0xc3: {  	_ =	shalt  }
tec
execute0_lowered:
.L_overlay_start_1:
0x0: {  	(tag) =	ssettag $0x1  }
0x1: {  	s2 =	rddreg [dreg:$0x0]  }
0x2: {  	s6 =	rddreg [dreg:$0x1]  }
0x3: {  	s0 =	rddreg [dreg:$0x2];
	s1 =	stileid.u32  }
0x4: {  	s5 =	srdreg.scid;
	s4 =	smul.u32 $0x18000, s1  }
0x5: {  	s3 =	simm.s32 $0x0;
	s5 =	sand.u32 $0x1, s5;
	s7 =	smul.u32 $0x1800, s1  }
0x6: {  	[smem:$0x7FF] =	sst s3;
	s8 =	ssub.s32 $0x2, s5;
	s9 =	smul.u32 $0xC00, s5  }
0x7: {  	_ =	strace $0x80000071;
	s5 =	smul.u32 $0xC000, s5;
	s10 =	sshrl.u32 s8, $0x1  }
0x8: {  	s11 =	sadd.s32 s4, s2;
	s31 =	ssub.s32 s8, s10;
	s7 =	sadd.s32 s9, s7  }
0x9: {  	s5 =	sadd.s32 s5, s11;
	s8 =	simm.s32 $0x80;
	s9 =	simm.s32 $0x1  }
0xa: {  	s10 =	simm.s32 $0x0;
	s4 =	smax.u32 s31, $0x1;
	s7 =	sshrl.u32 s7, $0x3  }
0xb: {  	s5 =	sadd.s32 $0x20000, s5;
	s6 =	sadd.s32 s7, s6;
	s7 =	simm.s32 $0x2  }
.LBB2_1:
0xc: {  	s11 =	sadd.s32 $0x0, s6  }
0xd: {  	[tilespmem:s3], [sflag:$0x2] =	stream.linear.gather [hbm4b:s11+s3], $0x80, $0x38;
	[tilespmem:$0x4080] =	vst v63  }
0xe: {  	_ =	swait.ge [sflag:s7], $0x80  }
0xf: {  	[sflag:s7] =	ssyncset.done $0x0  }
0x10: {  	[sflag:s7] =	ssyncadd.s32 $0xFFFFFF80  }
0x11: {  	[tilespmem:s8], [sflag:$0x1] =	stream.indirect.gather [hbm4b:s2+s8], $0x80, s3, s8, $0xb8;
	[tilespmem:$0x4080] =	vst v63  }
0x12: {  	_ =	swait.ge [sflag:s9], $0x4000  }
0x13: {  	[sflag:s9] =	ssyncset.done $0x0  }
0x14: {  	[sflag:s9] =	ssyncadd.s32 $0xFFFFC000  }
0x15: {  	[hbm4b:s5+s3] =	stream.linear.scatter [tilespmem:s8], [sflag:$0x2], $0x4000, $0x38;
	[tilespmem:$0x4080] =	vst v63  }
0x16: {  	s12 =	simm.s32 $0x10;
	_ =	swait.ge [sflag:s7], $0x4000  }
0x17: {  	s13 =	simm.s32 $0x20;
	s11 =	sadd.s32 $0x800, s5;
	[sflag:s7] =	ssyncset.done $0x0  }
.LBB2_2:
0x18: {  	s14 =	sadd.s32 s12, s6  }
0x19: {  	[sflag:s7] =	ssyncadd.s32 $0xFFFFC000;
	s12 =	smov.u32 s13;
	s15 =	sadd.s32 $0x10, s13  }
0x1a: {  	[tilespmem:s3], [sflag:$0x2] =	stream.linear.gather [hbm4b:s14+s3], $0x80, $0x38;
	[tilespmem:$0x4080] =	vst v63  }
0x1b: {  	p0 =	sne.s32 s13, $0x170;
	_ =	swait.ge [sflag:s7], $0x80  }
0x1c: {  	[sflag:s7] =	ssyncset.done $0x0  }
0x1d: {  	[sflag:s7] =	ssyncadd.s32 $0xFFFFFF80  }
0x1e: {  	[tilespmem:s8], [sflag:$0x1] =	stream.indirect.gather [hbm4b:s2+s8], $0x80, s3, s8, $0xb8;
	[tilespmem:$0x4080] =	vst v63  }
0x1f: {  	_ =	swait.ge [sflag:s9], $0x4000  }
.Ltmp0:
0x20: {  	[sflag:s9] =	ssyncset.done $0x0;
	(pc) =	sbr.rel @p0 .LBB2_2-.Ltmp0, $4  }
0x21: {  	[sflag:s9] =	ssyncadd.s32 $0xFFFFC000  }
0x22: {  	[hbm4b:s11+s3] =	stream.linear.scatter [tilespmem:s8], [sflag:$0x2], $0x4000, $0x38;
	[tilespmem:$0x4080] =	vst v63  }
0x23: {  	_ =	swait.ge [sflag:s7], $0x4000  }
0x24: {  	s13 =	smov.u32 s15;
	s11 =	sadd.s32 $0x800, s11;
	[sflag:s7] =	ssyncset.done $0x0  }
0x25: {  	s12 =	sadd.s32 s12, s6;
	[sflag:s7] =	ssyncadd.s32 $0xFFFFC000  }
0x26: {  	[tilespmem:s3], [sflag:$0x2] =	stream.linear.gather [hbm4b:s12+s3], $0x80, $0x38;
	[tilespmem:$0x4080] =	vst v63  }
0x27: {  	_ =	swait.ge [sflag:s7], $0x80  }
0x28: {  	[sflag:s7] =	ssyncset.done $0x0  }
0x29: {  	[sflag:s7] =	ssyncadd.s32 $0xFFFFFF80  }
0x2a: {  	[tilespmem:s8], [sflag:$0x1] =	stream.indirect.gather [hbm4b:s2+s8], $0x80, s3, s8, $0xb8;
	[tilespmem:$0x4080] =	vst v63  }
0x2b: {  	s10 =	sadd.s32 $0x1, s10;
	_ =	swait.ge [sflag:s9], $0x4000  }
0x2c: {  	p0 =	sne.s32 s10, s4;
	[sflag:s9] =	ssyncset.done $0x0  }
.Ltmp1:
0x2d: {  	[sflag:s9] =	ssyncadd.s32 $0xFFFFC000;
	(pc) =	sbr.rel @p0 .LBB2_1-.Ltmp1, $4  }
0x2e: {  	[hbm4b:s11+s3] =	stream.linear.scatter [tilespmem:s8], [sflag:$0x2], $0x4000, $0x38;
	[tilespmem:$0x4080] =	vst v63  }
0x2f: {  	_ =	swait.ge [sflag:s7], $0x4000  }
0x30: {  	[sflag:s7] =	ssyncset.done $0x0  }
0x31: {  	[sflag:s7] =	ssyncadd.s32 $0xFFFFC000  }
0x32: {  	_ =	sfence.sel $0x180000  }
0x33: {  	[bflag:$0x0] =	sbarrier.arrive $0xFFFF  }
0x34: {  	p0 =	sne.s32 s1, $0x0;
	_ =	strace $0x90000071  }
0x35: {  	s0 =	sadd.s32 @!p0 $0x100000, s0;
	[bflag:$0x2] =	sbarrier.arrive $0xFFFF  }
0x36: {  	[sflag:s0] =	ssyncadd.tile.s32 @!p0 $0x1;
	_ =	shalt  }
.Lfunc_end2:
_tile_overlayer_lowered:
.L_overlay_start_2:
0x37: {  	(tag) =	ssettag $0x2  }
0x38: {  	s0 =	rddreg [dreg:$0x0];
	s2 =	stileid.u32  }
0x39: {  	s1 =	rddreg [dreg:$0x1];
	p0 =	sne.s32 s2, $0x0  }
0x3a: {  	s3 =	rddreg [dreg:$0x2];
	[bflag:$0x3] =	sbarrier.arrive $0xFFFF;
	s2 =	simm.s32 @!p0 $0x1C02  }
0x3b: {  	[timem:s3], [sflag:s2] =	dma.local @!p0 [hbm:s0], s1  }
0x3c: {  	s0 =	simm.s32 @!p0 $0x2  }
0x3d: {  	_ =	swait.ge @!p0 [sflag:s0], s1  }
0x3e: {  	s1 =	ssub.s32 @!p0 $0x0, s1;
	[sflag:s0] =	ssyncset.done @!p0 $0x0  }
0x3f: {  	[sflag:s0] =	ssyncadd.s32 @!p0 s1  }
0x40: {  	[bflag:$0x3] =	sbarrier.arrive $0xFFFF  }
0x41: {  	_ =	shalt  }

// kernel: sparse-core-data-format-call.cloned.1.call-start
scs
called_computation_lowered:
.L_overlay_start_0:
0x0: {  	s1 =	sld [smem:$0x3FD9]  }
0x1: {  	s2 =	sld [smem:$0x3FFE];
	_ =	sdelay $0x1  }
0x2: {  	s3 =	srdreg.scid  }
0x3: {  	s0 =	sand.u32 $0x1, s3  }
0x4: {  	s17 =	sshll.u32 s0, $0xA;
	s1 =	sadd.s32 s2, s1  }
0x5: {  	s1 =	sadd.s32 s1, s17  }
0x6: {  	[smem:$0x3F79] =	sst s1  }
0x7: {  	_ = 	snop  }
0x8: {  	(tm) =	ssettm $0x1  }
0x9: {  	s18 =	sld [smem:$0x3FFB];
	_ =	sdelay $0x3  }
0xa: {  	_ =	strace s18  }
0xb: {  	s1 =	sld [smem:$0x3FFC];
	_ =	sdelay $0x3  }
0xc: {  	_ =	strace s1  }
0xd: {  	s1 =	sld [smem:$0x3FFD];
	_ =	sdelay $0x3  }
0xe: {  	_ =	strace s1  }
0xf: {  	_ =	strace $0x8FFFFFFF  }
0x10: {  	s19 =	sld [smem:$0x3FDB];
	_ =	sdelay $0x1  }
0x11: {  	s20 =	simm.s32 $_scs_section_size  }
0x12: {  	s4 =	simm.s32 $_size__tile_overlayer_lowered;
	s5 =	simm.s32 $_tile_overlayer_lowered  }
0x13: {  	s23 =	simm.s32 $0x1BFF;
	s22 =	sshll.u32 s5, $0x1;
	s1 =	sadd.s32 s20, s19  }
0x14: {  	s6 =	simm.s32 $0x0;
	s21 =	sshll.u32 s4, $0x1;
	s4 =	sadd.s32 s22, s1  }
0x15: {  	[timem:s6], [sflag:s23] =	dma.local [hbm:s4], s21  }
0x16: {  	_ =	swait.ge [sflag:s23], s21  }
0x17: {  	s2 =	ssub.s32 $0x0, s21;
	[sflag:s23] =	ssyncset.done $0x0  }
0x18: {  	[sflag:s23] =	ssyncadd.s32 s2;
	_ =	sdelay $0x1  }
0x19: {  	s24 =	simm.s32 $0x1B8B  }
0x1a: {  	_ =	swait.ge [sflag:s24], $0x1  }
0x1b: {  	[sflag:s24] =	ssyncset.done $0x0  }
0x1c: {  	s26 =	simm.s32 $0x1B8E;
	s25 =	sld [smem:$0x3FFE];
	[sflag:s24] =	ssyncadd.s32 $0xFFFFFFFF  }
0x1d: {  	s27 =	simm.s32 $execute0_lowered;
	[smem:$0x3FD2] =	sst s26  }
0x1e: {  	s4 =	sshll.u32 s27, $0x1;
	_ =	strace $0x80000049;
	[dreg:$0x1] =	wrdreg $0xFFFFFFFF  }
0x1f: {  	s28 =	simm.s32 $_size_execute0_lowered;
	s1 =	sadd.s32 s1, s4;
	[dreg:$0x0] =	wrdreg $0x0  }
0x20: {  	s4 =	sshll.u32 s28, $0x1;
	[dreg:$0x2] =	wrdreg s1  }
0x21: {  	[dreg:$0x3] =	wrdreg s4  }
0x22: {  	[dreg:$0x4] =	wrdreg $0xC0  }
0x23: {  	_ =	task [dreg:s6], $0x5FFFF  }
0x24: {  	[dreg:$0x1] =	wrdreg $0xFFFFFFFF  }
0x25: {  	[dreg:$0x0] =	wrdreg $0x60  }
0x26: {  	[dreg:$0x2] =	wrdreg s25  }
0x27: {  	[dreg:$0x3] =	wrdreg $0xA  }
0x28: {  	_ =	task.clear_ibuf [dreg:s6], $0x4FFFF;
	_ =	strace $0x90000049  }
0x29: {  	s29 =	simm.s32 $0xA;
	_ =	strace $0x8000004B  }
0x2a: {  	_ =	swait.ge [sflag:s29], $0x1  }
0x2b: {  	[sflag:s29] =	ssyncadd.s32 $0xFFFFFFFF  }
0x2c: {  	_ =	strace $0x9000004B  }
0x2d: {  	_ =	sfence  }
0x2e: {  	s30 =	sld [smem:$0x0];
	_ =	sdelay $0x2  }
0x2f: {  	s31 =	sshll.u32 s3, $0xD;
	s3 =	sshrl.u32 s3, $0x2  }
0x30: {  	s2 =	sand.u32 $0x4000, s31;
	s1 =	sadd.s32 s3, s30  }
0x31: {  	s0 =	sor.u32 s2, s0;
	s1 =	sshll.u32 s1, $0x11  }
0x32: {  	s0 =	sor.u32 s1, s0  }
0x33: {  	s0 =	sadd.s32 $0x8F2B, s0  }
0x34: {  	[sflag:s0] =	ssyncadd.remote.s32 $0x1  }
0x35: {  	_ =	sfence.sel $0xFFFF  }
0x36: {  	[dreg:$0x0] =	wrdreg $0xFFFFFFFF;
	(pc) =	sbr.abs _section_cstart, $3  }
0x37: {  	[dreg:$0x1] =	wrdreg $0xFFFFFFFF  }
0x38: {  	_ =	task.clear_ibuf [dreg:s6], $0x2FFFF;
	_ =	strace $0x9FFFFFFF  }
0x39: {  	(tm) =	ssettm $0x7FFFFFFF  }
tec
execute0_lowered:
.L_overlay_start_1:
0x0: {  	(tag) =	ssettag $0x1  }
0x1: {  	s1 =	rddreg [dreg:$0x0]  }
0x2: {  	s0 =	rddreg [dreg:$0x1]  }
0x3: {  	_ =	strace $0x8000004A;
	s4 =	srdreg.scid;
	s6 =	simm.s32 $0x2  }
0x4: {  	s11 =	simm.s32 $0x0;
	p0 =	por $0x0, $0x0;
	s7 =	simm.s32 $0x1000  }
.Ltmp0:
0x5: {  	s12 =	simm.s32 $0x0;
	s9 =	simm.s32 $0x0;
	(pc) =	sbr.rel .LBB1_1-.Ltmp0, $4  }
0x6: {  	s2 =	sadd.s32 $0xA0400, s1;
	s3 =	sadd.s32 $0x4A0400, s1;
	s5 =	sshll.u32 s4, $0x4  }
0x7: {  	s1 =	stileid.u32;
	s4 =	simm.s32 $0x1;
	s5 =	sand.u32 $0x10, s5  }
0x8: {  	s8 =	simm.s32 $0x0;
	[sflag:s4] =	ssyncpa.u1 $0x0;
	s5 =	sor.u32 s1, s5  }
0x9: {  	[sflag:s6] =	ssyncpa.u1 $0x0;
	s6 =	simm.s32 $0x800;
	s10 =	smov.u32 s5  }
.LBB1_7:
0xa: {  	s13 =	sadd.s32 $0x10, s9  }
0xb: {  	s11 =	sadd.s32 $0x20, s10;
	s15 =	smov.u32 s10;
	p2 =	sgt.s32 s13, $0x1F  }
0xc: {  	p1 =	slt.u32 s8, $0x2;
	s15 =	smov.u32 @p2 s11  }
0xd: {  	s8 =	sadd.s32 $0x1, s8;
	s13 =	simm.s32 @p2 $0x0;
	p2 =	sgt.s32 s15, $0x3FF  }
0xe: {  	s15 =	smov.u32 @p2 s5;
	p2 =	sne.s32 s8, $0x42  }
.Ltmp1:
0xf: {  	_ = 	snop;
	(pc) =	sbr.rel @!p2 .LBB1_8-.Ltmp1, $4  }
0x10: {  	s14 =	simm.s32 @!p1 $0x2  }
0x11: {  	s12 =	smov.u32 s10;
	_ =	swait.ge @!p1 [sflag:s14], $0x4000  }
0x12: {  	p0 =	por !p0, !p0;
	s11 =	smov.u32 s9;
	[sflag:s14] =	ssyncset.done @!p1 $0x0  }
0x13: {  	s9 =	smov.u32 s13;
	[sflag:s14] =	ssyncadd.s32 @!p1 $0xFFFFC000;
	s10 =	smov.u32 s15  }
.LBB1_1:
0x14: {  	p1 =	sgt.u32 s8, $0x3F  }
0x15: {  	s13 =	sxor.u32 @!p1 $0xFFFFFFFF, s8;
	s14 =	sshll.u32 @!p1 s10, $0xC  }
0x16: {  	s15 =	sshll.u32 @!p1 s9, $0x7;
	s13 =	sshll.u32 @!p1 s13, $0xE;
	s14 =	sadd.s32 @!p1 s2, s14  }
0x17: {  	s13 =	sand.u32 @!p1 $0x4000, s13;
	s14 =	sadd.s32 @!p1 s15, s14;
	s15 =	simm.s32 @!p1 $0x0  }
0x18: {  	[tilespmem:s13], [sflag:$0x1] =	stream.linear.gather @!p1 [hbm4b:s14+s15], $0x4000, $0x38;
	[tilespmem:$0x10000] =	vst v63  }
0x19: {  	p1 =	seq.s32 s8, $0x0  }
0x1a: {  	p2 =	seq.s32 @!p1 s8, $0x41  }
0x1b: {  	p1 =	por p1, p2  }
.Ltmp2:
0x1c: {  	_ = 	snop;
	(pc) =	sbr.rel @p1 .LBB1_7-.Ltmp2, $1  }
0x1d: {  	_ =	sdelay $0x3  }
0x1e: {  	s13 =	simm.s32 $0x1;
	_ =	swait.ge [sflag:s4], $0x4000;
	s16 =	sshll.u32 s8, $0xE  }
0x1f: {  	s13 =	simm.s32 @!p0 $0x0;
	[sflag:s4] =	ssyncset.done $0x0;
	s31 =	sand.u32 $0x4000, s16  }
0x20: {  	s16 =	simm.s32 $0x0;
	s14 =	sshll.u32 s13, $0xE;
	[sflag:s4] =	ssyncadd.s32 $0xFFFFC000  }
0x21: {  	s13 =	sor.u32 $0x8040, s14;
	s15 =	sor.u32 $0x40, s14;
	s14 =	sor.u32 $0x8000, s31  }
.LBB1_3:
0x22: {  	v0 =	vmov s15;
	_ =	sdelay $0x3  }
0x23: {  	s18 =	simm.s32 $0x0  }
0x24: {  	v6 =	vld.idx.msk [tilespmem:v0+s18+$0x30 ss:$0x1], $0xffff  }
0x25: {  	v7 =	vld.idx.msk [tilespmem:v0+s18+$0xFFFFFFC0 ss:$0x1], $0xffff  }
0x26: {  	v5 =	vld.idx.msk [tilespmem:v0+s18+$0xFFFFFFD0 ss:$0x1], $0xffff  }
0x27: {  	v4 =	vld.idx.msk [tilespmem:v0+s18+$0xFFFFFFE0 ss:$0x1], $0xffff  }
0x28: {  	v3 =	vld.idx.msk [tilespmem:v0+s18+$0xFFFFFFF0 ss:$0x1], $0xffff  }
0x29: {  	v1 =	vld.idx.msk [tilespmem:v0+s18+$0x0 ss:$0x1], $0xffff  }
0x2a: {  	v2 =	vld.idx.msk [tilespmem:v0+s18+$0x10 ss:$0x1], $0xffff;
	[tilespmem:s13+$0x30] =	vst v6  }
0x2b: {  	s17 =	simm.s32 $0x80;
	s19 =	simm.s32 $0x400;
	[tilespmem:s13+$0xFFFFFFC0] =	vst v7;
	v6 =	vld.idx.msk [tilespmem:v0+s18+$0x20 ss:$0x1], $0xffff;
	s18 =	smov.u32 s13  }
.LBB1_4:
0x2c: {  	p1 =	sne.s32 s19, $0xE00;
	v7 =	vld.idx.msk [tilespmem:v0+s17+$0x30 ss:$0x1], $0xffff;
	[tilespmem:s18+$0xFFFFFFD0] =	vst v5  }
0x2d: {  	v8 =	vld.idx.msk [tilespmem:v0+s17+$0xFFFFFFC0 ss:$0x1], $0xffff;
	[tilespmem:s18+$0xFFFFFFE0] =	vst v4  }
0x2e: {  	v5 =	vld.idx.msk [tilespmem:v0+s17+$0xFFFFFFD0 ss:$0x1], $0xffff;
	[tilespmem:s18+$0xFFFFFFF0] =	vst v3  }
.Ltmp3:
0x2f: {  	v4 =	vld.idx.msk [tilespmem:v0+s17+$0xFFFFFFE0 ss:$0x1], $0xffff;
	[tilespmem:s18+$0x0] =	vst v1;
	(pc) =	sbr.rel @p1 .LBB1_4-.Ltmp3, $4  }
0x30: {  	v3 =	vld.idx.msk [tilespmem:v0+s17+$0xFFFFFFF0 ss:$0x1], $0xffff;
	[tilespmem:s18+$0x10] =	vst v2  }
0x31: {  	v1 =	vld.idx.msk [tilespmem:v0+s17+$0x0 ss:$0x1], $0xffff;
	[tilespmem:s18+$0x20] =	vst v6;
	s18 =	sadd.s32 $0x800, s18  }
0x32: {  	v2 =	vld.idx.msk [tilespmem:v0+s17+$0x10 ss:$0x1], $0xffff;
	[tilespmem:s18+$0x30] =	vst v7  }
0x33: {  	[tilespmem:s18+$0xFFFFFFC0] =	vst v8;
	v6 =	vld.idx.msk [tilespmem:v0+s17+$0x20 ss:$0x1], $0xffff;
	s17 =	sshra.s32 s19, $0x2;
	s19 =	sadd.s32 $0x200, s19  }
0x34: {  	_ =	sdelay $0x2  }
0x35: {  	[tilespmem:s18+$0xFFFFFFD0] =	vst v5  }
0x36: {  	v56 =	vld.idx.msk [tilespmem:v0+s17+$0x30 ss:$0x1], $0xffff;
	[tilespmem:s18+$0xFFFFFFE0] =	vst v4  }
0x37: {  	v57 =	vld.idx.msk [tilespmem:v0+s17+$0xFFFFFFC0 ss:$0x1], $0xffff;
	[tilespmem:s18+$0xFFFFFFF0] =	vst v3  }
0x38: {  	v58 =	vld.idx.msk [tilespmem:v0+s17+$0xFFFFFFD0 ss:$0x1], $0xffff;
	[tilespmem:s18+$0x0] =	vst v1  }
0x39: {  	v59 =	vld.idx.msk [tilespmem:v0+s17+$0xFFFFFFE0 ss:$0x1], $0xffff;
	[tilespmem:s18+$0x10] =	vst v2  }
0x3a: {  	v60 =	vld.idx.msk [tilespmem:v0+s17+$0xFFFFFFF0 ss:$0x1], $0xffff;
	s31 =	sadd.s32 $0x800, s18;
	[tilespmem:s18+$0x20] =	vst v6  }
0x3b: {  	v61 =	vld.idx.msk [tilespmem:v0+s17+$0x0 ss:$0x1], $0xffff;
	[tilespmem:s31+$0x30] =	vst v56  }
0x3c: {  	v62 =	vld.idx.msk [tilespmem:v0+s17+$0x10 ss:$0x1], $0xffff;
	s16 =	sadd.s32 $0x1, s16;
	[tilespmem:s31+$0xFFFFFFC0] =	vst v57  }
0x3d: {  	v63 =	vld.idx.msk [tilespmem:v0+s17+$0x20 ss:$0x1], $0xffff;
	p1 =	sne.s32 s16, $0x10;
	[tilespmem:s31+$0xFFFFFFD0] =	vst v58  }
.Ltmp4:
0x3e: {  	[tilespmem:s31+$0xFFFFFFE0] =	vst v59;
	(pc) =	sbr.rel @p1 .LBB1_3-.Ltmp4, $4  }
0x3f: {  	[tilespmem:s31+$0xFFFFFFF0] =	vst v60  }
0x40: {  	[tilespmem:s31+$0x0] =	vst v61  }
0x41: {  	[tilespmem:s31+$0x10] =	vst v62  }
0x42: {  	s13 =	sadd.s32 $0x80, s13;
	s15 =	sadd.s32 $0x400, s15;
	[tilespmem:s31+$0x20] =	vst v63  }
.Ltmp5:
0x43: {  	(pc) =	sbr.rel .LBB1_7-.Ltmp5, $4  }
0x44: {  	s12 =	sshll.u32 s12, $0xC;
	s11 =	sshll.u32 s11, $0x4  }
0x45: {  	s11 =	sand.u32 $0x1F0, s11;
	s12 =	sadd.s32 s3, s12  }
0x46: {  	s11 =	sadd.s32 s11, s12  }
0x47: {  	[hbm4b:s11+s6] =	stream.strided.scatter [tilespmem:s14], [sflag:$0x2], $0x4000, s7, s6, $0x38;
	[tilespmem:$0x10000] =	vst v63  }
.LBB1_8:
0x48: {  	_ =	sfence.sel $0x180000  }
0x49: {  	s2 =	simm.s32 $0x1;
	[bflag:$0x0] =	sbarrier.arrive $0xFFFF  }
0x4a: {  	s31 =	simm.s32 $0x2;
	[sflag:s2] =	ssyncpa.u1 $0x1  }
0x4b: {  	[sflag:s31] =	ssyncpa.u1 $0x1  }
0x4c: {  	p0 =	sne.s32 s1, $0x0;
	_ =	strace $0x9000004A  }
0x4d: {  	s0 =	sadd.s32 @!p0 $0x100000, s0;
	[bflag:$0x2] =	sbarrier.arrive $0xFFFF  }
0x4e: {  	[sflag:s0] =	ssyncadd.tile.s32 @!p0 $0x1;
	_ =	shalt  }
.Lfunc_end1:
_tile_overlayer_lowered:
.L_overlay_start_2:
0x4f: {  	(tag) =	ssettag $0x2  }
0x50: {  	s0 =	rddreg [dreg:$0x0];
	s2 =	stileid.u32  }
0x51: {  	s1 =	rddreg [dreg:$0x1];
	p0 =	sne.s32 s2, $0x0  }
0x52: {  	s3 =	rddreg [dreg:$0x2];
	[bflag:$0x3] =	sbarrier.arrive $0xFFFF;
	s2 =	simm.s32 @!p0 $0x1C01  }
0x53: {  	[timem:s3], [sflag:s2] =	dma.local @!p0 [hbm:s0], s1  }
0x54: {  	s0 =	simm.s32 @!p0 $0x1  }
0x55: {  	_ =	swait.ge @!p0 [sflag:s0], s1  }
0x56: {  	s1 =	ssub.s32 @!p0 $0x0, s1;
	[sflag:s0] =	ssyncset.done @!p0 $0x0  }
0x57: {  	[sflag:s0] =	ssyncadd.s32 @!p0 s1  }
0x58: {  	[bflag:$0x3] =	sbarrier.arrive $0xFFFF  }
0x59: {  	_ =	shalt  }

</sc_bundles>
